<compile_context>
chip_gen: v7x
topology: tpu7x:2x2x1
jax: 0.10.2.dev20260603
libtpu: 0.0.44.dev20260713+nightly
codegen_flags: <defaults>
</compile_context>

<pallas_src>
import functools

import jax
import jax.numpy as jnp
import numpy as np
from jax import lax
from jax.experimental import pallas as pl
from jax.experimental.pallas import tpu as pltpu
from jax.experimental.pallas import tpu_sc as plsc

NUM_VOCAB = 1000000
D_MODEL = 64
BATCH = 4096
SEQ = 200
NUM_WORKERS = 32
BW = BATCH // NUM_WORKERS
SCALE = float(np.sqrt(float(D_MODEL)))


def _position_encoding(max_len, d_model):
    pe = np.zeros((max_len, d_model), dtype=np.float32)
    position = np.arange(0, max_len, dtype=np.float32)[:, None]
    div_term = np.exp(-np.arange(0, d_model, 2, dtype=np.float32)
                      * (np.log(10000.0) / d_model))
    pe[:, 0::2] = np.sin(position * div_term)
    pe[:, 1::2] = np.cos(position * div_term)
    return pe


_PE = _position_encoding(800, D_MODEL)[:SEQ, :].reshape(SEQ // 2, 128)

_mesh = plsc.VectorSubcoreMesh(core_axis_name="c", subcore_axis_name="s")


@functools.partial(
    pl.kernel,
    mesh=_mesh,
    out_type=jax.ShapeDtypeStruct((SEQ, D_MODEL, BATCH), jnp.float32),
    scratch_types=[
        pltpu.VMEM((SEQ, BW), jnp.int32),
        pltpu.VMEM((2, BW), jnp.int32),
        pltpu.VMEM((2, BW, 128), jnp.float32),
        pltpu.VMEM((2, D_MODEL, BW + 1), jnp.float32),
        pltpu.VMEM((SEQ // 2, 128), jnp.float32),
        pltpu.SemaphoreType.DMA,
        pltpu.SemaphoreType.DMA,
        pltpu.SemaphoreType.DMA,
        pltpu.SemaphoreType.DMA,
    ],
    compiler_params=pltpu.CompilerParams(use_tc_tiling_on_sc=True,
                                         needs_layout_passes=False),
)
def _emb_lookup(xt_hbm, tab_hbm, pe_hbm, out_hbm,
                idx_v, gidx, gbuf, sbuf, pe_v, gsem0, gsem1, osem0, osem1):
    wid = lax.axis_index("s") * 2 + lax.axis_index("c")
    gsems = (gsem0, gsem1)
    osems = (osem0, osem1)
    col0 = wid * BW

    pltpu.sync_copy(pe_hbm, pe_v)
    pltpu.sync_copy(xt_hbm.at[:, pl.ds(col0, BW)], idx_v)

    def prep_and_issue(p, b):
        for k in range(BW // 16):
            sl = pl.ds(k * 16, 16)
            gidx[b, sl] = lax.shift_right_logical(idx_v[p, sl], 1)
        pltpu.async_copy(tab_hbm.at[gidx.at[b]], gbuf.at[b], gsems[b])

    def drain_gather(b):
        pltpu.make_async_copy(tab_hbm.at[pl.ds(0, BW)], gbuf.at[b],
                              gsems[b]).wait()

    def drain_store(b):
        pltpu.make_async_copy(sbuf.at[b, :, pl.ds(0, BW)],
                              out_hbm.at[0, :, pl.ds(0, BW)],
                              osems[b]).wait()

    prep_and_issue(0, 0)

    lane = lax.iota(jnp.int32, 16)
    _SPLAT = [jnp.full((16,), i, jnp.int32) for i in range(16)]

    def step(k, carry):
        for b in range(2):
            p = k * 2 + b

            @pl.when(p + 1 < SEQ)
            def _():
                prep_and_issue(p + 1, 1 - b)

            drain_gather(b)

            @pl.when(p >= 2)
            def _():
                drain_store(b)

            pe_vecs = [pe_v[k, pl.ds(b * D_MODEL + g * 16, 16)]
                       for g in range(D_MODEL // 16)]
            offv_l = [lax.mul(lax.bitwise_and(idx_v[p, pl.ds(kb * 16, 16)],
                                              1), D_MODEL)
                      for kb in range(BW // 16)]
            rowv_l = [lane + kb * 16 for kb in range(BW // 16)]
            dn = lax.GatherDimensionNumbers(
                offset_dims=(), collapsed_slice_dims=(0,),
                start_index_map=(0,))

            for g in range(D_MODEL // 16):
                pe_g = pe_vecs[g]

                @plsc.parallel_loop(0, 16)
                def comp(d16):
                    d = g * 16 + d16
                    ped = lax.gather(
                        pe_g, jnp.broadcast_to(d16, (16,))[:, None], dn,
                        (1,), mode=lax.GatherScatterMode.PROMISE_IN_BOUNDS)
                    for kb in range(BW // 16):
                        col = offv_l[kb] + d
                        val = plsc.load_gather(gbuf.at[b],
                                               [rowv_l[kb], col])
                        res = val * SCALE + ped
                        sbuf[b, d, pl.ds(kb * 16, 16)] = res

            pltpu.async_copy(sbuf.at[b, :, pl.ds(0, BW)],
                             out_hbm.at[p, :, pl.ds(col0, BW)], osems[b])
        return carry

    lax.fori_loop(0, SEQ // 2, step, 0)
    drain_store(0)
    drain_store(1)


def kernel(x, table):
    xt = x.T
    tab = table.reshape(NUM_VOCAB // 2, 128)
    pe = jnp.asarray(_PE)
    out_t = _emb_lookup(xt, tab, pe)
    return out_t.transpose(2, 0, 1)

# --- scband reference (transcript-rebuilt; emitter-appended) ---
"""Pipeline reference for scband-embedding-25907242729920 (READ-ONLY COPY).

The authoritative reference and input builder live on the scoring server;
editing this copy changes nothing except your own understanding.
"""

import jax, jax.numpy as jnp
import numpy as np

NUM_VOCAB = 1000000
D_MODEL = 64
PAD_IDX = 0
BATCH = 4096
SEQ = 200


def position_embedding(max_len, d_model):
    pe = np.zeros((max_len, d_model), dtype=np.float32)
    position = np.arange(0, max_len, dtype=np.float32)[:, None]
    div_term = np.exp(-np.arange(0, d_model, 2, dtype=np.float32) * (np.log(10000.0) / d_model))
    pe[:, 0::2] = np.sin(position * div_term)
    pe[:, 1::2] = np.cos(position * div_term)
    return jnp.asarray(pe)


def setup_inputs(seed: int = 0) -> dict:
    key = jax.random.key(seed)
    k1, k2 = jax.random.split(key)
    x = jax.random.randint(k1, (BATCH, SEQ), 0, NUM_VOCAB, dtype=jnp.int32)
    # xavier-uniform-like init for the embedding table
    limit = float(np.sqrt(6.0 / (NUM_VOCAB + D_MODEL)))
    table = jax.random.uniform(k2, (NUM_VOCAB, D_MODEL), dtype=jnp.float32, minval=-limit, maxval=limit)
    table = table.at[PAD_IDX].set(0.0)  # padding_idx row is zero
    return {"x": x, "table": table}


def reference(x, table):
    # enforce padding_idx semantics (row stays zero)
    table = table.at[PAD_IDX].set(0.0)
    embs = jnp.take(table, x, axis=0) * jnp.sqrt(jnp.float32(D_MODEL))
    pe = position_embedding(800, D_MODEL)[: x.shape[1], :]
    # dropout is identity in eval/reference mode
    return embs + pe[None, :, :]

if __name__ == "__main__":
    import jax
    _d = setup_inputs()
    print(jax.jit(kernel)(*tuple(_d.values())))

</pallas_src>

<mosaic_0001>
#map = affine_map<(d0, d1) -> (0, 0)>
#map1 = affine_map<(d0, d1) -> (0, 0, 0)>
module attributes {stable_mosaic.version = 14 : i64} {
  func.func @_emb_lookup(%arg0: i32, %arg1: i32, %arg2: memref<200x4096xi32, #tpu.memory_space<hbm>>, %arg3: memref<500000x128xf32, #tpu.memory_space<hbm>>, %arg4: memref<100x128xf32, #tpu.memory_space<hbm>>, %arg5: memref<200x64x4096xf32, #tpu.memory_space<hbm>>, %arg6: memref<200x128xi32, #tpu.memory_space<vmem>>, %arg7: memref<2x128xi32, #tpu.memory_space<vmem>>, %arg8: memref<2x128x128xf32, #tpu.memory_space<vmem>>, %arg9: memref<2x64x129xf32, #tpu.memory_space<vmem>>, %arg10: memref<100x128xf32, #tpu.memory_space<vmem>>, %arg11: memref<!tpu.dma_semaphore, #tpu.memory_space<semaphore_mem>>, %arg12: memref<!tpu.dma_semaphore, #tpu.memory_space<semaphore_mem>>, %arg13: memref<!tpu.dma_semaphore, #tpu.memory_space<semaphore_mem>>, %arg14: memref<!tpu.dma_semaphore, #tpu.memory_space<semaphore_mem>>) attributes {dimension_semantics = [#tpu.dimension_semantics<core_parallel>, #tpu.dimension_semantics<subcore_parallel>], iteration_bounds = array<i64: 2, 16>, scalar_prefetch = 0 : i64, scratch_operands = 9 : i64, tpu.core_type = #tpu.core_type<sc_vector_subcore>, window_params = [{transform_indices = #map}, {transform_indices = #map}, {transform_indices = #map}, {transform_indices = #map1}]} {
    %mul3A = arith.constant 2 : i32
    %mul3A_0 = arith.muli %arg1, %mul3A : i32
    %add3A = arith.addi %mul3A_0, %arg0 : i32
    %mul3A_1 = arith.constant 128 : i32
    %mul3A_2 = arith.muli %add3A, %mul3A_1 : i32
    "tpu.region"() ({
      %run_scoped3A = tpu.sem_alloc : memref<!tpu.dma_semaphore, #tpu.memory_space<semaphore_mem>>
      tpu.enqueue_dma source(%arg4 : memref<100x128xf32, #tpu.memory_space<hbm>>) target(%arg10 : memref<100x128xf32, #tpu.memory_space<vmem>>) target_semaphore(%run_scoped3A : memref<!tpu.dma_semaphore, #tpu.memory_space<semaphore_mem>>)
      tpu.wait_dma2 semaphore(%run_scoped3A : memref<!tpu.dma_semaphore, #tpu.memory_space<semaphore_mem>>) src(%arg4 : memref<100x128xf32, #tpu.memory_space<hbm>>) dst(%arg10 : memref<100x128xf32, #tpu.memory_space<vmem>>)
      tpu.yield
    }) : () -> ()
    "tpu.region"() ({
      %run_scoped3A = tpu.sem_alloc : memref<!tpu.dma_semaphore, #tpu.memory_space<semaphore_mem>>
      %dma_start3A_170 = arith.constant 0 : i32
      %dma_start3A_171 = tpu.memref_slice %arg2[%dma_start3A_170, %mul3A_2] : memref<200x4096xi32, #tpu.memory_space<hbm>> -> memref<200x128xi32, #tpu.memory_space<hbm>>
      %dma_start3A_172 = arith.constant 0 : i32
      %dma_start3A_173 = tpu.memref_slice %arg2[%dma_start3A_172, %mul3A_2] : memref<200x4096xi32, #tpu.memory_space<hbm>> -> memref<200x128xi32, #tpu.memory_space<hbm>>
      tpu.enqueue_dma source(%dma_start3A_173 : memref<200x128xi32, #tpu.memory_space<hbm>>) target(%arg6 : memref<200x128xi32, #tpu.memory_space<vmem>>) target_semaphore(%run_scoped3A : memref<!tpu.dma_semaphore, #tpu.memory_space<semaphore_mem>>)
      %dma_wait3A_174 = arith.constant 0 : i32
      %dma_wait3A_175 = tpu.memref_slice %arg2[%dma_wait3A_174, %mul3A_2] : memref<200x4096xi32, #tpu.memory_space<hbm>> -> memref<200x128xi32, #tpu.memory_space<hbm>>
      %dma_wait3A_176 = arith.constant 0 : i32
      %dma_wait3A_177 = tpu.memref_slice %arg2[%dma_wait3A_176, %mul3A_2] : memref<200x4096xi32, #tpu.memory_space<hbm>> -> memref<200x128xi32, #tpu.memory_space<hbm>>
      tpu.wait_dma2 semaphore(%run_scoped3A : memref<!tpu.dma_semaphore, #tpu.memory_space<semaphore_mem>>) src(%dma_wait3A_177 : memref<200x128xi32, #tpu.memory_space<hbm>>) dst(%arg6 : memref<200x128xi32, #tpu.memory_space<vmem>>)
      tpu.yield
    }) : () -> ()
    %get3A = arith.constant 0 : i32
    %get3A_3 = arith.index_cast %get3A : i32 to index
    %get3A_4 = arith.constant 0 : index
    %get3A_5 = tpu.vector_load %arg6[%get3A_3, %get3A_4] {strides = array<i32>} : memref<200x128xi32, #tpu.memory_space<vmem>>, vector<16xi32>,
    %shift_right_logical3A = arith.constant 1 : i32
    %shift_right_logical3A_6 = vector.broadcast %shift_right_logical3A : i32 to vector<16xi32>
    %shift_right_logical3A_7 = arith.shrui %get3A_5, %shift_right_logical3A_6 : vector<16xi32>
    %swap3A = arith.constant 0 : i32
    %swap3A_8 = arith.index_cast %swap3A : i32 to index
    %swap3A_9 = arith.constant 0 : index
    %swap3A_10 = tpu.vector_load %arg7[%swap3A_8, %swap3A_9] {strides = array<i32>} : memref<2x128xi32, #tpu.memory_space<vmem>>, vector<16xi32>,
    tpu.vector_store %arg7[%swap3A_8, %swap3A_9], %shift_right_logical3A_7 {strides = array<i32>} : memref<2x128xi32, #tpu.memory_space<vmem>>, vector<16xi32>,
    %get3A_11 = arith.constant 0 : i32
    %get3A_12 = arith.index_cast %get3A_11 : i32 to index
    %get3A_13 = arith.constant 16 : index
    %get3A_14 = tpu.vector_load %arg6[%get3A_12, %get3A_13] {strides = array<i32>} : memref<200x128xi32, #tpu.memory_space<vmem>>, vector<16xi32>,
    %shift_right_logical3A_15 = arith.constant 1 : i32
    %shift_right_logical3A_16 = vector.broadcast %shift_right_logical3A_15 : i32 to vector<16xi32>
    %shift_right_logical3A_17 = arith.shrui %get3A_14, %shift_right_logical3A_16 : vector<16xi32>
    %swap3A_18 = arith.constant 0 : i32
    %swap3A_19 = arith.index_cast %swap3A_18 : i32 to index
    %swap3A_20 = arith.constant 16 : index
    %swap3A_21 = tpu.vector_load %arg7[%swap3A_19, %swap3A_20] {strides = array<i32>} : memref<2x128xi32, #tpu.memory_space<vmem>>, vector<16xi32>,
    tpu.vector_store %arg7[%swap3A_19, %swap3A_20], %shift_right_logical3A_17 {strides = array<i32>} : memref<2x128xi32, #tpu.memory_space<vmem>>, vector<16xi32>,
    %get3A_22 = arith.constant 0 : i32
    %get3A_23 = arith.index_cast %get3A_22 : i32 to index
    %get3A_24 = arith.constant 32 : index
    %get3A_25 = tpu.vector_load %arg6[%get3A_23, %get3A_24] {strides = array<i32>} : memref<200x128xi32, #tpu.memory_space<vmem>>, vector<16xi32>,
    %shift_right_logical3A_26 = arith.constant 1 : i32
    %shift_right_logical3A_27 = vector.broadcast %shift_right_logical3A_26 : i32 to vector<16xi32>
    %shift_right_logical3A_28 = arith.shrui %get3A_25, %shift_right_logical3A_27 : vector<16xi32>
    %swap3A_29 = arith.constant 0 : i32
    %swap3A_30 = arith.index_cast %swap3A_29 : i32 to index
    %swap3A_31 = arith.constant 32 : index
    %swap3A_32 = tpu.vector_load %arg7[%swap3A_30, %swap3A_31] {strides = array<i32>} : memref<2x128xi32, #tpu.memory_space<vmem>>, vector<16xi32>,
    tpu.vector_store %arg7[%swap3A_30, %swap3A_31], %shift_right_logical3A_28 {strides = array<i32>} : memref<2x128xi32, #tpu.memory_space<vmem>>, vector<16xi32>,
    %get3A_33 = arith.constant 0 : i32
    %get3A_34 = arith.index_cast %get3A_33 : i32 to index
    %get3A_35 = arith.constant 48 : index
    %get3A_36 = tpu.vector_load %arg6[%get3A_34, %get3A_35] {strides = array<i32>} : memref<200x128xi32, #tpu.memory_space<vmem>>, vector<16xi32>,
    %shift_right_logical3A_37 = arith.constant 1 : i32
    %shift_right_logical3A_38 = vector.broadcast %shift_right_logical3A_37 : i32 to vector<16xi32>
    %shift_right_logical3A_39 = arith.shrui %get3A_36, %shift_right_logical3A_38 : vector<16xi32>
    %swap3A_40 = arith.constant 0 : i32
    %swap3A_41 = arith.index_cast %swap3A_40 : i32 to index
    %swap3A_42 = arith.constant 48 : index
    %swap3A_43 = tpu.vector_load %arg7[%swap3A_41, %swap3A_42] {strides = array<i32>} : memref<2x128xi32, #tpu.memory_space<vmem>>, vector<16xi32>,
    tpu.vector_store %arg7[%swap3A_41, %swap3A_42], %shift_right_logical3A_39 {strides = array<i32>} : memref<2x128xi32, #tpu.memory_space<vmem>>, vector<16xi32>,
    %get3A_44 = arith.constant 0 : i32
    %get3A_45 = arith.index_cast %get3A_44 : i32 to index
    %get3A_46 = arith.constant 64 : index
    %get3A_47 = tpu.vector_load %arg6[%get3A_45, %get3A_46] {strides = array<i32>} : memref<200x128xi32, #tpu.memory_space<vmem>>, vector<16xi32>,
    %shift_right_logical3A_48 = arith.constant 1 : i32
    %shift_right_logical3A_49 = vector.broadcast %shift_right_logical3A_48 : i32 to vector<16xi32>
    %shift_right_logical3A_50 = arith.shrui %get3A_47, %shift_right_logical3A_49 : vector<16xi32>
    %swap3A_51 = arith.constant 0 : i32
    %swap3A_52 = arith.index_cast %swap3A_51 : i32 to index
    %swap3A_53 = arith.constant 64 : index
    %swap3A_54 = tpu.vector_load %arg7[%swap3A_52, %swap3A_53] {strides = array<i32>} : memref<2x128xi32, #tpu.memory_space<vmem>>, vector<16xi32>,
    tpu.vector_store %arg7[%swap3A_52, %swap3A_53], %shift_right_logical3A_50 {strides = array<i32>} : memref<2x128xi32, #tpu.memory_space<vmem>>, vector<16xi32>,
    %get3A_55 = arith.constant 0 : i32
    %get3A_56 = arith.index_cast %get3A_55 : i32 to index
    %get3A_57 = arith.constant 80 : index
    %get3A_58 = tpu.vector_load %arg6[%get3A_56, %get3A_57] {strides = array<i32>} : memref<200x128xi32, #tpu.memory_space<vmem>>, vector<16xi32>,
    %shift_right_logical3A_59 = arith.constant 1 : i32
    %shift_right_logical3A_60 = vector.broadcast %shift_right_logical3A_59 : i32 to vector<16xi32>
    %shift_right_logical3A_61 = arith.shrui %get3A_58, %shift_right_logical3A_60 : vector<16xi32>
    %swap3A_62 = arith.constant 0 : i32
    %swap3A_63 = arith.index_cast %swap3A_62 : i32 to index
    %swap3A_64 = arith.constant 80 : index
    %swap3A_65 = tpu.vector_load %arg7[%swap3A_63, %swap3A_64] {strides = array<i32>} : memref<2x128xi32, #tpu.memory_space<vmem>>, vector<16xi32>,
    tpu.vector_store %arg7[%swap3A_63, %swap3A_64], %shift_right_logical3A_61 {strides = array<i32>} : memref<2x128xi32, #tpu.memory_space<vmem>>, vector<16xi32>,
    %get3A_66 = arith.constant 0 : i32
    %get3A_67 = arith.index_cast %get3A_66 : i32 to index
    %get3A_68 = arith.constant 96 : index
    %get3A_69 = tpu.vector_load %arg6[%get3A_67, %get3A_68] {strides = array<i32>} : memref<200x128xi32, #tpu.memory_space<vmem>>, vector<16xi32>,
    %shift_right_logical3A_70 = arith.constant 1 : i32
    %shift_right_logical3A_71 = vector.broadcast %shift_right_logical3A_70 : i32 to vector<16xi32>
    %shift_right_logical3A_72 = arith.shrui %get3A_69, %shift_right_logical3A_71 : vector<16xi32>
    %swap3A_73 = arith.constant 0 : i32
    %swap3A_74 = arith.index_cast %swap3A_73 : i32 to index
    %swap3A_75 = arith.constant 96 : index
    %swap3A_76 = tpu.vector_load %arg7[%swap3A_74, %swap3A_75] {strides = array<i32>} : memref<2x128xi32, #tpu.memory_space<vmem>>, vector<16xi32>,
    tpu.vector_store %arg7[%swap3A_74, %swap3A_75], %shift_right_logical3A_72 {strides = array<i32>} : memref<2x128xi32, #tpu.memory_space<vmem>>, vector<16xi32>,
    %get3A_77 = arith.constant 0 : i32
    %get3A_78 = arith.index_cast %get3A_77 : i32 to index
    %get3A_79 = arith.constant 112 : index
    %get3A_80 = tpu.vector_load %arg6[%get3A_78, %get3A_79] {strides = array<i32>} : memref<200x128xi32, #tpu.memory_space<vmem>>, vector<16xi32>,
    %shift_right_logical3A_81 = arith.constant 1 : i32
    %shift_right_logical3A_82 = vector.broadcast %shift_right_logical3A_81 : i32 to vector<16xi32>
    %shift_right_logical3A_83 = arith.shrui %get3A_80, %shift_right_logical3A_82 : vector<16xi32>
    %swap3A_84 = arith.constant 0 : i32
    %swap3A_85 = arith.index_cast %swap3A_84 : i32 to index
    %swap3A_86 = arith.constant 112 : index
    %swap3A_87 = tpu.vector_load %arg7[%swap3A_85, %swap3A_86] {strides = array<i32>} : memref<2x128xi32, #tpu.memory_space<vmem>>, vector<16xi32>,
    tpu.vector_store %arg7[%swap3A_85, %swap3A_86], %shift_right_logical3A_83 {strides = array<i32>} : memref<2x128xi32, #tpu.memory_space<vmem>>, vector<16xi32>,
    %dma_start3A = arith.constant 0 : i32
    %dma_start3A_88 = arith.constant 0 : i32
    %dma_start3A_89 = arith.constant 0 : i32
    %dma_start3A_90 = arith.constant 0 : i32
    %dma_start3A_91 = tpu.memref_slice %arg8[%dma_start3A_88, %dma_start3A_89, %dma_start3A_90] : memref<2x128x128xf32, #tpu.memory_space<vmem>> -> memref<1x128x128xf32, #tpu.memory_space<vmem>>
    %dma_start3A_92 = tpu.memref_squeeze %dma_start3A_91 : memref<1x128x128xf32, #tpu.memory_space<vmem>> -> memref<128x128xf32, #tpu.memory_space<vmem>>
    %dma_start3A_93 = arith.constant 0 : i32
    %dma_start3A_94 = tpu.memref_slice %arg7[%dma_start3A, %dma_start3A_93] : memref<2x128xi32, #tpu.memory_space<vmem>> -> memref<1x128xi32, #tpu.memory_space<vmem>>
    %dma_start3A_95 = tpu.memref_squeeze %dma_start3A_94 : memref<1x128xi32, #tpu.memory_space<vmem>> -> memref<128xi32, #tpu.memory_space<vmem>>
    %dma_start3A_96 = arith.constant 0 : i32
    %dma_start3A_97 = arith.constant 0 : i32
    %dma_start3A_98 = tpu.memref_slice %arg3[%dma_start3A_96, %dma_start3A_97] : memref<500000x128xf32, #tpu.memory_space<hbm>> -> memref<500000x128xf32, #tpu.memory_space<hbm>>
    tpu.enqueue_indirect_dma source(%dma_start3A_98 : memref<500000x128xf32, #tpu.memory_space<hbm>>) target(%dma_start3A_92 : memref<128x128xf32, #tpu.memory_space<vmem>>) offsets(%dma_start3A_95 : memref<128xi32, #tpu.memory_space<vmem>>) semaphore(%arg11 : memref<!tpu.dma_semaphore, #tpu.memory_space<semaphore_mem>>)
    %iota3A = tpu.iota {dimensions = array<i32: 0>} : vector<16xi32>
    %broadcast_in_dim3A = arith.constant 0 : i32
    %broadcast_in_dim3A_99 = vector.broadcast %broadcast_in_dim3A : i32 to vector<16xi32>
    %broadcast_in_dim3A_100 = arith.constant 1 : i32
    %broadcast_in_dim3A_101 = vector.broadcast %broadcast_in_dim3A_100 : i32 to vector<16xi32>
    %broadcast_in_dim3A_102 = arith.constant 2 : i32
    %broadcast_in_dim3A_103 = vector.broadcast %broadcast_in_dim3A_102 : i32 to vector<16xi32>
    %broadcast_in_dim3A_104 = arith.constant 3 : i32
    %broadcast_in_dim3A_105 = vector.broadcast %broadcast_in_dim3A_104 : i32 to vector<16xi32>
    %broadcast_in_dim3A_106 = arith.constant 4 : i32
    %broadcast_in_dim3A_107 = vector.broadcast %broadcast_in_dim3A_106 : i32 to vector<16xi32>
    %broadcast_in_dim3A_108 = arith.constant 5 : i32
    %broadcast_in_dim3A_109 = vector.broadcast %broadcast_in_dim3A_108 : i32 to vector<16xi32>
    %broadcast_in_dim3A_110 = arith.constant 6 : i32
    %broadcast_in_dim3A_111 = vector.broadcast %broadcast_in_dim3A_110 : i32 to vector<16xi32>
    %broadcast_in_dim3A_112 = arith.constant 7 : i32
    %broadcast_in_dim3A_113 = vector.broadcast %broadcast_in_dim3A_112 : i32 to vector<16xi32>
    %broadcast_in_dim3A_114 = arith.constant 8 : i32
    %broadcast_in_dim3A_115 = vector.broadcast %broadcast_in_dim3A_114 : i32 to vector<16xi32>
    %broadcast_in_dim3A_116 = arith.constant 9 : i32
    %broadcast_in_dim3A_117 = vector.broadcast %broadcast_in_dim3A_116 : i32 to vector<16xi32>
    %broadcast_in_dim3A_118 = arith.constant 10 : i32
    %broadcast_in_dim3A_119 = vector.broadcast %broadcast_in_dim3A_118 : i32 to vector<16xi32>
    %broadcast_in_dim3A_120 = arith.constant 11 : i32
    %broadcast_in_dim3A_121 = vector.broadcast %broadcast_in_dim3A_120 : i32 to vector<16xi32>
    %broadcast_in_dim3A_122 = arith.constant 12 : i32
    %broadcast_in_dim3A_123 = vector.broadcast %broadcast_in_dim3A_122 : i32 to vector<16xi32>
    %broadcast_in_dim3A_124 = arith.constant 13 : i32
    %broadcast_in_dim3A_125 = vector.broadcast %broadcast_in_dim3A_124 : i32 to vector<16xi32>
    %broadcast_in_dim3A_126 = arith.constant 14 : i32
    %broadcast_in_dim3A_127 = vector.broadcast %broadcast_in_dim3A_126 : i32 to vector<16xi32>
    %broadcast_in_dim3A_128 = arith.constant 15 : i32
    %broadcast_in_dim3A_129 = vector.broadcast %broadcast_in_dim3A_128 : i32 to vector<16xi32>
    %scan3A = arith.constant 0 : i32
    %scan3A_130 = arith.constant 0 : i32
    %scan3A_131 = arith.constant 100 : i32
    %scan3A_132 = arith.addi %scan3A_130, %scan3A_131 : i32
    %scan3A_133 = arith.constant 1 : i32
    scf.for %scan3A_170 = %scan3A_130 to %scan3A_132 step %scan3A_133  : i32 {
      %mul3A_171 = arith.constant 2 : i32
      %mul3A_172 = arith.muli %scan3A_170, %mul3A_171 : i32
      %add3A_173 = arith.constant 0 : i32
      %add3A_174 = arith.addi %mul3A_172, %add3A_173 : i32
      %add3A_175 = arith.constant 1 : i32
      %add3A_176 = arith.addi %add3A_174, %add3A_175 : i32
      %lt3A = arith.constant 200 : i32
      %lt3A_177 = arith.cmpi slt, %add3A_176, %lt3A : i32
      %convert_element_type3A = arith.extui %lt3A_177 : i1 to i32
      %cond3A = arith.constant 0 : i32
      %cond3A_178 = arith.cmpi ne, %convert_element_type3A, %cond3A : i32
      scf.if %cond3A_178 {
        %add3A_497 = arith.constant 1 : i32
        %add3A_498 = arith.addi %add3A_174, %add3A_497 : i32
        %get3A_499 = arith.index_cast %add3A_498 : i32 to index
        %get3A_500 = arith.constant 0 : index
        %get3A_501 = tpu.vector_load %arg6[%get3A_499, %get3A_500] {strides = array<i32>} : memref<200x128xi32, #tpu.memory_space<vmem>>, vector<16xi32>,
        %shift_right_logical3A_502 = arith.constant 1 : i32
        %shift_right_logical3A_503 = vector.broadcast %shift_right_logical3A_502 : i32 to vector<16xi32>
        %shift_right_logical3A_504 = arith.shrui %get3A_501, %shift_right_logical3A_503 : vector<16xi32>
        %swap3A_505 = arith.constant 1 : i32
        %swap3A_506 = arith.index_cast %swap3A_505 : i32 to index
        %swap3A_507 = arith.constant 0 : index
        %swap3A_508 = tpu.vector_load %arg7[%swap3A_506, %swap3A_507] {strides = array<i32>} : memref<2x128xi32, #tpu.memory_space<vmem>>, vector<16xi32>,
        tpu.vector_store %arg7[%swap3A_506, %swap3A_507], %shift_right_logical3A_504 {strides = array<i32>} : memref<2x128xi32, #tpu.memory_space<vmem>>, vector<16xi32>,
        %get3A_509 = arith.index_cast %add3A_498 : i32 to index
        %get3A_510 = arith.constant 16 : index
        %get3A_511 = tpu.vector_load %arg6[%get3A_509, %get3A_510] {strides = array<i32>} : memref<200x128xi32, #tpu.memory_space<vmem>>, vector<16xi32>,
        %shift_right_logical3A_512 = arith.constant 1 : i32
        %shift_right_logical3A_513 = vector.broadcast %shift_right_logical3A_512 : i32 to vector<16xi32>
        %shift_right_logical3A_514 = arith.shrui %get3A_511, %shift_right_logical3A_513 : vector<16xi32>
        %swap3A_515 = arith.constant 1 : i32
        %swap3A_516 = arith.index_cast %swap3A_515 : i32 to index
        %swap3A_517 = arith.constant 16 : index
        %swap3A_518 = tpu.vector_load %arg7[%swap3A_516, %swap3A_517] {strides = array<i32>} : memref<2x128xi32, #tpu.memory_space<vmem>>, vector<16xi32>,
        tpu.vector_store %arg7[%swap3A_516, %swap3A_517], %shift_right_logical3A_514 {strides = array<i32>} : memref<2x128xi32, #tpu.memory_space<vmem>>, vector<16xi32>,
        %get3A_519 = arith.index_cast %add3A_498 : i32 to index
        %get3A_520 = arith.constant 32 : index
        %get3A_521 = tpu.vector_load %arg6[%get3A_519, %get3A_520] {strides = array<i32>} : memref<200x128xi32, #tpu.memory_space<vmem>>, vector<16xi32>,
        %shift_right_logical3A_522 = arith.constant 1 : i32
        %shift_right_logical3A_523 = vector.broadcast %shift_right_logical3A_522 : i32 to vector<16xi32>
        %shift_right_logical3A_524 = arith.shrui %get3A_521, %shift_right_logical3A_523 : vector<16xi32>
        %swap3A_525 = arith.constant 1 : i32
        %swap3A_526 = arith.index_cast %swap3A_525 : i32 to index
        %swap3A_527 = arith.constant 32 : index
        %swap3A_528 = tpu.vector_load %arg7[%swap3A_526, %swap3A_527] {strides = array<i32>} : memref<2x128xi32, #tpu.memory_space<vmem>>, vector<16xi32>,
        tpu.vector_store %arg7[%swap3A_526, %swap3A_527], %shift_right_logical3A_524 {strides = array<i32>} : memref<2x128xi32, #tpu.memory_space<vmem>>, vector<16xi32>,
        %get3A_529 = arith.index_cast %add3A_498 : i32 to index
        %get3A_530 = arith.constant 48 : index
        %get3A_531 = tpu.vector_load %arg6[%get3A_529, %get3A_530] {strides = array<i32>} : memref<200x128xi32, #tpu.memory_space<vmem>>, vector<16xi32>,
        %shift_right_logical3A_532 = arith.constant 1 : i32
        %shift_right_logical3A_533 = vector.broadcast %shift_right_logical3A_532 : i32 to vector<16xi32>
        %shift_right_logical3A_534 = arith.shrui %get3A_531, %shift_right_logical3A_533 : vector<16xi32>
        %swap3A_535 = arith.constant 1 : i32
        %swap3A_536 = arith.index_cast %swap3A_535 : i32 to index
        %swap3A_537 = arith.constant 48 : index
        %swap3A_538 = tpu.vector_load %arg7[%swap3A_536, %swap3A_537] {strides = array<i32>} : memref<2x128xi32, #tpu.memory_space<vmem>>, vector<16xi32>,
        tpu.vector_store %arg7[%swap3A_536, %swap3A_537], %shift_right_logical3A_534 {strides = array<i32>} : memref<2x128xi32, #tpu.memory_space<vmem>>, vector<16xi32>,
        %get3A_539 = arith.index_cast %add3A_498 : i32 to index
        %get3A_540 = arith.constant 64 : index
        %get3A_541 = tpu.vector_load %arg6[%get3A_539, %get3A_540] {strides = array<i32>} : memref<200x128xi32, #tpu.memory_space<vmem>>, vector<16xi32>,
        %shift_right_logical3A_542 = arith.constant 1 : i32
        %shift_right_logical3A_543 = vector.broadcast %shift_right_logical3A_542 : i32 to vector<16xi32>
        %shift_right_logical3A_544 = arith.shrui %get3A_541, %shift_right_logical3A_543 : vector<16xi32>
        %swap3A_545 = arith.constant 1 : i32
        %swap3A_546 = arith.index_cast %swap3A_545 : i32 to index
        %swap3A_547 = arith.constant 64 : index
        %swap3A_548 = tpu.vector_load %arg7[%swap3A_546, %swap3A_547] {strides = array<i32>} : memref<2x128xi32, #tpu.memory_space<vmem>>, vector<16xi32>,
        tpu.vector_store %arg7[%swap3A_546, %swap3A_547], %shift_right_logical3A_544 {strides = array<i32>} : memref<2x128xi32, #tpu.memory_space<vmem>>, vector<16xi32>,
        %get3A_549 = arith.index_cast %add3A_498 : i32 to index
        %get3A_550 = arith.constant 80 : index
        %get3A_551 = tpu.vector_load %arg6[%get3A_549, %get3A_550] {strides = array<i32>} : memref<200x128xi32, #tpu.memory_space<vmem>>, vector<16xi32>,
        %shift_right_logical3A_552 = arith.constant 1 : i32
        %shift_right_logical3A_553 = vector.broadcast %shift_right_logical3A_552 : i32 to vector<16xi32>
        %shift_right_logical3A_554 = arith.shrui %get3A_551, %shift_right_logical3A_553 : vector<16xi32>
        %swap3A_555 = arith.constant 1 : i32
        %swap3A_556 = arith.index_cast %swap3A_555 : i32 to index
        %swap3A_557 = arith.constant 80 : index
        %swap3A_558 = tpu.vector_load %arg7[%swap3A_556, %swap3A_557] {strides = array<i32>} : memref<2x128xi32, #tpu.memory_space<vmem>>, vector<16xi32>,
        tpu.vector_store %arg7[%swap3A_556, %swap3A_557], %shift_right_logical3A_554 {strides = array<i32>} : memref<2x128xi32, #tpu.memory_space<vmem>>, vector<16xi32>,
        %get3A_559 = arith.index_cast %add3A_498 : i32 to index
        %get3A_560 = arith.constant 96 : index
        %get3A_561 = tpu.vector_load %arg6[%get3A_559, %get3A_560] {strides = array<i32>} : memref<200x128xi32, #tpu.memory_space<vmem>>, vector<16xi32>,
        %shift_right_logical3A_562 = arith.constant 1 : i32
        %shift_right_logical3A_563 = vector.broadcast %shift_right_logical3A_562 : i32 to vector<16xi32>
        %shift_right_logical3A_564 = arith.shrui %get3A_561, %shift_right_logical3A_563 : vector<16xi32>
        %swap3A_565 = arith.constant 1 : i32
        %swap3A_566 = arith.index_cast %swap3A_565 : i32 to index
        %swap3A_567 = arith.constant 96 : index
        %swap3A_568 = tpu.vector_load %arg7[%swap3A_566, %swap3A_567] {strides = array<i32>} : memref<2x128xi32, #tpu.memory_space<vmem>>, vector<16xi32>,
        tpu.vector_store %arg7[%swap3A_566, %swap3A_567], %shift_right_logical3A_564 {strides = array<i32>} : memref<2x128xi32, #tpu.memory_space<vmem>>, vector<16xi32>,
        %get3A_569 = arith.index_cast %add3A_498 : i32 to index
        %get3A_570 = arith.constant 112 : index
        %get3A_571 = tpu.vector_load %arg6[%get3A_569, %get3A_570] {strides = array<i32>} : memref<200x128xi32, #tpu.memory_space<vmem>>, vector<16xi32>,
        %shift_right_logical3A_572 = arith.constant 1 : i32
        %shift_right_logical3A_573 = vector.broadcast %shift_right_logical3A_572 : i32 to vector<16xi32>
        %shift_right_logical3A_574 = arith.shrui %get3A_571, %shift_right_logical3A_573 : vector<16xi32>
        %swap3A_575 = arith.constant 1 : i32
        %swap3A_576 = arith.index_cast %swap3A_575 : i32 to index
        %swap3A_577 = arith.constant 112 : index
        %swap3A_578 = tpu.vector_load %arg7[%swap3A_576, %swap3A_577] {strides = array<i32>} : memref<2x128xi32, #tpu.memory_space<vmem>>, vector<16xi32>,
        tpu.vector_store %arg7[%swap3A_576, %swap3A_577], %shift_right_logical3A_574 {strides = array<i32>} : memref<2x128xi32, #tpu.memory_space<vmem>>, vector<16xi32>,
        %dma_start3A_579 = arith.constant 1 : i32
        %dma_start3A_580 = arith.constant 1 : i32
        %dma_start3A_581 = arith.constant 0 : i32
        %dma_start3A_582 = arith.constant 0 : i32
        %dma_start3A_583 = tpu.memref_slice %arg8[%dma_start3A_580, %dma_start3A_581, %dma_start3A_582] : memref<2x128x128xf32, #tpu.memory_space<vmem>> -> memref<1x128x128xf32, #tpu.memory_space<vmem>>
        %dma_start3A_584 = tpu.memref_squeeze %dma_start3A_583 : memref<1x128x128xf32, #tpu.memory_space<vmem>> -> memref<128x128xf32, #tpu.memory_space<vmem>>
        %dma_start3A_585 = arith.constant 0 : i32
        %dma_start3A_586 = tpu.memref_slice %arg7[%dma_start3A_579, %dma_start3A_585] : memref<2x128xi32, #tpu.memory_space<vmem>> -> memref<1x128xi32, #tpu.memory_space<vmem>>
        %dma_start3A_587 = tpu.memref_squeeze %dma_start3A_586 : memref<1x128xi32, #tpu.memory_space<vmem>> -> memref<128xi32, #tpu.memory_space<vmem>>
        %dma_start3A_588 = arith.constant 0 : i32
        %dma_start3A_589 = arith.constant 0 : i32
        %dma_start3A_590 = tpu.memref_slice %arg3[%dma_start3A_588, %dma_start3A_589] : memref<500000x128xf32, #tpu.memory_space<hbm>> -> memref<500000x128xf32, #tpu.memory_space<hbm>>
        tpu.enqueue_indirect_dma source(%dma_start3A_590 : memref<500000x128xf32, #tpu.memory_space<hbm>>) target(%dma_start3A_584 : memref<128x128xf32, #tpu.memory_space<vmem>>) offsets(%dma_start3A_587 : memref<128xi32, #tpu.memory_space<vmem>>) semaphore(%arg12 : memref<!tpu.dma_semaphore, #tpu.memory_space<semaphore_mem>>)
      } else {
      }
      %dma_wait3A_179 = arith.constant 0 : i32
      %dma_wait3A_180 = arith.constant 0 : i32
      %dma_wait3A_181 = arith.constant 0 : i32
      %dma_wait3A_182 = tpu.memref_slice %arg8[%dma_wait3A_179, %dma_wait3A_180, %dma_wait3A_181] : memref<2x128x128xf32, #tpu.memory_space<vmem>> -> memref<1x128x128xf32, #tpu.memory_space<vmem>>
      %dma_wait3A_183 = tpu.memref_squeeze %dma_wait3A_182 : memref<1x128x128xf32, #tpu.memory_space<vmem>> -> memref<128x128xf32, #tpu.memory_space<vmem>>
      %dma_wait3A_184 = arith.constant 0 : i32
      %dma_wait3A_185 = arith.constant 0 : i32
      %dma_wait3A_186 = tpu.memref_slice %arg3[%dma_wait3A_184, %dma_wait3A_185] : memref<500000x128xf32, #tpu.memory_space<hbm>> -> memref<128x128xf32, #tpu.memory_space<hbm>>
      %dma_wait3A_187 = arith.constant 0 : i32
      %dma_wait3A_188 = arith.constant 0 : i32
      %dma_wait3A_189 = tpu.memref_slice %arg8[%dma_wait3A_179, %dma_wait3A_187, %dma_wait3A_188] : memref<2x128x128xf32, #tpu.memory_space<vmem>> -> memref<1x128x128xf32, #tpu.memory_space<vmem>>
      %dma_wait3A_190 = tpu.memref_squeeze %dma_wait3A_189 : memref<1x128x128xf32, #tpu.memory_space<vmem>> -> memref<128x128xf32, #tpu.memory_space<vmem>>
      %dma_wait3A_191 = arith.constant 0 : i32
      %dma_wait3A_192 = arith.constant 0 : i32
      %dma_wait3A_193 = tpu.memref_slice %arg3[%dma_wait3A_191, %dma_wait3A_192] : memref<500000x128xf32, #tpu.memory_space<hbm>> -> memref<128x128xf32, #tpu.memory_space<hbm>>
      tpu.wait_dma2 semaphore(%arg11 : memref<!tpu.dma_semaphore, #tpu.memory_space<semaphore_mem>>) src(%dma_wait3A_193 : memref<128x128xf32, #tpu.memory_space<hbm>>) dst(%dma_wait3A_190 : memref<128x128xf32, #tpu.memory_space<vmem>>)
      %ge3A = arith.constant 2 : i32
      %ge3A_194 = arith.cmpi sge, %add3A_174, %ge3A : i32
      %convert_element_type3A_195 = arith.extui %ge3A_194 : i1 to i32
      %cond3A_196 = arith.constant 0 : i32
      %cond3A_197 = arith.cmpi ne, %convert_element_type3A_195, %cond3A_196 : i32
      scf.if %cond3A_197 {
        %dma_wait3A_497 = arith.constant 0 : i32
        %dma_wait3A_498 = arith.constant 0 : i32
        %dma_wait3A_499 = arith.constant 0 : i32
        %dma_wait3A_500 = arith.constant 0 : i32
        %dma_wait3A_501 = tpu.memref_slice %arg9[%dma_wait3A_497, %dma_wait3A_499, %dma_wait3A_500] : memref<2x64x129xf32, #tpu.memory_space<vmem>> -> memref<1x64x128xf32, #tpu.memory_space<vmem>>
        %dma_wait3A_502 = tpu.memref_squeeze %dma_wait3A_501 : memref<1x64x128xf32, #tpu.memory_space<vmem>> -> memref<64x128xf32, #tpu.memory_space<vmem>>
        %dma_wait3A_503 = arith.constant 0 : i32
        %dma_wait3A_504 = arith.constant 0 : i32
        %dma_wait3A_505 = tpu.memref_slice %arg5[%dma_wait3A_498, %dma_wait3A_503, %dma_wait3A_504] : memref<200x64x4096xf32, #tpu.memory_space<hbm>> -> memref<1x64x128xf32, #tpu.memory_space<hbm>>
        %dma_wait3A_506 = tpu.memref_squeeze %dma_wait3A_505 : memref<1x64x128xf32, #tpu.memory_space<hbm>> -> memref<64x128xf32, #tpu.memory_space<hbm>>
        %dma_wait3A_507 = arith.constant 0 : i32
        %dma_wait3A_508 = arith.constant 0 : i32
        %dma_wait3A_509 = tpu.memref_slice %arg5[%dma_wait3A_498, %dma_wait3A_507, %dma_wait3A_508] : memref<200x64x4096xf32, #tpu.memory_space<hbm>> -> memref<1x64x128xf32, #tpu.memory_space<hbm>>
        %dma_wait3A_510 = tpu.memref_squeeze %dma_wait3A_509 : memref<1x64x128xf32, #tpu.memory_space<hbm>> -> memref<64x128xf32, #tpu.memory_space<hbm>>
        %dma_wait3A_511 = arith.constant 0 : i32
        %dma_wait3A_512 = arith.constant 0 : i32
        %dma_wait3A_513 = tpu.memref_slice %arg9[%dma_wait3A_497, %dma_wait3A_511, %dma_wait3A_512] : memref<2x64x129xf32, #tpu.memory_space<vmem>> -> memref<1x64x128xf32, #tpu.memory_space<vmem>>
        %dma_wait3A_514 = tpu.memref_squeeze %dma_wait3A_513 : memref<1x64x128xf32, #tpu.memory_space<vmem>> -> memref<64x128xf32, #tpu.memory_space<vmem>>
        tpu.wait_dma2 semaphore(%arg13 : memref<!tpu.dma_semaphore, #tpu.memory_space<semaphore_mem>>) src(%dma_wait3A_514 : memref<64x128xf32, #tpu.memory_space<vmem>>) dst(%dma_wait3A_510 : memref<64x128xf32, #tpu.memory_space<hbm>>)
      } else {
      }
      %get3A_198 = arith.index_cast %scan3A_170 : i32 to index
      %get3A_199 = arith.constant 0 : index
      %get3A_200 = tpu.vector_load %arg10[%get3A_198, %get3A_199] {strides = array<i32>} : memref<100x128xf32, #tpu.memory_space<vmem>>, vector<16xf32>,
      %get3A_201 = arith.index_cast %scan3A_170 : i32 to index
      %get3A_202 = arith.constant 16 : index
      %get3A_203 = tpu.vector_load %arg10[%get3A_201, %get3A_202] {strides = array<i32>} : memref<100x128xf32, #tpu.memory_space<vmem>>, vector<16xf32>,
      %get3A_204 = arith.index_cast %scan3A_170 : i32 to index
      %get3A_205 = arith.constant 32 : index
      %get3A_206 = tpu.vector_load %arg10[%get3A_204, %get3A_205] {strides = array<i32>} : memref<100x128xf32, #tpu.memory_space<vmem>>, vector<16xf32>,
      %get3A_207 = arith.index_cast %scan3A_170 : i32 to index
      %get3A_208 = arith.constant 48 : index
      %get3A_209 = tpu.vector_load %arg10[%get3A_207, %get3A_208] {strides = array<i32>} : memref<100x128xf32, #tpu.memory_space<vmem>>, vector<16xf32>,
      %get3A_210 = arith.index_cast %add3A_174 : i32 to index
      %get3A_211 = arith.constant 0 : index
      %get3A_212 = tpu.vector_load %arg6[%get3A_210, %get3A_211] {strides = array<i32>} : memref<200x128xi32, #tpu.memory_space<vmem>>, vector<16xi32>,
      %and3A = arith.constant 1 : i32
      %and3A_213 = vector.broadcast %and3A : i32 to vector<16xi32>
      %and3A_214 = arith.andi %get3A_212, %and3A_213 : vector<16xi32>
      %mul3A_215 = arith.constant 64 : i32
      %mul3A_216 = vector.broadcast %mul3A_215 : i32 to vector<16xi32>
      %mul3A_217 = arith.muli %and3A_214, %mul3A_216 : vector<16xi32>
      %get3A_218 = arith.index_cast %add3A_174 : i32 to index
      %get3A_219 = arith.constant 16 : index
      %get3A_220 = tpu.vector_load %arg6[%get3A_218, %get3A_219] {strides = array<i32>} : memref<200x128xi32, #tpu.memory_space<vmem>>, vector<16xi32>,
      %and3A_221 = arith.constant 1 : i32
      %and3A_222 = vector.broadcast %and3A_221 : i32 to vector<16xi32>
      %and3A_223 = arith.andi %get3A_220, %and3A_222 : vector<16xi32>
      %mul3A_224 = arith.constant 64 : i32
      %mul3A_225 = vector.broadcast %mul3A_224 : i32 to vector<16xi32>
      %mul3A_226 = arith.muli %and3A_223, %mul3A_225 : vector<16xi32>
      %get3A_227 = arith.index_cast %add3A_174 : i32 to index
      %get3A_228 = arith.constant 32 : index
      %get3A_229 = tpu.vector_load %arg6[%get3A_227, %get3A_228] {strides = array<i32>} : memref<200x128xi32, #tpu.memory_space<vmem>>, vector<16xi32>,
      %and3A_230 = arith.constant 1 : i32
      %and3A_231 = vector.broadcast %and3A_230 : i32 to vector<16xi32>
      %and3A_232 = arith.andi %get3A_229, %and3A_231 : vector<16xi32>
      %mul3A_233 = arith.constant 64 : i32
      %mul3A_234 = vector.broadcast %mul3A_233 : i32 to vector<16xi32>
      %mul3A_235 = arith.muli %and3A_232, %mul3A_234 : vector<16xi32>
      %get3A_236 = arith.index_cast %add3A_174 : i32 to index
      %get3A_237 = arith.constant 48 : index
      %get3A_238 = tpu.vector_load %arg6[%get3A_236, %get3A_237] {strides = array<i32>} : memref<200x128xi32, #tpu.memory_space<vmem>>, vector<16xi32>,
      %and3A_239 = arith.constant 1 : i32
      %and3A_240 = vector.broadcast %and3A_239 : i32 to vector<16xi32>
      %and3A_241 = arith.andi %get3A_238, %and3A_240 : vector<16xi32>
      %mul3A_242 = arith.constant 64 : i32
      %mul3A_243 = vector.broadcast %mul3A_242 : i32 to vector<16xi32>
      %mul3A_244 = arith.muli %and3A_241, %mul3A_243 : vector<16xi32>
      %get3A_245 = arith.index_cast %add3A_174 : i32 to index
      %get3A_246 = arith.constant 64 : index
      %get3A_247 = tpu.vector_load %arg6[%get3A_245, %get3A_246] {strides = array<i32>} : memref<200x128xi32, #tpu.memory_space<vmem>>, vector<16xi32>,
      %and3A_248 = arith.constant 1 : i32
      %and3A_249 = vector.broadcast %and3A_248 : i32 to vector<16xi32>
      %and3A_250 = arith.andi %get3A_247, %and3A_249 : vector<16xi32>
      %mul3A_251 = arith.constant 64 : i32
      %mul3A_252 = vector.broadcast %mul3A_251 : i32 to vector<16xi32>
      %mul3A_253 = arith.muli %and3A_250, %mul3A_252 : vector<16xi32>
      %get3A_254 = arith.index_cast %add3A_174 : i32 to index
      %get3A_255 = arith.constant 80 : index
      %get3A_256 = tpu.vector_load %arg6[%get3A_254, %get3A_255] {strides = array<i32>} : memref<200x128xi32, #tpu.memory_space<vmem>>, vector<16xi32>,
      %and3A_257 = arith.constant 1 : i32
      %and3A_258 = vector.broadcast %and3A_257 : i32 to vector<16xi32>
      %and3A_259 = arith.andi %get3A_256, %and3A_258 : vector<16xi32>
      %mul3A_260 = arith.constant 64 : i32
      %mul3A_261 = vector.broadcast %mul3A_260 : i32 to vector<16xi32>
      %mul3A_262 = arith.muli %and3A_259, %mul3A_261 : vector<16xi32>
      %get3A_263 = arith.index_cast %add3A_174 : i32 to index
      %get3A_264 = arith.constant 96 : index
      %get3A_265 = tpu.vector_load %arg6[%get3A_263, %get3A_264] {strides = array<i32>} : memref<200x128xi32, #tpu.memory_space<vmem>>, vector<16xi32>,
      %and3A_266 = arith.constant 1 : i32
      %and3A_267 = vector.broadcast %and3A_266 : i32 to vector<16xi32>
      %and3A_268 = arith.andi %get3A_265, %and3A_267 : vector<16xi32>
      %mul3A_269 = arith.constant 64 : i32
      %mul3A_270 = vector.broadcast %mul3A_269 : i32 to vector<16xi32>
      %mul3A_271 = arith.muli %and3A_268, %mul3A_270 : vector<16xi32>
      %get3A_272 = arith.index_cast %add3A_174 : i32 to index
      %get3A_273 = arith.constant 112 : index
      %get3A_274 = tpu.vector_load %arg6[%get3A_272, %get3A_273] {strides = array<i32>} : memref<200x128xi32, #tpu.memory_space<vmem>>, vector<16xi32>,
      %and3A_275 = arith.constant 1 : i32
      %and3A_276 = vector.broadcast %and3A_275 : i32 to vector<16xi32>
      %and3A_277 = arith.andi %get3A_274, %and3A_276 : vector<16xi32>
      %mul3A_278 = arith.constant 64 : i32
      %mul3A_279 = vector.broadcast %mul3A_278 : i32 to vector<16xi32>
      %mul3A_280 = arith.muli %and3A_277, %mul3A_279 : vector<16xi32>
      %add3A_281 = arith.constant 0 : i32
      %add3A_282 = vector.broadcast %add3A_281 : i32 to vector<16xi32>
      %add3A_283 = arith.addi %iota3A, %add3A_282 : vector<16xi32>
      %add3A_284 = arith.constant 16 : i32
      %add3A_285 = vector.broadcast %add3A_284 : i32 to vector<16xi32>
      %add3A_286 = arith.addi %iota3A, %add3A_285 : vector<16xi32>
      %add3A_287 = arith.constant 32 : i32
      %add3A_288 = vector.broadcast %add3A_287 : i32 to vector<16xi32>
      %add3A_289 = arith.addi %iota3A, %add3A_288 : vector<16xi32>
      %add3A_290 = arith.constant 48 : i32
      %add3A_291 = vector.broadcast %add3A_290 : i32 to vector<16xi32>
      %add3A_292 = arith.addi %iota3A, %add3A_291 : vector<16xi32>
      %add3A_293 = arith.constant 64 : i32
      %add3A_294 = vector.broadcast %add3A_293 : i32 to vector<16xi32>
      %add3A_295 = arith.addi %iota3A, %add3A_294 : vector<16xi32>
      %add3A_296 = arith.constant 80 : i32
      %add3A_297 = vector.broadcast %add3A_296 : i32 to vector<16xi32>
      %add3A_298 = arith.addi %iota3A, %add3A_297 : vector<16xi32>
      %add3A_299 = arith.constant 96 : i32
      %add3A_300 = vector.broadcast %add3A_299 : i32 to vector<16xi32>
      %add3A_301 = arith.addi %iota3A, %add3A_300 : vector<16xi32>
      %add3A_302 = arith.constant 112 : i32
      %add3A_303 = vector.broadcast %add3A_302 : i32 to vector<16xi32>
      %add3A_304 = arith.addi %iota3A, %add3A_303 : vector<16xi32>
      %parallel_loop3A = arith.constant 0 : i32
      %parallel_loop3A_305 = arith.constant 16 : i32
      %parallel_loop3A_306 = arith.constant 1 : i32
      scf.for %parallel_loop3A_497 = %parallel_loop3A to %parallel_loop3A_305 step %parallel_loop3A_306  : i32 {
        %parallel_loop3A_498 = arith.constant 0 : i32
        %parallel_loop3A_499 = arith.addi %parallel_loop3A_498, %parallel_loop3A_497 : i32
        %parallel_loop3A_500 = vector.broadcast %parallel_loop3A_497 : i32 to vector<16xi32>
        %parallel_loop3A_501 = vector.shape_cast %parallel_loop3A_500 : vector<16xi32> to vector<16x1xi32>
        %parallel_loop3A_502 = vector.shape_cast %parallel_loop3A_501 : vector<16x1xi32> to vector<16xi32>
        %parallel_loop3A_503 = tpu.dynamic_gather %get3A_200[%parallel_loop3A_502] in [0] : vector<16xf32>, vector<16xi32> -> vector<16xf32>
        %parallel_loop3A_504 = vector.broadcast %parallel_loop3A_499 : i32 to vector<16xi32>
        %parallel_loop3A_505 = arith.addi %mul3A_217, %parallel_loop3A_504 : vector<16xi32>
        %parallel_loop3A_506 = arith.constant 0 : i32
        %parallel_loop3A_507 = arith.constant 0 : i32
        %parallel_loop3A_508 = arith.constant 0 : i32
        %parallel_loop3A_509 = tpu.memref_slice %arg8[%parallel_loop3A_506, %parallel_loop3A_507, %parallel_loop3A_508] : memref<2x128x128xf32, #tpu.memory_space<vmem>> -> memref<1x128x128xf32, #tpu.memory_space<vmem>>
        %parallel_loop3A_510 = tpu.memref_squeeze %parallel_loop3A_509 : memref<1x128x128xf32, #tpu.memory_space<vmem>> -> memref<128x128xf32, #tpu.memory_space<vmem>>
        %parallel_loop3A_511 = tpu.vector_load_idx %parallel_loop3A_510[%add3A_283, %parallel_loop3A_505] : memref<128x128xf32, #tpu.memory_space<vmem>>[vector<16xi32>, vector<16xi32>], vector<16xf32>,
        %parallel_loop3A_512 = arith.constant 8.000000e+00 : f32
        %parallel_loop3A_513 = vector.broadcast %parallel_loop3A_512 : f32 to vector<16xf32>
        %parallel_loop3A_514 = arith.mulf %parallel_loop3A_511, %parallel_loop3A_513 : vector<16xf32>
        %parallel_loop3A_515 = arith.addf %parallel_loop3A_514, %parallel_loop3A_503 : vector<16xf32>
        %parallel_loop3A_516 = arith.constant 0 : i32
        %parallel_loop3A_517 = arith.index_cast %parallel_loop3A_516 : i32 to index
        %parallel_loop3A_518 = arith.index_cast %parallel_loop3A_499 : i32 to index
        %parallel_loop3A_519 = arith.constant 0 : index
        %parallel_loop3A_520 = tpu.vector_load %arg9[%parallel_loop3A_517, %parallel_loop3A_518, %parallel_loop3A_519] {strides = array<i32>} : memref<2x64x129xf32, #tpu.memory_space<vmem>>, vector<16xf32>,
        tpu.vector_store %arg9[%parallel_loop3A_517, %parallel_loop3A_518, %parallel_loop3A_519], %parallel_loop3A_515 {strides = array<i32>} : memref<2x64x129xf32, #tpu.memory_space<vmem>>, vector<16xf32>,
        %parallel_loop3A_521 = vector.broadcast %parallel_loop3A_499 : i32 to vector<16xi32>
        %parallel_loop3A_522 = arith.addi %mul3A_226, %parallel_loop3A_521 : vector<16xi32>
        %parallel_loop3A_523 = arith.constant 0 : i32
        %parallel_loop3A_524 = arith.constant 0 : i32
        %parallel_loop3A_525 = arith.constant 0 : i32
        %parallel_loop3A_526 = tpu.memref_slice %arg8[%parallel_loop3A_523, %parallel_loop3A_524, %parallel_loop3A_525] : memref<2x128x128xf32, #tpu.memory_space<vmem>> -> memref<1x128x128xf32, #tpu.memory_space<vmem>>
        %parallel_loop3A_527 = tpu.memref_squeeze %parallel_loop3A_526 : memref<1x128x128xf32, #tpu.memory_space<vmem>> -> memref<128x128xf32, #tpu.memory_space<vmem>>
        %parallel_loop3A_528 = tpu.vector_load_idx %parallel_loop3A_527[%add3A_286, %parallel_loop3A_522] : memref<128x128xf32, #tpu.memory_space<vmem>>[vector<16xi32>, vector<16xi32>], vector<16xf32>,
        %parallel_loop3A_529 = arith.constant 8.000000e+00 : f32
        %parallel_loop3A_530 = vector.broadcast %parallel_loop3A_529 : f32 to vector<16xf32>
        %parallel_loop3A_531 = arith.mulf %parallel_loop3A_528, %parallel_loop3A_530 : vector<16xf32>
        %parallel_loop3A_532 = arith.addf %parallel_loop3A_531, %parallel_loop3A_503 : vector<16xf32>
        %parallel_loop3A_533 = arith.constant 0 : i32
        %parallel_loop3A_534 = arith.index_cast %parallel_loop3A_533 : i32 to index
        %parallel_loop3A_535 = arith.index_cast %parallel_loop3A_499 : i32 to index
        %parallel_loop3A_536 = arith.constant 16 : index
        %parallel_loop3A_537 = tpu.vector_load %arg9[%parallel_loop3A_534, %parallel_loop3A_535, %parallel_loop3A_536] {strides = array<i32>} : memref<2x64x129xf32, #tpu.memory_space<vmem>>, vector<16xf32>,
        tpu.vector_store %arg9[%parallel_loop3A_534, %parallel_loop3A_535, %parallel_loop3A_536], %parallel_loop3A_532 {strides = array<i32>} : memref<2x64x129xf32, #tpu.memory_space<vmem>>, vector<16xf32>,
        %parallel_loop3A_538 = vector.broadcast %parallel_loop3A_499 : i32 to vector<16xi32>
        %parallel_loop3A_539 = arith.addi %mul3A_235, %parallel_loop3A_538 : vector<16xi32>
        %parallel_loop3A_540 = arith.constant 0 : i32
        %parallel_loop3A_541 = arith.constant 0 : i32
        %parallel_loop3A_542 = arith.constant 0 : i32
        %parallel_loop3A_543 = tpu.memref_slice %arg8[%parallel_loop3A_540, %parallel_loop3A_541, %parallel_loop3A_542] : memref<2x128x128xf32, #tpu.memory_space<vmem>> -> memref<1x128x128xf32, #tpu.memory_space<vmem>>
        %parallel_loop3A_544 = tpu.memref_squeeze %parallel_loop3A_543 : memref<1x128x128xf32, #tpu.memory_space<vmem>> -> memref<128x128xf32, #tpu.memory_space<vmem>>
        %parallel_loop3A_545 = tpu.vector_load_idx %parallel_loop3A_544[%add3A_289, %parallel_loop3A_539] : memref<128x128xf32, #tpu.memory_space<vmem>>[vector<16xi32>, vector<16xi32>], vector<16xf32>,
        %parallel_loop3A_546 = arith.constant 8.000000e+00 : f32
        %parallel_loop3A_547 = vector.broadcast %parallel_loop3A_546 : f32 to vector<16xf32>
        %parallel_loop3A_548 = arith.mulf %parallel_loop3A_545, %parallel_loop3A_547 : vector<16xf32>
        %parallel_loop3A_549 = arith.addf %parallel_loop3A_548, %parallel_loop3A_503 : vector<16xf32>
        %parallel_loop3A_550 = arith.constant 0 : i32
        %parallel_loop3A_551 = arith.index_cast %parallel_loop3A_550 : i32 to index
        %parallel_loop3A_552 = arith.index_cast %parallel_loop3A_499 : i32 to index
        %parallel_loop3A_553 = arith.constant 32 : index
        %parallel_loop3A_554 = tpu.vector_load %arg9[%parallel_loop3A_551, %parallel_loop3A_552, %parallel_loop3A_553] {strides = array<i32>} : memref<2x64x129xf32, #tpu.memory_space<vmem>>, vector<16xf32>,
        tpu.vector_store %arg9[%parallel_loop3A_551, %parallel_loop3A_552, %parallel_loop3A_553], %parallel_loop3A_549 {strides = array<i32>} : memref<2x64x129xf32, #tpu.memory_space<vmem>>, vector<16xf32>,
        %parallel_loop3A_555 = vector.broadcast %parallel_loop3A_499 : i32 to vector<16xi32>
        %parallel_loop3A_556 = arith.addi %mul3A_244, %parallel_loop3A_555 : vector<16xi32>
        %parallel_loop3A_557 = arith.constant 0 : i32
        %parallel_loop3A_558 = arith.constant 0 : i32
        %parallel_loop3A_559 = arith.constant 0 : i32
        %parallel_loop3A_560 = tpu.memref_slice %arg8[%parallel_loop3A_557, %parallel_loop3A_558, %parallel_loop3A_559] : memref<2x128x128xf32, #tpu.memory_space<vmem>> -> memref<1x128x128xf32, #tpu.memory_space<vmem>>
        %parallel_loop3A_561 = tpu.memref_squeeze %parallel_loop3A_560 : memref<1x128x128xf32, #tpu.memory_space<vmem>> -> memref<128x128xf32, #tpu.memory_space<vmem>>
        %parallel_loop3A_562 = tpu.vector_load_idx %parallel_loop3A_561[%add3A_292, %parallel_loop3A_556] : memref<128x128xf32, #tpu.memory_space<vmem>>[vector<16xi32>, vector<16xi32>], vector<16xf32>,
        %parallel_loop3A_563 = arith.constant 8.000000e+00 : f32
        %parallel_loop3A_564 = vector.broadcast %parallel_loop3A_563 : f32 to vector<16xf32>
        %parallel_loop3A_565 = arith.mulf %parallel_loop3A_562, %parallel_loop3A_564 : vector<16xf32>
        %parallel_loop3A_566 = arith.addf %parallel_loop3A_565, %parallel_loop3A_503 : vector<16xf32>
        %parallel_loop3A_567 = arith.constant 0 : i32
        %parallel_loop3A_568 = arith.index_cast %parallel_loop3A_567 : i32 to index
        %parallel_loop3A_569 = arith.index_cast %parallel_loop3A_499 : i32 to index
        %parallel_loop3A_570 = arith.constant 48 : index
        %parallel_loop3A_571 = tpu.vector_load %arg9[%parallel_loop3A_568, %parallel_loop3A_569, %parallel_loop3A_570] {strides = array<i32>} : memref<2x64x129xf32, #tpu.memory_space<vmem>>, vector<16xf32>,
        tpu.vector_store %arg9[%parallel_loop3A_568, %parallel_loop3A_569, %parallel_loop3A_570], %parallel_loop3A_566 {strides = array<i32>} : memref<2x64x129xf32, #tpu.memory_space<vmem>>, vector<16xf32>,
        %parallel_loop3A_572 = vector.broadcast %parallel_loop3A_499 : i32 to vector<16xi32>
        %parallel_loop3A_573 = arith.addi %mul3A_253, %parallel_loop3A_572 : vector<16xi32>
        %parallel_loop3A_574 = arith.constant 0 : i32
        %parallel_loop3A_575 = arith.constant 0 : i32
        %parallel_loop3A_576 = arith.constant 0 : i32
        %parallel_loop3A_577 = tpu.memref_slice %arg8[%parallel_loop3A_574, %parallel_loop3A_575, %parallel_loop3A_576] : memref<2x128x128xf32, #tpu.memory_space<vmem>> -> memref<1x128x128xf32, #tpu.memory_space<vmem>>
        %parallel_loop3A_578 = tpu.memref_squeeze %parallel_loop3A_577 : memref<1x128x128xf32, #tpu.memory_space<vmem>> -> memref<128x128xf32, #tpu.memory_space<vmem>>
        %parallel_loop3A_579 = tpu.vector_load_idx %parallel_loop3A_578[%add3A_295, %parallel_loop3A_573] : memref<128x128xf32, #tpu.memory_space<vmem>>[vector<16xi32>, vector<16xi32>], vector<16xf32>,
        %parallel_loop3A_580 = arith.constant 8.000000e+00 : f32
        %parallel_loop3A_581 = vector.broadcast %parallel_loop3A_580 : f32 to vector<16xf32>
        %parallel_loop3A_582 = arith.mulf %parallel_loop3A_579, %parallel_loop3A_581 : vector<16xf32>
        %parallel_loop3A_583 = arith.addf %parallel_loop3A_582, %parallel_loop3A_503 : vector<16xf32>
        %parallel_loop3A_584 = arith.constant 0 : i32
        %parallel_loop3A_585 = arith.index_cast %parallel_loop3A_584 : i32 to index
        %parallel_loop3A_586 = arith.index_cast %parallel_loop3A_499 : i32 to index
        %parallel_loop3A_587 = arith.constant 64 : index
        %parallel_loop3A_588 = tpu.vector_load %arg9[%parallel_loop3A_585, %parallel_loop3A_586, %parallel_loop3A_587] {strides = array<i32>} : memref<2x64x129xf32, #tpu.memory_space<vmem>>, vector<16xf32>,
        tpu.vector_store %arg9[%parallel_loop3A_585, %parallel_loop3A_586, %parallel_loop3A_587], %parallel_loop3A_583 {strides = array<i32>} : memref<2x64x129xf32, #tpu.memory_space<vmem>>, vector<16xf32>,
        %parallel_loop3A_589 = vector.broadcast %parallel_loop3A_499 : i32 to vector<16xi32>
        %parallel_loop3A_590 = arith.addi %mul3A_262, %parallel_loop3A_589 : vector<16xi32>
        %parallel_loop3A_591 = arith.constant 0 : i32
        %parallel_loop3A_592 = arith.constant 0 : i32
        %parallel_loop3A_593 = arith.constant 0 : i32
        %parallel_loop3A_594 = tpu.memref_slice %arg8[%parallel_loop3A_591, %parallel_loop3A_592, %parallel_loop3A_593] : memref<2x128x128xf32, #tpu.memory_space<vmem>> -> memref<1x128x128xf32, #tpu.memory_space<vmem>>
        %parallel_loop3A_595 = tpu.memref_squeeze %parallel_loop3A_594 : memref<1x128x128xf32, #tpu.memory_space<vmem>> -> memref<128x128xf32, #tpu.memory_space<vmem>>
        %parallel_loop3A_596 = tpu.vector_load_idx %parallel_loop3A_595[%add3A_298, %parallel_loop3A_590] : memref<128x128xf32, #tpu.memory_space<vmem>>[vector<16xi32>, vector<16xi32>], vector<16xf32>,
        %parallel_loop3A_597 = arith.constant 8.000000e+00 : f32
        %parallel_loop3A_598 = vector.broadcast %parallel_loop3A_597 : f32 to vector<16xf32>
        %parallel_loop3A_599 = arith.mulf %parallel_loop3A_596, %parallel_loop3A_598 : vector<16xf32>
        %parallel_loop3A_600 = arith.addf %parallel_loop3A_599, %parallel_loop3A_503 : vector<16xf32>
        %parallel_loop3A_601 = arith.constant 0 : i32
        %parallel_loop3A_602 = arith.index_cast %parallel_loop3A_601 : i32 to index
        %parallel_loop3A_603 = arith.index_cast %parallel_loop3A_499 : i32 to index
        %parallel_loop3A_604 = arith.constant 80 : index
        %parallel_loop3A_605 = tpu.vector_load %arg9[%parallel_loop3A_602, %parallel_loop3A_603, %parallel_loop3A_604] {strides = array<i32>} : memref<2x64x129xf32, #tpu.memory_space<vmem>>, vector<16xf32>,
        tpu.vector_store %arg9[%parallel_loop3A_602, %parallel_loop3A_603, %parallel_loop3A_604], %parallel_loop3A_600 {strides = array<i32>} : memref<2x64x129xf32, #tpu.memory_space<vmem>>, vector<16xf32>,
        %parallel_loop3A_606 = vector.broadcast %parallel_loop3A_499 : i32 to vector<16xi32>
        %parallel_loop3A_607 = arith.addi %mul3A_271, %parallel_loop3A_606 : vector<16xi32>
        %parallel_loop3A_608 = arith.constant 0 : i32
        %parallel_loop3A_609 = arith.constant 0 : i32
        %parallel_loop3A_610 = arith.constant 0 : i32
        %parallel_loop3A_611 = tpu.memref_slice %arg8[%parallel_loop3A_608, %parallel_loop3A_609, %parallel_loop3A_610] : memref<2x128x128xf32, #tpu.memory_space<vmem>> -> memref<1x128x128xf32, #tpu.memory_space<vmem>>
        %parallel_loop3A_612 = tpu.memref_squeeze %parallel_loop3A_611 : memref<1x128x128xf32, #tpu.memory_space<vmem>> -> memref<128x128xf32, #tpu.memory_space<vmem>>
        %parallel_loop3A_613 = tpu.vector_load_idx %parallel_loop3A_612[%add3A_301, %parallel_loop3A_607] : memref<128x128xf32, #tpu.memory_space<vmem>>[vector<16xi32>, vector<16xi32>], vector<16xf32>,
        %parallel_loop3A_614 = arith.constant 8.000000e+00 : f32
        %parallel_loop3A_615 = vector.broadcast %parallel_loop3A_614 : f32 to vector<16xf32>
        %parallel_loop3A_616 = arith.mulf %parallel_loop3A_613, %parallel_loop3A_615 : vector<16xf32>
        %parallel_loop3A_617 = arith.addf %parallel_loop3A_616, %parallel_loop3A_503 : vector<16xf32>
        %parallel_loop3A_618 = arith.constant 0 : i32
        %parallel_loop3A_619 = arith.index_cast %parallel_loop3A_618 : i32 to index
        %parallel_loop3A_620 = arith.index_cast %parallel_loop3A_499 : i32 to index
        %parallel_loop3A_621 = arith.constant 96 : index
        %parallel_loop3A_622 = tpu.vector_load %arg9[%parallel_loop3A_619, %parallel_loop3A_620, %parallel_loop3A_621] {strides = array<i32>} : memref<2x64x129xf32, #tpu.memory_space<vmem>>, vector<16xf32>,
        tpu.vector_store %arg9[%parallel_loop3A_619, %parallel_loop3A_620, %parallel_loop3A_621], %parallel_loop3A_617 {strides = array<i32>} : memref<2x64x129xf32, #tpu.memory_space<vmem>>, vector<16xf32>,
        %parallel_loop3A_623 = vector.broadcast %parallel_loop3A_499 : i32 to vector<16xi32>
        %parallel_loop3A_624 = arith.addi %mul3A_280, %parallel_loop3A_623 : vector<16xi32>
        %parallel_loop3A_625 = arith.constant 0 : i32
        %parallel_loop3A_626 = arith.constant 0 : i32
        %parallel_loop3A_627 = arith.constant 0 : i32
        %parallel_loop3A_628 = tpu.memref_slice %arg8[%parallel_loop3A_625, %parallel_loop3A_626, %parallel_loop3A_627] : memref<2x128x128xf32, #tpu.memory_space<vmem>> -> memref<1x128x128xf32, #tpu.memory_space<vmem>>
        %parallel_loop3A_629 = tpu.memref_squeeze %parallel_loop3A_628 : memref<1x128x128xf32, #tpu.memory_space<vmem>> -> memref<128x128xf32, #tpu.memory_space<vmem>>
        %parallel_loop3A_630 = tpu.vector_load_idx %parallel_loop3A_629[%add3A_304, %parallel_loop3A_624] : memref<128x128xf32, #tpu.memory_space<vmem>>[vector<16xi32>, vector<16xi32>], vector<16xf32>,
        %parallel_loop3A_631 = arith.constant 8.000000e+00 : f32
        %parallel_loop3A_632 = vector.broadcast %parallel_loop3A_631 : f32 to vector<16xf32>
        %parallel_loop3A_633 = arith.mulf %parallel_loop3A_630, %parallel_loop3A_632 : vector<16xf32>
        %parallel_loop3A_634 = arith.addf %parallel_loop3A_633, %parallel_loop3A_503 : vector<16xf32>
        %parallel_loop3A_635 = arith.constant 0 : i32
        %parallel_loop3A_636 = arith.index_cast %parallel_loop3A_635 : i32 to index
        %parallel_loop3A_637 = arith.index_cast %parallel_loop3A_499 : i32 to index
        %parallel_loop3A_638 = arith.constant 112 : index
        %parallel_loop3A_639 = tpu.vector_load %arg9[%parallel_loop3A_636, %parallel_loop3A_637, %parallel_loop3A_638] {strides = array<i32>} : memref<2x64x129xf32, #tpu.memory_space<vmem>>, vector<16xf32>,
        tpu.vector_store %arg9[%parallel_loop3A_636, %parallel_loop3A_637, %parallel_loop3A_638], %parallel_loop3A_634 {strides = array<i32>} : memref<2x64x129xf32, #tpu.memory_space<vmem>>, vector<16xf32>,
      } {sc.loop_unroll_factor = 1 : i64, sc.parallel_access}
      %parallel_loop3A_307 = arith.constant 0 : i32
      %parallel_loop3A_308 = arith.constant 16 : i32
      %parallel_loop3A_309 = arith.constant 1 : i32
      scf.for %parallel_loop3A_497 = %parallel_loop3A_307 to %parallel_loop3A_308 step %parallel_loop3A_309  : i32 {
        %parallel_loop3A_498 = arith.constant 16 : i32
        %parallel_loop3A_499 = arith.addi %parallel_loop3A_498, %parallel_loop3A_497 : i32
        %parallel_loop3A_500 = vector.broadcast %parallel_loop3A_497 : i32 to vector<16xi32>
        %parallel_loop3A_501 = vector.shape_cast %parallel_loop3A_500 : vector<16xi32> to vector<16x1xi32>
        %parallel_loop3A_502 = vector.shape_cast %parallel_loop3A_501 : vector<16x1xi32> to vector<16xi32>
        %parallel_loop3A_503 = tpu.dynamic_gather %get3A_203[%parallel_loop3A_502] in [0] : vector<16xf32>, vector<16xi32> -> vector<16xf32>
        %parallel_loop3A_504 = vector.broadcast %parallel_loop3A_499 : i32 to vector<16xi32>
        %parallel_loop3A_505 = arith.addi %mul3A_217, %parallel_loop3A_504 : vector<16xi32>
        %parallel_loop3A_506 = arith.constant 0 : i32
        %parallel_loop3A_507 = arith.constant 0 : i32
        %parallel_loop3A_508 = arith.constant 0 : i32
        %parallel_loop3A_509 = tpu.memref_slice %arg8[%parallel_loop3A_506, %parallel_loop3A_507, %parallel_loop3A_508] : memref<2x128x128xf32, #tpu.memory_space<vmem>> -> memref<1x128x128xf32, #tpu.memory_space<vmem>>
        %parallel_loop3A_510 = tpu.memref_squeeze %parallel_loop3A_509 : memref<1x128x128xf32, #tpu.memory_space<vmem>> -> memref<128x128xf32, #tpu.memory_space<vmem>>
        %parallel_loop3A_511 = tpu.vector_load_idx %parallel_loop3A_510[%add3A_283, %parallel_loop3A_505] : memref<128x128xf32, #tpu.memory_space<vmem>>[vector<16xi32>, vector<16xi32>], vector<16xf32>,
        %parallel_loop3A_512 = arith.constant 8.000000e+00 : f32
        %parallel_loop3A_513 = vector.broadcast %parallel_loop3A_512 : f32 to vector<16xf32>
        %parallel_loop3A_514 = arith.mulf %parallel_loop3A_511, %parallel_loop3A_513 : vector<16xf32>
        %parallel_loop3A_515 = arith.addf %parallel_loop3A_514, %parallel_loop3A_503 : vector<16xf32>
        %parallel_loop3A_516 = arith.constant 0 : i32
        %parallel_loop3A_517 = arith.index_cast %parallel_loop3A_516 : i32 to index
        %parallel_loop3A_518 = arith.index_cast %parallel_loop3A_499 : i32 to index
        %parallel_loop3A_519 = arith.constant 0 : index
        %parallel_loop3A_520 = tpu.vector_load %arg9[%parallel_loop3A_517, %parallel_loop3A_518, %parallel_loop3A_519] {strides = array<i32>} : memref<2x64x129xf32, #tpu.memory_space<vmem>>, vector<16xf32>,
        tpu.vector_store %arg9[%parallel_loop3A_517, %parallel_loop3A_518, %parallel_loop3A_519], %parallel_loop3A_515 {strides = array<i32>} : memref<2x64x129xf32, #tpu.memory_space<vmem>>, vector<16xf32>,
        %parallel_loop3A_521 = vector.broadcast %parallel_loop3A_499 : i32 to vector<16xi32>
        %parallel_loop3A_522 = arith.addi %mul3A_226, %parallel_loop3A_521 : vector<16xi32>
        %parallel_loop3A_523 = arith.constant 0 : i32
        %parallel_loop3A_524 = arith.constant 0 : i32
        %parallel_loop3A_525 = arith.constant 0 : i32
        %parallel_loop3A_526 = tpu.memref_slice %arg8[%parallel_loop3A_523, %parallel_loop3A_524, %parallel_loop3A_525] : memref<2x128x128xf32, #tpu.memory_space<vmem>> -> memref<1x128x128xf32, #tpu.memory_space<vmem>>
        %parallel_loop3A_527 = tpu.memref_squeeze %parallel_loop3A_526 : memref<1x128x128xf32, #tpu.memory_space<vmem>> -> memref<128x128xf32, #tpu.memory_space<vmem>>
        %parallel_loop3A_528 = tpu.vector_load_idx %parallel_loop3A_527[%add3A_286, %parallel_loop3A_522] : memref<128x128xf32, #tpu.memory_space<vmem>>[vector<16xi32>, vector<16xi32>], vector<16xf32>,
        %parallel_loop3A_529 = arith.constant 8.000000e+00 : f32
        %parallel_loop3A_530 = vector.broadcast %parallel_loop3A_529 : f32 to vector<16xf32>
        %parallel_loop3A_531 = arith.mulf %parallel_loop3A_528, %parallel_loop3A_530 : vector<16xf32>
        %parallel_loop3A_532 = arith.addf %parallel_loop3A_531, %parallel_loop3A_503 : vector<16xf32>
        %parallel_loop3A_533 = arith.constant 0 : i32
        %parallel_loop3A_534 = arith.index_cast %parallel_loop3A_533 : i32 to index
        %parallel_loop3A_535 = arith.index_cast %parallel_loop3A_499 : i32 to index
        %parallel_loop3A_536 = arith.constant 16 : index
        %parallel_loop3A_537 = tpu.vector_load %arg9[%parallel_loop3A_534, %parallel_loop3A_535, %parallel_loop3A_536] {strides = array<i32>} : memref<2x64x129xf32, #tpu.memory_space<vmem>>, vector<16xf32>,
        tpu.vector_store %arg9[%parallel_loop3A_534, %parallel_loop3A_535, %parallel_loop3A_536], %parallel_loop3A_532 {strides = array<i32>} : memref<2x64x129xf32, #tpu.memory_space<vmem>>, vector<16xf32>,
        %parallel_loop3A_538 = vector.broadcast %parallel_loop3A_499 : i32 to vector<16xi32>
        %parallel_loop3A_539 = arith.addi %mul3A_235, %parallel_loop3A_538 : vector<16xi32>
        %parallel_loop3A_540 = arith.constant 0 : i32
        %parallel_loop3A_541 = arith.constant 0 : i32
        %parallel_loop3A_542 = arith.constant 0 : i32
        %parallel_loop3A_543 = tpu.memref_slice %arg8[%parallel_loop3A_540, %parallel_loop3A_541, %parallel_loop3A_542] : memref<2x128x128xf32, #tpu.memory_space<vmem>> -> memref<1x128x128xf32, #tpu.memory_space<vmem>>
        %parallel_loop3A_544 = tpu.memref_squeeze %parallel_loop3A_543 : memref<1x128x128xf32, #tpu.memory_space<vmem>> -> memref<128x128xf32, #tpu.memory_space<vmem>>
        %parallel_loop3A_545 = tpu.vector_load_idx %parallel_loop3A_544[%add3A_289, %parallel_loop3A_539] : memref<128x128xf32, #tpu.memory_space<vmem>>[vector<16xi32>, vector<16xi32>], vector<16xf32>,
        %parallel_loop3A_546 = arith.constant 8.000000e+00 : f32
        %parallel_loop3A_547 = vector.broadcast %parallel_loop3A_546 : f32 to vector<16xf32>
        %parallel_loop3A_548 = arith.mulf %parallel_loop3A_545, %parallel_loop3A_547 : vector<16xf32>
        %parallel_loop3A_549 = arith.addf %parallel_loop3A_548, %parallel_loop3A_503 : vector<16xf32>
        %parallel_loop3A_550 = arith.constant 0 : i32
        %parallel_loop3A_551 = arith.index_cast %parallel_loop3A_550 : i32 to index
        %parallel_loop3A_552 = arith.index_cast %parallel_loop3A_499 : i32 to index
        %parallel_loop3A_553 = arith.constant 32 : index
        %parallel_loop3A_554 = tpu.vector_load %arg9[%parallel_loop3A_551, %parallel_loop3A_552, %parallel_loop3A_553] {strides = array<i32>} : memref<2x64x129xf32, #tpu.memory_space<vmem>>, vector<16xf32>,
        tpu.vector_store %arg9[%parallel_loop3A_551, %parallel_loop3A_552, %parallel_loop3A_553], %parallel_loop3A_549 {strides = array<i32>} : memref<2x64x129xf32, #tpu.memory_space<vmem>>, vector<16xf32>,
        %parallel_loop3A_555 = vector.broadcast %parallel_loop3A_499 : i32 to vector<16xi32>
        %parallel_loop3A_556 = arith.addi %mul3A_244, %parallel_loop3A_555 : vector<16xi32>
        %parallel_loop3A_557 = arith.constant 0 : i32
        %parallel_loop3A_558 = arith.constant 0 : i32
        %parallel_loop3A_559 = arith.constant 0 : i32
        %parallel_loop3A_560 = tpu.memref_slice %arg8[%parallel_loop3A_557, %parallel_loop3A_558, %parallel_loop3A_559] : memref<2x128x128xf32, #tpu.memory_space<vmem>> -> memref<1x128x128xf32, #tpu.memory_space<vmem>>
        %parallel_loop3A_561 = tpu.memref_squeeze %parallel_loop3A_560 : memref<1x128x128xf32, #tpu.memory_space<vmem>> -> memref<128x128xf32, #tpu.memory_space<vmem>>
        %parallel_loop3A_562 = tpu.vector_load_idx %parallel_loop3A_561[%add3A_292, %parallel_loop3A_556] : memref<128x128xf32, #tpu.memory_space<vmem>>[vector<16xi32>, vector<16xi32>], vector<16xf32>,
        %parallel_loop3A_563 = arith.constant 8.000000e+00 : f32
        %parallel_loop3A_564 = vector.broadcast %parallel_loop3A_563 : f32 to vector<16xf32>
        %parallel_loop3A_565 = arith.mulf %parallel_loop3A_562, %parallel_loop3A_564 : vector<16xf32>
        %parallel_loop3A_566 = arith.addf %parallel_loop3A_565, %parallel_loop3A_503 : vector<16xf32>
        %parallel_loop3A_567 = arith.constant 0 : i32
        %parallel_loop3A_568 = arith.index_cast %parallel_loop3A_567 : i32 to index
        %parallel_loop3A_569 = arith.index_cast %parallel_loop3A_499 : i32 to index
        %parallel_loop3A_570 = arith.constant 48 : index
        %parallel_loop3A_571 = tpu.vector_load %arg9[%parallel_loop3A_568, %parallel_loop3A_569, %parallel_loop3A_570] {strides = array<i32>} : memref<2x64x129xf32, #tpu.memory_space<vmem>>, vector<16xf32>,
        tpu.vector_store %arg9[%parallel_loop3A_568, %parallel_loop3A_569, %parallel_loop3A_570], %parallel_loop3A_566 {strides = array<i32>} : memref<2x64x129xf32, #tpu.memory_space<vmem>>, vector<16xf32>,
        %parallel_loop3A_572 = vector.broadcast %parallel_loop3A_499 : i32 to vector<16xi32>
        %parallel_loop3A_573 = arith.addi %mul3A_253, %parallel_loop3A_572 : vector<16xi32>
        %parallel_loop3A_574 = arith.constant 0 : i32
        %parallel_loop3A_575 = arith.constant 0 : i32
        %parallel_loop3A_576 = arith.constant 0 : i32
        %parallel_loop3A_577 = tpu.memref_slice %arg8[%parallel_loop3A_574, %parallel_loop3A_575, %parallel_loop3A_576] : memref<2x128x128xf32, #tpu.memory_space<vmem>> -> memref<1x128x128xf32, #tpu.memory_space<vmem>>
        %parallel_loop3A_578 = tpu.memref_squeeze %parallel_loop3A_577 : memref<1x128x128xf32, #tpu.memory_space<vmem>> -> memref<128x128xf32, #tpu.memory_space<vmem>>
        %parallel_loop3A_579 = tpu.vector_load_idx %parallel_loop3A_578[%add3A_295, %parallel_loop3A_573] : memref<128x128xf32, #tpu.memory_space<vmem>>[vector<16xi32>, vector<16xi32>], vector<16xf32>,
        %parallel_loop3A_580 = arith.constant 8.000000e+00 : f32
        %parallel_loop3A_581 = vector.broadcast %parallel_loop3A_580 : f32 to vector<16xf32>
        %parallel_loop3A_582 = arith.mulf %parallel_loop3A_579, %parallel_loop3A_581 : vector<16xf32>
        %parallel_loop3A_583 = arith.addf %parallel_loop3A_582, %parallel_loop3A_503 : vector<16xf32>
        %parallel_loop3A_584 = arith.constant 0 : i32
        %parallel_loop3A_585 = arith.index_cast %parallel_loop3A_584 : i32 to index
        %parallel_loop3A_586 = arith.index_cast %parallel_loop3A_499 : i32 to index
        %parallel_loop3A_587 = arith.constant 64 : index
        %parallel_loop3A_588 = tpu.vector_load %arg9[%parallel_loop3A_585, %parallel_loop3A_586, %parallel_loop3A_587] {strides = array<i32>} : memref<2x64x129xf32, #tpu.memory_space<vmem>>, vector<16xf32>,
        tpu.vector_store %arg9[%parallel_loop3A_585, %parallel_loop3A_586, %parallel_loop3A_587], %parallel_loop3A_583 {strides = array<i32>} : memref<2x64x129xf32, #tpu.memory_space<vmem>>, vector<16xf32>,
        %parallel_loop3A_589 = vector.broadcast %parallel_loop3A_499 : i32 to vector<16xi32>
        %parallel_loop3A_590 = arith.addi %mul3A_262, %parallel_loop3A_589 : vector<16xi32>
        %parallel_loop3A_591 = arith.constant 0 : i32
        %parallel_loop3A_592 = arith.constant 0 : i32
        %parallel_loop3A_593 = arith.constant 0 : i32
        %parallel_loop3A_594 = tpu.memref_slice %arg8[%parallel_loop3A_591, %parallel_loop3A_592, %parallel_loop3A_593] : memref<2x128x128xf32, #tpu.memory_space<vmem>> -> memref<1x128x128xf32, #tpu.memory_space<vmem>>
        %parallel_loop3A_595 = tpu.memref_squeeze %parallel_loop3A_594 : memref<1x128x128xf32, #tpu.memory_space<vmem>> -> memref<128x128xf32, #tpu.memory_space<vmem>>
        %parallel_loop3A_596 = tpu.vector_load_idx %parallel_loop3A_595[%add3A_298, %parallel_loop3A_590] : memref<128x128xf32, #tpu.memory_space<vmem>>[vector<16xi32>, vector<16xi32>], vector<16xf32>,
        %parallel_loop3A_597 = arith.constant 8.000000e+00 : f32
        %parallel_loop3A_598 = vector.broadcast %parallel_loop3A_597 : f32 to vector<16xf32>
        %parallel_loop3A_599 = arith.mulf %parallel_loop3A_596, %parallel_loop3A_598 : vector<16xf32>
        %parallel_loop3A_600 = arith.addf %parallel_loop3A_599, %parallel_loop3A_503 : vector<16xf32>
        %parallel_loop3A_601 = arith.constant 0 : i32
        %parallel_loop3A_602 = arith.index_cast %parallel_loop3A_601 : i32 to index
        %parallel_loop3A_603 = arith.index_cast %parallel_loop3A_499 : i32 to index
        %parallel_loop3A_604 = arith.constant 80 : index
        %parallel_loop3A_605 = tpu.vector_load %arg9[%parallel_loop3A_602, %parallel_loop3A_603, %parallel_loop3A_604] {strides = array<i32>} : memref<2x64x129xf32, #tpu.memory_space<vmem>>, vector<16xf32>,
        tpu.vector_store %arg9[%parallel_loop3A_602, %parallel_loop3A_603, %parallel_loop3A_604], %parallel_loop3A_600 {strides = array<i32>} : memref<2x64x129xf32, #tpu.memory_space<vmem>>, vector<16xf32>,
        %parallel_loop3A_606 = vector.broadcast %parallel_loop3A_499 : i32 to vector<16xi32>
        %parallel_loop3A_607 = arith.addi %mul3A_271, %parallel_loop3A_606 : vector<16xi32>
        %parallel_loop3A_608 = arith.constant 0 : i32
        %parallel_loop3A_609 = arith.constant 0 : i32
        %parallel_loop3A_610 = arith.constant 0 : i32
        %parallel_loop3A_611 = tpu.memref_slice %arg8[%parallel_loop3A_608, %parallel_loop3A_609, %parallel_loop3A_610] : memref<2x128x128xf32, #tpu.memory_space<vmem>> -> memref<1x128x128xf32, #tpu.memory_space<vmem>>
        %parallel_loop3A_612 = tpu.memref_squeeze %parallel_loop3A_611 : memref<1x128x128xf32, #tpu.memory_space<vmem>> -> memref<128x128xf32, #tpu.memory_space<vmem>>
        %parallel_loop3A_613 = tpu.vector_load_idx %parallel_loop3A_612[%add3A_301, %parallel_loop3A_607] : memref<128x128xf32, #tpu.memory_space<vmem>>[vector<16xi32>, vector<16xi32>], vector<16xf32>,
        %parallel_loop3A_614 = arith.constant 8.000000e+00 : f32
        %parallel_loop3A_615 = vector.broadcast %parallel_loop3A_614 : f32 to vector<16xf32>
        %parallel_loop3A_616 = arith.mulf %parallel_loop3A_613, %parallel_loop3A_615 : vector<16xf32>
        %parallel_loop3A_617 = arith.addf %parallel_loop3A_616, %parallel_loop3A_503 : vector<16xf32>
        %parallel_loop3A_618 = arith.constant 0 : i32
        %parallel_loop3A_619 = arith.index_cast %parallel_loop3A_618 : i32 to index
        %parallel_loop3A_620 = arith.index_cast %parallel_loop3A_499 : i32 to index
        %parallel_loop3A_621 = arith.constant 96 : index
        %parallel_loop3A_622 = tpu.vector_load %arg9[%parallel_loop3A_619, %parallel_loop3A_620, %parallel_loop3A_621] {strides = array<i32>} : memref<2x64x129xf32, #tpu.memory_space<vmem>>, vector<16xf32>,
        tpu.vector_store %arg9[%parallel_loop3A_619, %parallel_loop3A_620, %parallel_loop3A_621], %parallel_loop3A_617 {strides = array<i32>} : memref<2x64x129xf32, #tpu.memory_space<vmem>>, vector<16xf32>,
        %parallel_loop3A_623 = vector.broadcast %parallel_loop3A_499 : i32 to vector<16xi32>
        %parallel_loop3A_624 = arith.addi %mul3A_280, %parallel_loop3A_623 : vector<16xi32>
        %parallel_loop3A_625 = arith.constant 0 : i32
        %parallel_loop3A_626 = arith.constant 0 : i32
        %parallel_loop3A_627 = arith.constant 0 : i32
        %parallel_loop3A_628 = tpu.memref_slice %arg8[%parallel_loop3A_625, %parallel_loop3A_626, %parallel_loop3A_627] : memref<2x128x128xf32, #tpu.memory_space<vmem>> -> memref<1x128x128xf32, #tpu.memory_space<vmem>>
        %parallel_loop3A_629 = tpu.memref_squeeze %parallel_loop3A_628 : memref<1x128x128xf32, #tpu.memory_space<vmem>> -> memref<128x128xf32, #tpu.memory_space<vmem>>
        %parallel_loop3A_630 = tpu.vector_load_idx %parallel_loop3A_629[%add3A_304, %parallel_loop3A_624] : memref<128x128xf32, #tpu.memory_space<vmem>>[vector<16xi32>, vector<16xi32>], vector<16xf32>,
        %parallel_loop3A_631 = arith.constant 8.000000e+00 : f32
        %parallel_loop3A_632 = vector.broadcast %parallel_loop3A_631 : f32 to vector<16xf32>
        %parallel_loop3A_633 = arith.mulf %parallel_loop3A_630, %parallel_loop3A_632 : vector<16xf32>
        %parallel_loop3A_634 = arith.addf %parallel_loop3A_633, %parallel_loop3A_503 : vector<16xf32>
        %parallel_loop3A_635 = arith.constant 0 : i32
        %parallel_loop3A_636 = arith.index_cast %parallel_loop3A_635 : i32 to index
        %parallel_loop3A_637 = arith.index_cast %parallel_loop3A_499 : i32 to index
        %parallel_loop3A_638 = arith.constant 112 : index
        %parallel_loop3A_639 = tpu.vector_load %arg9[%parallel_loop3A_636, %parallel_loop3A_637, %parallel_loop3A_638] {strides = array<i32>} : memref<2x64x129xf32, #tpu.memory_space<vmem>>, vector<16xf32>,
        tpu.vector_store %arg9[%parallel_loop3A_636, %parallel_loop3A_637, %parallel_loop3A_638], %parallel_loop3A_634 {strides = array<i32>} : memref<2x64x129xf32, #tpu.memory_space<vmem>>, vector<16xf32>,
      } {sc.loop_unroll_factor = 1 : i64, sc.parallel_access}
      %parallel_loop3A_310 = arith.constant 0 : i32
      %parallel_loop3A_311 = arith.constant 16 : i32
      %parallel_loop3A_312 = arith.constant 1 : i32
      scf.for %parallel_loop3A_497 = %parallel_loop3A_310 to %parallel_loop3A_311 step %parallel_loop3A_312  : i32 {
        %parallel_loop3A_498 = arith.constant 32 : i32
        %parallel_loop3A_499 = arith.addi %parallel_loop3A_498, %parallel_loop3A_497 : i32
        %parallel_loop3A_500 = vector.broadcast %parallel_loop3A_497 : i32 to vector<16xi32>
        %parallel_loop3A_501 = vector.shape_cast %parallel_loop3A_500 : vector<16xi32> to vector<16x1xi32>
        %parallel_loop3A_502 = vector.shape_cast %parallel_loop3A_501 : vector<16x1xi32> to vector<16xi32>
        %parallel_loop3A_503 = tpu.dynamic_gather %get3A_206[%parallel_loop3A_502] in [0] : vector<16xf32>, vector<16xi32> -> vector<16xf32>
        %parallel_loop3A_504 = vector.broadcast %parallel_loop3A_499 : i32 to vector<16xi32>
        %parallel_loop3A_505 = arith.addi %mul3A_217, %parallel_loop3A_504 : vector<16xi32>
        %parallel_loop3A_506 = arith.constant 0 : i32
        %parallel_loop3A_507 = arith.constant 0 : i32
        %parallel_loop3A_508 = arith.constant 0 : i32
        %parallel_loop3A_509 = tpu.memref_slice %arg8[%parallel_loop3A_506, %parallel_loop3A_507, %parallel_loop3A_508] : memref<2x128x128xf32, #tpu.memory_space<vmem>> -> memref<1x128x128xf32, #tpu.memory_space<vmem>>
        %parallel_loop3A_510 = tpu.memref_squeeze %parallel_loop3A_509 : memref<1x128x128xf32, #tpu.memory_space<vmem>> -> memref<128x128xf32, #tpu.memory_space<vmem>>
        %parallel_loop3A_511 = tpu.vector_load_idx %parallel_loop3A_510[%add3A_283, %parallel_loop3A_505] : memref<128x128xf32, #tpu.memory_space<vmem>>[vector<16xi32>, vector<16xi32>], vector<16xf32>,
        %parallel_loop3A_512 = arith.constant 8.000000e+00 : f32
        %parallel_loop3A_513 = vector.broadcast %parallel_loop3A_512 : f32 to vector<16xf32>
        %parallel_loop3A_514 = arith.mulf %parallel_loop3A_511, %parallel_loop3A_513 : vector<16xf32>
        %parallel_loop3A_515 = arith.addf %parallel_loop3A_514, %parallel_loop3A_503 : vector<16xf32>
        %parallel_loop3A_516 = arith.constant 0 : i32
        %parallel_loop3A_517 = arith.index_cast %parallel_loop3A_516 : i32 to index
        %parallel_loop3A_518 = arith.index_cast %parallel_loop3A_499 : i32 to index
        %parallel_loop3A_519 = arith.constant 0 : index
        %parallel_loop3A_520 = tpu.vector_load %arg9[%parallel_loop3A_517, %parallel_loop3A_518, %parallel_loop3A_519] {strides = array<i32>} : memref<2x64x129xf32, #tpu.memory_space<vmem>>, vector<16xf32>,
        tpu.vector_store %arg9[%parallel_loop3A_517, %parallel_loop3A_518, %parallel_loop3A_519], %parallel_loop3A_515 {strides = array<i32>} : memref<2x64x129xf32, #tpu.memory_space<vmem>>, vector<16xf32>,
        %parallel_loop3A_521 = vector.broadcast %parallel_loop3A_499 : i32 to vector<16xi32>
        %parallel_loop3A_522 = arith.addi %mul3A_226, %parallel_loop3A_521 : vector<16xi32>
        %parallel_loop3A_523 = arith.constant 0 : i32
        %parallel_loop3A_524 = arith.constant 0 : i32
        %parallel_loop3A_525 = arith.constant 0 : i32
        %parallel_loop3A_526 = tpu.memref_slice %arg8[%parallel_loop3A_523, %parallel_loop3A_524, %parallel_loop3A_525] : memref<2x128x128xf32, #tpu.memory_space<vmem>> -> memref<1x128x128xf32, #tpu.memory_space<vmem>>
        %parallel_loop3A_527 = tpu.memref_squeeze %parallel_loop3A_526 : memref<1x128x128xf32, #tpu.memory_space<vmem>> -> memref<128x128xf32, #tpu.memory_space<vmem>>
        %parallel_loop3A_528 = tpu.vector_load_idx %parallel_loop3A_527[%add3A_286, %parallel_loop3A_522] : memref<128x128xf32, #tpu.memory_space<vmem>>[vector<16xi32>, vector<16xi32>], vector<16xf32>,
        %parallel_loop3A_529 = arith.constant 8.000000e+00 : f32
        %parallel_loop3A_530 = vector.broadcast %parallel_loop3A_529 : f32 to vector<16xf32>
        %parallel_loop3A_531 = arith.mulf %parallel_loop3A_528, %parallel_loop3A_530 : vector<16xf32>
        %parallel_loop3A_532 = arith.addf %parallel_loop3A_531, %parallel_loop3A_503 : vector<16xf32>
        %parallel_loop3A_533 = arith.constant 0 : i32
        %parallel_loop3A_534 = arith.index_cast %parallel_loop3A_533 : i32 to index
        %parallel_loop3A_535 = arith.index_cast %parallel_loop3A_499 : i32 to index
        %parallel_loop3A_536 = arith.constant 16 : index
        %parallel_loop3A_537 = tpu.vector_load %arg9[%parallel_loop3A_534, %parallel_loop3A_535, %parallel_loop3A_536] {strides = array<i32>} : memref<2x64x129xf32, #tpu.memory_space<vmem>>, vector<16xf32>,
        tpu.vector_store %arg9[%parallel_loop3A_534, %parallel_loop3A_535, %parallel_loop3A_536], %parallel_loop3A_532 {strides = array<i32>} : memref<2x64x129xf32, #tpu.memory_space<vmem>>, vector<16xf32>,
        %parallel_loop3A_538 = vector.broadcast %parallel_loop3A_499 : i32 to vector<16xi32>
        %parallel_loop3A_539 = arith.addi %mul3A_235, %parallel_loop3A_538 : vector<16xi32>
        %parallel_loop3A_540 = arith.constant 0 : i32
        %parallel_loop3A_541 = arith.constant 0 : i32
        %parallel_loop3A_542 = arith.constant 0 : i32
        %parallel_loop3A_543 = tpu.memref_slice %arg8[%parallel_loop3A_540, %parallel_loop3A_541, %parallel_loop3A_542] : memref<2x128x128xf32, #tpu.memory_space<vmem>> -> memref<1x128x128xf32, #tpu.memory_space<vmem>>
        %parallel_loop3A_544 = tpu.memref_squeeze %parallel_loop3A_543 : memref<1x128x128xf32, #tpu.memory_space<vmem>> -> memref<128x128xf32, #tpu.memory_space<vmem>>
        %parallel_loop3A_545 = tpu.vector_load_idx %parallel_loop3A_544[%add3A_289, %parallel_loop3A_539] : memref<128x128xf32, #tpu.memory_space<vmem>>[vector<16xi32>, vector<16xi32>], vector<16xf32>,
        %parallel_loop3A_546 = arith.constant 8.000000e+00 : f32
        %parallel_loop3A_547 = vector.broadcast %parallel_loop3A_546 : f32 to vector<16xf32>
        %parallel_loop3A_548 = arith.mulf %parallel_loop3A_545, %parallel_loop3A_547 : vector<16xf32>
        %parallel_loop3A_549 = arith.addf %parallel_loop3A_548, %parallel_loop3A_503 : vector<16xf32>
        %parallel_loop3A_550 = arith.constant 0 : i32
        %parallel_loop3A_551 = arith.index_cast %parallel_loop3A_550 : i32 to index
        %parallel_loop3A_552 = arith.index_cast %parallel_loop3A_499 : i32 to index
        %parallel_loop3A_553 = arith.constant 32 : index
        %parallel_loop3A_554 = tpu.vector_load %arg9[%parallel_loop3A_551, %parallel_loop3A_552, %parallel_loop3A_553] {strides = array<i32>} : memref<2x64x129xf32, #tpu.memory_space<vmem>>, vector<16xf32>,
        tpu.vector_store %arg9[%parallel_loop3A_551, %parallel_loop3A_552, %parallel_loop3A_553], %parallel_loop3A_549 {strides = array<i32>} : memref<2x64x129xf32, #tpu.memory_space<vmem>>, vector<16xf32>,
        %parallel_loop3A_555 = vector.broadcast %parallel_loop3A_499 : i32 to vector<16xi32>
        %parallel_loop3A_556 = arith.addi %mul3A_244, %parallel_loop3A_555 : vector<16xi32>
        %parallel_loop3A_557 = arith.constant 0 : i32
        %parallel_loop3A_558 = arith.constant 0 : i32
        %parallel_loop3A_559 = arith.constant 0 : i32
        %parallel_loop3A_560 = tpu.memref_slice %arg8[%parallel_loop3A_557, %parallel_loop3A_558, %parallel_loop3A_559] : memref<2x128x128xf32, #tpu.memory_space<vmem>> -> memref<1x128x128xf32, #tpu.memory_space<vmem>>
        %parallel_loop3A_561 = tpu.memref_squeeze %parallel_loop3A_560 : memref<1x128x128xf32, #tpu.memory_space<vmem>> -> memref<128x128xf32, #tpu.memory_space<vmem>>
        %parallel_loop3A_562 = tpu.vector_load_idx %parallel_loop3A_561[%add3A_292, %parallel_loop3A_556] : memref<128x128xf32, #tpu.memory_space<vmem>>[vector<16xi32>, vector<16xi32>], vector<16xf32>,
        %parallel_loop3A_563 = arith.constant 8.000000e+00 : f32
        %parallel_loop3A_564 = vector.broadcast %parallel_loop3A_563 : f32 to vector<16xf32>
        %parallel_loop3A_565 = arith.mulf %parallel_loop3A_562, %parallel_loop3A_564 : vector<16xf32>
        %parallel_loop3A_566 = arith.addf %parallel_loop3A_565, %parallel_loop3A_503 : vector<16xf32>
        %parallel_loop3A_567 = arith.constant 0 : i32
        %parallel_loop3A_568 = arith.index_cast %parallel_loop3A_567 : i32 to index
        %parallel_loop3A_569 = arith.index_cast %parallel_loop3A_499 : i32 to index
        %parallel_loop3A_570 = arith.constant 48 : index
        %parallel_loop3A_571 = tpu.vector_load %arg9[%parallel_loop3A_568, %parallel_loop3A_569, %parallel_loop3A_570] {strides = array<i32>} : memref<2x64x129xf32, #tpu.memory_space<vmem>>, vector<16xf32>,
        tpu.vector_store %arg9[%parallel_loop3A_568, %parallel_loop3A_569, %parallel_loop3A_570], %parallel_loop3A_566 {strides = array<i32>} : memref<2x64x129xf32, #tpu.memory_space<vmem>>, vector<16xf32>,
        %parallel_loop3A_572 = vector.broadcast %parallel_loop3A_499 : i32 to vector<16xi32>
        %parallel_loop3A_573 = arith.addi %mul3A_253, %parallel_loop3A_572 : vector<16xi32>
        %parallel_loop3A_574 = arith.constant 0 : i32
        %parallel_loop3A_575 = arith.constant 0 : i32
        %parallel_loop3A_576 = arith.constant 0 : i32
        %parallel_loop3A_577 = tpu.memref_slice %arg8[%parallel_loop3A_574, %parallel_loop3A_575, %parallel_loop3A_576] : memref<2x128x128xf32, #tpu.memory_space<vmem>> -> memref<1x128x128xf32, #tpu.memory_space<vmem>>
        %parallel_loop3A_578 = tpu.memref_squeeze %parallel_loop3A_577 : memref<1x128x128xf32, #tpu.memory_space<vmem>> -> memref<128x128xf32, #tpu.memory_space<vmem>>
        %parallel_loop3A_579 = tpu.vector_load_idx %parallel_loop3A_578[%add3A_295, %parallel_loop3A_573] : memref<128x128xf32, #tpu.memory_space<vmem>>[vector<16xi32>, vector<16xi32>], vector<16xf32>,
        %parallel_loop3A_580 = arith.constant 8.000000e+00 : f32
        %parallel_loop3A_581 = vector.broadcast %parallel_loop3A_580 : f32 to vector<16xf32>
        %parallel_loop3A_582 = arith.mulf %parallel_loop3A_579, %parallel_loop3A_581 : vector<16xf32>
        %parallel_loop3A_583 = arith.addf %parallel_loop3A_582, %parallel_loop3A_503 : vector<16xf32>
        %parallel_loop3A_584 = arith.constant 0 : i32
        %parallel_loop3A_585 = arith.index_cast %parallel_loop3A_584 : i32 to index
        %parallel_loop3A_586 = arith.index_cast %parallel_loop3A_499 : i32 to index
        %parallel_loop3A_587 = arith.constant 64 : index
        %parallel_loop3A_588 = tpu.vector_load %arg9[%parallel_loop3A_585, %parallel_loop3A_586, %parallel_loop3A_587] {strides = array<i32>} : memref<2x64x129xf32, #tpu.memory_space<vmem>>, vector<16xf32>,
        tpu.vector_store %arg9[%parallel_loop3A_585, %parallel_loop3A_586, %parallel_loop3A_587], %parallel_loop3A_583 {strides = array<i32>} : memref<2x64x129xf32, #tpu.memory_space<vmem>>, vector<16xf32>,
        %parallel_loop3A_589 = vector.broadcast %parallel_loop3A_499 : i32 to vector<16xi32>
        %parallel_loop3A_590 = arith.addi %mul3A_262, %parallel_loop3A_589 : vector<16xi32>
        %parallel_loop3A_591 = arith.constant 0 : i32
        %parallel_loop3A_592 = arith.constant 0 : i32
        %parallel_loop3A_593 = arith.constant 0 : i32
        %parallel_loop3A_594 = tpu.memref_slice %arg8[%parallel_loop3A_591, %parallel_loop3A_592, %parallel_loop3A_593] : memref<2x128x128xf32, #tpu.memory_space<vmem>> -> memref<1x128x128xf32, #tpu.memory_space<vmem>>
        %parallel_loop3A_595 = tpu.memref_squeeze %parallel_loop3A_594 : memref<1x128x128xf32, #tpu.memory_space<vmem>> -> memref<128x128xf32, #tpu.memory_space<vmem>>
        %parallel_loop3A_596 = tpu.vector_load_idx %parallel_loop3A_595[%add3A_298, %parallel_loop3A_590] : memref<128x128xf32, #tpu.memory_space<vmem>>[vector<16xi32>, vector<16xi32>], vector<16xf32>,
        %parallel_loop3A_597 = arith.constant 8.000000e+00 : f32
        %parallel_loop3A_598 = vector.broadcast %parallel_loop3A_597 : f32 to vector<16xf32>
        %parallel_loop3A_599 = arith.mulf %parallel_loop3A_596, %parallel_loop3A_598 : vector<16xf32>
        %parallel_loop3A_600 = arith.addf %parallel_loop3A_599, %parallel_loop3A_503 : vector<16xf32>
        %parallel_loop3A_601 = arith.constant 0 : i32
        %parallel_loop3A_602 = arith.index_cast %parallel_loop3A_601 : i32 to index
        %parallel_loop3A_603 = arith.index_cast %parallel_loop3A_499 : i32 to index
        %parallel_loop3A_604 = arith.constant 80 : index
        %parallel_loop3A_605 = tpu.vector_load %arg9[%parallel_loop3A_602, %parallel_loop3A_603, %parallel_loop3A_604] {strides = array<i32>} : memref<2x64x129xf32, #tpu.memory_space<vmem>>, vector<16xf32>,
        tpu.vector_store %arg9[%parallel_loop3A_602, %parallel_loop3A_603, %parallel_loop3A_604], %parallel_loop3A_600 {strides = array<i32>} : memref<2x64x129xf32, #tpu.memory_space<vmem>>, vector<16xf32>,
        %parallel_loop3A_606 = vector.broadcast %parallel_loop3A_499 : i32 to vector<16xi32>
        %parallel_loop3A_607 = arith.addi %mul3A_271, %parallel_loop3A_606 : vector<16xi32>
        %parallel_loop3A_608 = arith.constant 0 : i32
        %parallel_loop3A_609 = arith.constant 0 : i32
        %parallel_loop3A_610 = arith.constant 0 : i32
        %parallel_loop3A_611 = tpu.memref_slice %arg8[%parallel_loop3A_608, %parallel_loop3A_609, %parallel_loop3A_610] : memref<2x128x128xf32, #tpu.memory_space<vmem>> -> memref<1x128x128xf32, #tpu.memory_space<vmem>>
        %parallel_loop3A_612 = tpu.memref_squeeze %parallel_loop3A_611 : memref<1x128x128xf32, #tpu.memory_space<vmem>> -> memref<128x128xf32, #tpu.memory_space<vmem>>
        %parallel_loop3A_613 = tpu.vector_load_idx %parallel_loop3A_612[%add3A_301, %parallel_loop3A_607] : memref<128x128xf32, #tpu.memory_space<vmem>>[vector<16xi32>, vector<16xi32>], vector<16xf32>,
        %parallel_loop3A_614 = arith.constant 8.000000e+00 : f32
        %parallel_loop3A_615 = vector.broadcast %parallel_loop3A_614 : f32 to vector<16xf32>
        %parallel_loop3A_616 = arith.mulf %parallel_loop3A_613, %parallel_loop3A_615 : vector<16xf32>
        %parallel_loop3A_617 = arith.addf %parallel_loop3A_616, %parallel_loop3A_503 : vector<16xf32>
        %parallel_loop3A_618 = arith.constant 0 : i32
        %parallel_loop3A_619 = arith.index_cast %parallel_loop3A_618 : i32 to index
        %parallel_loop3A_620 = arith.index_cast %parallel_loop3A_499 : i32 to index
        %parallel_loop3A_621 = arith.constant 96 : index
        %parallel_loop3A_622 = tpu.vector_load %arg9[%parallel_loop3A_619, %parallel_loop3A_620, %parallel_loop3A_621] {strides = array<i32>} : memref<2x64x129xf32, #tpu.memory_space<vmem>>, vector<16xf32>,
        tpu.vector_store %arg9[%parallel_loop3A_619, %parallel_loop3A_620, %parallel_loop3A_621], %parallel_loop3A_617 {strides = array<i32>} : memref<2x64x129xf32, #tpu.memory_space<vmem>>, vector<16xf32>,
        %parallel_loop3A_623 = vector.broadcast %parallel_loop3A_499 : i32 to vector<16xi32>
        %parallel_loop3A_624 = arith.addi %mul3A_280, %parallel_loop3A_623 : vector<16xi32>
        %parallel_loop3A_625 = arith.constant 0 : i32
        %parallel_loop3A_626 = arith.constant 0 : i32
        %parallel_loop3A_627 = arith.constant 0 : i32
        %parallel_loop3A_628 = tpu.memref_slice %arg8[%parallel_loop3A_625, %parallel_loop3A_626, %parallel_loop3A_627] : memref<2x128x128xf32, #tpu.memory_space<vmem>> -> memref<1x128x128xf32, #tpu.memory_space<vmem>>
        %parallel_loop3A_629 = tpu.memref_squeeze %parallel_loop3A_628 : memref<1x128x128xf32, #tpu.memory_space<vmem>> -> memref<128x128xf32, #tpu.memory_space<vmem>>
        %parallel_loop3A_630 = tpu.vector_load_idx %parallel_loop3A_629[%add3A_304, %parallel_loop3A_624] : memref<128x128xf32, #tpu.memory_space<vmem>>[vector<16xi32>, vector<16xi32>], vector<16xf32>,
        %parallel_loop3A_631 = arith.constant 8.000000e+00 : f32
        %parallel_loop3A_632 = vector.broadcast %parallel_loop3A_631 : f32 to vector<16xf32>
        %parallel_loop3A_633 = arith.mulf %parallel_loop3A_630, %parallel_loop3A_632 : vector<16xf32>
        %parallel_loop3A_634 = arith.addf %parallel_loop3A_633, %parallel_loop3A_503 : vector<16xf32>
        %parallel_loop3A_635 = arith.constant 0 : i32
        %parallel_loop3A_636 = arith.index_cast %parallel_loop3A_635 : i32 to index
        %parallel_loop3A_637 = arith.index_cast %parallel_loop3A_499 : i32 to index
        %parallel_loop3A_638 = arith.constant 112 : index
        %parallel_loop3A_639 = tpu.vector_load %arg9[%parallel_loop3A_636, %parallel_loop3A_637, %parallel_loop3A_638] {strides = array<i32>} : memref<2x64x129xf32, #tpu.memory_space<vmem>>, vector<16xf32>,
        tpu.vector_store %arg9[%parallel_loop3A_636, %parallel_loop3A_637, %parallel_loop3A_638], %parallel_loop3A_634 {strides = array<i32>} : memref<2x64x129xf32, #tpu.memory_space<vmem>>, vector<16xf32>,
      } {sc.loop_unroll_factor = 1 : i64, sc.parallel_access}
      %parallel_loop3A_313 = arith.constant 0 : i32
      %parallel_loop3A_314 = arith.constant 16 : i32
      %parallel_loop3A_315 = arith.constant 1 : i32
      scf.for %parallel_loop3A_497 = %parallel_loop3A_313 to %parallel_loop3A_314 step %parallel_loop3A_315  : i32 {
        %parallel_loop3A_498 = arith.constant 48 : i32
        %parallel_loop3A_499 = arith.addi %parallel_loop3A_498, %parallel_loop3A_497 : i32
        %parallel_loop3A_500 = vector.broadcast %parallel_loop3A_497 : i32 to vector<16xi32>
        %parallel_loop3A_501 = vector.shape_cast %parallel_loop3A_500 : vector<16xi32> to vector<16x1xi32>
        %parallel_loop3A_502 = vector.shape_cast %parallel_loop3A_501 : vector<16x1xi32> to vector<16xi32>
        %parallel_loop3A_503 = tpu.dynamic_gather %get3A_209[%parallel_loop3A_502] in [0] : vector<16xf32>, vector<16xi32> -> vector<16xf32>
        %parallel_loop3A_504 = vector.broadcast %parallel_loop3A_499 : i32 to vector<16xi32>
        %parallel_loop3A_505 = arith.addi %mul3A_217, %parallel_loop3A_504 : vector<16xi32>
        %parallel_loop3A_506 = arith.constant 0 : i32
        %parallel_loop3A_507 = arith.constant 0 : i32
        %parallel_loop3A_508 = arith.constant 0 : i32
        %parallel_loop3A_509 = tpu.memref_slice %arg8[%parallel_loop3A_506, %parallel_loop3A_507, %parallel_loop3A_508] : memref<2x128x128xf32, #tpu.memory_space<vmem>> -> memref<1x128x128xf32, #tpu.memory_space<vmem>>
        %parallel_loop3A_510 = tpu.memref_squeeze %parallel_loop3A_509 : memref<1x128x128xf32, #tpu.memory_space<vmem>> -> memref<128x128xf32, #tpu.memory_space<vmem>>
        %parallel_loop3A_511 = tpu.vector_load_idx %parallel_loop3A_510[%add3A_283, %parallel_loop3A_505] : memref<128x128xf32, #tpu.memory_space<vmem>>[vector<16xi32>, vector<16xi32>], vector<16xf32>,
        %parallel_loop3A_512 = arith.constant 8.000000e+00 : f32
        %parallel_loop3A_513 = vector.broadcast %parallel_loop3A_512 : f32 to vector<16xf32>
        %parallel_loop3A_514 = arith.mulf %parallel_loop3A_511, %parallel_loop3A_513 : vector<16xf32>
        %parallel_loop3A_515 = arith.addf %parallel_loop3A_514, %parallel_loop3A_503 : vector<16xf32>
        %parallel_loop3A_516 = arith.constant 0 : i32
        %parallel_loop3A_517 = arith.index_cast %parallel_loop3A_516 : i32 to index
        %parallel_loop3A_518 = arith.index_cast %parallel_loop3A_499 : i32 to index
        %parallel_loop3A_519 = arith.constant 0 : index
        %parallel_loop3A_520 = tpu.vector_load %arg9[%parallel_loop3A_517, %parallel_loop3A_518, %parallel_loop3A_519] {strides = array<i32>} : memref<2x64x129xf32, #tpu.memory_space<vmem>>, vector<16xf32>,
        tpu.vector_store %arg9[%parallel_loop3A_517, %parallel_loop3A_518, %parallel_loop3A_519], %parallel_loop3A_515 {strides = array<i32>} : memref<2x64x129xf32, #tpu.memory_space<vmem>>, vector<16xf32>,
        %parallel_loop3A_521 = vector.broadcast %parallel_loop3A_499 : i32 to vector<16xi32>
        %parallel_loop3A_522 = arith.addi %mul3A_226, %parallel_loop3A_521 : vector<16xi32>
        %parallel_loop3A_523 = arith.constant 0 : i32
        %parallel_loop3A_524 = arith.constant 0 : i32
        %parallel_loop3A_525 = arith.constant 0 : i32
        %parallel_loop3A_526 = tpu.memref_slice %arg8[%parallel_loop3A_523, %parallel_loop3A_524, %parallel_loop3A_525] : memref<2x128x128xf32, #tpu.memory_space<vmem>> -> memref<1x128x128xf32, #tpu.memory_space<vmem>>
        %parallel_loop3A_527 = tpu.memref_squeeze %parallel_loop3A_526 : memref<1x128x128xf32, #tpu.memory_space<vmem>> -> memref<128x128xf32, #tpu.memory_space<vmem>>
        %parallel_loop3A_528 = tpu.vector_load_idx %parallel_loop3A_527[%add3A_286, %parallel_loop3A_522] : memref<128x128xf32, #tpu.memory_space<vmem>>[vector<16xi32>, vector<16xi32>], vector<16xf32>,
        %parallel_loop3A_529 = arith.constant 8.000000e+00 : f32
        %parallel_loop3A_530 = vector.broadcast %parallel_loop3A_529 : f32 to vector<16xf32>
        %parallel_loop3A_531 = arith.mulf %parallel_loop3A_528, %parallel_loop3A_530 : vector<16xf32>
        %parallel_loop3A_532 = arith.addf %parallel_loop3A_531, %parallel_loop3A_503 : vector<16xf32>
        %parallel_loop3A_533 = arith.constant 0 : i32
        %parallel_loop3A_534 = arith.index_cast %parallel_loop3A_533 : i32 to index
        %parallel_loop3A_535 = arith.index_cast %parallel_loop3A_499 : i32 to index
        %parallel_loop3A_536 = arith.constant 16 : index
        %parallel_loop3A_537 = tpu.vector_load %arg9[%parallel_loop3A_534, %parallel_loop3A_535, %parallel_loop3A_536] {strides = array<i32>} : memref<2x64x129xf32, #tpu.memory_space<vmem>>, vector<16xf32>,
        tpu.vector_store %arg9[%parallel_loop3A_534, %parallel_loop3A_535, %parallel_loop3A_536], %parallel_loop3A_532 {strides = array<i32>} : memref<2x64x129xf32, #tpu.memory_space<vmem>>, vector<16xf32>,
        %parallel_loop3A_538 = vector.broadcast %parallel_loop3A_499 : i32 to vector<16xi32>
        %parallel_loop3A_539 = arith.addi %mul3A_235, %parallel_loop3A_538 : vector<16xi32>
        %parallel_loop3A_540 = arith.constant 0 : i32
        %parallel_loop3A_541 = arith.constant 0 : i32
        %parallel_loop3A_542 = arith.constant 0 : i32
        %parallel_loop3A_543 = tpu.memref_slice %arg8[%parallel_loop3A_540, %parallel_loop3A_541, %parallel_loop3A_542] : memref<2x128x128xf32, #tpu.memory_space<vmem>> -> memref<1x128x128xf32, #tpu.memory_space<vmem>>
        %parallel_loop3A_544 = tpu.memref_squeeze %parallel_loop3A_543 : memref<1x128x128xf32, #tpu.memory_space<vmem>> -> memref<128x128xf32, #tpu.memory_space<vmem>>
        %parallel_loop3A_545 = tpu.vector_load_idx %parallel_loop3A_544[%add3A_289, %parallel_loop3A_539] : memref<128x128xf32, #tpu.memory_space<vmem>>[vector<16xi32>, vector<16xi32>], vector<16xf32>,
        %parallel_loop3A_546 = arith.constant 8.000000e+00 : f32
        %parallel_loop3A_547 = vector.broadcast %parallel_loop3A_546 : f32 to vector<16xf32>
        %parallel_loop3A_548 = arith.mulf %parallel_loop3A_545, %parallel_loop3A_547 : vector<16xf32>
        %parallel_loop3A_549 = arith.addf %parallel_loop3A_548, %parallel_loop3A_503 : vector<16xf32>
        %parallel_loop3A_550 = arith.constant 0 : i32
        %parallel_loop3A_551 = arith.index_cast %parallel_loop3A_550 : i32 to index
        %parallel_loop3A_552 = arith.index_cast %parallel_loop3A_499 : i32 to index
        %parallel_loop3A_553 = arith.constant 32 : index
        %parallel_loop3A_554 = tpu.vector_load %arg9[%parallel_loop3A_551, %parallel_loop3A_552, %parallel_loop3A_553] {strides = array<i32>} : memref<2x64x129xf32, #tpu.memory_space<vmem>>, vector<16xf32>,
        tpu.vector_store %arg9[%parallel_loop3A_551, %parallel_loop3A_552, %parallel_loop3A_553], %parallel_loop3A_549 {strides = array<i32>} : memref<2x64x129xf32, #tpu.memory_space<vmem>>, vector<16xf32>,
        %parallel_loop3A_555 = vector.broadcast %parallel_loop3A_499 : i32 to vector<16xi32>
        %parallel_loop3A_556 = arith.addi %mul3A_244, %parallel_loop3A_555 : vector<16xi32>
        %parallel_loop3A_557 = arith.constant 0 : i32
        %parallel_loop3A_558 = arith.constant 0 : i32
        %parallel_loop3A_559 = arith.constant 0 : i32
        %parallel_loop3A_560 = tpu.memref_slice %arg8[%parallel_loop3A_557, %parallel_loop3A_558, %parallel_loop3A_559] : memref<2x128x128xf32, #tpu.memory_space<vmem>> -> memref<1x128x128xf32, #tpu.memory_space<vmem>>
        %parallel_loop3A_561 = tpu.memref_squeeze %parallel_loop3A_560 : memref<1x128x128xf32, #tpu.memory_space<vmem>> -> memref<128x128xf32, #tpu.memory_space<vmem>>
        %parallel_loop3A_562 = tpu.vector_load_idx %parallel_loop3A_561[%add3A_292, %parallel_loop3A_556] : memref<128x128xf32, #tpu.memory_space<vmem>>[vector<16xi32>, vector<16xi32>], vector<16xf32>,
        %parallel_loop3A_563 = arith.constant 8.000000e+00 : f32
        %parallel_loop3A_564 = vector.broadcast %parallel_loop3A_563 : f32 to vector<16xf32>
        %parallel_loop3A_565 = arith.mulf %parallel_loop3A_562, %parallel_loop3A_564 : vector<16xf32>
        %parallel_loop3A_566 = arith.addf %parallel_loop3A_565, %parallel_loop3A_503 : vector<16xf32>
        %parallel_loop3A_567 = arith.constant 0 : i32
        %parallel_loop3A_568 = arith.index_cast %parallel_loop3A_567 : i32 to index
        %parallel_loop3A_569 = arith.index_cast %parallel_loop3A_499 : i32 to index
        %parallel_loop3A_570 = arith.constant 48 : index
        %parallel_loop3A_571 = tpu.vector_load %arg9[%parallel_loop3A_568, %parallel_loop3A_569, %parallel_loop3A_570] {strides = array<i32>} : memref<2x64x129xf32, #tpu.memory_space<vmem>>, vector<16xf32>,
        tpu.vector_store %arg9[%parallel_loop3A_568, %parallel_loop3A_569, %parallel_loop3A_570], %parallel_loop3A_566 {strides = array<i32>} : memref<2x64x129xf32, #tpu.memory_space<vmem>>, vector<16xf32>,
        %parallel_loop3A_572 = vector.broadcast %parallel_loop3A_499 : i32 to vector<16xi32>
        %parallel_loop3A_573 = arith.addi %mul3A_253, %parallel_loop3A_572 : vector<16xi32>
        %parallel_loop3A_574 = arith.constant 0 : i32
        %parallel_loop3A_575 = arith.constant 0 : i32
        %parallel_loop3A_576 = arith.constant 0 : i32
        %parallel_loop3A_577 = tpu.memref_slice %arg8[%parallel_loop3A_574, %parallel_loop3A_575, %parallel_loop3A_576] : memref<2x128x128xf32, #tpu.memory_space<vmem>> -> memref<1x128x128xf32, #tpu.memory_space<vmem>>
        %parallel_loop3A_578 = tpu.memref_squeeze %parallel_loop3A_577 : memref<1x128x128xf32, #tpu.memory_space<vmem>> -> memref<128x128xf32, #tpu.memory_space<vmem>>
        %parallel_loop3A_579 = tpu.vector_load_idx %parallel_loop3A_578[%add3A_295, %parallel_loop3A_573] : memref<128x128xf32, #tpu.memory_space<vmem>>[vector<16xi32>, vector<16xi32>], vector<16xf32>,
        %parallel_loop3A_580 = arith.constant 8.000000e+00 : f32
        %parallel_loop3A_581 = vector.broadcast %parallel_loop3A_580 : f32 to vector<16xf32>
        %parallel_loop3A_582 = arith.mulf %parallel_loop3A_579, %parallel_loop3A_581 : vector<16xf32>
        %parallel_loop3A_583 = arith.addf %parallel_loop3A_582, %parallel_loop3A_503 : vector<16xf32>
        %parallel_loop3A_584 = arith.constant 0 : i32
        %parallel_loop3A_585 = arith.index_cast %parallel_loop3A_584 : i32 to index
        %parallel_loop3A_586 = arith.index_cast %parallel_loop3A_499 : i32 to index
        %parallel_loop3A_587 = arith.constant 64 : index
        %parallel_loop3A_588 = tpu.vector_load %arg9[%parallel_loop3A_585, %parallel_loop3A_586, %parallel_loop3A_587] {strides = array<i32>} : memref<2x64x129xf32, #tpu.memory_space<vmem>>, vector<16xf32>,
        tpu.vector_store %arg9[%parallel_loop3A_585, %parallel_loop3A_586, %parallel_loop3A_587], %parallel_loop3A_583 {strides = array<i32>} : memref<2x64x129xf32, #tpu.memory_space<vmem>>, vector<16xf32>,
        %parallel_loop3A_589 = vector.broadcast %parallel_loop3A_499 : i32 to vector<16xi32>
        %parallel_loop3A_590 = arith.addi %mul3A_262, %parallel_loop3A_589 : vector<16xi32>
        %parallel_loop3A_591 = arith.constant 0 : i32
        %parallel_loop3A_592 = arith.constant 0 : i32
        %parallel_loop3A_593 = arith.constant 0 : i32
        %parallel_loop3A_594 = tpu.memref_slice %arg8[%parallel_loop3A_591, %parallel_loop3A_592, %parallel_loop3A_593] : memref<2x128x128xf32, #tpu.memory_space<vmem>> -> memref<1x128x128xf32, #tpu.memory_space<vmem>>
        %parallel_loop3A_595 = tpu.memref_squeeze %parallel_loop3A_594 : memref<1x128x128xf32, #tpu.memory_space<vmem>> -> memref<128x128xf32, #tpu.memory_space<vmem>>
        %parallel_loop3A_596 = tpu.vector_load_idx %parallel_loop3A_595[%add3A_298, %parallel_loop3A_590] : memref<128x128xf32, #tpu.memory_space<vmem>>[vector<16xi32>, vector<16xi32>], vector<16xf32>,
        %parallel_loop3A_597 = arith.constant 8.000000e+00 : f32
        %parallel_loop3A_598 = vector.broadcast %parallel_loop3A_597 : f32 to vector<16xf32>
        %parallel_loop3A_599 = arith.mulf %parallel_loop3A_596, %parallel_loop3A_598 : vector<16xf32>
        %parallel_loop3A_600 = arith.addf %parallel_loop3A_599, %parallel_loop3A_503 : vector<16xf32>
        %parallel_loop3A_601 = arith.constant 0 : i32
        %parallel_loop3A_602 = arith.index_cast %parallel_loop3A_601 : i32 to index
        %parallel_loop3A_603 = arith.index_cast %parallel_loop3A_499 : i32 to index
        %parallel_loop3A_604 = arith.constant 80 : index
        %parallel_loop3A_605 = tpu.vector_load %arg9[%parallel_loop3A_602, %parallel_loop3A_603, %parallel_loop3A_604] {strides = array<i32>} : memref<2x64x129xf32, #tpu.memory_space<vmem>>, vector<16xf32>,
        tpu.vector_store %arg9[%parallel_loop3A_602, %parallel_loop3A_603, %parallel_loop3A_604], %parallel_loop3A_600 {strides = array<i32>} : memref<2x64x129xf32, #tpu.memory_space<vmem>>, vector<16xf32>,
        %parallel_loop3A_606 = vector.broadcast %parallel_loop3A_499 : i32 to vector<16xi32>
        %parallel_loop3A_607 = arith.addi %mul3A_271, %parallel_loop3A_606 : vector<16xi32>
        %parallel_loop3A_608 = arith.constant 0 : i32
        %parallel_loop3A_609 = arith.constant 0 : i32
        %parallel_loop3A_610 = arith.constant 0 : i32
        %parallel_loop3A_611 = tpu.memref_slice %arg8[%parallel_loop3A_608, %parallel_loop3A_609, %parallel_loop3A_610] : memref<2x128x128xf32, #tpu.memory_space<vmem>> -> memref<1x128x128xf32, #tpu.memory_space<vmem>>
        %parallel_loop3A_612 = tpu.memref_squeeze %parallel_loop3A_611 : memref<1x128x128xf32, #tpu.memory_space<vmem>> -> memref<128x128xf32, #tpu.memory_space<vmem>>
        %parallel_loop3A_613 = tpu.vector_load_idx %parallel_loop3A_612[%add3A_301, %parallel_loop3A_607] : memref<128x128xf32, #tpu.memory_space<vmem>>[vector<16xi32>, vector<16xi32>], vector<16xf32>,
        %parallel_loop3A_614 = arith.constant 8.000000e+00 : f32
        %parallel_loop3A_615 = vector.broadcast %parallel_loop3A_614 : f32 to vector<16xf32>
        %parallel_loop3A_616 = arith.mulf %parallel_loop3A_613, %parallel_loop3A_615 : vector<16xf32>
        %parallel_loop3A_617 = arith.addf %parallel_loop3A_616, %parallel_loop3A_503 : vector<16xf32>
        %parallel_loop3A_618 = arith.constant 0 : i32
        %parallel_loop3A_619 = arith.index_cast %parallel_loop3A_618 : i32 to index
        %parallel_loop3A_620 = arith.index_cast %parallel_loop3A_499 : i32 to index
        %parallel_loop3A_621 = arith.constant 96 : index
        %parallel_loop3A_622 = tpu.vector_load %arg9[%parallel_loop3A_619, %parallel_loop3A_620, %parallel_loop3A_621] {strides = array<i32>} : memref<2x64x129xf32, #tpu.memory_space<vmem>>, vector<16xf32>,
        tpu.vector_store %arg9[%parallel_loop3A_619, %parallel_loop3A_620, %parallel_loop3A_621], %parallel_loop3A_617 {strides = array<i32>} : memref<2x64x129xf32, #tpu.memory_space<vmem>>, vector<16xf32>,
        %parallel_loop3A_623 = vector.broadcast %parallel_loop3A_499 : i32 to vector<16xi32>
        %parallel_loop3A_624 = arith.addi %mul3A_280, %parallel_loop3A_623 : vector<16xi32>
        %parallel_loop3A_625 = arith.constant 0 : i32
        %parallel_loop3A_626 = arith.constant 0 : i32
        %parallel_loop3A_627 = arith.constant 0 : i32
        %parallel_loop3A_628 = tpu.memref_slice %arg8[%parallel_loop3A_625, %parallel_loop3A_626, %parallel_loop3A_627] : memref<2x128x128xf32, #tpu.memory_space<vmem>> -> memref<1x128x128xf32, #tpu.memory_space<vmem>>
        %parallel_loop3A_629 = tpu.memref_squeeze %parallel_loop3A_628 : memref<1x128x128xf32, #tpu.memory_space<vmem>> -> memref<128x128xf32, #tpu.memory_space<vmem>>
        %parallel_loop3A_630 = tpu.vector_load_idx %parallel_loop3A_629[%add3A_304, %parallel_loop3A_624] : memref<128x128xf32, #tpu.memory_space<vmem>>[vector<16xi32>, vector<16xi32>], vector<16xf32>,
        %parallel_loop3A_631 = arith.constant 8.000000e+00 : f32
        %parallel_loop3A_632 = vector.broadcast %parallel_loop3A_631 : f32 to vector<16xf32>
        %parallel_loop3A_633 = arith.mulf %parallel_loop3A_630, %parallel_loop3A_632 : vector<16xf32>
        %parallel_loop3A_634 = arith.addf %parallel_loop3A_633, %parallel_loop3A_503 : vector<16xf32>
        %parallel_loop3A_635 = arith.constant 0 : i32
        %parallel_loop3A_636 = arith.index_cast %parallel_loop3A_635 : i32 to index
        %parallel_loop3A_637 = arith.index_cast %parallel_loop3A_499 : i32 to index
        %parallel_loop3A_638 = arith.constant 112 : index
        %parallel_loop3A_639 = tpu.vector_load %arg9[%parallel_loop3A_636, %parallel_loop3A_637, %parallel_loop3A_638] {strides = array<i32>} : memref<2x64x129xf32, #tpu.memory_space<vmem>>, vector<16xf32>,
        tpu.vector_store %arg9[%parallel_loop3A_636, %parallel_loop3A_637, %parallel_loop3A_638], %parallel_loop3A_634 {strides = array<i32>} : memref<2x64x129xf32, #tpu.memory_space<vmem>>, vector<16xf32>,
      } {sc.loop_unroll_factor = 1 : i64, sc.parallel_access}
      %dma_start3A_316 = arith.constant 0 : i32
      %dma_start3A_317 = arith.constant 0 : i32
      %dma_start3A_318 = arith.constant 0 : i32
      %dma_start3A_319 = tpu.memref_slice %arg9[%dma_start3A_316, %dma_start3A_317, %dma_start3A_318] : memref<2x64x129xf32, #tpu.memory_space<vmem>> -> memref<1x64x128xf32, #tpu.memory_space<vmem>>
      %dma_start3A_320 = tpu.memref_squeeze %dma_start3A_319 : memref<1x64x128xf32, #tpu.memory_space<vmem>> -> memref<64x128xf32, #tpu.memory_space<vmem>>
      %dma_start3A_321 = arith.constant 0 : i32
      %dma_start3A_322 = tpu.memref_slice %arg5[%add3A_174, %dma_start3A_321, %mul3A_2] : memref<200x64x4096xf32, #tpu.memory_space<hbm>> -> memref<1x64x128xf32, #tpu.memory_space<hbm>>
      %dma_start3A_323 = tpu.memref_squeeze %dma_start3A_322 : memref<1x64x128xf32, #tpu.memory_space<hbm>> -> memref<64x128xf32, #tpu.memory_space<hbm>>
      %dma_start3A_324 = arith.constant 0 : i32
      %dma_start3A_325 = tpu.memref_slice %arg5[%add3A_174, %dma_start3A_324, %mul3A_2] : memref<200x64x4096xf32, #tpu.memory_space<hbm>> -> memref<1x64x128xf32, #tpu.memory_space<hbm>>
      %dma_start3A_326 = tpu.memref_squeeze %dma_start3A_325 : memref<1x64x128xf32, #tpu.memory_space<hbm>> -> memref<64x128xf32, #tpu.memory_space<hbm>>
      %dma_start3A_327 = arith.constant 0 : i32
      %dma_start3A_328 = arith.constant 0 : i32
      %dma_start3A_329 = tpu.memref_slice %arg9[%dma_start3A_316, %dma_start3A_327, %dma_start3A_328] : memref<2x64x129xf32, #tpu.memory_space<vmem>> -> memref<1x64x128xf32, #tpu.memory_space<vmem>>
      %dma_start3A_330 = tpu.memref_squeeze %dma_start3A_329 : memref<1x64x128xf32, #tpu.memory_space<vmem>> -> memref<64x128xf32, #tpu.memory_space<vmem>>
      tpu.enqueue_dma source(%dma_start3A_330 : memref<64x128xf32, #tpu.memory_space<vmem>>) target(%dma_start3A_326 : memref<64x128xf32, #tpu.memory_space<hbm>>) target_semaphore(%arg13 : memref<!tpu.dma_semaphore, #tpu.memory_space<semaphore_mem>>)
      %mul3A_331 = arith.constant 2 : i32
      %mul3A_332 = arith.muli %scan3A_170, %mul3A_331 : i32
      %add3A_333 = arith.constant 1 : i32
      %add3A_334 = arith.addi %mul3A_332, %add3A_333 : i32
      %add3A_335 = arith.constant 1 : i32
      %add3A_336 = arith.addi %add3A_334, %add3A_335 : i32
      %lt3A_337 = arith.constant 200 : i32
      %lt3A_338 = arith.cmpi slt, %add3A_336, %lt3A_337 : i32
      %convert_element_type3A_339 = arith.extui %lt3A_338 : i1 to i32
      %cond3A_340 = arith.constant 0 : i32
      %cond3A_341 = arith.cmpi ne, %convert_element_type3A_339, %cond3A_340 : i32
      scf.if %cond3A_341 {
        %add3A_497 = arith.constant 1 : i32
        %add3A_498 = arith.addi %add3A_334, %add3A_497 : i32
        %get3A_499 = arith.index_cast %add3A_498 : i32 to index
        %get3A_500 = arith.constant 0 : index
        %get3A_501 = tpu.vector_load %arg6[%get3A_499, %get3A_500] {strides = array<i32>} : memref<200x128xi32, #tpu.memory_space<vmem>>, vector<16xi32>,
        %shift_right_logical3A_502 = arith.constant 1 : i32
        %shift_right_logical3A_503 = vector.broadcast %shift_right_logical3A_502 : i32 to vector<16xi32>
        %shift_right_logical3A_504 = arith.shrui %get3A_501, %shift_right_logical3A_503 : vector<16xi32>
        %swap3A_505 = arith.constant 0 : i32
        %swap3A_506 = arith.index_cast %swap3A_505 : i32 to index
        %swap3A_507 = arith.constant 0 : index
        %swap3A_508 = tpu.vector_load %arg7[%swap3A_506, %swap3A_507] {strides = array<i32>} : memref<2x128xi32, #tpu.memory_space<vmem>>, vector<16xi32>,
        tpu.vector_store %arg7[%swap3A_506, %swap3A_507], %shift_right_logical3A_504 {strides = array<i32>} : memref<2x128xi32, #tpu.memory_space<vmem>>, vector<16xi32>,
        %get3A_509 = arith.index_cast %add3A_498 : i32 to index
        %get3A_510 = arith.constant 16 : index
        %get3A_511 = tpu.vector_load %arg6[%get3A_509, %get3A_510] {strides = array<i32>} : memref<200x128xi32, #tpu.memory_space<vmem>>, vector<16xi32>,
        %shift_right_logical3A_512 = arith.constant 1 : i32
        %shift_right_logical3A_513 = vector.broadcast %shift_right_logical3A_512 : i32 to vector<16xi32>
        %shift_right_logical3A_514 = arith.shrui %get3A_511, %shift_right_logical3A_513 : vector<16xi32>
        %swap3A_515 = arith.constant 0 : i32
        %swap3A_516 = arith.index_cast %swap3A_515 : i32 to index
        %swap3A_517 = arith.constant 16 : index
        %swap3A_518 = tpu.vector_load %arg7[%swap3A_516, %swap3A_517] {strides = array<i32>} : memref<2x128xi32, #tpu.memory_space<vmem>>, vector<16xi32>,
        tpu.vector_store %arg7[%swap3A_516, %swap3A_517], %shift_right_logical3A_514 {strides = array<i32>} : memref<2x128xi32, #tpu.memory_space<vmem>>, vector<16xi32>,
        %get3A_519 = arith.index_cast %add3A_498 : i32 to index
        %get3A_520 = arith.constant 32 : index
        %get3A_521 = tpu.vector_load %arg6[%get3A_519, %get3A_520] {strides = array<i32>} : memref<200x128xi32, #tpu.memory_space<vmem>>, vector<16xi32>,
        %shift_right_logical3A_522 = arith.constant 1 : i32
        %shift_right_logical3A_523 = vector.broadcast %shift_right_logical3A_522 : i32 to vector<16xi32>
        %shift_right_logical3A_524 = arith.shrui %get3A_521, %shift_right_logical3A_523 : vector<16xi32>
        %swap3A_525 = arith.constant 0 : i32
        %swap3A_526 = arith.index_cast %swap3A_525 : i32 to index
        %swap3A_527 = arith.constant 32 : index
        %swap3A_528 = tpu.vector_load %arg7[%swap3A_526, %swap3A_527] {strides = array<i32>} : memref<2x128xi32, #tpu.memory_space<vmem>>, vector<16xi32>,
        tpu.vector_store %arg7[%swap3A_526, %swap3A_527], %shift_right_logical3A_524 {strides = array<i32>} : memref<2x128xi32, #tpu.memory_space<vmem>>, vector<16xi32>,
        %get3A_529 = arith.index_cast %add3A_498 : i32 to index
        %get3A_530 = arith.constant 48 : index
        %get3A_531 = tpu.vector_load %arg6[%get3A_529, %get3A_530] {strides = array<i32>} : memref<200x128xi32, #tpu.memory_space<vmem>>, vector<16xi32>,
        %shift_right_logical3A_532 = arith.constant 1 : i32
        %shift_right_logical3A_533 = vector.broadcast %shift_right_logical3A_532 : i32 to vector<16xi32>
        %shift_right_logical3A_534 = arith.shrui %get3A_531, %shift_right_logical3A_533 : vector<16xi32>
        %swap3A_535 = arith.constant 0 : i32
        %swap3A_536 = arith.index_cast %swap3A_535 : i32 to index
        %swap3A_537 = arith.constant 48 : index
        %swap3A_538 = tpu.vector_load %arg7[%swap3A_536, %swap3A_537] {strides = array<i32>} : memref<2x128xi32, #tpu.memory_space<vmem>>, vector<16xi32>,
        tpu.vector_store %arg7[%swap3A_536, %swap3A_537], %shift_right_logical3A_534 {strides = array<i32>} : memref<2x128xi32, #tpu.memory_space<vmem>>, vector<16xi32>,
        %get3A_539 = arith.index_cast %add3A_498 : i32 to index
        %get3A_540 = arith.constant 64 : index
        %get3A_541 = tpu.vector_load %arg6[%get3A_539, %get3A_540] {strides = array<i32>} : memref<200x128xi32, #tpu.memory_space<vmem>>, vector<16xi32>,
        %shift_right_logical3A_542 = arith.constant 1 : i32
        %shift_right_logical3A_543 = vector.broadcast %shift_right_logical3A_542 : i32 to vector<16xi32>
        %shift_right_logical3A_544 = arith.shrui %get3A_541, %shift_right_logical3A_543 : vector<16xi32>
        %swap3A_545 = arith.constant 0 : i32
        %swap3A_546 = arith.index_cast %swap3A_545 : i32 to index
        %swap3A_547 = arith.constant 64 : index
        %swap3A_548 = tpu.vector_load %arg7[%swap3A_546, %swap3A_547] {strides = array<i32>} : memref<2x128xi32, #tpu.memory_space<vmem>>, vector<16xi32>,
        tpu.vector_store %arg7[%swap3A_546, %swap3A_547], %shift_right_logical3A_544 {strides = array<i32>} : memref<2x128xi32, #tpu.memory_space<vmem>>, vector<16xi32>,
        %get3A_549 = arith.index_cast %add3A_498 : i32 to index
        %get3A_550 = arith.constant 80 : index
        %get3A_551 = tpu.vector_load %arg6[%get3A_549, %get3A_550] {strides = array<i32>} : memref<200x128xi32, #tpu.memory_space<vmem>>, vector<16xi32>,
        %shift_right_logical3A_552 = arith.constant 1 : i32
        %shift_right_logical3A_553 = vector.broadcast %shift_right_logical3A_552 : i32 to vector<16xi32>
        %shift_right_logical3A_554 = arith.shrui %get3A_551, %shift_right_logical3A_553 : vector<16xi32>
        %swap3A_555 = arith.constant 0 : i32
        %swap3A_556 = arith.index_cast %swap3A_555 : i32 to index
        %swap3A_557 = arith.constant 80 : index
        %swap3A_558 = tpu.vector_load %arg7[%swap3A_556, %swap3A_557] {strides = array<i32>} : memref<2x128xi32, #tpu.memory_space<vmem>>, vector<16xi32>,
        tpu.vector_store %arg7[%swap3A_556, %swap3A_557], %shift_right_logical3A_554 {strides = array<i32>} : memref<2x128xi32, #tpu.memory_space<vmem>>, vector<16xi32>,
        %get3A_559 = arith.index_cast %add3A_498 : i32 to index
        %get3A_560 = arith.constant 96 : index
        %get3A_561 = tpu.vector_load %arg6[%get3A_559, %get3A_560] {strides = array<i32>} : memref<200x128xi32, #tpu.memory_space<vmem>>, vector<16xi32>,
        %shift_right_logical3A_562 = arith.constant 1 : i32
        %shift_right_logical3A_563 = vector.broadcast %shift_right_logical3A_562 : i32 to vector<16xi32>
        %shift_right_logical3A_564 = arith.shrui %get3A_561, %shift_right_logical3A_563 : vector<16xi32>
        %swap3A_565 = arith.constant 0 : i32
        %swap3A_566 = arith.index_cast %swap3A_565 : i32 to index
        %swap3A_567 = arith.constant 96 : index
        %swap3A_568 = tpu.vector_load %arg7[%swap3A_566, %swap3A_567] {strides = array<i32>} : memref<2x128xi32, #tpu.memory_space<vmem>>, vector<16xi32>,
        tpu.vector_store %arg7[%swap3A_566, %swap3A_567], %shift_right_logical3A_564 {strides = array<i32>} : memref<2x128xi32, #tpu.memory_space<vmem>>, vector<16xi32>,
        %get3A_569 = arith.index_cast %add3A_498 : i32 to index
        %get3A_570 = arith.constant 112 : index
        %get3A_571 = tpu.vector_load %arg6[%get3A_569, %get3A_570] {strides = array<i32>} : memref<200x128xi32, #tpu.memory_space<vmem>>, vector<16xi32>,
        %shift_right_logical3A_572 = arith.constant 1 : i32
        %shift_right_logical3A_573 = vector.broadcast %shift_right_logical3A_572 : i32 to vector<16xi32>
        %shift_right_logical3A_574 = arith.shrui %get3A_571, %shift_right_logical3A_573 : vector<16xi32>
        %swap3A_575 = arith.constant 0 : i32
        %swap3A_576 = arith.index_cast %swap3A_575 : i32 to index
        %swap3A_577 = arith.constant 112 : index
        %swap3A_578 = tpu.vector_load %arg7[%swap3A_576, %swap3A_577] {strides = array<i32>} : memref<2x128xi32, #tpu.memory_space<vmem>>, vector<16xi32>,
        tpu.vector_store %arg7[%swap3A_576, %swap3A_577], %shift_right_logical3A_574 {strides = array<i32>} : memref<2x128xi32, #tpu.memory_space<vmem>>, vector<16xi32>,
        %dma_start3A_579 = arith.constant 0 : i32
        %dma_start3A_580 = arith.constant 0 : i32
        %dma_start3A_581 = arith.constant 0 : i32
        %dma_start3A_582 = arith.constant 0 : i32
        %dma_start3A_583 = tpu.memref_slice %arg8[%dma_start3A_580, %dma_start3A_581, %dma_start3A_582] : memref<2x128x128xf32, #tpu.memory_space<vmem>> -> memref<1x128x128xf32, #tpu.memory_space<vmem>>
        %dma_start3A_584 = tpu.memref_squeeze %dma_start3A_583 : memref<1x128x128xf32, #tpu.memory_space<vmem>> -> memref<128x128xf32, #tpu.memory_space<vmem>>
        %dma_start3A_585 = arith.constant 0 : i32
        %dma_start3A_586 = tpu.memref_slice %arg7[%dma_start3A_579, %dma_start3A_585] : memref<2x128xi32, #tpu.memory_space<vmem>> -> memref<1x128xi32, #tpu.memory_space<vmem>>
        %dma_start3A_587 = tpu.memref_squeeze %dma_start3A_586 : memref<1x128xi32, #tpu.memory_space<vmem>> -> memref<128xi32, #tpu.memory_space<vmem>>
        %dma_start3A_588 = arith.constant 0 : i32
        %dma_start3A_589 = arith.constant 0 : i32
        %dma_start3A_590 = tpu.memref_slice %arg3[%dma_start3A_588, %dma_start3A_589] : memref<500000x128xf32, #tpu.memory_space<hbm>> -> memref<500000x128xf32, #tpu.memory_space<hbm>>
        tpu.enqueue_indirect_dma source(%dma_start3A_590 : memref<500000x128xf32, #tpu.memory_space<hbm>>) target(%dma_start3A_584 : memref<128x128xf32, #tpu.memory_space<vmem>>) offsets(%dma_start3A_587 : memref<128xi32, #tpu.memory_space<vmem>>) semaphore(%arg11 : memref<!tpu.dma_semaphore, #tpu.memory_space<semaphore_mem>>)
      } else {
      }
      %dma_wait3A_342 = arith.constant 1 : i32
      %dma_wait3A_343 = arith.constant 0 : i32
      %dma_wait3A_344 = arith.constant 0 : i32
      %dma_wait3A_345 = tpu.memref_slice %arg8[%dma_wait3A_342, %dma_wait3A_343, %dma_wait3A_344] : memref<2x128x128xf32, #tpu.memory_space<vmem>> -> memref<1x128x128xf32, #tpu.memory_space<vmem>>
      %dma_wait3A_346 = tpu.memref_squeeze %dma_wait3A_345 : memref<1x128x128xf32, #tpu.memory_space<vmem>> -> memref<128x128xf32, #tpu.memory_space<vmem>>
      %dma_wait3A_347 = arith.constant 0 : i32
      %dma_wait3A_348 = arith.constant 0 : i32
      %dma_wait3A_349 = tpu.memref_slice %arg3[%dma_wait3A_347, %dma_wait3A_348] : memref<500000x128xf32, #tpu.memory_space<hbm>> -> memref<128x128xf32, #tpu.memory_space<hbm>>
      %dma_wait3A_350 = arith.constant 0 : i32
      %dma_wait3A_351 = arith.constant 0 : i32
      %dma_wait3A_352 = tpu.memref_slice %arg8[%dma_wait3A_342, %dma_wait3A_350, %dma_wait3A_351] : memref<2x128x128xf32, #tpu.memory_space<vmem>> -> memref<1x128x128xf32, #tpu.memory_space<vmem>>
      %dma_wait3A_353 = tpu.memref_squeeze %dma_wait3A_352 : memref<1x128x128xf32, #tpu.memory_space<vmem>> -> memref<128x128xf32, #tpu.memory_space<vmem>>
      %dma_wait3A_354 = arith.constant 0 : i32
      %dma_wait3A_355 = arith.constant 0 : i32
      %dma_wait3A_356 = tpu.memref_slice %arg3[%dma_wait3A_354, %dma_wait3A_355] : memref<500000x128xf32, #tpu.memory_space<hbm>> -> memref<128x128xf32, #tpu.memory_space<hbm>>
      tpu.wait_dma2 semaphore(%arg12 : memref<!tpu.dma_semaphore, #tpu.memory_space<semaphore_mem>>) src(%dma_wait3A_356 : memref<128x128xf32, #tpu.memory_space<hbm>>) dst(%dma_wait3A_353 : memref<128x128xf32, #tpu.memory_space<vmem>>)
      %ge3A_357 = arith.constant 2 : i32
      %ge3A_358 = arith.cmpi sge, %add3A_334, %ge3A_357 : i32
      %convert_element_type3A_359 = arith.extui %ge3A_358 : i1 to i32
      %cond3A_360 = arith.constant 0 : i32
      %cond3A_361 = arith.cmpi ne, %convert_element_type3A_359, %cond3A_360 : i32
      scf.if %cond3A_361 {
        %dma_wait3A_497 = arith.constant 1 : i32
        %dma_wait3A_498 = arith.constant 0 : i32
        %dma_wait3A_499 = arith.constant 0 : i32
        %dma_wait3A_500 = arith.constant 0 : i32
        %dma_wait3A_501 = tpu.memref_slice %arg9[%dma_wait3A_497, %dma_wait3A_499, %dma_wait3A_500] : memref<2x64x129xf32, #tpu.memory_space<vmem>> -> memref<1x64x128xf32, #tpu.memory_space<vmem>>
        %dma_wait3A_502 = tpu.memref_squeeze %dma_wait3A_501 : memref<1x64x128xf32, #tpu.memory_space<vmem>> -> memref<64x128xf32, #tpu.memory_space<vmem>>
        %dma_wait3A_503 = arith.constant 0 : i32
        %dma_wait3A_504 = arith.constant 0 : i32
        %dma_wait3A_505 = tpu.memref_slice %arg5[%dma_wait3A_498, %dma_wait3A_503, %dma_wait3A_504] : memref<200x64x4096xf32, #tpu.memory_space<hbm>> -> memref<1x64x128xf32, #tpu.memory_space<hbm>>
        %dma_wait3A_506 = tpu.memref_squeeze %dma_wait3A_505 : memref<1x64x128xf32, #tpu.memory_space<hbm>> -> memref<64x128xf32, #tpu.memory_space<hbm>>
        %dma_wait3A_507 = arith.constant 0 : i32
        %dma_wait3A_508 = arith.constant 0 : i32
        %dma_wait3A_509 = tpu.memref_slice %arg5[%dma_wait3A_498, %dma_wait3A_507, %dma_wait3A_508] : memref<200x64x4096xf32, #tpu.memory_space<hbm>> -> memref<1x64x128xf32, #tpu.memory_space<hbm>>
        %dma_wait3A_510 = tpu.memref_squeeze %dma_wait3A_509 : memref<1x64x128xf32, #tpu.memory_space<hbm>> -> memref<64x128xf32, #tpu.memory_space<hbm>>
        %dma_wait3A_511 = arith.constant 0 : i32
        %dma_wait3A_512 = arith.constant 0 : i32
        %dma_wait3A_513 = tpu.memref_slice %arg9[%dma_wait3A_497, %dma_wait3A_511, %dma_wait3A_512] : memref<2x64x129xf32, #tpu.memory_space<vmem>> -> memref<1x64x128xf32, #tpu.memory_space<vmem>>
        %dma_wait3A_514 = tpu.memref_squeeze %dma_wait3A_513 : memref<1x64x128xf32, #tpu.memory_space<vmem>> -> memref<64x128xf32, #tpu.memory_space<vmem>>
        tpu.wait_dma2 semaphore(%arg14 : memref<!tpu.dma_semaphore, #tpu.memory_space<semaphore_mem>>) src(%dma_wait3A_514 : memref<64x128xf32, #tpu.memory_space<vmem>>) dst(%dma_wait3A_510 : memref<64x128xf32, #tpu.memory_space<hbm>>)
      } else {
      }
      %get3A_362 = arith.index_cast %scan3A_170 : i32 to index
      %get3A_363 = arith.constant 64 : index
      %get3A_364 = tpu.vector_load %arg10[%get3A_362, %get3A_363] {strides = array<i32>} : memref<100x128xf32, #tpu.memory_space<vmem>>, vector<16xf32>,
      %get3A_365 = arith.index_cast %scan3A_170 : i32 to index
      %get3A_366 = arith.constant 80 : index
      %get3A_367 = tpu.vector_load %arg10[%get3A_365, %get3A_366] {strides = array<i32>} : memref<100x128xf32, #tpu.memory_space<vmem>>, vector<16xf32>,
      %get3A_368 = arith.index_cast %scan3A_170 : i32 to index
      %get3A_369 = arith.constant 96 : index
      %get3A_370 = tpu.vector_load %arg10[%get3A_368, %get3A_369] {strides = array<i32>} : memref<100x128xf32, #tpu.memory_space<vmem>>, vector<16xf32>,
      %get3A_371 = arith.index_cast %scan3A_170 : i32 to index
      %get3A_372 = arith.constant 112 : index
      %get3A_373 = tpu.vector_load %arg10[%get3A_371, %get3A_372] {strides = array<i32>} : memref<100x128xf32, #tpu.memory_space<vmem>>, vector<16xf32>,
      %get3A_374 = arith.index_cast %add3A_334 : i32 to index
      %get3A_375 = arith.constant 0 : index
      %get3A_376 = tpu.vector_load %arg6[%get3A_374, %get3A_375] {strides = array<i32>} : memref<200x128xi32, #tpu.memory_space<vmem>>, vector<16xi32>,
      %and3A_377 = arith.constant 1 : i32
      %and3A_378 = vector.broadcast %and3A_377 : i32 to vector<16xi32>
      %and3A_379 = arith.andi %get3A_376, %and3A_378 : vector<16xi32>
      %mul3A_380 = arith.constant 64 : i32
      %mul3A_381 = vector.broadcast %mul3A_380 : i32 to vector<16xi32>
      %mul3A_382 = arith.muli %and3A_379, %mul3A_381 : vector<16xi32>
      %get3A_383 = arith.index_cast %add3A_334 : i32 to index
      %get3A_384 = arith.constant 16 : index
      %get3A_385 = tpu.vector_load %arg6[%get3A_383, %get3A_384] {strides = array<i32>} : memref<200x128xi32, #tpu.memory_space<vmem>>, vector<16xi32>,
      %and3A_386 = arith.constant 1 : i32
      %and3A_387 = vector.broadcast %and3A_386 : i32 to vector<16xi32>
      %and3A_388 = arith.andi %get3A_385, %and3A_387 : vector<16xi32>
      %mul3A_389 = arith.constant 64 : i32
      %mul3A_390 = vector.broadcast %mul3A_389 : i32 to vector<16xi32>
      %mul3A_391 = arith.muli %and3A_388, %mul3A_390 : vector<16xi32>
      %get3A_392 = arith.index_cast %add3A_334 : i32 to index
      %get3A_393 = arith.constant 32 : index
      %get3A_394 = tpu.vector_load %arg6[%get3A_392, %get3A_393] {strides = array<i32>} : memref<200x128xi32, #tpu.memory_space<vmem>>, vector<16xi32>,
      %and3A_395 = arith.constant 1 : i32
      %and3A_396 = vector.broadcast %and3A_395 : i32 to vector<16xi32>
      %and3A_397 = arith.andi %get3A_394, %and3A_396 : vector<16xi32>
      %mul3A_398 = arith.constant 64 : i32
      %mul3A_399 = vector.broadcast %mul3A_398 : i32 to vector<16xi32>
      %mul3A_400 = arith.muli %and3A_397, %mul3A_399 : vector<16xi32>
      %get3A_401 = arith.index_cast %add3A_334 : i32 to index
      %get3A_402 = arith.constant 48 : index
      %get3A_403 = tpu.vector_load %arg6[%get3A_401, %get3A_402] {strides = array<i32>} : memref<200x128xi32, #tpu.memory_space<vmem>>, vector<16xi32>,
      %and3A_404 = arith.constant 1 : i32
      %and3A_405 = vector.broadcast %and3A_404 : i32 to vector<16xi32>
      %and3A_406 = arith.andi %get3A_403, %and3A_405 : vector<16xi32>
      %mul3A_407 = arith.constant 64 : i32
      %mul3A_408 = vector.broadcast %mul3A_407 : i32 to vector<16xi32>
      %mul3A_409 = arith.muli %and3A_406, %mul3A_408 : vector<16xi32>
      %get3A_410 = arith.index_cast %add3A_334 : i32 to index
      %get3A_411 = arith.constant 64 : index
      %get3A_412 = tpu.vector_load %arg6[%get3A_410, %get3A_411] {strides = array<i32>} : memref<200x128xi32, #tpu.memory_space<vmem>>, vector<16xi32>,
      %and3A_413 = arith.constant 1 : i32
      %and3A_414 = vector.broadcast %and3A_413 : i32 to vector<16xi32>
      %and3A_415 = arith.andi %get3A_412, %and3A_414 : vector<16xi32>
      %mul3A_416 = arith.constant 64 : i32
      %mul3A_417 = vector.broadcast %mul3A_416 : i32 to vector<16xi32>
      %mul3A_418 = arith.muli %and3A_415, %mul3A_417 : vector<16xi32>
      %get3A_419 = arith.index_cast %add3A_334 : i32 to index
      %get3A_420 = arith.constant 80 : index
      %get3A_421 = tpu.vector_load %arg6[%get3A_419, %get3A_420] {strides = array<i32>} : memref<200x128xi32, #tpu.memory_space<vmem>>, vector<16xi32>,
      %and3A_422 = arith.constant 1 : i32
      %and3A_423 = vector.broadcast %and3A_422 : i32 to vector<16xi32>
      %and3A_424 = arith.andi %get3A_421, %and3A_423 : vector<16xi32>
      %mul3A_425 = arith.constant 64 : i32
      %mul3A_426 = vector.broadcast %mul3A_425 : i32 to vector<16xi32>
      %mul3A_427 = arith.muli %and3A_424, %mul3A_426 : vector<16xi32>
      %get3A_428 = arith.index_cast %add3A_334 : i32 to index
      %get3A_429 = arith.constant 96 : index
      %get3A_430 = tpu.vector_load %arg6[%get3A_428, %get3A_429] {strides = array<i32>} : memref<200x128xi32, #tpu.memory_space<vmem>>, vector<16xi32>,
      %and3A_431 = arith.constant 1 : i32
      %and3A_432 = vector.broadcast %and3A_431 : i32 to vector<16xi32>
      %and3A_433 = arith.andi %get3A_430, %and3A_432 : vector<16xi32>
      %mul3A_434 = arith.constant 64 : i32
      %mul3A_435 = vector.broadcast %mul3A_434 : i32 to vector<16xi32>
      %mul3A_436 = arith.muli %and3A_433, %mul3A_435 : vector<16xi32>
      %get3A_437 = arith.index_cast %add3A_334 : i32 to index
      %get3A_438 = arith.constant 112 : index
      %get3A_439 = tpu.vector_load %arg6[%get3A_437, %get3A_438] {strides = array<i32>} : memref<200x128xi32, #tpu.memory_space<vmem>>, vector<16xi32>,
      %and3A_440 = arith.constant 1 : i32
      %and3A_441 = vector.broadcast %and3A_440 : i32 to vector<16xi32>
      %and3A_442 = arith.andi %get3A_439, %and3A_441 : vector<16xi32>
      %mul3A_443 = arith.constant 64 : i32
      %mul3A_444 = vector.broadcast %mul3A_443 : i32 to vector<16xi32>
      %mul3A_445 = arith.muli %and3A_442, %mul3A_444 : vector<16xi32>
      %add3A_446 = arith.constant 0 : i32
      %add3A_447 = vector.broadcast %add3A_446 : i32 to vector<16xi32>
      %add3A_448 = arith.addi %iota3A, %add3A_447 : vector<16xi32>
      %add3A_449 = arith.constant 16 : i32
      %add3A_450 = vector.broadcast %add3A_449 : i32 to vector<16xi32>
      %add3A_451 = arith.addi %iota3A, %add3A_450 : vector<16xi32>
      %add3A_452 = arith.constant 32 : i32
      %add3A_453 = vector.broadcast %add3A_452 : i32 to vector<16xi32>
      %add3A_454 = arith.addi %iota3A, %add3A_453 : vector<16xi32>
      %add3A_455 = arith.constant 48 : i32
      %add3A_456 = vector.broadcast %add3A_455 : i32 to vector<16xi32>
      %add3A_457 = arith.addi %iota3A, %add3A_456 : vector<16xi32>
      %add3A_458 = arith.constant 64 : i32
      %add3A_459 = vector.broadcast %add3A_458 : i32 to vector<16xi32>
      %add3A_460 = arith.addi %iota3A, %add3A_459 : vector<16xi32>
      %add3A_461 = arith.constant 80 : i32
      %add3A_462 = vector.broadcast %add3A_461 : i32 to vector<16xi32>
      %add3A_463 = arith.addi %iota3A, %add3A_462 : vector<16xi32>
      %add3A_464 = arith.constant 96 : i32
      %add3A_465 = vector.broadcast %add3A_464 : i32 to vector<16xi32>
      %add3A_466 = arith.addi %iota3A, %add3A_465 : vector<16xi32>
      %add3A_467 = arith.constant 112 : i32
      %add3A_468 = vector.broadcast %add3A_467 : i32 to vector<16xi32>
      %add3A_469 = arith.addi %iota3A, %add3A_468 : vector<16xi32>
      %parallel_loop3A_470 = arith.constant 0 : i32
      %parallel_loop3A_471 = arith.constant 16 : i32
      %parallel_loop3A_472 = arith.constant 1 : i32
      scf.for %parallel_loop3A_497 = %parallel_loop3A_470 to %parallel_loop3A_471 step %parallel_loop3A_472  : i32 {
        %parallel_loop3A_498 = arith.constant 0 : i32
        %parallel_loop3A_499 = arith.addi %parallel_loop3A_498, %parallel_loop3A_497 : i32
        %parallel_loop3A_500 = vector.broadcast %parallel_loop3A_497 : i32 to vector<16xi32>
        %parallel_loop3A_501 = vector.shape_cast %parallel_loop3A_500 : vector<16xi32> to vector<16x1xi32>
        %parallel_loop3A_502 = vector.shape_cast %parallel_loop3A_501 : vector<16x1xi32> to vector<16xi32>
        %parallel_loop3A_503 = tpu.dynamic_gather %get3A_364[%parallel_loop3A_502] in [0] : vector<16xf32>, vector<16xi32> -> vector<16xf32>
        %parallel_loop3A_504 = vector.broadcast %parallel_loop3A_499 : i32 to vector<16xi32>
        %parallel_loop3A_505 = arith.addi %mul3A_382, %parallel_loop3A_504 : vector<16xi32>
        %parallel_loop3A_506 = arith.constant 1 : i32
        %parallel_loop3A_507 = arith.constant 0 : i32
        %parallel_loop3A_508 = arith.constant 0 : i32
        %parallel_loop3A_509 = tpu.memref_slice %arg8[%parallel_loop3A_506, %parallel_loop3A_507, %parallel_loop3A_508] : memref<2x128x128xf32, #tpu.memory_space<vmem>> -> memref<1x128x128xf32, #tpu.memory_space<vmem>>
        %parallel_loop3A_510 = tpu.memref_squeeze %parallel_loop3A_509 : memref<1x128x128xf32, #tpu.memory_space<vmem>> -> memref<128x128xf32, #tpu.memory_space<vmem>>
        %parallel_loop3A_511 = tpu.vector_load_idx %parallel_loop3A_510[%add3A_448, %parallel_loop3A_505] : memref<128x128xf32, #tpu.memory_space<vmem>>[vector<16xi32>, vector<16xi32>], vector<16xf32>,
        %parallel_loop3A_512 = arith.constant 8.000000e+00 : f32
        %parallel_loop3A_513 = vector.broadcast %parallel_loop3A_512 : f32 to vector<16xf32>
        %parallel_loop3A_514 = arith.mulf %parallel_loop3A_511, %parallel_loop3A_513 : vector<16xf32>
        %parallel_loop3A_515 = arith.addf %parallel_loop3A_514, %parallel_loop3A_503 : vector<16xf32>
        %parallel_loop3A_516 = arith.constant 1 : i32
        %parallel_loop3A_517 = arith.index_cast %parallel_loop3A_516 : i32 to index
        %parallel_loop3A_518 = arith.index_cast %parallel_loop3A_499 : i32 to index
        %parallel_loop3A_519 = arith.constant 0 : index
        %parallel_loop3A_520 = tpu.vector_load %arg9[%parallel_loop3A_517, %parallel_loop3A_518, %parallel_loop3A_519] {strides = array<i32>} : memref<2x64x129xf32, #tpu.memory_space<vmem>>, vector<16xf32>,
        tpu.vector_store %arg9[%parallel_loop3A_517, %parallel_loop3A_518, %parallel_loop3A_519], %parallel_loop3A_515 {strides = array<i32>} : memref<2x64x129xf32, #tpu.memory_space<vmem>>, vector<16xf32>,
        %parallel_loop3A_521 = vector.broadcast %parallel_loop3A_499 : i32 to vector<16xi32>
        %parallel_loop3A_522 = arith.addi %mul3A_391, %parallel_loop3A_521 : vector<16xi32>
        %parallel_loop3A_523 = arith.constant 1 : i32
        %parallel_loop3A_524 = arith.constant 0 : i32
        %parallel_loop3A_525 = arith.constant 0 : i32
        %parallel_loop3A_526 = tpu.memref_slice %arg8[%parallel_loop3A_523, %parallel_loop3A_524, %parallel_loop3A_525] : memref<2x128x128xf32, #tpu.memory_space<vmem>> -> memref<1x128x128xf32, #tpu.memory_space<vmem>>
        %parallel_loop3A_527 = tpu.memref_squeeze %parallel_loop3A_526 : memref<1x128x128xf32, #tpu.memory_space<vmem>> -> memref<128x128xf32, #tpu.memory_space<vmem>>
        %parallel_loop3A_528 = tpu.vector_load_idx %parallel_loop3A_527[%add3A_451, %parallel_loop3A_522] : memref<128x128xf32, #tpu.memory_space<vmem>>[vector<16xi32>, vector<16xi32>], vector<16xf32>,
        %parallel_loop3A_529 = arith.constant 8.000000e+00 : f32
        %parallel_loop3A_530 = vector.broadcast %parallel_loop3A_529 : f32 to vector<16xf32>
        %parallel_loop3A_531 = arith.mulf %parallel_loop3A_528, %parallel_loop3A_530 : vector<16xf32>
        %parallel_loop3A_532 = arith.addf %parallel_loop3A_531, %parallel_loop3A_503 : vector<16xf32>
        %parallel_loop3A_533 = arith.constant 1 : i32
        %parallel_loop3A_534 = arith.index_cast %parallel_loop3A_533 : i32 to index
        %parallel_loop3A_535 = arith.index_cast %parallel_loop3A_499 : i32 to index
        %parallel_loop3A_536 = arith.constant 16 : index
        %parallel_loop3A_537 = tpu.vector_load %arg9[%parallel_loop3A_534, %parallel_loop3A_535, %parallel_loop3A_536] {strides = array<i32>} : memref<2x64x129xf32, #tpu.memory_space<vmem>>, vector<16xf32>,
        tpu.vector_store %arg9[%parallel_loop3A_534, %parallel_loop3A_535, %parallel_loop3A_536], %parallel_loop3A_532 {strides = array<i32>} : memref<2x64x129xf32, #tpu.memory_space<vmem>>, vector<16xf32>,
        %parallel_loop3A_538 = vector.broadcast %parallel_loop3A_499 : i32 to vector<16xi32>
        %parallel_loop3A_539 = arith.addi %mul3A_400, %parallel_loop3A_538 : vector<16xi32>
        %parallel_loop3A_540 = arith.constant 1 : i32
        %parallel_loop3A_541 = arith.constant 0 : i32
        %parallel_loop3A_542 = arith.constant 0 : i32
        %parallel_loop3A_543 = tpu.memref_slice %arg8[%parallel_loop3A_540, %parallel_loop3A_541, %parallel_loop3A_542] : memref<2x128x128xf32, #tpu.memory_space<vmem>> -> memref<1x128x128xf32, #tpu.memory_space<vmem>>
        %parallel_loop3A_544 = tpu.memref_squeeze %parallel_loop3A_543 : memref<1x128x128xf32, #tpu.memory_space<vmem>> -> memref<128x128xf32, #tpu.memory_space<vmem>>
        %parallel_loop3A_545 = tpu.vector_load_idx %parallel_loop3A_544[%add3A_454, %parallel_loop3A_539] : memref<128x128xf32, #tpu.memory_space<vmem>>[vector<16xi32>, vector<16xi32>], vector<16xf32>,
        %parallel_loop3A_546 = arith.constant 8.000000e+00 : f32
        %parallel_loop3A_547 = vector.broadcast %parallel_loop3A_546 : f32 to vector<16xf32>
        %parallel_loop3A_548 = arith.mulf %parallel_loop3A_545, %parallel_loop3A_547 : vector<16xf32>
        %parallel_loop3A_549 = arith.addf %parallel_loop3A_548, %parallel_loop3A_503 : vector<16xf32>
        %parallel_loop3A_550 = arith.constant 1 : i32
        %parallel_loop3A_551 = arith.index_cast %parallel_loop3A_550 : i32 to index
        %parallel_loop3A_552 = arith.index_cast %parallel_loop3A_499 : i32 to index
        %parallel_loop3A_553 = arith.constant 32 : index
        %parallel_loop3A_554 = tpu.vector_load %arg9[%parallel_loop3A_551, %parallel_loop3A_552, %parallel_loop3A_553] {strides = array<i32>} : memref<2x64x129xf32, #tpu.memory_space<vmem>>, vector<16xf32>,
        tpu.vector_store %arg9[%parallel_loop3A_551, %parallel_loop3A_552, %parallel_loop3A_553], %parallel_loop3A_549 {strides = array<i32>} : memref<2x64x129xf32, #tpu.memory_space<vmem>>, vector<16xf32>,
        %parallel_loop3A_555 = vector.broadcast %parallel_loop3A_499 : i32 to vector<16xi32>
        %parallel_loop3A_556 = arith.addi %mul3A_409, %parallel_loop3A_555 : vector<16xi32>
        %parallel_loop3A_557 = arith.constant 1 : i32
        %parallel_loop3A_558 = arith.constant 0 : i32
        %parallel_loop3A_559 = arith.constant 0 : i32
        %parallel_loop3A_560 = tpu.memref_slice %arg8[%parallel_loop3A_557, %parallel_loop3A_558, %parallel_loop3A_559] : memref<2x128x128xf32, #tpu.memory_space<vmem>> -> memref<1x128x128xf32, #tpu.memory_space<vmem>>
        %parallel_loop3A_561 = tpu.memref_squeeze %parallel_loop3A_560 : memref<1x128x128xf32, #tpu.memory_space<vmem>> -> memref<128x128xf32, #tpu.memory_space<vmem>>
        %parallel_loop3A_562 = tpu.vector_load_idx %parallel_loop3A_561[%add3A_457, %parallel_loop3A_556] : memref<128x128xf32, #tpu.memory_space<vmem>>[vector<16xi32>, vector<16xi32>], vector<16xf32>,
        %parallel_loop3A_563 = arith.constant 8.000000e+00 : f32
        %parallel_loop3A_564 = vector.broadcast %parallel_loop3A_563 : f32 to vector<16xf32>
        %parallel_loop3A_565 = arith.mulf %parallel_loop3A_562, %parallel_loop3A_564 : vector<16xf32>
        %parallel_loop3A_566 = arith.addf %parallel_loop3A_565, %parallel_loop3A_503 : vector<16xf32>
        %parallel_loop3A_567 = arith.constant 1 : i32
        %parallel_loop3A_568 = arith.index_cast %parallel_loop3A_567 : i32 to index
        %parallel_loop3A_569 = arith.index_cast %parallel_loop3A_499 : i32 to index
        %parallel_loop3A_570 = arith.constant 48 : index
        %parallel_loop3A_571 = tpu.vector_load %arg9[%parallel_loop3A_568, %parallel_loop3A_569, %parallel_loop3A_570] {strides = array<i32>} : memref<2x64x129xf32, #tpu.memory_space<vmem>>, vector<16xf32>,
        tpu.vector_store %arg9[%parallel_loop3A_568, %parallel_loop3A_569, %parallel_loop3A_570], %parallel_loop3A_566 {strides = array<i32>} : memref<2x64x129xf32, #tpu.memory_space<vmem>>, vector<16xf32>,
        %parallel_loop3A_572 = vector.broadcast %parallel_loop3A_499 : i32 to vector<16xi32>
        %parallel_loop3A_573 = arith.addi %mul3A_418, %parallel_loop3A_572 : vector<16xi32>
        %parallel_loop3A_574 = arith.constant 1 : i32
        %parallel_loop3A_575 = arith.constant 0 : i32
        %parallel_loop3A_576 = arith.constant 0 : i32
        %parallel_loop3A_577 = tpu.memref_slice %arg8[%parallel_loop3A_574, %parallel_loop3A_575, %parallel_loop3A_576] : memref<2x128x128xf32, #tpu.memory_space<vmem>> -> memref<1x128x128xf32, #tpu.memory_space<vmem>>
        %parallel_loop3A_578 = tpu.memref_squeeze %parallel_loop3A_577 : memref<1x128x128xf32, #tpu.memory_space<vmem>> -> memref<128x128xf32, #tpu.memory_space<vmem>>
        %parallel_loop3A_579 = tpu.vector_load_idx %parallel_loop3A_578[%add3A_460, %parallel_loop3A_573] : memref<128x128xf32, #tpu.memory_space<vmem>>[vector<16xi32>, vector<16xi32>], vector<16xf32>,
        %parallel_loop3A_580 = arith.constant 8.000000e+00 : f32
        %parallel_loop3A_581 = vector.broadcast %parallel_loop3A_580 : f32 to vector<16xf32>
        %parallel_loop3A_582 = arith.mulf %parallel_loop3A_579, %parallel_loop3A_581 : vector<16xf32>
        %parallel_loop3A_583 = arith.addf %parallel_loop3A_582, %parallel_loop3A_503 : vector<16xf32>
        %parallel_loop3A_584 = arith.constant 1 : i32
        %parallel_loop3A_585 = arith.index_cast %parallel_loop3A_584 : i32 to index
        %parallel_loop3A_586 = arith.index_cast %parallel_loop3A_499 : i32 to index
        %parallel_loop3A_587 = arith.constant 64 : index
        %parallel_loop3A_588 = tpu.vector_load %arg9[%parallel_loop3A_585, %parallel_loop3A_586, %parallel_loop3A_587] {strides = array<i32>} : memref<2x64x129xf32, #tpu.memory_space<vmem>>, vector<16xf32>,
        tpu.vector_store %arg9[%parallel_loop3A_585, %parallel_loop3A_586, %parallel_loop3A_587], %parallel_loop3A_583 {strides = array<i32>} : memref<2x64x129xf32, #tpu.memory_space<vmem>>, vector<16xf32>,
        %parallel_loop3A_589 = vector.broadcast %parallel_loop3A_499 : i32 to vector<16xi32>
        %parallel_loop3A_590 = arith.addi %mul3A_427, %parallel_loop3A_589 : vector<16xi32>
        %parallel_loop3A_591 = arith.constant 1 : i32
        %parallel_loop3A_592 = arith.constant 0 : i32
        %parallel_loop3A_593 = arith.constant 0 : i32
        %parallel_loop3A_594 = tpu.memref_slice %arg8[%parallel_loop3A_591, %parallel_loop3A_592, %parallel_loop3A_593] : memref<2x128x128xf32, #tpu.memory_space<vmem>> -> memref<1x128x128xf32, #tpu.memory_space<vmem>>
        %parallel_loop3A_595 = tpu.memref_squeeze %parallel_loop3A_594 : memref<1x128x128xf32, #tpu.memory_space<vmem>> -> memref<128x128xf32, #tpu.memory_space<vmem>>
        %parallel_loop3A_596 = tpu.vector_load_idx %parallel_loop3A_595[%add3A_463, %parallel_loop3A_590] : memref<128x128xf32, #tpu.memory_space<vmem>>[vector<16xi32>, vector<16xi32>], vector<16xf32>,
        %parallel_loop3A_597 = arith.constant 8.000000e+00 : f32
        %parallel_loop3A_598 = vector.broadcast %parallel_loop3A_597 : f32 to vector<16xf32>
        %parallel_loop3A_599 = arith.mulf %parallel_loop3A_596, %parallel_loop3A_598 : vector<16xf32>
        %parallel_loop3A_600 = arith.addf %parallel_loop3A_599, %parallel_loop3A_503 : vector<16xf32>
        %parallel_loop3A_601 = arith.constant 1 : i32
        %parallel_loop3A_602 = arith.index_cast %parallel_loop3A_601 : i32 to index
        %parallel_loop3A_603 = arith.index_cast %parallel_loop3A_499 : i32 to index
        %parallel_loop3A_604 = arith.constant 80 : index
        %parallel_loop3A_605 = tpu.vector_load %arg9[%parallel_loop3A_602, %parallel_loop3A_603, %parallel_loop3A_604] {strides = array<i32>} : memref<2x64x129xf32, #tpu.memory_space<vmem>>, vector<16xf32>,
        tpu.vector_store %arg9[%parallel_loop3A_602, %parallel_loop3A_603, %parallel_loop3A_604], %parallel_loop3A_600 {strides = array<i32>} : memref<2x64x129xf32, #tpu.memory_space<vmem>>, vector<16xf32>,
        %parallel_loop3A_606 = vector.broadcast %parallel_loop3A_499 : i32 to vector<16xi32>
        %parallel_loop3A_607 = arith.addi %mul3A_436, %parallel_loop3A_606 : vector<16xi32>
        %parallel_loop3A_608 = arith.constant 1 : i32
        %parallel_loop3A_609 = arith.constant 0 : i32
        %parallel_loop3A_610 = arith.constant 0 : i32
        %parallel_loop3A_611 = tpu.memref_slice %arg8[%parallel_loop3A_608, %parallel_loop3A_609, %parallel_loop3A_610] : memref<2x128x128xf32, #tpu.memory_space<vmem>> -> memref<1x128x128xf32, #tpu.memory_space<vmem>>
        %parallel_loop3A_612 = tpu.memref_squeeze %parallel_loop3A_611 : memref<1x128x128xf32, #tpu.memory_space<vmem>> -> memref<128x128xf32, #tpu.memory_space<vmem>>
        %parallel_loop3A_613 = tpu.vector_load_idx %parallel_loop3A_612[%add3A_466, %parallel_loop3A_607] : memref<128x128xf32, #tpu.memory_space<vmem>>[vector<16xi32>, vector<16xi32>], vector<16xf32>,
        %parallel_loop3A_614 = arith.constant 8.000000e+00 : f32
        %parallel_loop3A_615 = vector.broadcast %parallel_loop3A_614 : f32 to vector<16xf32>
        %parallel_loop3A_616 = arith.mulf %parallel_loop3A_613, %parallel_loop3A_615 : vector<16xf32>
        %parallel_loop3A_617 = arith.addf %parallel_loop3A_616, %parallel_loop3A_503 : vector<16xf32>
        %parallel_loop3A_618 = arith.constant 1 : i32
        %parallel_loop3A_619 = arith.index_cast %parallel_loop3A_618 : i32 to index
        %parallel_loop3A_620 = arith.index_cast %parallel_loop3A_499 : i32 to index
        %parallel_loop3A_621 = arith.constant 96 : index
        %parallel_loop3A_622 = tpu.vector_load %arg9[%parallel_loop3A_619, %parallel_loop3A_620, %parallel_loop3A_621] {strides = array<i32>} : memref<2x64x129xf32, #tpu.memory_space<vmem>>, vector<16xf32>,
        tpu.vector_store %arg9[%parallel_loop3A_619, %parallel_loop3A_620, %parallel_loop3A_621], %parallel_loop3A_617 {strides = array<i32>} : memref<2x64x129xf32, #tpu.memory_space<vmem>>, vector<16xf32>,
        %parallel_loop3A_623 = vector.broadcast %parallel_loop3A_499 : i32 to vector<16xi32>
        %parallel_loop3A_624 = arith.addi %mul3A_445, %parallel_loop3A_623 : vector<16xi32>
        %parallel_loop3A_625 = arith.constant 1 : i32
        %parallel_loop3A_626 = arith.constant 0 : i32
        %parallel_loop3A_627 = arith.constant 0 : i32
        %parallel_loop3A_628 = tpu.memref_slice %arg8[%parallel_loop3A_625, %parallel_loop3A_626, %parallel_loop3A_627] : memref<2x128x128xf32, #tpu.memory_space<vmem>> -> memref<1x128x128xf32, #tpu.memory_space<vmem>>
        %parallel_loop3A_629 = tpu.memref_squeeze %parallel_loop3A_628 : memref<1x128x128xf32, #tpu.memory_space<vmem>> -> memref<128x128xf32, #tpu.memory_space<vmem>>
        %parallel_loop3A_630 = tpu.vector_load_idx %parallel_loop3A_629[%add3A_469, %parallel_loop3A_624] : memref<128x128xf32, #tpu.memory_space<vmem>>[vector<16xi32>, vector<16xi32>], vector<16xf32>,
        %parallel_loop3A_631 = arith.constant 8.000000e+00 : f32
        %parallel_loop3A_632 = vector.broadcast %parallel_loop3A_631 : f32 to vector<16xf32>
        %parallel_loop3A_633 = arith.mulf %parallel_loop3A_630, %parallel_loop3A_632 : vector<16xf32>
        %parallel_loop3A_634 = arith.addf %parallel_loop3A_633, %parallel_loop3A_503 : vector<16xf32>
        %parallel_loop3A_635 = arith.constant 1 : i32
        %parallel_loop3A_636 = arith.index_cast %parallel_loop3A_635 : i32 to index
        %parallel_loop3A_637 = arith.index_cast %parallel_loop3A_499 : i32 to index
        %parallel_loop3A_638 = arith.constant 112 : index
        %parallel_loop3A_639 = tpu.vector_load %arg9[%parallel_loop3A_636, %parallel_loop3A_637, %parallel_loop3A_638] {strides = array<i32>} : memref<2x64x129xf32, #tpu.memory_space<vmem>>, vector<16xf32>,
        tpu.vector_store %arg9[%parallel_loop3A_636, %parallel_loop3A_637, %parallel_loop3A_638], %parallel_loop3A_634 {strides = array<i32>} : memref<2x64x129xf32, #tpu.memory_space<vmem>>, vector<16xf32>,
      } {sc.loop_unroll_factor = 1 : i64, sc.parallel_access}
      %parallel_loop3A_473 = arith.constant 0 : i32
      %parallel_loop3A_474 = arith.constant 16 : i32
      %parallel_loop3A_475 = arith.constant 1 : i32
      scf.for %parallel_loop3A_497 = %parallel_loop3A_473 to %parallel_loop3A_474 step %parallel_loop3A_475  : i32 {
        %parallel_loop3A_498 = arith.constant 16 : i32
        %parallel_loop3A_499 = arith.addi %parallel_loop3A_498, %parallel_loop3A_497 : i32
        %parallel_loop3A_500 = vector.broadcast %parallel_loop3A_497 : i32 to vector<16xi32>
        %parallel_loop3A_501 = vector.shape_cast %parallel_loop3A_500 : vector<16xi32> to vector<16x1xi32>
        %parallel_loop3A_502 = vector.shape_cast %parallel_loop3A_501 : vector<16x1xi32> to vector<16xi32>
        %parallel_loop3A_503 = tpu.dynamic_gather %get3A_367[%parallel_loop3A_502] in [0] : vector<16xf32>, vector<16xi32> -> vector<16xf32>
        %parallel_loop3A_504 = vector.broadcast %parallel_loop3A_499 : i32 to vector<16xi32>
        %parallel_loop3A_505 = arith.addi %mul3A_382, %parallel_loop3A_504 : vector<16xi32>
        %parallel_loop3A_506 = arith.constant 1 : i32
        %parallel_loop3A_507 = arith.constant 0 : i32
        %parallel_loop3A_508 = arith.constant 0 : i32
        %parallel_loop3A_509 = tpu.memref_slice %arg8[%parallel_loop3A_506, %parallel_loop3A_507, %parallel_loop3A_508] : memref<2x128x128xf32, #tpu.memory_space<vmem>> -> memref<1x128x128xf32, #tpu.memory_space<vmem>>
        %parallel_loop3A_510 = tpu.memref_squeeze %parallel_loop3A_509 : memref<1x128x128xf32, #tpu.memory_space<vmem>> -> memref<128x128xf32, #tpu.memory_space<vmem>>
        %parallel_loop3A_511 = tpu.vector_load_idx %parallel_loop3A_510[%add3A_448, %parallel_loop3A_505] : memref<128x128xf32, #tpu.memory_space<vmem>>[vector<16xi32>, vector<16xi32>], vector<16xf32>,
        %parallel_loop3A_512 = arith.constant 8.000000e+00 : f32
        %parallel_loop3A_513 = vector.broadcast %parallel_loop3A_512 : f32 to vector<16xf32>
        %parallel_loop3A_514 = arith.mulf %parallel_loop3A_511, %parallel_loop3A_513 : vector<16xf32>
        %parallel_loop3A_515 = arith.addf %parallel_loop3A_514, %parallel_loop3A_503 : vector<16xf32>
        %parallel_loop3A_516 = arith.constant 1 : i32
        %parallel_loop3A_517 = arith.index_cast %parallel_loop3A_516 : i32 to index
        %parallel_loop3A_518 = arith.index_cast %parallel_loop3A_499 : i32 to index
        %parallel_loop3A_519 = arith.constant 0 : index
        %parallel_loop3A_520 = tpu.vector_load %arg9[%parallel_loop3A_517, %parallel_loop3A_518, %parallel_loop3A_519] {strides = array<i32>} : memref<2x64x129xf32, #tpu.memory_space<vmem>>, vector<16xf32>,
        tpu.vector_store %arg9[%parallel_loop3A_517, %parallel_loop3A_518, %parallel_loop3A_519], %parallel_loop3A_515 {strides = array<i32>} : memref<2x64x129xf32, #tpu.memory_space<vmem>>, vector<16xf32>,
        %parallel_loop3A_521 = vector.broadcast %parallel_loop3A_499 : i32 to vector<16xi32>
        %parallel_loop3A_522 = arith.addi %mul3A_391, %parallel_loop3A_521 : vector<16xi32>
        %parallel_loop3A_523 = arith.constant 1 : i32
        %parallel_loop3A_524 = arith.constant 0 : i32
        %parallel_loop3A_525 = arith.constant 0 : i32
        %parallel_loop3A_526 = tpu.memref_slice %arg8[%parallel_loop3A_523, %parallel_loop3A_524, %parallel_loop3A_525] : memref<2x128x128xf32, #tpu.memory_space<vmem>> -> memref<1x128x128xf32, #tpu.memory_space<vmem>>
        %parallel_loop3A_527 = tpu.memref_squeeze %parallel_loop3A_526 : memref<1x128x128xf32, #tpu.memory_space<vmem>> -> memref<128x128xf32, #tpu.memory_space<vmem>>
        %parallel_loop3A_528 = tpu.vector_load_idx %parallel_loop3A_527[%add3A_451, %parallel_loop3A_522] : memref<128x128xf32, #tpu.memory_space<vmem>>[vector<16xi32>, vector<16xi32>], vector<16xf32>,
        %parallel_loop3A_529 = arith.constant 8.000000e+00 : f32
        %parallel_loop3A_530 = vector.broadcast %parallel_loop3A_529 : f32 to vector<16xf32>
        %parallel_loop3A_531 = arith.mulf %parallel_loop3A_528, %parallel_loop3A_530 : vector<16xf32>
        %parallel_loop3A_532 = arith.addf %parallel_loop3A_531, %parallel_loop3A_503 : vector<16xf32>
        %parallel_loop3A_533 = arith.constant 1 : i32
        %parallel_loop3A_534 = arith.index_cast %parallel_loop3A_533 : i32 to index
        %parallel_loop3A_535 = arith.index_cast %parallel_loop3A_499 : i32 to index
        %parallel_loop3A_536 = arith.constant 16 : index
        %parallel_loop3A_537 = tpu.vector_load %arg9[%parallel_loop3A_534, %parallel_loop3A_535, %parallel_loop3A_536] {strides = array<i32>} : memref<2x64x129xf32, #tpu.memory_space<vmem>>, vector<16xf32>,
        tpu.vector_store %arg9[%parallel_loop3A_534, %parallel_loop3A_535, %parallel_loop3A_536], %parallel_loop3A_532 {strides = array<i32>} : memref<2x64x129xf32, #tpu.memory_space<vmem>>, vector<16xf32>,
        %parallel_loop3A_538 = vector.broadcast %parallel_loop3A_499 : i32 to vector<16xi32>
        %parallel_loop3A_539 = arith.addi %mul3A_400, %parallel_loop3A_538 : vector<16xi32>
        %parallel_loop3A_540 = arith.constant 1 : i32
        %parallel_loop3A_541 = arith.constant 0 : i32
        %parallel_loop3A_542 = arith.constant 0 : i32
        %parallel_loop3A_543 = tpu.memref_slice %arg8[%parallel_loop3A_540, %parallel_loop3A_541, %parallel_loop3A_542] : memref<2x128x128xf32, #tpu.memory_space<vmem>> -> memref<1x128x128xf32, #tpu.memory_space<vmem>>
        %parallel_loop3A_544 = tpu.memref_squeeze %parallel_loop3A_543 : memref<1x128x128xf32, #tpu.memory_space<vmem>> -> memref<128x128xf32, #tpu.memory_space<vmem>>
        %parallel_loop3A_545 = tpu.vector_load_idx %parallel_loop3A_544[%add3A_454, %parallel_loop3A_539] : memref<128x128xf32, #tpu.memory_space<vmem>>[vector<16xi32>, vector<16xi32>], vector<16xf32>,
        %parallel_loop3A_546 = arith.constant 8.000000e+00 : f32
        %parallel_loop3A_547 = vector.broadcast %parallel_loop3A_546 : f32 to vector<16xf32>
        %parallel_loop3A_548 = arith.mulf %parallel_loop3A_545, %parallel_loop3A_547 : vector<16xf32>
        %parallel_loop3A_549 = arith.addf %parallel_loop3A_548, %parallel_loop3A_503 : vector<16xf32>
        %parallel_loop3A_550 = arith.constant 1 : i32
        %parallel_loop3A_551 = arith.index_cast %parallel_loop3A_550 : i32 to index
        %parallel_loop3A_552 = arith.index_cast %parallel_loop3A_499 : i32 to index
        %parallel_loop3A_553 = arith.constant 32 : index
        %parallel_loop3A_554 = tpu.vector_load %arg9[%parallel_loop3A_551, %parallel_loop3A_552, %parallel_loop3A_553] {strides = array<i32>} : memref<2x64x129xf32, #tpu.memory_space<vmem>>, vector<16xf32>,
        tpu.vector_store %arg9[%parallel_loop3A_551, %parallel_loop3A_552, %parallel_loop3A_553], %parallel_loop3A_549 {strides = array<i32>} : memref<2x64x129xf32, #tpu.memory_space<vmem>>, vector<16xf32>,
        %parallel_loop3A_555 = vector.broadcast %parallel_loop3A_499 : i32 to vector<16xi32>
        %parallel_loop3A_556 = arith.addi %mul3A_409, %parallel_loop3A_555 : vector<16xi32>
        %parallel_loop3A_557 = arith.constant 1 : i32
        %parallel_loop3A_558 = arith.constant 0 : i32
        %parallel_loop3A_559 = arith.constant 0 : i32
        %parallel_loop3A_560 = tpu.memref_slice %arg8[%parallel_loop3A_557, %parallel_loop3A_558, %parallel_loop3A_559] : memref<2x128x128xf32, #tpu.memory_space<vmem>> -> memref<1x128x128xf32, #tpu.memory_space<vmem>>
        %parallel_loop3A_561 = tpu.memref_squeeze %parallel_loop3A_560 : memref<1x128x128xf32, #tpu.memory_space<vmem>> -> memref<128x128xf32, #tpu.memory_space<vmem>>
        %parallel_loop3A_562 = tpu.vector_load_idx %parallel_loop3A_561[%add3A_457, %parallel_loop3A_556] : memref<128x128xf32, #tpu.memory_space<vmem>>[vector<16xi32>, vector<16xi32>], vector<16xf32>,
        %parallel_loop3A_563 = arith.constant 8.000000e+00 : f32
        %parallel_loop3A_564 = vector.broadcast %parallel_loop3A_563 : f32 to vector<16xf32>
        %parallel_loop3A_565 = arith.mulf %parallel_loop3A_562, %parallel_loop3A_564 : vector<16xf32>
        %parallel_loop3A_566 = arith.addf %parallel_loop3A_565, %parallel_loop3A_503 : vector<16xf32>
        %parallel_loop3A_567 = arith.constant 1 : i32
        %parallel_loop3A_568 = arith.index_cast %parallel_loop3A_567 : i32 to index
        %parallel_loop3A_569 = arith.index_cast %parallel_loop3A_499 : i32 to index
        %parallel_loop3A_570 = arith.constant 48 : index
        %parallel_loop3A_571 = tpu.vector_load %arg9[%parallel_loop3A_568, %parallel_loop3A_569, %parallel_loop3A_570] {strides = array<i32>} : memref<2x64x129xf32, #tpu.memory_space<vmem>>, vector<16xf32>,
        tpu.vector_store %arg9[%parallel_loop3A_568, %parallel_loop3A_569, %parallel_loop3A_570], %parallel_loop3A_566 {strides = array<i32>} : memref<2x64x129xf32, #tpu.memory_space<vmem>>, vector<16xf32>,
        %parallel_loop3A_572 = vector.broadcast %parallel_loop3A_499 : i32 to vector<16xi32>
        %parallel_loop3A_573 = arith.addi %mul3A_418, %parallel_loop3A_572 : vector<16xi32>
        %parallel_loop3A_574 = arith.constant 1 : i32
        %parallel_loop3A_575 = arith.constant 0 : i32
        %parallel_loop3A_576 = arith.constant 0 : i32
        %parallel_loop3A_577 = tpu.memref_slice %arg8[%parallel_loop3A_574, %parallel_loop3A_575, %parallel_loop3A_576] : memref<2x128x128xf32, #tpu.memory_space<vmem>> -> memref<1x128x128xf32, #tpu.memory_space<vmem>>
        %parallel_loop3A_578 = tpu.memref_squeeze %parallel_loop3A_577 : memref<1x128x128xf32, #tpu.memory_space<vmem>> -> memref<128x128xf32, #tpu.memory_space<vmem>>
        %parallel_loop3A_579 = tpu.vector_load_idx %parallel_loop3A_578[%add3A_460, %parallel_loop3A_573] : memref<128x128xf32, #tpu.memory_space<vmem>>[vector<16xi32>, vector<16xi32>], vector<16xf32>,
        %parallel_loop3A_580 = arith.constant 8.000000e+00 : f32
        %parallel_loop3A_581 = vector.broadcast %parallel_loop3A_580 : f32 to vector<16xf32>
        %parallel_loop3A_582 = arith.mulf %parallel_loop3A_579, %parallel_loop3A_581 : vector<16xf32>
        %parallel_loop3A_583 = arith.addf %parallel_loop3A_582, %parallel_loop3A_503 : vector<16xf32>
        %parallel_loop3A_584 = arith.constant 1 : i32
        %parallel_loop3A_585 = arith.index_cast %parallel_loop3A_584 : i32 to index
        %parallel_loop3A_586 = arith.index_cast %parallel_loop3A_499 : i32 to index
        %parallel_loop3A_587 = arith.constant 64 : index
        %parallel_loop3A_588 = tpu.vector_load %arg9[%parallel_loop3A_585, %parallel_loop3A_586, %parallel_loop3A_587] {strides = array<i32>} : memref<2x64x129xf32, #tpu.memory_space<vmem>>, vector<16xf32>,
        tpu.vector_store %arg9[%parallel_loop3A_585, %parallel_loop3A_586, %parallel_loop3A_587], %parallel_loop3A_583 {strides = array<i32>} : memref<2x64x129xf32, #tpu.memory_space<vmem>>, vector<16xf32>,
        %parallel_loop3A_589 = vector.broadcast %parallel_loop3A_499 : i32 to vector<16xi32>
        %parallel_loop3A_590 = arith.addi %mul3A_427, %parallel_loop3A_589 : vector<16xi32>
        %parallel_loop3A_591 = arith.constant 1 : i32
        %parallel_loop3A_592 = arith.constant 0 : i32
        %parallel_loop3A_593 = arith.constant 0 : i32
        %parallel_loop3A_594 = tpu.memref_slice %arg8[%parallel_loop3A_591, %parallel_loop3A_592, %parallel_loop3A_593] : memref<2x128x128xf32, #tpu.memory_space<vmem>> -> memref<1x128x128xf32, #tpu.memory_space<vmem>>
        %parallel_loop3A_595 = tpu.memref_squeeze %parallel_loop3A_594 : memref<1x128x128xf32, #tpu.memory_space<vmem>> -> memref<128x128xf32, #tpu.memory_space<vmem>>
        %parallel_loop3A_596 = tpu.vector_load_idx %parallel_loop3A_595[%add3A_463, %parallel_loop3A_590] : memref<128x128xf32, #tpu.memory_space<vmem>>[vector<16xi32>, vector<16xi32>], vector<16xf32>,
        %parallel_loop3A_597 = arith.constant 8.000000e+00 : f32
        %parallel_loop3A_598 = vector.broadcast %parallel_loop3A_597 : f32 to vector<16xf32>
        %parallel_loop3A_599 = arith.mulf %parallel_loop3A_596, %parallel_loop3A_598 : vector<16xf32>
        %parallel_loop3A_600 = arith.addf %parallel_loop3A_599, %parallel_loop3A_503 : vector<16xf32>
        %parallel_loop3A_601 = arith.constant 1 : i32
        %parallel_loop3A_602 = arith.index_cast %parallel_loop3A_601 : i32 to index
        %parallel_loop3A_603 = arith.index_cast %parallel_loop3A_499 : i32 to index
        %parallel_loop3A_604 = arith.constant 80 : index
        %parallel_loop3A_605 = tpu.vector_load %arg9[%parallel_loop3A_602, %parallel_loop3A_603, %parallel_loop3A_604] {strides = array<i32>} : memref<2x64x129xf32, #tpu.memory_space<vmem>>, vector<16xf32>,
        tpu.vector_store %arg9[%parallel_loop3A_602, %parallel_loop3A_603, %parallel_loop3A_604], %parallel_loop3A_600 {strides = array<i32>} : memref<2x64x129xf32, #tpu.memory_space<vmem>>, vector<16xf32>,
        %parallel_loop3A_606 = vector.broadcast %parallel_loop3A_499 : i32 to vector<16xi32>
        %parallel_loop3A_607 = arith.addi %mul3A_436, %parallel_loop3A_606 : vector<16xi32>
        %parallel_loop3A_608 = arith.constant 1 : i32
        %parallel_loop3A_609 = arith.constant 0 : i32
        %parallel_loop3A_610 = arith.constant 0 : i32
        %parallel_loop3A_611 = tpu.memref_slice %arg8[%parallel_loop3A_608, %parallel_loop3A_609, %parallel_loop3A_610] : memref<2x128x128xf32, #tpu.memory_space<vmem>> -> memref<1x128x128xf32, #tpu.memory_space<vmem>>
        %parallel_loop3A_612 = tpu.memref_squeeze %parallel_loop3A_611 : memref<1x128x128xf32, #tpu.memory_space<vmem>> -> memref<128x128xf32, #tpu.memory_space<vmem>>
        %parallel_loop3A_613 = tpu.vector_load_idx %parallel_loop3A_612[%add3A_466, %parallel_loop3A_607] : memref<128x128xf32, #tpu.memory_space<vmem>>[vector<16xi32>, vector<16xi32>], vector<16xf32>,
        %parallel_loop3A_614 = arith.constant 8.000000e+00 : f32
        %parallel_loop3A_615 = vector.broadcast %parallel_loop3A_614 : f32 to vector<16xf32>
        %parallel_loop3A_616 = arith.mulf %parallel_loop3A_613, %parallel_loop3A_615 : vector<16xf32>
        %parallel_loop3A_617 = arith.addf %parallel_loop3A_616, %parallel_loop3A_503 : vector<16xf32>
        %parallel_loop3A_618 = arith.constant 1 : i32
        %parallel_loop3A_619 = arith.index_cast %parallel_loop3A_618 : i32 to index
        %parallel_loop3A_620 = arith.index_cast %parallel_loop3A_499 : i32 to index
        %parallel_loop3A_621 = arith.constant 96 : index
        %parallel_loop3A_622 = tpu.vector_load %arg9[%parallel_loop3A_619, %parallel_loop3A_620, %parallel_loop3A_621] {strides = array<i32>} : memref<2x64x129xf32, #tpu.memory_space<vmem>>, vector<16xf32>,
        tpu.vector_store %arg9[%parallel_loop3A_619, %parallel_loop3A_620, %parallel_loop3A_621], %parallel_loop3A_617 {strides = array<i32>} : memref<2x64x129xf32, #tpu.memory_space<vmem>>, vector<16xf32>,
        %parallel_loop3A_623 = vector.broadcast %parallel_loop3A_499 : i32 to vector<16xi32>
        %parallel_loop3A_624 = arith.addi %mul3A_445, %parallel_loop3A_623 : vector<16xi32>
        %parallel_loop3A_625 = arith.constant 1 : i32
        %parallel_loop3A_626 = arith.constant 0 : i32
        %parallel_loop3A_627 = arith.constant 0 : i32
        %parallel_loop3A_628 = tpu.memref_slice %arg8[%parallel_loop3A_625, %parallel_loop3A_626, %parallel_loop3A_627] : memref<2x128x128xf32, #tpu.memory_space<vmem>> -> memref<1x128x128xf32, #tpu.memory_space<vmem>>
        %parallel_loop3A_629 = tpu.memref_squeeze %parallel_loop3A_628 : memref<1x128x128xf32, #tpu.memory_space<vmem>> -> memref<128x128xf32, #tpu.memory_space<vmem>>
        %parallel_loop3A_630 = tpu.vector_load_idx %parallel_loop3A_629[%add3A_469, %parallel_loop3A_624] : memref<128x128xf32, #tpu.memory_space<vmem>>[vector<16xi32>, vector<16xi32>], vector<16xf32>,
        %parallel_loop3A_631 = arith.constant 8.000000e+00 : f32
        %parallel_loop3A_632 = vector.broadcast %parallel_loop3A_631 : f32 to vector<16xf32>
        %parallel_loop3A_633 = arith.mulf %parallel_loop3A_630, %parallel_loop3A_632 : vector<16xf32>
        %parallel_loop3A_634 = arith.addf %parallel_loop3A_633, %parallel_loop3A_503 : vector<16xf32>
        %parallel_loop3A_635 = arith.constant 1 : i32
        %parallel_loop3A_636 = arith.index_cast %parallel_loop3A_635 : i32 to index
        %parallel_loop3A_637 = arith.index_cast %parallel_loop3A_499 : i32 to index
        %parallel_loop3A_638 = arith.constant 112 : index
        %parallel_loop3A_639 = tpu.vector_load %arg9[%parallel_loop3A_636, %parallel_loop3A_637, %parallel_loop3A_638] {strides = array<i32>} : memref<2x64x129xf32, #tpu.memory_space<vmem>>, vector<16xf32>,
        tpu.vector_store %arg9[%parallel_loop3A_636, %parallel_loop3A_637, %parallel_loop3A_638], %parallel_loop3A_634 {strides = array<i32>} : memref<2x64x129xf32, #tpu.memory_space<vmem>>, vector<16xf32>,
      } {sc.loop_unroll_factor = 1 : i64, sc.parallel_access}
      %parallel_loop3A_476 = arith.constant 0 : i32
      %parallel_loop3A_477 = arith.constant 16 : i32
      %parallel_loop3A_478 = arith.constant 1 : i32
      scf.for %parallel_loop3A_497 = %parallel_loop3A_476 to %parallel_loop3A_477 step %parallel_loop3A_478  : i32 {
        %parallel_loop3A_498 = arith.constant 32 : i32
        %parallel_loop3A_499 = arith.addi %parallel_loop3A_498, %parallel_loop3A_497 : i32
        %parallel_loop3A_500 = vector.broadcast %parallel_loop3A_497 : i32 to vector<16xi32>
        %parallel_loop3A_501 = vector.shape_cast %parallel_loop3A_500 : vector<16xi32> to vector<16x1xi32>
        %parallel_loop3A_502 = vector.shape_cast %parallel_loop3A_501 : vector<16x1xi32> to vector<16xi32>
        %parallel_loop3A_503 = tpu.dynamic_gather %get3A_370[%parallel_loop3A_502] in [0] : vector<16xf32>, vector<16xi32> -> vector<16xf32>
        %parallel_loop3A_504 = vector.broadcast %parallel_loop3A_499 : i32 to vector<16xi32>
        %parallel_loop3A_505 = arith.addi %mul3A_382, %parallel_loop3A_504 : vector<16xi32>
        %parallel_loop3A_506 = arith.constant 1 : i32
        %parallel_loop3A_507 = arith.constant 0 : i32
        %parallel_loop3A_508 = arith.constant 0 : i32
        %parallel_loop3A_509 = tpu.memref_slice %arg8[%parallel_loop3A_506, %parallel_loop3A_507, %parallel_loop3A_508] : memref<2x128x128xf32, #tpu.memory_space<vmem>> -> memref<1x128x128xf32, #tpu.memory_space<vmem>>
        %parallel_loop3A_510 = tpu.memref_squeeze %parallel_loop3A_509 : memref<1x128x128xf32, #tpu.memory_space<vmem>> -> memref<128x128xf32, #tpu.memory_space<vmem>>
        %parallel_loop3A_511 = tpu.vector_load_idx %parallel_loop3A_510[%add3A_448, %parallel_loop3A_505] : memref<128x128xf32, #tpu.memory_space<vmem>>[vector<16xi32>, vector<16xi32>], vector<16xf32>,
        %parallel_loop3A_512 = arith.constant 8.000000e+00 : f32
        %parallel_loop3A_513 = vector.broadcast %parallel_loop3A_512 : f32 to vector<16xf32>
        %parallel_loop3A_514 = arith.mulf %parallel_loop3A_511, %parallel_loop3A_513 : vector<16xf32>
        %parallel_loop3A_515 = arith.addf %parallel_loop3A_514, %parallel_loop3A_503 : vector<16xf32>
        %parallel_loop3A_516 = arith.constant 1 : i32
        %parallel_loop3A_517 = arith.index_cast %parallel_loop3A_516 : i32 to index
        %parallel_loop3A_518 = arith.index_cast %parallel_loop3A_499 : i32 to index
        %parallel_loop3A_519 = arith.constant 0 : index
        %parallel_loop3A_520 = tpu.vector_load %arg9[%parallel_loop3A_517, %parallel_loop3A_518, %parallel_loop3A_519] {strides = array<i32>} : memref<2x64x129xf32, #tpu.memory_space<vmem>>, vector<16xf32>,
        tpu.vector_store %arg9[%parallel_loop3A_517, %parallel_loop3A_518, %parallel_loop3A_519], %parallel_loop3A_515 {strides = array<i32>} : memref<2x64x129xf32, #tpu.memory_space<vmem>>, vector<16xf32>,
        %parallel_loop3A_521 = vector.broadcast %parallel_loop3A_499 : i32 to vector<16xi32>
        %parallel_loop3A_522 = arith.addi %mul3A_391, %parallel_loop3A_521 : vector<16xi32>
        %parallel_loop3A_523 = arith.constant 1 : i32
        %parallel_loop3A_524 = arith.constant 0 : i32
        %parallel_loop3A_525 = arith.constant 0 : i32
        %parallel_loop3A_526 = tpu.memref_slice %arg8[%parallel_loop3A_523, %parallel_loop3A_524, %parallel_loop3A_525] : memref<2x128x128xf32, #tpu.memory_space<vmem>> -> memref<1x128x128xf32, #tpu.memory_space<vmem>>
        %parallel_loop3A_527 = tpu.memref_squeeze %parallel_loop3A_526 : memref<1x128x128xf32, #tpu.memory_space<vmem>> -> memref<128x128xf32, #tpu.memory_space<vmem>>
        %parallel_loop3A_528 = tpu.vector_load_idx %parallel_loop3A_527[%add3A_451, %parallel_loop3A_522] : memref<128x128xf32, #tpu.memory_space<vmem>>[vector<16xi32>, vector<16xi32>], vector<16xf32>,
        %parallel_loop3A_529 = arith.constant 8.000000e+00 : f32
        %parallel_loop3A_530 = vector.broadcast %parallel_loop3A_529 : f32 to vector<16xf32>
        %parallel_loop3A_531 = arith.mulf %parallel_loop3A_528, %parallel_loop3A_530 : vector<16xf32>
        %parallel_loop3A_532 = arith.addf %parallel_loop3A_531, %parallel_loop3A_503 : vector<16xf32>
        %parallel_loop3A_533 = arith.constant 1 : i32
        %parallel_loop3A_534 = arith.index_cast %parallel_loop3A_533 : i32 to index
        %parallel_loop3A_535 = arith.index_cast %parallel_loop3A_499 : i32 to index
        %parallel_loop3A_536 = arith.constant 16 : index
        %parallel_loop3A_537 = tpu.vector_load %arg9[%parallel_loop3A_534, %parallel_loop3A_535, %parallel_loop3A_536] {strides = array<i32>} : memref<2x64x129xf32, #tpu.memory_space<vmem>>, vector<16xf32>,
        tpu.vector_store %arg9[%parallel_loop3A_534, %parallel_loop3A_535, %parallel_loop3A_536], %parallel_loop3A_532 {strides = array<i32>} : memref<2x64x129xf32, #tpu.memory_space<vmem>>, vector<16xf32>,
        %parallel_loop3A_538 = vector.broadcast %parallel_loop3A_499 : i32 to vector<16xi32>
        %parallel_loop3A_539 = arith.addi %mul3A_400, %parallel_loop3A_538 : vector<16xi32>
        %parallel_loop3A_540 = arith.constant 1 : i32
        %parallel_loop3A_541 = arith.constant 0 : i32
        %parallel_loop3A_542 = arith.constant 0 : i32
        %parallel_loop3A_543 = tpu.memref_slice %arg8[%parallel_loop3A_540, %parallel_loop3A_541, %parallel_loop3A_542] : memref<2x128x128xf32, #tpu.memory_space<vmem>> -> memref<1x128x128xf32, #tpu.memory_space<vmem>>
        %parallel_loop3A_544 = tpu.memref_squeeze %parallel_loop3A_543 : memref<1x128x128xf32, #tpu.memory_space<vmem>> -> memref<128x128xf32, #tpu.memory_space<vmem>>
        %parallel_loop3A_545 = tpu.vector_load_idx %parallel_loop3A_544[%add3A_454, %parallel_loop3A_539] : memref<128x128xf32, #tpu.memory_space<vmem>>[vector<16xi32>, vector<16xi32>], vector<16xf32>,
        %parallel_loop3A_546 = arith.constant 8.000000e+00 : f32
        %parallel_loop3A_547 = vector.broadcast %parallel_loop3A_546 : f32 to vector<16xf32>
        %parallel_loop3A_548 = arith.mulf %parallel_loop3A_545, %parallel_loop3A_547 : vector<16xf32>
        %parallel_loop3A_549 = arith.addf %parallel_loop3A_548, %parallel_loop3A_503 : vector<16xf32>
        %parallel_loop3A_550 = arith.constant 1 : i32
        %parallel_loop3A_551 = arith.index_cast %parallel_loop3A_550 : i32 to index
        %parallel_loop3A_552 = arith.index_cast %parallel_loop3A_499 : i32 to index
        %parallel_loop3A_553 = arith.constant 32 : index
        %parallel_loop3A_554 = tpu.vector_load %arg9[%parallel_loop3A_551, %parallel_loop3A_552, %parallel_loop3A_553] {strides = array<i32>} : memref<2x64x129xf32, #tpu.memory_space<vmem>>, vector<16xf32>,
        tpu.vector_store %arg9[%parallel_loop3A_551, %parallel_loop3A_552, %parallel_loop3A_553], %parallel_loop3A_549 {strides = array<i32>} : memref<2x64x129xf32, #tpu.memory_space<vmem>>, vector<16xf32>,
        %parallel_loop3A_555 = vector.broadcast %parallel_loop3A_499 : i32 to vector<16xi32>
        %parallel_loop3A_556 = arith.addi %mul3A_409, %parallel_loop3A_555 : vector<16xi32>
        %parallel_loop3A_557 = arith.constant 1 : i32
        %parallel_loop3A_558 = arith.constant 0 : i32
        %parallel_loop3A_559 = arith.constant 0 : i32
        %parallel_loop3A_560 = tpu.memref_slice %arg8[%parallel_loop3A_557, %parallel_loop3A_558, %parallel_loop3A_559] : memref<2x128x128xf32, #tpu.memory_space<vmem>> -> memref<1x128x128xf32, #tpu.memory_space<vmem>>
        %parallel_loop3A_561 = tpu.memref_squeeze %parallel_loop3A_560 : memref<1x128x128xf32, #tpu.memory_space<vmem>> -> memref<128x128xf32, #tpu.memory_space<vmem>>
        %parallel_loop3A_562 = tpu.vector_load_idx %parallel_loop3A_561[%add3A_457, %parallel_loop3A_556] : memref<128x128xf32, #tpu.memory_space<vmem>>[vector<16xi32>, vector<16xi32>], vector<16xf32>,
        %parallel_loop3A_563 = arith.constant 8.000000e+00 : f32
        %parallel_loop3A_564 = vector.broadcast %parallel_loop3A_563 : f32 to vector<16xf32>
        %parallel_loop3A_565 = arith.mulf %parallel_loop3A_562, %parallel_loop3A_564 : vector<16xf32>
        %parallel_loop3A_566 = arith.addf %parallel_loop3A_565, %parallel_loop3A_503 : vector<16xf32>
        %parallel_loop3A_567 = arith.constant 1 : i32
        %parallel_loop3A_568 = arith.index_cast %parallel_loop3A_567 : i32 to index
        %parallel_loop3A_569 = arith.index_cast %parallel_loop3A_499 : i32 to index
        %parallel_loop3A_570 = arith.constant 48 : index
        %parallel_loop3A_571 = tpu.vector_load %arg9[%parallel_loop3A_568, %parallel_loop3A_569, %parallel_loop3A_570] {strides = array<i32>} : memref<2x64x129xf32, #tpu.memory_space<vmem>>, vector<16xf32>,
        tpu.vector_store %arg9[%parallel_loop3A_568, %parallel_loop3A_569, %parallel_loop3A_570], %parallel_loop3A_566 {strides = array<i32>} : memref<2x64x129xf32, #tpu.memory_space<vmem>>, vector<16xf32>,
        %parallel_loop3A_572 = vector.broadcast %parallel_loop3A_499 : i32 to vector<16xi32>
        %parallel_loop3A_573 = arith.addi %mul3A_418, %parallel_loop3A_572 : vector<16xi32>
        %parallel_loop3A_574 = arith.constant 1 : i32
        %parallel_loop3A_575 = arith.constant 0 : i32
        %parallel_loop3A_576 = arith.constant 0 : i32
        %parallel_loop3A_577 = tpu.memref_slice %arg8[%parallel_loop3A_574, %parallel_loop3A_575, %parallel_loop3A_576] : memref<2x128x128xf32, #tpu.memory_space<vmem>> -> memref<1x128x128xf32, #tpu.memory_space<vmem>>
        %parallel_loop3A_578 = tpu.memref_squeeze %parallel_loop3A_577 : memref<1x128x128xf32, #tpu.memory_space<vmem>> -> memref<128x128xf32, #tpu.memory_space<vmem>>
        %parallel_loop3A_579 = tpu.vector_load_idx %parallel_loop3A_578[%add3A_460, %parallel_loop3A_573] : memref<128x128xf32, #tpu.memory_space<vmem>>[vector<16xi32>, vector<16xi32>], vector<16xf32>,
        %parallel_loop3A_580 = arith.constant 8.000000e+00 : f32
        %parallel_loop3A_581 = vector.broadcast %parallel_loop3A_580 : f32 to vector<16xf32>
        %parallel_loop3A_582 = arith.mulf %parallel_loop3A_579, %parallel_loop3A_581 : vector<16xf32>
        %parallel_loop3A_583 = arith.addf %parallel_loop3A_582, %parallel_loop3A_503 : vector<16xf32>
        %parallel_loop3A_584 = arith.constant 1 : i32
        %parallel_loop3A_585 = arith.index_cast %parallel_loop3A_584 : i32 to index
        %parallel_loop3A_586 = arith.index_cast %parallel_loop3A_499 : i32 to index
        %parallel_loop3A_587 = arith.constant 64 : index
        %parallel_loop3A_588 = tpu.vector_load %arg9[%parallel_loop3A_585, %parallel_loop3A_586, %parallel_loop3A_587] {strides = array<i32>} : memref<2x64x129xf32, #tpu.memory_space<vmem>>, vector<16xf32>,
        tpu.vector_store %arg9[%parallel_loop3A_585, %parallel_loop3A_586, %parallel_loop3A_587], %parallel_loop3A_583 {strides = array<i32>} : memref<2x64x129xf32, #tpu.memory_space<vmem>>, vector<16xf32>,
        %parallel_loop3A_589 = vector.broadcast %parallel_loop3A_499 : i32 to vector<16xi32>
        %parallel_loop3A_590 = arith.addi %mul3A_427, %parallel_loop3A_589 : vector<16xi32>
        %parallel_loop3A_591 = arith.constant 1 : i32
        %parallel_loop3A_592 = arith.constant 0 : i32
        %parallel_loop3A_593 = arith.constant 0 : i32
        %parallel_loop3A_594 = tpu.memref_slice %arg8[%parallel_loop3A_591, %parallel_loop3A_592, %parallel_loop3A_593] : memref<2x128x128xf32, #tpu.memory_space<vmem>> -> memref<1x128x128xf32, #tpu.memory_space<vmem>>
        %parallel_loop3A_595 = tpu.memref_squeeze %parallel_loop3A_594 : memref<1x128x128xf32, #tpu.memory_space<vmem>> -> memref<128x128xf32, #tpu.memory_space<vmem>>
        %parallel_loop3A_596 = tpu.vector_load_idx %parallel_loop3A_595[%add3A_463, %parallel_loop3A_590] : memref<128x128xf32, #tpu.memory_space<vmem>>[vector<16xi32>, vector<16xi32>], vector<16xf32>,
        %parallel_loop3A_597 = arith.constant 8.000000e+00 : f32
        %parallel_loop3A_598 = vector.broadcast %parallel_loop3A_597 : f32 to vector<16xf32>
        %parallel_loop3A_599 = arith.mulf %parallel_loop3A_596, %parallel_loop3A_598 : vector<16xf32>
        %parallel_loop3A_600 = arith.addf %parallel_loop3A_599, %parallel_loop3A_503 : vector<16xf32>
        %parallel_loop3A_601 = arith.constant 1 : i32
        %parallel_loop3A_602 = arith.index_cast %parallel_loop3A_601 : i32 to index
        %parallel_loop3A_603 = arith.index_cast %parallel_loop3A_499 : i32 to index
        %parallel_loop3A_604 = arith.constant 80 : index
        %parallel_loop3A_605 = tpu.vector_load %arg9[%parallel_loop3A_602, %parallel_loop3A_603, %parallel_loop3A_604] {strides = array<i32>} : memref<2x64x129xf32, #tpu.memory_space<vmem>>, vector<16xf32>,
        tpu.vector_store %arg9[%parallel_loop3A_602, %parallel_loop3A_603, %parallel_loop3A_604], %parallel_loop3A_600 {strides = array<i32>} : memref<2x64x129xf32, #tpu.memory_space<vmem>>, vector<16xf32>,
        %parallel_loop3A_606 = vector.broadcast %parallel_loop3A_499 : i32 to vector<16xi32>
        %parallel_loop3A_607 = arith.addi %mul3A_436, %parallel_loop3A_606 : vector<16xi32>
        %parallel_loop3A_608 = arith.constant 1 : i32
        %parallel_loop3A_609 = arith.constant 0 : i32
        %parallel_loop3A_610 = arith.constant 0 : i32
        %parallel_loop3A_611 = tpu.memref_slice %arg8[%parallel_loop3A_608, %parallel_loop3A_609, %parallel_loop3A_610] : memref<2x128x128xf32, #tpu.memory_space<vmem>> -> memref<1x128x128xf32, #tpu.memory_space<vmem>>
        %parallel_loop3A_612 = tpu.memref_squeeze %parallel_loop3A_611 : memref<1x128x128xf32, #tpu.memory_space<vmem>> -> memref<128x128xf32, #tpu.memory_space<vmem>>
        %parallel_loop3A_613 = tpu.vector_load_idx %parallel_loop3A_612[%add3A_466, %parallel_loop3A_607] : memref<128x128xf32, #tpu.memory_space<vmem>>[vector<16xi32>, vector<16xi32>], vector<16xf32>,
        %parallel_loop3A_614 = arith.constant 8.000000e+00 : f32
        %parallel_loop3A_615 = vector.broadcast %parallel_loop3A_614 : f32 to vector<16xf32>
        %parallel_loop3A_616 = arith.mulf %parallel_loop3A_613, %parallel_loop3A_615 : vector<16xf32>
        %parallel_loop3A_617 = arith.addf %parallel_loop3A_616, %parallel_loop3A_503 : vector<16xf32>
        %parallel_loop3A_618 = arith.constant 1 : i32
        %parallel_loop3A_619 = arith.index_cast %parallel_loop3A_618 : i32 to index
        %parallel_loop3A_620 = arith.index_cast %parallel_loop3A_499 : i32 to index
        %parallel_loop3A_621 = arith.constant 96 : index
        %parallel_loop3A_622 = tpu.vector_load %arg9[%parallel_loop3A_619, %parallel_loop3A_620, %parallel_loop3A_621] {strides = array<i32>} : memref<2x64x129xf32, #tpu.memory_space<vmem>>, vector<16xf32>,
        tpu.vector_store %arg9[%parallel_loop3A_619, %parallel_loop3A_620, %parallel_loop3A_621], %parallel_loop3A_617 {strides = array<i32>} : memref<2x64x129xf32, #tpu.memory_space<vmem>>, vector<16xf32>,
        %parallel_loop3A_623 = vector.broadcast %parallel_loop3A_499 : i32 to vector<16xi32>
        %parallel_loop3A_624 = arith.addi %mul3A_445, %parallel_loop3A_623 : vector<16xi32>
        %parallel_loop3A_625 = arith.constant 1 : i32
        %parallel_loop3A_626 = arith.constant 0 : i32
        %parallel_loop3A_627 = arith.constant 0 : i32
        %parallel_loop3A_628 = tpu.memref_slice %arg8[%parallel_loop3A_625, %parallel_loop3A_626, %parallel_loop3A_627] : memref<2x128x128xf32, #tpu.memory_space<vmem>> -> memref<1x128x128xf32, #tpu.memory_space<vmem>>
        %parallel_loop3A_629 = tpu.memref_squeeze %parallel_loop3A_628 : memref<1x128x128xf32, #tpu.memory_space<vmem>> -> memref<128x128xf32, #tpu.memory_space<vmem>>
        %parallel_loop3A_630 = tpu.vector_load_idx %parallel_loop3A_629[%add3A_469, %parallel_loop3A_624] : memref<128x128xf32, #tpu.memory_space<vmem>>[vector<16xi32>, vector<16xi32>], vector<16xf32>,
        %parallel_loop3A_631 = arith.constant 8.000000e+00 : f32
        %parallel_loop3A_632 = vector.broadcast %parallel_loop3A_631 : f32 to vector<16xf32>
        %parallel_loop3A_633 = arith.mulf %parallel_loop3A_630, %parallel_loop3A_632 : vector<16xf32>
        %parallel_loop3A_634 = arith.addf %parallel_loop3A_633, %parallel_loop3A_503 : vector<16xf32>
        %parallel_loop3A_635 = arith.constant 1 : i32
        %parallel_loop3A_636 = arith.index_cast %parallel_loop3A_635 : i32 to index
        %parallel_loop3A_637 = arith.index_cast %parallel_loop3A_499 : i32 to index
        %parallel_loop3A_638 = arith.constant 112 : index
        %parallel_loop3A_639 = tpu.vector_load %arg9[%parallel_loop3A_636, %parallel_loop3A_637, %parallel_loop3A_638] {strides = array<i32>} : memref<2x64x129xf32, #tpu.memory_space<vmem>>, vector<16xf32>,
        tpu.vector_store %arg9[%parallel_loop3A_636, %parallel_loop3A_637, %parallel_loop3A_638], %parallel_loop3A_634 {strides = array<i32>} : memref<2x64x129xf32, #tpu.memory_space<vmem>>, vector<16xf32>,
      } {sc.loop_unroll_factor = 1 : i64, sc.parallel_access}
      %parallel_loop3A_479 = arith.constant 0 : i32
      %parallel_loop3A_480 = arith.constant 16 : i32
      %parallel_loop3A_481 = arith.constant 1 : i32
      scf.for %parallel_loop3A_497 = %parallel_loop3A_479 to %parallel_loop3A_480 step %parallel_loop3A_481  : i32 {
        %parallel_loop3A_498 = arith.constant 48 : i32
        %parallel_loop3A_499 = arith.addi %parallel_loop3A_498, %parallel_loop3A_497 : i32
        %parallel_loop3A_500 = vector.broadcast %parallel_loop3A_497 : i32 to vector<16xi32>
        %parallel_loop3A_501 = vector.shape_cast %parallel_loop3A_500 : vector<16xi32> to vector<16x1xi32>
        %parallel_loop3A_502 = vector.shape_cast %parallel_loop3A_501 : vector<16x1xi32> to vector<16xi32>
        %parallel_loop3A_503 = tpu.dynamic_gather %get3A_373[%parallel_loop3A_502] in [0] : vector<16xf32>, vector<16xi32> -> vector<16xf32>
        %parallel_loop3A_504 = vector.broadcast %parallel_loop3A_499 : i32 to vector<16xi32>
        %parallel_loop3A_505 = arith.addi %mul3A_382, %parallel_loop3A_504 : vector<16xi32>
        %parallel_loop3A_506 = arith.constant 1 : i32
        %parallel_loop3A_507 = arith.constant 0 : i32
        %parallel_loop3A_508 = arith.constant 0 : i32
        %parallel_loop3A_509 = tpu.memref_slice %arg8[%parallel_loop3A_506, %parallel_loop3A_507, %parallel_loop3A_508] : memref<2x128x128xf32, #tpu.memory_space<vmem>> -> memref<1x128x128xf32, #tpu.memory_space<vmem>>
        %parallel_loop3A_510 = tpu.memref_squeeze %parallel_loop3A_509 : memref<1x128x128xf32, #tpu.memory_space<vmem>> -> memref<128x128xf32, #tpu.memory_space<vmem>>
        %parallel_loop3A_511 = tpu.vector_load_idx %parallel_loop3A_510[%add3A_448, %parallel_loop3A_505] : memref<128x128xf32, #tpu.memory_space<vmem>>[vector<16xi32>, vector<16xi32>], vector<16xf32>,
        %parallel_loop3A_512 = arith.constant 8.000000e+00 : f32
        %parallel_loop3A_513 = vector.broadcast %parallel_loop3A_512 : f32 to vector<16xf32>
        %parallel_loop3A_514 = arith.mulf %parallel_loop3A_511, %parallel_loop3A_513 : vector<16xf32>
        %parallel_loop3A_515 = arith.addf %parallel_loop3A_514, %parallel_loop3A_503 : vector<16xf32>
        %parallel_loop3A_516 = arith.constant 1 : i32
        %parallel_loop3A_517 = arith.index_cast %parallel_loop3A_516 : i32 to index
        %parallel_loop3A_518 = arith.index_cast %parallel_loop3A_499 : i32 to index
        %parallel_loop3A_519 = arith.constant 0 : index
        %parallel_loop3A_520 = tpu.vector_load %arg9[%parallel_loop3A_517, %parallel_loop3A_518, %parallel_loop3A_519] {strides = array<i32>} : memref<2x64x129xf32, #tpu.memory_space<vmem>>, vector<16xf32>,
        tpu.vector_store %arg9[%parallel_loop3A_517, %parallel_loop3A_518, %parallel_loop3A_519], %parallel_loop3A_515 {strides = array<i32>} : memref<2x64x129xf32, #tpu.memory_space<vmem>>, vector<16xf32>,
        %parallel_loop3A_521 = vector.broadcast %parallel_loop3A_499 : i32 to vector<16xi32>
        %parallel_loop3A_522 = arith.addi %mul3A_391, %parallel_loop3A_521 : vector<16xi32>
        %parallel_loop3A_523 = arith.constant 1 : i32
        %parallel_loop3A_524 = arith.constant 0 : i32
        %parallel_loop3A_525 = arith.constant 0 : i32
        %parallel_loop3A_526 = tpu.memref_slice %arg8[%parallel_loop3A_523, %parallel_loop3A_524, %parallel_loop3A_525] : memref<2x128x128xf32, #tpu.memory_space<vmem>> -> memref<1x128x128xf32, #tpu.memory_space<vmem>>
        %parallel_loop3A_527 = tpu.memref_squeeze %parallel_loop3A_526 : memref<1x128x128xf32, #tpu.memory_space<vmem>> -> memref<128x128xf32, #tpu.memory_space<vmem>>
        %parallel_loop3A_528 = tpu.vector_load_idx %parallel_loop3A_527[%add3A_451, %parallel_loop3A_522] : memref<128x128xf32, #tpu.memory_space<vmem>>[vector<16xi32>, vector<16xi32>], vector<16xf32>,
        %parallel_loop3A_529 = arith.constant 8.000000e+00 : f32
        %parallel_loop3A_530 = vector.broadcast %parallel_loop3A_529 : f32 to vector<16xf32>
        %parallel_loop3A_531 = arith.mulf %parallel_loop3A_528, %parallel_loop3A_530 : vector<16xf32>
        %parallel_loop3A_532 = arith.addf %parallel_loop3A_531, %parallel_loop3A_503 : vector<16xf32>
        %parallel_loop3A_533 = arith.constant 1 : i32
        %parallel_loop3A_534 = arith.index_cast %parallel_loop3A_533 : i32 to index
        %parallel_loop3A_535 = arith.index_cast %parallel_loop3A_499 : i32 to index
        %parallel_loop3A_536 = arith.constant 16 : index
        %parallel_loop3A_537 = tpu.vector_load %arg9[%parallel_loop3A_534, %parallel_loop3A_535, %parallel_loop3A_536] {strides = array<i32>} : memref<2x64x129xf32, #tpu.memory_space<vmem>>, vector<16xf32>,
        tpu.vector_store %arg9[%parallel_loop3A_534, %parallel_loop3A_535, %parallel_loop3A_536], %parallel_loop3A_532 {strides = array<i32>} : memref<2x64x129xf32, #tpu.memory_space<vmem>>, vector<16xf32>,
        %parallel_loop3A_538 = vector.broadcast %parallel_loop3A_499 : i32 to vector<16xi32>
        %parallel_loop3A_539 = arith.addi %mul3A_400, %parallel_loop3A_538 : vector<16xi32>
        %parallel_loop3A_540 = arith.constant 1 : i32
        %parallel_loop3A_541 = arith.constant 0 : i32
        %parallel_loop3A_542 = arith.constant 0 : i32
        %parallel_loop3A_543 = tpu.memref_slice %arg8[%parallel_loop3A_540, %parallel_loop3A_541, %parallel_loop3A_542] : memref<2x128x128xf32, #tpu.memory_space<vmem>> -> memref<1x128x128xf32, #tpu.memory_space<vmem>>
        %parallel_loop3A_544 = tpu.memref_squeeze %parallel_loop3A_543 : memref<1x128x128xf32, #tpu.memory_space<vmem>> -> memref<128x128xf32, #tpu.memory_space<vmem>>
        %parallel_loop3A_545 = tpu.vector_load_idx %parallel_loop3A_544[%add3A_454, %parallel_loop3A_539] : memref<128x128xf32, #tpu.memory_space<vmem>>[vector<16xi32>, vector<16xi32>], vector<16xf32>,
        %parallel_loop3A_546 = arith.constant 8.000000e+00 : f32
        %parallel_loop3A_547 = vector.broadcast %parallel_loop3A_546 : f32 to vector<16xf32>
        %parallel_loop3A_548 = arith.mulf %parallel_loop3A_545, %parallel_loop3A_547 : vector<16xf32>
        %parallel_loop3A_549 = arith.addf %parallel_loop3A_548, %parallel_loop3A_503 : vector<16xf32>
        %parallel_loop3A_550 = arith.constant 1 : i32
        %parallel_loop3A_551 = arith.index_cast %parallel_loop3A_550 : i32 to index
        %parallel_loop3A_552 = arith.index_cast %parallel_loop3A_499 : i32 to index
        %parallel_loop3A_553 = arith.constant 32 : index
        %parallel_loop3A_554 = tpu.vector_load %arg9[%parallel_loop3A_551, %parallel_loop3A_552, %parallel_loop3A_553] {strides = array<i32>} : memref<2x64x129xf32, #tpu.memory_space<vmem>>, vector<16xf32>,
        tpu.vector_store %arg9[%parallel_loop3A_551, %parallel_loop3A_552, %parallel_loop3A_553], %parallel_loop3A_549 {strides = array<i32>} : memref<2x64x129xf32, #tpu.memory_space<vmem>>, vector<16xf32>,
        %parallel_loop3A_555 = vector.broadcast %parallel_loop3A_499 : i32 to vector<16xi32>
        %parallel_loop3A_556 = arith.addi %mul3A_409, %parallel_loop3A_555 : vector<16xi32>
        %parallel_loop3A_557 = arith.constant 1 : i32
        %parallel_loop3A_558 = arith.constant 0 : i32
        %parallel_loop3A_559 = arith.constant 0 : i32
        %parallel_loop3A_560 = tpu.memref_slice %arg8[%parallel_loop3A_557, %parallel_loop3A_558, %parallel_loop3A_559] : memref<2x128x128xf32, #tpu.memory_space<vmem>> -> memref<1x128x128xf32, #tpu.memory_space<vmem>>
        %parallel_loop3A_561 = tpu.memref_squeeze %parallel_loop3A_560 : memref<1x128x128xf32, #tpu.memory_space<vmem>> -> memref<128x128xf32, #tpu.memory_space<vmem>>
        %parallel_loop3A_562 = tpu.vector_load_idx %parallel_loop3A_561[%add3A_457, %parallel_loop3A_556] : memref<128x128xf32, #tpu.memory_space<vmem>>[vector<16xi32>, vector<16xi32>], vector<16xf32>,
        %parallel_loop3A_563 = arith.constant 8.000000e+00 : f32
        %parallel_loop3A_564 = vector.broadcast %parallel_loop3A_563 : f32 to vector<16xf32>
        %parallel_loop3A_565 = arith.mulf %parallel_loop3A_562, %parallel_loop3A_564 : vector<16xf32>
        %parallel_loop3A_566 = arith.addf %parallel_loop3A_565, %parallel_loop3A_503 : vector<16xf32>
        %parallel_loop3A_567 = arith.constant 1 : i32
        %parallel_loop3A_568 = arith.index_cast %parallel_loop3A_567 : i32 to index
        %parallel_loop3A_569 = arith.index_cast %parallel_loop3A_499 : i32 to index
        %parallel_loop3A_570 = arith.constant 48 : index
        %parallel_loop3A_571 = tpu.vector_load %arg9[%parallel_loop3A_568, %parallel_loop3A_569, %parallel_loop3A_570] {strides = array<i32>} : memref<2x64x129xf32, #tpu.memory_space<vmem>>, vector<16xf32>,
        tpu.vector_store %arg9[%parallel_loop3A_568, %parallel_loop3A_569, %parallel_loop3A_570], %parallel_loop3A_566 {strides = array<i32>} : memref<2x64x129xf32, #tpu.memory_space<vmem>>, vector<16xf32>,
        %parallel_loop3A_572 = vector.broadcast %parallel_loop3A_499 : i32 to vector<16xi32>
        %parallel_loop3A_573 = arith.addi %mul3A_418, %parallel_loop3A_572 : vector<16xi32>
        %parallel_loop3A_574 = arith.constant 1 : i32
        %parallel_loop3A_575 = arith.constant 0 : i32
        %parallel_loop3A_576 = arith.constant 0 : i32
        %parallel_loop3A_577 = tpu.memref_slice %arg8[%parallel_loop3A_574, %parallel_loop3A_575, %parallel_loop3A_576] : memref<2x128x128xf32, #tpu.memory_space<vmem>> -> memref<1x128x128xf32, #tpu.memory_space<vmem>>
        %parallel_loop3A_578 = tpu.memref_squeeze %parallel_loop3A_577 : memref<1x128x128xf32, #tpu.memory_space<vmem>> -> memref<128x128xf32, #tpu.memory_space<vmem>>
        %parallel_loop3A_579 = tpu.vector_load_idx %parallel_loop3A_578[%add3A_460, %parallel_loop3A_573] : memref<128x128xf32, #tpu.memory_space<vmem>>[vector<16xi32>, vector<16xi32>], vector<16xf32>,
        %parallel_loop3A_580 = arith.constant 8.000000e+00 : f32
        %parallel_loop3A_581 = vector.broadcast %parallel_loop3A_580 : f32 to vector<16xf32>
        %parallel_loop3A_582 = arith.mulf %parallel_loop3A_579, %parallel_loop3A_581 : vector<16xf32>
        %parallel_loop3A_583 = arith.addf %parallel_loop3A_582, %parallel_loop3A_503 : vector<16xf32>
        %parallel_loop3A_584 = arith.constant 1 : i32
        %parallel_loop3A_585 = arith.index_cast %parallel_loop3A_584 : i32 to index
        %parallel_loop3A_586 = arith.index_cast %parallel_loop3A_499 : i32 to index
        %parallel_loop3A_587 = arith.constant 64 : index
        %parallel_loop3A_588 = tpu.vector_load %arg9[%parallel_loop3A_585, %parallel_loop3A_586, %parallel_loop3A_587] {strides = array<i32>} : memref<2x64x129xf32, #tpu.memory_space<vmem>>, vector<16xf32>,
        tpu.vector_store %arg9[%parallel_loop3A_585, %parallel_loop3A_586, %parallel_loop3A_587], %parallel_loop3A_583 {strides = array<i32>} : memref<2x64x129xf32, #tpu.memory_space<vmem>>, vector<16xf32>,
        %parallel_loop3A_589 = vector.broadcast %parallel_loop3A_499 : i32 to vector<16xi32>
        %parallel_loop3A_590 = arith.addi %mul3A_427, %parallel_loop3A_589 : vector<16xi32>
        %parallel_loop3A_591 = arith.constant 1 : i32
        %parallel_loop3A_592 = arith.constant 0 : i32
        %parallel_loop3A_593 = arith.constant 0 : i32
        %parallel_loop3A_594 = tpu.memref_slice %arg8[%parallel_loop3A_591, %parallel_loop3A_592, %parallel_loop3A_593] : memref<2x128x128xf32, #tpu.memory_space<vmem>> -> memref<1x128x128xf32, #tpu.memory_space<vmem>>
        %parallel_loop3A_595 = tpu.memref_squeeze %parallel_loop3A_594 : memref<1x128x128xf32, #tpu.memory_space<vmem>> -> memref<128x128xf32, #tpu.memory_space<vmem>>
        %parallel_loop3A_596 = tpu.vector_load_idx %parallel_loop3A_595[%add3A_463, %parallel_loop3A_590] : memref<128x128xf32, #tpu.memory_space<vmem>>[vector<16xi32>, vector<16xi32>], vector<16xf32>,
        %parallel_loop3A_597 = arith.constant 8.000000e+00 : f32
        %parallel_loop3A_598 = vector.broadcast %parallel_loop3A_597 : f32 to vector<16xf32>
        %parallel_loop3A_599 = arith.mulf %parallel_loop3A_596, %parallel_loop3A_598 : vector<16xf32>
        %parallel_loop3A_600 = arith.addf %parallel_loop3A_599, %parallel_loop3A_503 : vector<16xf32>
        %parallel_loop3A_601 = arith.constant 1 : i32
        %parallel_loop3A_602 = arith.index_cast %parallel_loop3A_601 : i32 to index
        %parallel_loop3A_603 = arith.index_cast %parallel_loop3A_499 : i32 to index
        %parallel_loop3A_604 = arith.constant 80 : index
        %parallel_loop3A_605 = tpu.vector_load %arg9[%parallel_loop3A_602, %parallel_loop3A_603, %parallel_loop3A_604] {strides = array<i32>} : memref<2x64x129xf32, #tpu.memory_space<vmem>>, vector<16xf32>,
        tpu.vector_store %arg9[%parallel_loop3A_602, %parallel_loop3A_603, %parallel_loop3A_604], %parallel_loop3A_600 {strides = array<i32>} : memref<2x64x129xf32, #tpu.memory_space<vmem>>, vector<16xf32>,
        %parallel_loop3A_606 = vector.broadcast %parallel_loop3A_499 : i32 to vector<16xi32>
        %parallel_loop3A_607 = arith.addi %mul3A_436, %parallel_loop3A_606 : vector<16xi32>
        %parallel_loop3A_608 = arith.constant 1 : i32
        %parallel_loop3A_609 = arith.constant 0 : i32
        %parallel_loop3A_610 = arith.constant 0 : i32
        %parallel_loop3A_611 = tpu.memref_slice %arg8[%parallel_loop3A_608, %parallel_loop3A_609, %parallel_loop3A_610] : memref<2x128x128xf32, #tpu.memory_space<vmem>> -> memref<1x128x128xf32, #tpu.memory_space<vmem>>
        %parallel_loop3A_612 = tpu.memref_squeeze %parallel_loop3A_611 : memref<1x128x128xf32, #tpu.memory_space<vmem>> -> memref<128x128xf32, #tpu.memory_space<vmem>>
        %parallel_loop3A_613 = tpu.vector_load_idx %parallel_loop3A_612[%add3A_466, %parallel_loop3A_607] : memref<128x128xf32, #tpu.memory_space<vmem>>[vector<16xi32>, vector<16xi32>], vector<16xf32>,
        %parallel_loop3A_614 = arith.constant 8.000000e+00 : f32
        %parallel_loop3A_615 = vector.broadcast %parallel_loop3A_614 : f32 to vector<16xf32>
        %parallel_loop3A_616 = arith.mulf %parallel_loop3A_613, %parallel_loop3A_615 : vector<16xf32>
        %parallel_loop3A_617 = arith.addf %parallel_loop3A_616, %parallel_loop3A_503 : vector<16xf32>
        %parallel_loop3A_618 = arith.constant 1 : i32
        %parallel_loop3A_619 = arith.index_cast %parallel_loop3A_618 : i32 to index
        %parallel_loop3A_620 = arith.index_cast %parallel_loop3A_499 : i32 to index
        %parallel_loop3A_621 = arith.constant 96 : index
        %parallel_loop3A_622 = tpu.vector_load %arg9[%parallel_loop3A_619, %parallel_loop3A_620, %parallel_loop3A_621] {strides = array<i32>} : memref<2x64x129xf32, #tpu.memory_space<vmem>>, vector<16xf32>,
        tpu.vector_store %arg9[%parallel_loop3A_619, %parallel_loop3A_620, %parallel_loop3A_621], %parallel_loop3A_617 {strides = array<i32>} : memref<2x64x129xf32, #tpu.memory_space<vmem>>, vector<16xf32>,
        %parallel_loop3A_623 = vector.broadcast %parallel_loop3A_499 : i32 to vector<16xi32>
        %parallel_loop3A_624 = arith.addi %mul3A_445, %parallel_loop3A_623 : vector<16xi32>
        %parallel_loop3A_625 = arith.constant 1 : i32
        %parallel_loop3A_626 = arith.constant 0 : i32
        %parallel_loop3A_627 = arith.constant 0 : i32
        %parallel_loop3A_628 = tpu.memref_slice %arg8[%parallel_loop3A_625, %parallel_loop3A_626, %parallel_loop3A_627] : memref<2x128x128xf32, #tpu.memory_space<vmem>> -> memref<1x128x128xf32, #tpu.memory_space<vmem>>
        %parallel_loop3A_629 = tpu.memref_squeeze %parallel_loop3A_628 : memref<1x128x128xf32, #tpu.memory_space<vmem>> -> memref<128x128xf32, #tpu.memory_space<vmem>>
        %parallel_loop3A_630 = tpu.vector_load_idx %parallel_loop3A_629[%add3A_469, %parallel_loop3A_624] : memref<128x128xf32, #tpu.memory_space<vmem>>[vector<16xi32>, vector<16xi32>], vector<16xf32>,
        %parallel_loop3A_631 = arith.constant 8.000000e+00 : f32
        %parallel_loop3A_632 = vector.broadcast %parallel_loop3A_631 : f32 to vector<16xf32>
        %parallel_loop3A_633 = arith.mulf %parallel_loop3A_630, %parallel_loop3A_632 : vector<16xf32>
        %parallel_loop3A_634 = arith.addf %parallel_loop3A_633, %parallel_loop3A_503 : vector<16xf32>
        %parallel_loop3A_635 = arith.constant 1 : i32
        %parallel_loop3A_636 = arith.index_cast %parallel_loop3A_635 : i32 to index
        %parallel_loop3A_637 = arith.index_cast %parallel_loop3A_499 : i32 to index
        %parallel_loop3A_638 = arith.constant 112 : index
        %parallel_loop3A_639 = tpu.vector_load %arg9[%parallel_loop3A_636, %parallel_loop3A_637, %parallel_loop3A_638] {strides = array<i32>} : memref<2x64x129xf32, #tpu.memory_space<vmem>>, vector<16xf32>,
        tpu.vector_store %arg9[%parallel_loop3A_636, %parallel_loop3A_637, %parallel_loop3A_638], %parallel_loop3A_634 {strides = array<i32>} : memref<2x64x129xf32, #tpu.memory_space<vmem>>, vector<16xf32>,
      } {sc.loop_unroll_factor = 1 : i64, sc.parallel_access}
      %dma_start3A_482 = arith.constant 1 : i32
      %dma_start3A_483 = arith.constant 0 : i32
      %dma_start3A_484 = arith.constant 0 : i32
      %dma_start3A_485 = tpu.memref_slice %arg9[%dma_start3A_482, %dma_start3A_483, %dma_start3A_484] : memref<2x64x129xf32, #tpu.memory_space<vmem>> -> memref<1x64x128xf32, #tpu.memory_space<vmem>>
      %dma_start3A_486 = tpu.memref_squeeze %dma_start3A_485 : memref<1x64x128xf32, #tpu.memory_space<vmem>> -> memref<64x128xf32, #tpu.memory_space<vmem>>
      %dma_start3A_487 = arith.constant 0 : i32
      %dma_start3A_488 = tpu.memref_slice %arg5[%add3A_334, %dma_start3A_487, %mul3A_2] : memref<200x64x4096xf32, #tpu.memory_space<hbm>> -> memref<1x64x128xf32, #tpu.memory_space<hbm>>
      %dma_start3A_489 = tpu.memref_squeeze %dma_start3A_488 : memref<1x64x128xf32, #tpu.memory_space<hbm>> -> memref<64x128xf32, #tpu.memory_space<hbm>>
      %dma_start3A_490 = arith.constant 0 : i32
      %dma_start3A_491 = tpu.memref_slice %arg5[%add3A_334, %dma_start3A_490, %mul3A_2] : memref<200x64x4096xf32, #tpu.memory_space<hbm>> -> memref<1x64x128xf32, #tpu.memory_space<hbm>>
      %dma_start3A_492 = tpu.memref_squeeze %dma_start3A_491 : memref<1x64x128xf32, #tpu.memory_space<hbm>> -> memref<64x128xf32, #tpu.memory_space<hbm>>
      %dma_start3A_493 = arith.constant 0 : i32
      %dma_start3A_494 = arith.constant 0 : i32
      %dma_start3A_495 = tpu.memref_slice %arg9[%dma_start3A_482, %dma_start3A_493, %dma_start3A_494] : memref<2x64x129xf32, #tpu.memory_space<vmem>> -> memref<1x64x128xf32, #tpu.memory_space<vmem>>
      %dma_start3A_496 = tpu.memref_squeeze %dma_start3A_495 : memref<1x64x128xf32, #tpu.memory_space<vmem>> -> memref<64x128xf32, #tpu.memory_space<vmem>>
      tpu.enqueue_dma source(%dma_start3A_496 : memref<64x128xf32, #tpu.memory_space<vmem>>) target(%dma_start3A_492 : memref<64x128xf32, #tpu.memory_space<hbm>>) target_semaphore(%arg14 : memref<!tpu.dma_semaphore, #tpu.memory_space<semaphore_mem>>)
    }
    %scan3A_134 = arith.constant 100 : i32
    %dma_wait3A = arith.constant 0 : i32
    %dma_wait3A_135 = arith.constant 0 : i32
    %dma_wait3A_136 = arith.constant 0 : i32
    %dma_wait3A_137 = arith.constant 0 : i32
    %dma_wait3A_138 = tpu.memref_slice %arg9[%dma_wait3A, %dma_wait3A_136, %dma_wait3A_137] : memref<2x64x129xf32, #tpu.memory_space<vmem>> -> memref<1x64x128xf32, #tpu.memory_space<vmem>>
    %dma_wait3A_139 = tpu.memref_squeeze %dma_wait3A_138 : memref<1x64x128xf32, #tpu.memory_space<vmem>> -> memref<64x128xf32, #tpu.memory_space<vmem>>
    %dma_wait3A_140 = arith.constant 0 : i32
    %dma_wait3A_141 = arith.constant 0 : i32
    %dma_wait3A_142 = tpu.memref_slice %arg5[%dma_wait3A_135, %dma_wait3A_140, %dma_wait3A_141] : memref<200x64x4096xf32, #tpu.memory_space<hbm>> -> memref<1x64x128xf32, #tpu.memory_space<hbm>>
    %dma_wait3A_143 = tpu.memref_squeeze %dma_wait3A_142 : memref<1x64x128xf32, #tpu.memory_space<hbm>> -> memref<64x128xf32, #tpu.memory_space<hbm>>
    %dma_wait3A_144 = arith.constant 0 : i32
    %dma_wait3A_145 = arith.constant 0 : i32
    %dma_wait3A_146 = tpu.memref_slice %arg5[%dma_wait3A_135, %dma_wait3A_144, %dma_wait3A_145] : memref<200x64x4096xf32, #tpu.memory_space<hbm>> -> memref<1x64x128xf32, #tpu.memory_space<hbm>>
    %dma_wait3A_147 = tpu.memref_squeeze %dma_wait3A_146 : memref<1x64x128xf32, #tpu.memory_space<hbm>> -> memref<64x128xf32, #tpu.memory_space<hbm>>
    %dma_wait3A_148 = arith.constant 0 : i32
    %dma_wait3A_149 = arith.constant 0 : i32
    %dma_wait3A_150 = tpu.memref_slice %arg9[%dma_wait3A, %dma_wait3A_148, %dma_wait3A_149] : memref<2x64x129xf32, #tpu.memory_space<vmem>> -> memref<1x64x128xf32, #tpu.memory_space<vmem>>
    %dma_wait3A_151 = tpu.memref_squeeze %dma_wait3A_150 : memref<1x64x128xf32, #tpu.memory_space<vmem>> -> memref<64x128xf32, #tpu.memory_space<vmem>>
    tpu.wait_dma2 semaphore(%arg13 : memref<!tpu.dma_semaphore, #tpu.memory_space<semaphore_mem>>) src(%dma_wait3A_151 : memref<64x128xf32, #tpu.memory_space<vmem>>) dst(%dma_wait3A_147 : memref<64x128xf32, #tpu.memory_space<hbm>>)
    %dma_wait3A_152 = arith.constant 1 : i32
    %dma_wait3A_153 = arith.constant 0 : i32
    %dma_wait3A_154 = arith.constant 0 : i32
    %dma_wait3A_155 = arith.constant 0 : i32
    %dma_wait3A_156 = tpu.memref_slice %arg9[%dma_wait3A_152, %dma_wait3A_154, %dma_wait3A_155] : memref<2x64x129xf32, #tpu.memory_space<vmem>> -> memref<1x64x128xf32, #tpu.memory_space<vmem>>
    %dma_wait3A_157 = tpu.memref_squeeze %dma_wait3A_156 : memref<1x64x128xf32, #tpu.memory_space<vmem>> -> memref<64x128xf32, #tpu.memory_space<vmem>>
    %dma_wait3A_158 = arith.constant 0 : i32
    %dma_wait3A_159 = arith.constant 0 : i32
    %dma_wait3A_160 = tpu.memref_slice %arg5[%dma_wait3A_153, %dma_wait3A_158, %dma_wait3A_159] : memref<200x64x4096xf32, #tpu.memory_space<hbm>> -> memref<1x64x128xf32, #tpu.memory_space<hbm>>
    %dma_wait3A_161 = tpu.memref_squeeze %dma_wait3A_160 : memref<1x64x128xf32, #tpu.memory_space<hbm>> -> memref<64x128xf32, #tpu.memory_space<hbm>>
    %dma_wait3A_162 = arith.constant 0 : i32
    %dma_wait3A_163 = arith.constant 0 : i32
    %dma_wait3A_164 = tpu.memref_slice %arg5[%dma_wait3A_153, %dma_wait3A_162, %dma_wait3A_163] : memref<200x64x4096xf32, #tpu.memory_space<hbm>> -> memref<1x64x128xf32, #tpu.memory_space<hbm>>
    %dma_wait3A_165 = tpu.memref_squeeze %dma_wait3A_164 : memref<1x64x128xf32, #tpu.memory_space<hbm>> -> memref<64x128xf32, #tpu.memory_space<hbm>>
    %dma_wait3A_166 = arith.constant 0 : i32
    %dma_wait3A_167 = arith.constant 0 : i32
    %dma_wait3A_168 = tpu.memref_slice %arg9[%dma_wait3A_152, %dma_wait3A_166, %dma_wait3A_167] : memref<2x64x129xf32, #tpu.memory_space<vmem>> -> memref<1x64x128xf32, #tpu.memory_space<vmem>>
    %dma_wait3A_169 = tpu.memref_squeeze %dma_wait3A_168 : memref<1x64x128xf32, #tpu.memory_space<vmem>> -> memref<64x128xf32, #tpu.memory_space<vmem>>
    tpu.wait_dma2 semaphore(%arg14 : memref<!tpu.dma_semaphore, #tpu.memory_space<semaphore_mem>>) src(%dma_wait3A_169 : memref<64x128xf32, #tpu.memory_space<vmem>>) dst(%dma_wait3A_165 : memref<64x128xf32, #tpu.memory_space<hbm>>)
    return
  }
}

</mosaic_0001>

<sc_bundles>
// kernel: kernel.3.cloned.1.call-start
scs
__scs_entry_jumppad:
0x0: {  	(pc) =	sbr.rel $0x88, $3  }
0x1: {  	(tag) =	ssettag $0x0;
	lr =	simm.s32 $0x1  }
0x2: {  	[smem:$0x3F9F] =	sst lr;
	_ =	strace $0xD0000000  }
0x3: {  	_ = 	snop  }
0x4: {  	_ = 	snop  }
0x5: {  	_ = 	snop  }
0x6: {  	_ = 	snop  }
0x7: {  	_ = 	snop  }
__scs_overlays_trampoline_lowered:
0x8: {  	[smem:$0x3FAE] =	sst s0  }
0x9: {  	[smem:$0x3FAF] =	sst s1  }
0xa: {  	[smem:$0x3FB0] =	sst s2  }
0xb: {  	[smem:$0x3FB1] =	sst s3  }
0xc: {  	[smem:$0x3FB2] =	sst s4  }
0xd: {  	[smem:$0x3FB3] =	sst s5  }
0xe: {  	[smem:$0x3FB4] =	sst s6  }
0xf: {  	[smem:$0x3FB5] =	sst s7  }
0x10: {  	[smem:$0x3FB6] =	sst s8  }
0x11: {  	[smem:$0x3FB7] =	sst s9;
	s0 =	simm.s32 @!p0 $0x0  }
0x12: {  	s1 =	sld [smem:$0x3F9D];
	s0 =	simm.s32 @p0 $0x1  }
0x13: {  	[smem:$0x3FB8] =	sst s0;
	s0 =	simm.s32 @!p1 $0x0  }
0x14: {  	s2 =	sld [smem:$0x3F9C];
	s0 =	simm.s32 @p1 $0x1  }
0x15: {  	[smem:$0x3FB9] =	sst s0;
	s0 =	simm.s32 @!p2 $0x0  }
0x16: {  	s3 =	sld [smem:$0x3FDB];
	s0 =	simm.s32 @p2 $0x1  }
0x17: {  	s4 =	simm.s32 $0x1BF5;
	[smem:$0x3FBB] =	sst s0  }
0x18: {  	s0 =	sld [smem:$0x3F9E];
	_ =	swait.ge [sflag:s4], $0x0  }
0x19: {  	s7 =	sld [smem:$0x3F9F]  }
0x1a: {  	s8 =	sadd.s32 $0xFFFFE003, lr  }
0x1b: {  	s9 =	sadd.s32 $0xFFFFFEF7, lr;
	s5 =	simm.s32 $0xFFFFFFFF;
	p2 =	slt.u32 s8, $0xFFFFF086  }
0x1c: {  	p1 =	slt.u32 s9, $0xF7A;
	s5 =	simm.s32 @!p2 $0x0  }
0x1d: {  	s5 =	simm.s32 @p1 $0x1;
	p0 =	seq.s32 s7, s2  }
0x1e: {  	s7 =	smul.u32 @!p0 $0xF7A, s2;
	p2 =	seq.s32 @!p0 s5, $0x0  }
0x1f: {  	s9 =	smul.u32 $0xF7A, s1;
	s8 =	simm.s32 @!p0 $0x1BF5;
	p2 =	por !p2, p0  }
0x20: {  	[sflag:s8] =	ssyncset.s32 @!p0 $0xFFFFF086;
	s6 =	sadd.s32 @!p0 s3, s7;
	s7 =	simm.s32 @!p0 $0x108  }
0x21: {  	s3 =	sadd.s32 s3, s9;
	s6 =	sadd.s32 @!p0 $0x88, s6;
	s7 =	simm.s32 @p2 $0x1082  }
0x22: {  	[simem:s7], [sflag:s8] =	dma.local @!p0 [hbm:s6], $0xF7A  }
0x23: {  	s9 =	sor.u32 $0xD0000000, s2;
	s6 =	simm.s32 $0x108;
	_ =	swait.ge @!p0 [sflag:s8], $0x0  }
0x24: {  	s3 =	sadd.s32 $0x88, s3;
	s6 =	simm.s32 @!p1 $0x1082;
	[sflag:s4] =	ssyncset.s32 $0xFFFFF086  }
0x25: {  	[simem:s6], [sflag:s4] =	dma.local [hbm:s3], $0xF7A  }
0x26: {  	[smem:$0x3F9F] =	sst s1;
	(tag) =	ssettag s2;
	_ =	strace s9  }
0x27: {  	s1 =	sld [smem:$0x3FAF]  }
0x28: {  	s2 =	sld [smem:$0x3FB0]  }
0x29: {  	s4 =	sld [smem:$0x3FB2]  }
0x2a: {  	p0 =	seq.s32 s5, $0x0;
	s5 =	sld [smem:$0x3FB3]  }
0x2b: {  	s6 =	sld [smem:$0x3FB4]  }
0x2c: {  	s7 =	sld [smem:$0x3FB5]  }
0x2d: {  	s3 =	simm.s32 $0x108;
	s8 =	sld [smem:$0x3FB6]  }
0x2e: {  	s3 =	simm.s32 @!p0 $0x1082;
	s9 =	sld [smem:$0x3FB7]  }
0x2f: {  	lr =	sadd.s32 s0, s3;
	s0 =	sld [smem:$0x3FAE]  }
0x30: {  	s3 =	sld [smem:$0x3FB1]  }
0x31: {  	[smem:$0x3FBA] =	sst s10  }
0x32: {  	s10 =	sld [smem:$0x3FB8];
	_ =	sdelay $0x3  }
0x33: {  	p0 =	seq.s32 s10, $0x1;
	s10 =	sld [smem:$0x3FBA];
	_ =	sdelay $0x3  }
0x34: {  	[smem:$0x3FBA] =	sst s10  }
0x35: {  	s10 =	sld [smem:$0x3FB9];
	_ =	sdelay $0x3  }
0x36: {  	p1 =	seq.s32 s10, $0x1;
	s10 =	sld [smem:$0x3FBA];
	_ =	sdelay $0x3  }
0x37: {  	[smem:$0x3FBA] =	sst s10  }
0x38: {  	s10 =	sld [smem:$0x3FBB]  }
0x39: {  	_ = 	snop;
	(pc) =	sbr.ind lr, $3  }
0x3a: {  	_ = 	snop  }
0x3b: {  	_ = 	snop  }
0x3c: {  	p2 =	seq.s32 s10, $0x1;
	s10 =	sld [smem:$0x3FBA]  }
0x3d: {  	_ =	shalt  }
0x3e: {  	_ =	shalt  }
0x3f: {  	_ =	shalt  }
0x40: {  	_ =	shalt  }
0x41: {  	_ =	shalt  }
0x42: {  	_ =	shalt  }
0x43: {  	_ =	shalt  }
0x44: {  	_ =	shalt  }
0x45: {  	_ =	shalt  }
0x46: {  	_ =	shalt  }
0x47: {  	_ =	shalt  }
0x48: {  	_ =	shalt  }
0x49: {  	_ =	shalt  }
0x4a: {  	_ =	shalt  }
0x4b: {  	_ =	shalt  }
0x4c: {  	_ =	shalt  }
0x4d: {  	_ =	shalt  }
0x4e: {  	_ =	shalt  }
0x4f: {  	_ =	shalt  }
0x50: {  	_ =	shalt  }
0x51: {  	_ =	shalt  }
0x52: {  	_ =	shalt  }
0x53: {  	_ =	shalt  }
0x54: {  	_ =	shalt  }
0x55: {  	_ =	shalt  }
0x56: {  	_ =	shalt  }
0x57: {  	_ =	shalt  }
0x58: {  	_ =	shalt  }
0x59: {  	_ =	shalt  }
0x5a: {  	_ =	shalt  }
0x5b: {  	_ =	shalt  }
0x5c: {  	_ =	shalt  }
0x5d: {  	_ =	shalt  }
0x5e: {  	_ =	shalt  }
0x5f: {  	_ =	shalt  }
0x60: {  	_ =	shalt  }
0x61: {  	_ =	shalt  }
0x62: {  	_ =	shalt  }
0x63: {  	_ =	shalt  }
0x64: {  	_ =	shalt  }
0x65: {  	_ =	shalt  }
0x66: {  	_ =	shalt  }
0x67: {  	_ =	shalt  }
0x68: {  	_ =	shalt  }
0x69: {  	_ =	shalt  }
0x6a: {  	_ =	shalt  }
0x6b: {  	_ =	shalt  }
0x6c: {  	_ =	shalt  }
0x6d: {  	_ =	shalt  }
0x6e: {  	_ =	shalt  }
0x6f: {  	_ =	shalt  }
0x70: {  	_ =	shalt  }
0x71: {  	_ =	shalt  }
0x72: {  	_ =	shalt  }
0x73: {  	_ =	shalt  }
0x74: {  	_ =	shalt  }
0x75: {  	_ =	shalt  }
0x76: {  	_ =	shalt  }
0x77: {  	_ =	shalt  }
0x78: {  	_ =	shalt  }
0x79: {  	_ =	shalt  }
0x7a: {  	_ =	shalt  }
0x7b: {  	_ =	shalt  }
0x7c: {  	_ =	shalt  }
0x7d: {  	_ =	shalt  }
0x7e: {  	_ =	shalt  }
0x7f: {  	_ =	shalt  }
0x80: {  	_ =	shalt  }
0x81: {  	_ =	shalt  }
0x82: {  	_ =	shalt  }
0x83: {  	_ =	shalt  }
0x84: {  	_ =	shalt  }
0x85: {  	_ =	shalt  }
0x86: {  	_ =	shalt  }
0x87: {  	_ =	shalt  }
.Lfunc_end0:
.L_simem_size_0:
called_computation_lowered:
.L_overlay_start_0:
0x88: {  	s2 =	sld [smem:$0x3FD9]  }
0x89: {  	s3 =	sld [smem:$0x3FFE];
	_ =	sdelay $0x1  }
0x8a: {  	s1 =	srdreg.scid  }
0x8b: {  	s0 =	sand.u32 $0x1, s1  }
0x8c: {  	s17 =	sshll.u32 s0, $0xA;
	s2 =	sadd.s32 s3, s2  }
0x8d: {  	s2 =	sadd.s32 s2, s17  }
0x8e: {  	[smem:$0x3FC6] =	sst s2  }
0x8f: {  	_ = 	snop  }
0x90: {  	s2 =	sld [smem:$0x3FC9]  }
0x91: {  	s18 =	sld [smem:$0x3FD0];
	(tm) =	ssettm $0x1  }
0x92: {  	s4 =	sld [smem:$0x3FFB];
	_ =	sdelay $0x3  }
0x93: {  	_ =	strace s4  }
0x94: {  	s4 =	sld [smem:$0x3FFC];
	_ =	sdelay $0x3  }
0x95: {  	_ =	strace s4  }
0x96: {  	s4 =	sld [smem:$0x3FFD];
	_ =	sdelay $0x3  }
0x97: {  	_ =	strace s4  }
0x98: {  	_ =	strace $0x8FFFFFFF  }
0x99: {  	s19 =	sld [smem:$0x3FDB];
	_ =	sdelay $0x1  }
0x9a: {  	s5 =	simm.s32 $_scs_section_size  }
0x9b: {  	s6 =	simm.s32 $_size__tile_overlayer_lowered;
	s7 =	simm.s32 $_tile_overlayer_lowered  }
0x9c: {  	s22 =	simm.s32 $0x1BFF;
	s21 =	sshll.u32 s7, $0x1;
	s4 =	sadd.s32 s5, s19  }
0x9d: {  	s8 =	simm.s32 $0x0;
	s20 =	sshll.u32 s6, $0x1;
	s6 =	sadd.s32 s21, s4  }
0x9e: {  	[timem:s8], [sflag:s22] =	dma.local [hbm:s6], s20  }
0x9f: {  	_ =	swait.ge [sflag:s22], s20  }
0xa0: {  	s5 =	ssub.s32 $0x0, s20;
	[sflag:s22] =	ssyncset.done $0x0  }
0xa1: {  	[sflag:s22] =	ssyncadd.s32 s5;
	_ =	sdelay $0x1  }
0xa2: {  	s23 =	simm.s32 $0x1B8B  }
0xa3: {  	_ =	swait.ge [sflag:s23], $0x1  }
0xa4: {  	[sflag:s23] =	ssyncset.done $0x0  }
0xa5: {  	s25 =	simm.s32 $0x1B8E;
	s24 =	sld [smem:$0x3FFE];
	[sflag:s23] =	ssyncadd.s32 $0xFFFFFFFF  }
0xa6: {  	s26 =	simm.s32 $execute0_lowered;
	[smem:$0x3FD2] =	sst s25  }
0xa7: {  	s6 =	sshll.u32 s26, $0x1;
	_ =	strace $0x80000046;
	[dreg:$0x1] =	wrdreg $0xFFFFFFFF  }
0xa8: {  	s28 =	simm.s32 $_size_execute0_lowered;
	s4 =	sadd.s32 s4, s6;
	[dreg:$0x0] =	wrdreg $0x0  }
0xa9: {  	s6 =	sshll.u32 s28, $0x1;
	[dreg:$0x2] =	wrdreg s4  }
0xaa: {  	[dreg:$0x3] =	wrdreg s6  }
0xab: {  	[dreg:$0x4] =	wrdreg $0xC0  }
0xac: {  	_ =	task [dreg:s8], $0x5FFFF  }
0xad: {  	[dreg:$0x1] =	wrdreg $0xFFFFFFFF  }
0xae: {  	[dreg:$0x0] =	wrdreg $0x60  }
0xaf: {  	[dreg:$0x2] =	wrdreg s2  }
0xb0: {  	[dreg:$0x3] =	wrdreg s24  }
0xb1: {  	[dreg:$0x4] =	wrdreg s18  }
0xb2: {  	[dreg:$0x5] =	wrdreg $0x9  }
0xb3: {  	_ =	task.clear_ibuf [dreg:s8], $0x6FFFF;
	_ =	strace $0x90000046  }
0xb4: {  	s29 =	simm.s32 $0x9;
	_ =	strace $0x80000048  }
0xb5: {  	_ =	swait.ge [sflag:s29], $0x1  }
0xb6: {  	[sflag:s29] =	ssyncadd.s32 $0xFFFFFFFF  }
0xb7: {  	_ =	strace $0x90000048  }
0xb8: {  	_ =	sfence  }
0xb9: {  	s30 =	sld [smem:$0x0];
	_ =	sdelay $0x2  }
0xba: {  	s31 =	sshll.u32 s1, $0xD;
	s1 =	sshrl.u32 s1, $0x2  }
0xbb: {  	s3 =	sand.u32 $0x4000, s31;
	s1 =	sadd.s32 s1, s30  }
0xbc: {  	s0 =	sor.u32 s3, s0;
	s1 =	sshll.u32 s1, $0x11  }
0xbd: {  	s0 =	sor.u32 s1, s0  }
0xbe: {  	s0 =	sadd.s32 $0x8F2B, s0  }
0xbf: {  	[sflag:s0] =	ssyncadd.remote.s32 $0x1  }
0xc0: {  	_ =	sfence.sel $0xFFFF  }
0xc1: {  	[dreg:$0x0] =	wrdreg $0xFFFFFFFF;
	(pc) =	sbr.abs _section_cstart, $3  }
0xc2: {  	[dreg:$0x1] =	wrdreg $0xFFFFFFFF  }
0xc3: {  	_ =	task.clear_ibuf [dreg:s8], $0x2FFFF;
	_ =	strace $0x9FFFFFFF  }
0xc4: {  	(tm) =	ssettm $0x7FFFFFFF  }
0xc5: {  	_ =	shalt  }
tec
execute0_lowered:
.L_overlay_start_1:
0x0: {  	(tag) =	ssettag $0x1  }
0x1: {  	s0 =	rddreg [dreg:$0x0]  }
0x2: {  	s1 =	rddreg [dreg:$0x1];
	s3 =	simm.s32 $0x0;
	s2 =	srdreg.scid  }
0x3: {  	s4 =	stileid.u32;
	[smem:$0x7FF] =	sst s3  }
0x4: {  	s2 =	sand.u32 $0x1, s2;
	s4 =	sshll.u32 s4, $0xB;
	s28 =	sadd.s32 $0xF42A00, s1  }
0x5: {  	v0 =	vlaneseq.u32;
	s1 =	sadd.s32 $0x600, s1;
	s26 =	ssub.s32 $0x2, s2;
	s2 =	sshll.u32 s2, $0xA  }
0x6: {  	v0 =	vmul.u32 $0x80, v0;
	_ =	strace $0x80000047;
	[dreg:$0x5] =	wrdreg s28;
	s4 =	sor.u32 s2, s4  }
0x7: {  	[dreg:$0x6] =	wrdreg s1;
	s5 =	sshrl.u32 s26, $0x1;
	s30 =	sshrl.u32 s4, $0x3  }
0x8: {  	v1 =	vor.u32 $0x800, v0;
	s29 =	ssub.s32 s26, s5;
	[dreg:$0x4] =	wrdreg s4;
	s0 =	sadd.s32 s0, s30  }
0x9: {  	s15 =	simm.s32 $0x6500;
	v2 =	vor.u32 $0x1000, v0;
	v3 =	vor.u32 $0x1800, v0;
	v4 =	vor.u32 $0x2000, v0;
	s31 =	smax.u32 s29, $0x1;
	[dreg:$0x7] =	wrdreg s0  }
0xa: {  	s17 =	simm.s32 $0xA500;
	v5 =	vor.u32 $0x2800, v0;
	v6 =	vor.u32 $0x3000, v0;
	v7 =	vor.u32 $0x3800, v0;
	s2 =	simm.s32 $0x0;
	[dreg:$0x8] =	wrdreg s31  }
.LBB2_1:
0xb: {  	[dreg:$0x9] =	wrdreg s2;
	s0 =	simm.s32 $0x0  }
0xc: {  	s1 =	rddreg [dreg:$0x6];
	s25 =	simm.s32 $0x16500;
	s26 =	simm.s32 $0x5  }
0xd: {  	[tilespmem:s25], [sflag:$0x5] =	stream.linear.gather [hbm4b:s1+s0], $0x3200, $0x38;
	[tilespmem:$0x19900] =	vst v63  }
0xe: {  	_ =	swait.ge [sflag:s26], $0x3200  }
0xf: {  	s3 =	simm.s32 $0x400;
	[sflag:s26] =	ssyncset.done $0x0  }
0x10: {  	s4 =	simm.s32 $0x8000;
	s28 =	rddreg [dreg:$0x7];
	[sflag:s26] =	ssyncadd.s32 $0xFFFFCE00  }
0x11: {  	[tilespmem:s0], [sflag:$0x5] =	stream.strided.gather [hbm4b:s28+s3], $0x6400, s4, s3, $0x38;
	[tilespmem:$0x19900] =	vst v63  }
0x12: {  	_ =	swait.ge [sflag:s26], $0x6400  }
0x13: {  	[sflag:s26] =	ssyncset.done $0x0  }
0x14: {  	[sflag:s26] =	ssyncadd.s32 $0xFFFF9C00  }
0x15: {  	v8 =	vld [tilespmem:$0x0]  }
0x16: {  	v9 =	vld [tilespmem:$0x10]  }
0x17: {  	v10 =	vld [tilespmem:$0x20]  }
0x18: {  	v11 =	vld [tilespmem:$0x30]  }
0x19: {  	v12 =	vld [tilespmem:$0x40]  }
0x1a: {  	v13 =	vld [tilespmem:$0x50];
	v8 =	vshrl.u32 v8, $0x1  }
0x1b: {  	v62 =	vld [tilespmem:$0x60];
	[tilespmem:$0x6400] =	vst v8;
	v8 =	vshrl.u32 v9, $0x1  }
0x1c: {  	v63 =	vld [tilespmem:$0x70];
	[tilespmem:$0x6410] =	vst v8;
	v8 =	vshrl.u32 v10, $0x1  }
0x1d: {  	[tilespmem:$0x6420] =	vst v8;
	v8 =	vshrl.u32 v11, $0x1  }
0x1e: {  	[tilespmem:$0x6430] =	vst v8;
	v8 =	vshrl.u32 v12, $0x1  }
0x1f: {  	[tilespmem:$0x6440] =	vst v8;
	v8 =	vshrl.u32 v13, $0x1  }
0x20: {  	[tilespmem:$0x6450] =	vst v8;
	v8 =	vshrl.u32 v62, $0x1  }
0x21: {  	s30 =	simm.s32 $0x80;
	[tilespmem:$0x6460] =	vst v8;
	v8 =	vshrl.u32 v63, $0x1  }
0x22: {  	s31 =	simm.s32 $0x6400;
	s3 =	simm.s32 $0x0;
	s29 =	rddreg [dreg:$0x5];
	[tilespmem:$0x6470] =	vst v8  }
0x23: {  	[tilespmem:s15], [sflag:$0x1] =	stream.indirect.gather [hbm4b:s29+s30], $0x80, s31, s30, $0xb8;
	[tilespmem:$0x19900] =	vst v63  }
.LBB2_2:
0x24: {  	s0 =	sshllo.u32 s3, $0x1  }
0x25: {  	[dreg:$0xb] =	wrdreg s0;
	s0 =	sshll.u32 s0, $0x7  }
0x26: {  	s0 =	sand.u32 $0x3FFFFF80, s0  }
0x27: {  	v8 =	vld [tilespmem:s0+$0x0];
	_ =	sdelay $0x4  }
0x28: {  	v8 =	vshrl.u32 v8, $0x1  }
0x29: {  	[tilespmem:$0x6480] =	vst v8  }
0x2a: {  	v8 =	vld [tilespmem:s0+$0x10];
	_ =	sdelay $0x4  }
0x2b: {  	v8 =	vshrl.u32 v8, $0x1  }
0x2c: {  	[tilespmem:$0x6490] =	vst v8  }
0x2d: {  	v8 =	vld [tilespmem:s0+$0x20];
	_ =	sdelay $0x4  }
0x2e: {  	v8 =	vshrl.u32 v8, $0x1  }
0x2f: {  	[tilespmem:$0x64A0] =	vst v8  }
0x30: {  	v8 =	vld [tilespmem:s0+$0x30];
	_ =	sdelay $0x4  }
0x31: {  	v8 =	vshrl.u32 v8, $0x1  }
0x32: {  	[tilespmem:$0x64B0] =	vst v8  }
0x33: {  	v8 =	vld [tilespmem:s0+$0x40];
	_ =	sdelay $0x4  }
0x34: {  	v8 =	vshrl.u32 v8, $0x1  }
0x35: {  	[tilespmem:$0x64C0] =	vst v8  }
0x36: {  	v8 =	vld [tilespmem:s0+$0x50];
	_ =	sdelay $0x4  }
0x37: {  	v8 =	vshrl.u32 v8, $0x1  }
0x38: {  	[tilespmem:$0x64D0] =	vst v8  }
0x39: {  	v8 =	vld [tilespmem:s0+$0x60];
	_ =	sdelay $0x4  }
0x3a: {  	v8 =	vshrl.u32 v8, $0x1  }
0x3b: {  	[tilespmem:$0x64E0] =	vst v8  }
0x3c: {  	v8 =	vld [tilespmem:s0+$0x70];
	_ =	sdelay $0x4  }
0x3d: {  	s20 =	rddreg [dreg:$0x5];
	s1 =	simm.s32 $0x80;
	v8 =	vshrl.u32 v8, $0x1  }
0x3e: {  	s2 =	simm.s32 $0x6480;
	s21 =	simm.s32 $0x1;
	[dreg:$0xc] =	wrdreg s0;
	[tilespmem:$0x64F0] =	vst v8  }
0x3f: {  	[tilespmem:s17], [sflag:$0x2] =	stream.indirect.gather [hbm4b:s20+s1], $0x80, s2, s1, $0xb8;
	[tilespmem:$0x19900] =	vst v63  }
0x40: {  	_ =	swait.ge [sflag:s21], $0x4000  }
0x41: {  	p0 =	seq.s32 s3, $0x0;
	[sflag:s21] =	ssyncset.done $0x0  }
0x42: {  	s0 =	simm.s32 @!p0 $0x3;
	[sflag:s21] =	ssyncadd.s32 $0xFFFFC000  }
0x43: {  	_ =	swait.ge @!p0 [sflag:s0], $0x2000  }
0x44: {  	s22 =	sshll.u32 s3, $0xA;
	[sflag:s0] =	ssyncset.done @!p0 $0x0  }
0x45: {  	s23 =	sshra.s32 s22, $0x2;
	[sflag:s0] =	ssyncadd.s32 @!p0 $0xFFFFE000  }
0x46: {  	v8 =	vld [tilespmem:s23+$0x0];
	_ =	sdelay $0x4  }
0x47: {  	v8 =	vshll.u32 v8, $0x6  }
0x48: {  	v8 =	vand.u32 $0x40, v8  }
0x49: {  	s31 =	simm.s32 $0x0;
	v8 =	vor.u32 v0, v8  }
0x4a: {  	v9 =	vor.u32 s31, v8  }
0x4b: {  	s24 =	sshll.u32 s3, $0x7  }
0x4c: {  	s0 =	sand.u32 $0x3FFFFF80, s24;
	v10 =	vld [tilespmem:s23+$0x10]  }
0x4d: {  	v25 =	vld [tilespmem:s0+$0x16500]  }
0x4e: {  	[dreg:$0xa] =	wrdreg s3;
	v18 =	vld [tilespmem:s0+$0x16510]  }
0x4f: {  	v11 =	vld.idx.msk [tilespmem:v9+s15+$0x0], $0xffff  }
0x50: {  	s11 =	simm.s32 $0x1;
	v17 =	vld [tilespmem:s0+$0x16520]  }
0x51: {  	v12 =	vld [tilespmem:s23+$0x20];
	v10 =	vshll.u32 v10, $0x6;
	v14 =	vor.u32 s11, v8  }
0x52: {  	v13 =	vld [tilespmem:s23+$0x30];
	v10 =	vand.u32 $0x40, v10  }
0x53: {  	v15 =	vmov s31;
	v22 =	vld [tilespmem:s23+$0x40];
	v10 =	vor.u32 v1, v10;
	[dreg:$0xd] =	wrdreg s0  }
0x54: {  	s26 =	sand.u32 $0x380, s31;
	v23 =	vld [tilespmem:s23+$0x50];
	v28 =	vperm.xlane v25, v15;
	v19 =	vor.u32 s31, v10;
	[dreg:$0xe] =	wrdreg s23;
	v11 =	vmul.f32 $8.000000000e+00, v11  }
0x55: {  	v16 =	vld [tilespmem:s23+$0x60];
	[dreg:$0x10] =	wrdreg s26  }
0x56: {  	s25 =	sand.u32 $0x800, s31;
	v14 =	vld.idx.msk [tilespmem:v14+s15+$0x0], $0xffff;
	v11 =	vadd.f32 v11, v28  }
0x57: {  	s4 =	sor.u32 s26, s25;
	v15 =	vld [tilespmem:s23+$0x70]  }
0x58: {  	s12 =	simm.s32 $0x2;
	v9 =	vld [tilespmem:s0+$0x16530];
	[tilespmem:s4+$0xE500] =	vst v11  }
0x59: {  	v11 =	vshll.u32 v12, $0x6;
	v12 =	vor.u32 s12, v8;
	v20 =	vld.idx.msk [tilespmem:v19+s15+$0x0], $0xffff  }
0x5a: {  	v19 =	vmov s11  }
0x5b: {  	v21 =	vor.u32 s11, v10;
	v14 =	vmul.f32 $8.000000000e+00, v14;
	v19 =	vperm.xlane v25, v19  }
0x5c: {  	s5 =	simm.s32 $0x100;
	s2 =	simm.s32 $0x80;
	v11 =	vand.u32 $0x40, v11  }
0x5d: {  	s6 =	sand.u32 $0x380, s2;
	s3 =	sand.u32 $0x800, s5;
	v11 =	vor.u32 v2, v11;
	v14 =	vadd.f32 v14, v19  }
0x5e: {  	s28 =	sor.u32 s6, s3;
	v24 =	vor.u32 s31, v11;
	v12 =	vld.idx.msk [tilespmem:v12+s15+$0x0], $0xffff;
	[dreg:$0x12] =	wrdreg s6;
	v20 =	vmul.f32 $8.000000000e+00, v20  }
0x5f: {  	[tilespmem:s28+$0xE500] =	vst v14  }
0x60: {  	s9 =	simm.s32 $0x3;
	v14 =	vld.idx.msk [tilespmem:v21+s15+$0x0], $0xffff;
	v20 =	vadd.f32 v20, v28  }
0x61: {  	v13 =	vshll.u32 v13, $0x6;
	v21 =	vor.u32 s9, v8  }
0x62: {  	v13 =	vand.u32 $0x40, v13;
	[tilespmem:s4+$0xE510] =	vst v20;
	v20 =	vmov s12  }
0x63: {  	v27 =	vor.u32 s12, v10;
	v26 =	vmul.f32 $8.000000000e+00, v12;
	v24 =	vld.idx.msk [tilespmem:v24+s15+$0x0], $0xffff;
	v20 =	vperm.xlane v25, v20  }
0x64: {  	s7 =	simm.s32 $0x100;
	s8 =	simm.s32 $0x200;
	v12 =	vor.u32 v3, v13  }
0x65: {  	s10 =	sand.u32 $0x380, s7;
	s3 =	sand.u32 $0x800, s8;
	v14 =	vmul.f32 $8.000000000e+00, v14;
	v13 =	vadd.f32 v26, v20;
	v26 =	vor.u32 s11, v11  }
0x66: {  	s5 =	sor.u32 s10, s3;
	v29 =	vld.idx.msk [tilespmem:v21+s15+$0x0], $0xffff;
	[dreg:$0x14] =	wrdreg s10  }
0x67: {  	[tilespmem:s5+$0xE500] =	vst v13;
	v13 =	vadd.f32 v14, v19  }
0x68: {  	s18 =	simm.s32 $0x4;
	v21 =	vmul.f32 $8.000000000e+00, v24;
	v24 =	vor.u32 s31, v12;
	v14 =	vld.idx.msk [tilespmem:v27+s15+$0x0], $0xffff  }
0x69: {  	[tilespmem:s28+$0xE510] =	vst v13;
	v13 =	vor.u32 s18, v8  }
0x6a: {  	v21 =	vadd.f32 v21, v28;
	v26 =	vld.idx.msk [tilespmem:v26+s15+$0x0], $0xffff  }
0x6b: {  	v27 =	vmov s9  }
0x6c: {  	[tilespmem:s4+$0xE520] =	vst v21;
	v21 =	vperm.xlane v25, v27;
	v27 =	vmul.f32 $8.000000000e+00, v29;
	v29 =	vor.u32 s9, v10  }
0x6d: {  	s13 =	simm.s32 $0x180;
	s14 =	simm.s32 $0x300;
	v30 =	vor.u32 s12, v11;
	v24 =	vld.idx.msk [tilespmem:v24+s15+$0x0], $0xffff;
	v14 =	vmul.f32 $8.000000000e+00, v14  }
0x6e: {  	s16 =	sand.u32 $0x380, s13;
	s3 =	sand.u32 $0x800, s14;
	v27 =	vadd.f32 v27, v21;
	v31 =	vld.idx.msk [tilespmem:v13+s15+$0x0], $0xffff  }
0x6f: {  	v22 =	vshll.u32 v22, $0x6;
	s10 =	sor.u32 s16, s3;
	[dreg:$0x15] =	wrdreg s16;
	v14 =	vadd.f32 v14, v20;
	v26 =	vmul.f32 $8.000000000e+00, v26  }
0x70: {  	v22 =	vand.u32 $0x40, v22;
	[tilespmem:s10+$0xE500] =	vst v27;
	v27 =	vor.u32 s11, v12  }
0x71: {  	v13 =	vor.u32 v4, v22;
	v29 =	vld.idx.msk [tilespmem:v29+s15+$0x0], $0xffff;
	[tilespmem:s5+$0xE510] =	vst v14;
	v14 =	vadd.f32 v26, v19  }
0x72: {  	s8 =	simm.s32 $0x5;
	v22 =	vmul.f32 $8.000000000e+00, v24;
	v24 =	vor.u32 s31, v13;
	v30 =	vld.idx.msk [tilespmem:v30+s15+$0x0], $0xffff  }
0x73: {  	v32 =	vmov s18;
	v26 =	vor.u32 s8, v8;
	[tilespmem:s28+$0xE520] =	vst v14;
	v14 =	vmul.f32 $8.000000000e+00, v31  }
0x74: {  	v31 =	vor.u32 s18, v10;
	v33 =	vadd.f32 v22, v28;
	v22 =	vperm.xlane v25, v32  }
0x75: {  	s19 =	simm.s32 $0x200;
	s20 =	simm.s32 $0x400;
	v27 =	vld.idx.msk [tilespmem:v27+s15+$0x0], $0xffff  }
0x76: {  	s21 =	sand.u32 $0x380, s19;
	v38 =	vor.u32 s9, v11;
	s3 =	sand.u32 $0x800, s20;
	[tilespmem:s4+$0xE530] =	vst v33;
	v14 =	vadd.f32 v14, v22;
	v29 =	vmul.f32 $8.000000000e+00, v29  }
0x77: {  	v23 =	vshll.u32 v23, $0x6;
	s3 =	sor.u32 s21, s3;
	v24 =	vld.idx.msk [tilespmem:v24+s15+$0x0], $0xffff;
	[dreg:$0x17] =	wrdreg s21;
	v30 =	vmul.f32 $8.000000000e+00, v30  }
0x78: {  	s2 =	simm.s32 $0x6;
	v23 =	vand.u32 $0x40, v23;
	v39 =	vor.u32 s12, v12;
	v26 =	vld.idx.msk [tilespmem:v26+s15+$0x0], $0xffff;
	[tilespmem:s3+$0xE500] =	vst v14;
	v29 =	vadd.f32 v29, v21  }
0x79: {  	v14 =	vor.u32 v5, v23;
	v31 =	vld.idx.msk [tilespmem:v31+s15+$0x0], $0xffff;
	v23 =	vadd.f32 v30, v20;
	v30 =	vor.u32 s2, v8  }
0x7a: {  	[tilespmem:s10+$0xE510] =	vst v29;
	v27 =	vmul.f32 $8.000000000e+00, v27;
	v29 =	vor.u32 s11, v13  }
0x7b: {  	v35 =	vmov s8;
	v32 =	vld.idx.msk [tilespmem:v38+s15+$0x0], $0xffff  }
0x7c: {  	v34 =	vor.u32 s31, v14;
	[tilespmem:s5+$0xE520] =	vst v23;
	v27 =	vadd.f32 v27, v19;
	v24 =	vmul.f32 $8.000000000e+00, v24  }
0x7d: {  	s22 =	simm.s32 $0x280;
	v40 =	vor.u32 s8, v10;
	v23 =	vperm.xlane v25, v35;
	v33 =	vld.idx.msk [tilespmem:v39+s15+$0x0], $0xffff;
	v26 =	vmul.f32 $8.000000000e+00, v26  }
0x7e: {  	s23 =	sand.u32 $0x380, s22;
	s6 =	simm.s32 $0x500;
	[tilespmem:s28+$0xE530] =	vst v27;
	v24 =	vadd.f32 v24, v28;
	v27 =	vmul.f32 $8.000000000e+00, v31;
	v31 =	vor.u32 s18, v11;
	v30 =	vld.idx.msk [tilespmem:v30+s15+$0x0], $0xffff  }
0x7f: {  	v16 =	vshll.u32 v16, $0x6;
	s6 =	sand.u32 $0x800, s6;
	v26 =	vadd.f32 v26, v23;
	v29 =	vld.idx.msk [tilespmem:v29+s15+$0x0], $0xffff;
	[dreg:$0x1b] =	wrdreg s23  }
0x80: {  	s24 =	simm.s32 $0x7;
	s7 =	sor.u32 s23, s6;
	v41 =	vor.u32 s9, v12;
	[tilespmem:s4+$0xE540] =	vst v24;
	v24 =	vadd.f32 v27, v22;
	v27 =	vmul.f32 $8.000000000e+00, v32  }
0x81: {  	v43 =	vor.u32 s24, v8;
	v36 =	vshll.u32 v15, $0x6;
	v15 =	vand.u32 $0x40, v16;
	[tilespmem:s7+$0xE500] =	vst v26;
	v16 =	vld.idx.msk [tilespmem:v34+s15+$0x0], $0xffff  }
0x82: {  	v42 =	vor.u32 s12, v13;
	v26 =	vld.idx.msk [tilespmem:v40+s15+$0x0], $0xffff;
	[tilespmem:s3+$0xE510] =	vst v24;
	v24 =	vadd.f32 v27, v21;
	v27 =	vmul.f32 $8.000000000e+00, v33  }
0x83: {  	v37 =	vmov s2;
	v45 =	vor.u32 s2, v10;
	v31 =	vld.idx.msk [tilespmem:v31+s15+$0x0], $0xffff  }
0x84: {  	v44 =	vor.u32 s11, v14;
	[tilespmem:s10+$0xE520] =	vst v24;
	v27 =	vadd.f32 v27, v20;
	v29 =	vmul.f32 $8.000000000e+00, v29  }
0x85: {  	s13 =	simm.s32 $0x300;
	v15 =	vor.u32 v6, v15;
	v30 =	vmul.f32 $8.000000000e+00, v30;
	v24 =	vperm.xlane v25, v37;
	v32 =	vld.idx.msk [tilespmem:v41+s15+$0x0], $0xffff  }
0x86: {  	s1 =	sand.u32 $0x380, s13;
	s14 =	simm.s32 $0x600;
	v34 =	vld.idx.msk [tilespmem:v43+s15+$0x0], $0xffff;
	[tilespmem:s5+$0xE530] =	vst v27;
	v27 =	vadd.f32 v29, v19;
	v16 =	vmul.f32 $8.000000000e+00, v16;
	v29 =	vor.u32 s31, v15  }
0x87: {  	s6 =	sand.u32 $0x800, s14;
	v38 =	vor.u32 s8, v11;
	v30 =	vadd.f32 v30, v24;
	v26 =	vmul.f32 $8.000000000e+00, v26;
	v33 =	vld.idx.msk [tilespmem:v42+s15+$0x0], $0xffff;
	[dreg:$0x1c] =	wrdreg s1  }
0x88: {  	s19 =	simm.s32 $0x8;
	s14 =	sor.u32 s1, s6;
	[tilespmem:s28+$0xE540] =	vst v27;
	v16 =	vadd.f32 v16, v28;
	v27 =	vmul.f32 $8.000000000e+00, v31;
	v31 =	vor.u32 s18, v12  }
0x89: {  	v48 =	vor.u32 s19, v8;
	[tilespmem:s14+$0xE500] =	vst v30;
	v26 =	vadd.f32 v26, v23;
	v30 =	vld.idx.msk [tilespmem:v44+s15+$0x0], $0xffff  }
0x8a: {  	v47 =	vor.u32 s9, v13;
	v46 =	vld.idx.msk [tilespmem:v45+s15+$0x0], $0xffff;
	[tilespmem:s4+$0xE550] =	vst v16;
	v27 =	vadd.f32 v27, v22;
	v32 =	vmul.f32 $8.000000000e+00, v32  }
0x8b: {  	v51 =	vor.u32 s24, v10;
	v36 =	vand.u32 $0x40, v36;
	v39 =	vor.u32 s12, v14;
	[tilespmem:s7+$0xE510] =	vst v26;
	v29 =	vld.idx.msk [tilespmem:v29+s15+$0x0], $0xffff  }
0x8c: {  	v26 =	vmov s24;
	v38 =	vld.idx.msk [tilespmem:v38+s15+$0x0], $0xffff;
	[tilespmem:s3+$0xE520] =	vst v27;
	v27 =	vadd.f32 v32, v21;
	v49 =	vmul.f32 $8.000000000e+00, v33  }
0x8d: {  	v52 =	vor.u32 s11, v15;
	s20 =	simm.s32 $0x380;
	v50 =	vmul.f32 $8.000000000e+00, v34;
	v26 =	vperm.xlane v25, v26;
	v31 =	vld.idx.msk [tilespmem:v31+s15+$0x0], $0xffff  }
0x8e: {  	s16 =	simm.s32 $0x700;
	s21 =	sand.u32 $0x380, s20;
	v16 =	vor.u32 v7, v36;
	v36 =	vld.idx.msk [tilespmem:v48+s15+$0x0], $0xffff;
	[tilespmem:s10+$0xE530] =	vst v27;
	v27 =	vadd.f32 v49, v20;
	v30 =	vmul.f32 $8.000000000e+00, v30  }
0x8f: {  	v40 =	vor.u32 s2, v11;
	s1 =	sand.u32 $0x800, s16;
	v33 =	vadd.f32 v50, v26;
	v35 =	vmul.f32 $8.000000000e+00, v46;
	v37 =	vld.idx.msk [tilespmem:v47+s15+$0x0], $0xffff;
	[dreg:$0x1d] =	wrdreg s21  }
0x90: {  	s23 =	sor.u32 s21, s1;
	[tilespmem:s5+$0xE540] =	vst v27;
	v27 =	vadd.f32 v30, v19;
	v29 =	vmul.f32 $8.000000000e+00, v29;
	v30 =	vor.u32 s31, v16  }
0x91: {  	v55 =	vor.u32 s8, v12;
	s21 =	simm.s32 $0x9;
	[tilespmem:s23+$0xE500] =	vst v33;
	v53 =	vadd.f32 v35, v24;
	v54 =	vmul.f32 $8.000000000e+00, v38;
	v39 =	vld.idx.msk [tilespmem:v39+s15+$0x0], $0xffff  }
0x92: {  	v57 =	vor.u32 s21, v8;
	v34 =	vld.idx.msk [tilespmem:v51+s15+$0x0], $0xffff;
	[tilespmem:s28+$0xE550] =	vst v27;
	v27 =	vadd.f32 v29, v28;
	v29 =	vmul.f32 $8.000000000e+00, v31  }
0x93: {  	v41 =	vor.u32 s9, v14;
	v31 =	vor.u32 s18, v13;
	[tilespmem:s14+$0xE510] =	vst v53;
	v56 =	vadd.f32 v54, v23;
	v32 =	vld.idx.msk [tilespmem:v52+s15+$0x0], $0xffff  }
0x94: {  	v42 =	vld.idx.msk [tilespmem:v40+s15+$0x0], $0xffff;
	[tilespmem:s4+$0xE560] =	vst v27;
	v27 =	vmov s19;
	v29 =	vadd.f32 v29, v22;
	v37 =	vmul.f32 $8.000000000e+00, v37  }
0x95: {  	v43 =	vor.u32 s19, v10;
	v58 =	vmul.f32 $8.000000000e+00, v36;
	[tilespmem:s7+$0xE520] =	vst v56;
	v30 =	vld.idx.msk [tilespmem:v30+s15+$0x0], $0xffff;
	v27 =	vperm.xlane v25, v27  }
0x96: {  	s25 =	simm.s32 $0x800;
	s26 =	simm.s32 $0x400;
	v44 =	vor.u32 s12, v15;
	v38 =	vld.idx.msk [tilespmem:v55+s15+$0x0], $0xffff;
	[tilespmem:s3+$0xE530] =	vst v29;
	v29 =	vadd.f32 v37, v21;
	v59 =	vmul.f32 $8.000000000e+00, v39  }
0x97: {  	s22 =	sand.u32 $0x800, s25;
	v45 =	vor.u32 s24, v11;
	s24 =	sand.u32 $0x380, s26;
	v40 =	vld.idx.msk [tilespmem:v57+s15+$0x0], $0xffff;
	v34 =	vmul.f32 $8.000000000e+00, v34;
	v60 =	vadd.f32 v58, v27  }
0x98: {  	s9 =	sor.u32 s24, s22;
	v33 =	vld.idx.msk [tilespmem:v31+s15+$0x0], $0xffff;
	[tilespmem:s10+$0xE540] =	vst v29;
	v61 =	vadd.f32 v59, v20;
	v32 =	vmul.f32 $8.000000000e+00, v32;
	v29 =	vor.u32 s11, v16  }
0x99: {  	s30 =	simm.s32 $0xB;
	s29 =	simm.s32 $0x6;
	v36 =	vor.u32 s2, v12;
	v34 =	vadd.f32 v34, v26;
	v62 =	vmul.f32 $8.000000000e+00, v42;
	[tilespmem:s9+$0xE500] =	vst v60;
	v31 =	vld.idx.msk [tilespmem:v41+s15+$0x0], $0xffff  }
0x9a: {  	s13 =	simm.s32 $0x8;
	s6 =	simm.s32 $0x7;
	s16 =	simm.s32 $0x2;
	v37 =	vld.idx.msk [tilespmem:v43+s15+$0x0], $0xffff;
	[tilespmem:s5+$0xE550] =	vst v61;
	v32 =	vadd.f32 v32, v19;
	v63 =	vmul.f32 $8.000000000e+00, v30  }
0x9b: {  	s1 =	simm.s32 $0x3;
	s12 =	simm.s32 $0x9;
	s22 =	simm.s32 $0xA;
	v35 =	vor.u32 s8, v13;
	[tilespmem:s23+$0xE510] =	vst v34;
	v41 =	vadd.f32 v62, v24;
	v39 =	vmul.f32 $8.000000000e+00, v38;
	v30 =	vld.idx.msk [tilespmem:v44+s15+$0x0], $0xffff  }
0x9c: {  	s24 =	simm.s32 $0x5;
	s11 =	simm.s32 $0xA;
	v42 =	vor.u32 s22, v8;
	v34 =	vor.u32 s18, v14;
	s18 =	simm.s32 $0x4;
	v38 =	vld.idx.msk [tilespmem:v45+s15+$0x0], $0xffff;
	[tilespmem:s28+$0xE560] =	vst v32;
	v32 =	vadd.f32 v63, v28  }
.LBB2_3:
0x9d: {  	p1 =	sne.s32 s30, $0xF;
	v28 =	vmov s12;
	[tilespmem:s14+$0xE520] =	vst v41;
	v39 =	vadd.f32 v39, v23;
	v33 =	vmul.f32 $8.000000000e+00, v33;
	v41 =	vld.idx.msk [tilespmem:v29+s15+$0x0], $0xffff;
	v43 =	vmovc v20;
	v20 =	vmovc v21;
	s8 =	smov.u32 s11;
	s11 =	smov.u32 s30  }
0x9e: {  	v29 =	vmul.f32 $8.000000000e+00, v40;
	v44 =	vor.u32 s12, v10;
	v21 =	vmovc v22;
	v28 =	vperm.xlane v25, v28;
	v45 =	vld.idx.msk [tilespmem:v36+s15+$0x0], $0xffff;
	[tilespmem:s4+$0xE570] =	vst v32;
	s4 =	smov.u32 s28;
	s28 =	smov.u32 s5;
	s5 =	smov.u32 s10  }
0x9f: {  	s26 =	sadd.s32 $0x80, s26;
	s25 =	sadd.s32 $0x100, s25;
	v46 =	vor.u32 s1, v15;
	v22 =	vmovc v23;
	v23 =	vmovc v24;
	v31 =	vmul.f32 $8.000000000e+00, v31;
	s10 =	smov.u32 s3;
	[tilespmem:s7+$0xE530] =	vst v39;
	v32 =	vadd.f32 v33, v21  }
0xa0: {  	v47 =	vor.u32 s13, v11;
	v24 =	vmovc v26;
	v26 =	vmovc v27;
	s2 =	sand.u32 $0x800, s25;
	s0 =	sand.u32 $0x380, s26;
	s3 =	smov.u32 s7;
	v37 =	vmul.f32 $8.000000000e+00, v37;
	v36 =	vadd.f32 v29, v28;
	v33 =	vld.idx.msk [tilespmem:v35+s15+$0x0], $0xffff  }
.Ltmp0:
0xa1: {  	s0 =	sor.u32 s0, s2;
	s7 =	smov.u32 s14;
	v30 =	vmul.f32 $8.000000000e+00, v30;
	v29 =	vor.u32 s16, v16;
	v27 =	vmovc v28;
	v40 =	vld.idx.msk [tilespmem:v42+s15+$0x0], $0xffff;
	[tilespmem:s10+$0xE540] =	vst v32;
	v32 =	vadd.f32 v31, v20;
	(pc) =	sbr.rel @p1 .LBB2_3-.Ltmp0, $4  }
0xa2: {  	s14 =	smov.u32 s23;
	s23 =	smov.u32 s9;
	s9 =	smov.u32 s0;
	v28 =	vadd.f32 v37, v26;
	v35 =	vmul.f32 $8.000000000e+00, v38;
	[tilespmem:s0+$0xE500] =	vst v36;
	v36 =	vor.u32 s6, v12;
	v31 =	vld.idx.msk [tilespmem:v34+s15+$0x0], $0xffff  }
0xa3: {  	s16 =	smov.u32 s1;
	s1 =	smov.u32 s18;
	s18 =	smov.u32 s24;
	v37 =	vld.idx.msk [tilespmem:v44+s15+$0x0], $0xffff;
	[tilespmem:s5+$0xE550] =	vst v32;
	v32 =	vadd.f32 v30, v43;
	v44 =	vmul.f32 $8.000000000e+00, v41  }
0xa4: {  	s24 =	smov.u32 s29;
	v41 =	vadd.f32 v35, v24;
	v39 =	vmul.f32 $8.000000000e+00, v45;
	v35 =	vor.u32 s29, v13;
	s29 =	smov.u32 s6;
	s6 =	smov.u32 s13;
	[tilespmem:s23+$0xE510] =	vst v28;
	v30 =	vld.idx.msk [tilespmem:v46+s15+$0x0], $0xffff  }
0xa5: {  	s30 =	sadd.s32 $0x1, s30;
	v42 =	vor.u32 s11, v8;
	v34 =	vor.u32 s18, v14;
	s13 =	smov.u32 s12;
	s12 =	smov.u32 s8;
	v38 =	vld.idx.msk [tilespmem:v47+s15+$0x0], $0xffff;
	[tilespmem:s28+$0xE560] =	vst v32;
	v32 =	vadd.f32 v44, v19;
	v19 =	vmovc v43  }
0xa6: {  	_ =	sdelay $0x3  }
0xa7: {  	v42 =	vld.idx.msk [tilespmem:v42+s15+$0x0], $0xffff;
	_ =	sdelay $0x2  }
0xa8: {  	v28 =	vmov s12;
	v40 =	vmul.f32 $8.000000000e+00, v40  }
0xa9: {  	v43 =	vor.u32 s12, v10;
	s0 =	sadd.s32 $0x80, s26;
	v44 =	vmov s11;
	v28 =	vperm.xlane v25, v28  }
0xaa: {  	s2 =	sadd.s32 $0x100, s25;
	v49 =	vor.u32 s11, v10;
	v25 =	vperm.xlane v25, v44;
	s8 =	sand.u32 $0x380, s0;
	v42 =	vmul.f32 $8.000000000e+00, v42  }
0xab: {  	s0 =	sadd.s32 $0x80, s0;
	s25 =	sand.u32 $0x800, s2;
	s2 =	sadd.s32 $0x100, s2;
	v40 =	vadd.f32 v40, v28  }
0xac: {  	s25 =	sor.u32 s8, s25;
	s2 =	sand.u32 $0x800, s2;
	s0 =	sand.u32 $0x380, s0;
	v42 =	vadd.f32 v42, v25  }
0xad: {  	s8 =	sor.u32 s0, s2;
	[tilespmem:s25+$0xE500] =	vst v40  }
0xae: {  	v40 =	vld.idx.msk [tilespmem:v43+s15+$0x0], $0xffff;
	[tilespmem:s8+$0xE500] =	vst v42  }
0xaf: {  	v42 =	vld.idx.msk [tilespmem:v49+s15+$0x0], $0xffff;
	_ =	sdelay $0x2  }
0xb0: {  	v50 =	vor.u32 s13, v11;
	v37 =	vmul.f32 $8.000000000e+00, v37  }
0xb1: {  	v51 =	vor.u32 s12, v11;
	v40 =	vmul.f32 $8.000000000e+00, v40  }
0xb2: {  	v45 =	vor.u32 s11, v11;
	v37 =	vadd.f32 v37, v27;
	v42 =	vmul.f32 $8.000000000e+00, v42  }
0xb3: {  	v40 =	vadd.f32 v40, v28  }
0xb4: {  	[tilespmem:s9+$0xE510] =	vst v37;
	v52 =	vadd.f32 v42, v25  }
0xb5: {  	v53 =	vld.idx.msk [tilespmem:v50+s15+$0x0], $0xffff;
	[tilespmem:s25+$0xE510] =	vst v40  }
0xb6: {  	v40 =	vld.idx.msk [tilespmem:v51+s15+$0x0], $0xffff;
	[tilespmem:s8+$0xE510] =	vst v52  }
0xb7: {  	v37 =	vld.idx.msk [tilespmem:v45+s15+$0x0], $0xffff;
	_ =	sdelay $0x1  }
0xb8: {  	v54 =	vor.u32 s6, v12;
	v38 =	vmul.f32 $8.000000000e+00, v38  }
0xb9: {  	v55 =	vor.u32 s13, v12;
	v42 =	vmul.f32 $8.000000000e+00, v53  }
0xba: {  	v56 =	vor.u32 s12, v12;
	v38 =	vadd.f32 v38, v26;
	v40 =	vmul.f32 $8.000000000e+00, v40  }
0xbb: {  	[tilespmem:s14+$0xE520] =	vst v41;
	v58 =	vor.u32 s11, v12;
	v57 =	vadd.f32 v42, v27;
	v37 =	vmul.f32 $8.000000000e+00, v37  }
0xbc: {  	v36 =	vld.idx.msk [tilespmem:v36+s15+$0x0], $0xffff;
	[tilespmem:s23+$0xE520] =	vst v38;
	v59 =	vadd.f32 v40, v28  }
0xbd: {  	v60 =	vld.idx.msk [tilespmem:v54+s15+$0x0], $0xffff;
	[tilespmem:s9+$0xE520] =	vst v57;
	v37 =	vadd.f32 v37, v25  }
0xbe: {  	v41 =	vld.idx.msk [tilespmem:v55+s15+$0x0], $0xffff;
	[tilespmem:s25+$0xE520] =	vst v59  }
0xbf: {  	v38 =	vld.idx.msk [tilespmem:v56+s15+$0x0], $0xffff;
	[tilespmem:s8+$0xE520] =	vst v37  }
0xc0: {  	v37 =	vld.idx.msk [tilespmem:v58+s15+$0x0], $0xffff  }
0xc1: {  	v61 =	vor.u32 s29, v13;
	v36 =	vmul.f32 $8.000000000e+00, v36  }
0xc2: {  	v39 =	vadd.f32 v39, v23;
	v62 =	vor.u32 s6, v13;
	v40 =	vmul.f32 $8.000000000e+00, v60  }
0xc3: {  	v63 =	vor.u32 s13, v13;
	v36 =	vadd.f32 v36, v24;
	v41 =	vmul.f32 $8.000000000e+00, v41  }
0xc4: {  	[tilespmem:s7+$0xE530] =	vst v39;
	v49 =	vor.u32 s12, v13;
	v48 =	vadd.f32 v40, v26;
	v38 =	vmul.f32 $8.000000000e+00, v38  }
0xc5: {  	v35 =	vld.idx.msk [tilespmem:v35+s15+$0x0], $0xffff;
	[tilespmem:s14+$0xE530] =	vst v36;
	v51 =	vor.u32 s11, v13;
	v50 =	vadd.f32 v41, v27;
	v37 =	vmul.f32 $8.000000000e+00, v37  }
0xc6: {  	v52 =	vld.idx.msk [tilespmem:v61+s15+$0x0], $0xffff;
	[tilespmem:s23+$0xE530] =	vst v48;
	v38 =	vadd.f32 v38, v28  }
0xc7: {  	v53 =	vld.idx.msk [tilespmem:v62+s15+$0x0], $0xffff;
	[tilespmem:s9+$0xE530] =	vst v50;
	v54 =	vadd.f32 v37, v25  }
0xc8: {  	v55 =	vld.idx.msk [tilespmem:v63+s15+$0x0], $0xffff;
	[tilespmem:s25+$0xE530] =	vst v38  }
0xc9: {  	v33 =	vmul.f32 $8.000000000e+00, v33;
	v38 =	vld.idx.msk [tilespmem:v49+s15+$0x0], $0xffff;
	[tilespmem:s8+$0xE530] =	vst v54  }
0xca: {  	v35 =	vmul.f32 $8.000000000e+00, v35;
	v56 =	vor.u32 s24, v14;
	v57 =	vld.idx.msk [tilespmem:v51+s15+$0x0], $0xffff  }
0xcb: {  	v33 =	vadd.f32 v33, v22;
	v39 =	vmul.f32 $8.000000000e+00, v52;
	v58 =	vor.u32 s29, v14  }
0xcc: {  	v35 =	vadd.f32 v35, v23;
	v59 =	vor.u32 s6, v14;
	v42 =	vmul.f32 $8.000000000e+00, v53  }
0xcd: {  	[tilespmem:s3+$0xE540] =	vst v33;
	v61 =	vor.u32 s13, v14;
	v60 =	vadd.f32 v39, v24;
	v37 =	vmul.f32 $8.000000000e+00, v55  }
0xce: {  	v34 =	vld.idx.msk [tilespmem:v34+s15+$0x0], $0xffff;
	[tilespmem:s7+$0xE540] =	vst v35;
	v63 =	vor.u32 s12, v14;
	v62 =	vadd.f32 v42, v26;
	v38 =	vmul.f32 $8.000000000e+00, v38  }
0xcf: {  	v45 =	vor.u32 s11, v14;
	[tilespmem:s14+$0xE540] =	vst v60;
	v36 =	vld.idx.msk [tilespmem:v56+s15+$0x0], $0xffff;
	v44 =	vadd.f32 v37, v27;
	v40 =	vmul.f32 $8.000000000e+00, v57  }
0xd0: {  	v41 =	vld.idx.msk [tilespmem:v58+s15+$0x0], $0xffff;
	[tilespmem:s23+$0xE540] =	vst v62;
	v46 =	vadd.f32 v38, v28  }
0xd1: {  	v47 =	vld.idx.msk [tilespmem:v59+s15+$0x0], $0xffff;
	[tilespmem:s9+$0xE540] =	vst v44;
	v48 =	vadd.f32 v40, v25  }
0xd2: {  	v31 =	vmul.f32 $8.000000000e+00, v31;
	v49 =	vor.u32 s1, v15;
	v39 =	vld.idx.msk [tilespmem:v61+s15+$0x0], $0xffff;
	[tilespmem:s25+$0xE540] =	vst v46  }
0xd3: {  	v34 =	vmul.f32 $8.000000000e+00, v34;
	v50 =	vor.u32 s18, v15;
	v42 =	vld.idx.msk [tilespmem:v63+s15+$0x0], $0xffff;
	[tilespmem:s8+$0xE540] =	vst v48  }
0xd4: {  	v31 =	vadd.f32 v31, v21;
	v52 =	vor.u32 s24, v15;
	v51 =	vmul.f32 $8.000000000e+00, v36;
	v37 =	vld.idx.msk [tilespmem:v45+s15+$0x0], $0xffff  }
0xd5: {  	v34 =	vadd.f32 v34, v22;
	v53 =	vor.u32 s29, v15;
	v41 =	vmul.f32 $8.000000000e+00, v41  }
0xd6: {  	[tilespmem:s10+$0xE550] =	vst v31;
	v55 =	vor.u32 s6, v15;
	v31 =	vadd.f32 v51, v23;
	v54 =	vmul.f32 $8.000000000e+00, v47  }
0xd7: {  	[tilespmem:s3+$0xE550] =	vst v34;
	v56 =	vadd.f32 v41, v24;
	v57 =	vor.u32 s13, v15;
	v40 =	vld.idx.msk [tilespmem:v49+s15+$0x0], $0xffff;
	v39 =	vmul.f32 $8.000000000e+00, v39  }
0xd8: {  	v35 =	vld.idx.msk [tilespmem:v50+s15+$0x0], $0xffff;
	v59 =	vor.u32 s12, v15;
	[tilespmem:s7+$0xE550] =	vst v31;
	v31 =	vadd.f32 v54, v26;
	v58 =	vmul.f32 $8.000000000e+00, v42  }
0xd9: {  	v61 =	vor.u32 s11, v15;
	[tilespmem:s14+$0xE550] =	vst v56;
	v36 =	vld.idx.msk [tilespmem:v52+s15+$0x0], $0xffff;
	v60 =	vadd.f32 v39, v27;
	v37 =	vmul.f32 $8.000000000e+00, v37  }
0xda: {  	v43 =	vld.idx.msk [tilespmem:v53+s15+$0x0], $0xffff;
	[tilespmem:s23+$0xE550] =	vst v31;
	v31 =	vadd.f32 v58, v28  }
0xdb: {  	v30 =	vmul.f32 $8.000000000e+00, v30;
	v62 =	vor.u32 s16, v16;
	v38 =	vld.idx.msk [tilespmem:v55+s15+$0x0], $0xffff;
	[tilespmem:s9+$0xE550] =	vst v60;
	v63 =	vadd.f32 v37, v25  }
0xdc: {  	v45 =	vor.u32 s1, v16;
	v40 =	vmul.f32 $8.000000000e+00, v40;
	v41 =	vld.idx.msk [tilespmem:v57+s15+$0x0], $0xffff;
	[tilespmem:s25+$0xE550] =	vst v31  }
0xdd: {  	v30 =	vadd.f32 v30, v20;
	v35 =	vmul.f32 $8.000000000e+00, v35;
	v31 =	vor.u32 s18, v16;
	v42 =	vld.idx.msk [tilespmem:v59+s15+$0x0], $0xffff;
	[tilespmem:s8+$0xE550] =	vst v63  }
0xde: {  	[tilespmem:s4+$0xE570] =	vst v32;
	v46 =	vor.u32 s24, v16;
	v36 =	vmul.f32 $8.000000000e+00, v36;
	v47 =	vadd.f32 v40, v21;
	v39 =	vld.idx.msk [tilespmem:v61+s15+$0x0], $0xffff  }
0xdf: {  	v29 =	vld.idx.msk [tilespmem:v29+s15+$0x0], $0xffff;
	[tilespmem:s5+$0xE560] =	vst v30;
	v30 =	vadd.f32 v35, v22;
	v48 =	vor.u32 s29, v16;
	v49 =	vmul.f32 $8.000000000e+00, v43  }
0xe0: {  	v50 =	vor.u32 s6, v16;
	v33 =	vld.idx.msk [tilespmem:v62+s15+$0x0], $0xffff;
	v51 =	vadd.f32 v36, v23;
	v52 =	vmul.f32 $8.000000000e+00, v38;
	[tilespmem:s10+$0xE560] =	vst v47  }
0xe1: {  	v53 =	vor.u32 s13, v16;
	[tilespmem:s3+$0xE560] =	vst v30;
	v30 =	vadd.f32 v49, v24;
	v37 =	vld.idx.msk [tilespmem:v45+s15+$0x0], $0xffff;
	v54 =	vmul.f32 $8.000000000e+00, v41  }
0xe2: {  	v55 =	vor.u32 s12, v16;
	[tilespmem:s7+$0xE560] =	vst v51;
	v56 =	vadd.f32 v52, v26;
	v31 =	vld.idx.msk [tilespmem:v31+s15+$0x0], $0xffff;
	v57 =	vmul.f32 $8.000000000e+00, v42  }
0xe3: {  	v58 =	vor.u32 s11, v16;
	[tilespmem:s14+$0xE560] =	vst v30;
	v30 =	vld.idx.msk [tilespmem:v46+s15+$0x0], $0xffff;
	v59 =	vadd.f32 v54, v27;
	v60 =	vmul.f32 $8.000000000e+00, v39  }
0xe4: {  	v29 =	vmul.f32 $8.000000000e+00, v29;
	[tilespmem:s23+$0xE560] =	vst v56;
	v61 =	vld.idx.msk [tilespmem:v48+s15+$0x0], $0xffff;
	v62 =	vadd.f32 v57, v28  }
0xe5: {  	v33 =	vmul.f32 $8.000000000e+00, v33;
	v63 =	vld.idx.msk [tilespmem:v50+s15+$0x0], $0xffff;
	[tilespmem:s9+$0xE560] =	vst v59;
	v40 =	vadd.f32 v60, v25  }
0xe6: {  	v19 =	vadd.f32 v29, v19;
	v29 =	vmul.f32 $8.000000000e+00, v37;
	v43 =	vld.idx.msk [tilespmem:v53+s15+$0x0], $0xffff;
	[tilespmem:s25+$0xE560] =	vst v62  }
0xe7: {  	v20 =	vadd.f32 v33, v20;
	v31 =	vmul.f32 $8.000000000e+00, v31;
	v44 =	vld.idx.msk [tilespmem:v55+s15+$0x0], $0xffff;
	[tilespmem:s8+$0xE560] =	vst v40  }
0xe8: {  	[tilespmem:s28+$0xE570] =	vst v19;
	v19 =	vadd.f32 v29, v21;
	v21 =	vmul.f32 $8.000000000e+00, v30;
	v29 =	vld.idx.msk [tilespmem:v58+s15+$0x0], $0xffff  }
0xe9: {  	[tilespmem:s5+$0xE570] =	vst v20;
	v20 =	vadd.f32 v31, v22;
	v22 =	vmul.f32 $8.000000000e+00, v61  }
0xea: {  	[tilespmem:s10+$0xE570] =	vst v19;
	v19 =	vadd.f32 v21, v23;
	v21 =	vmul.f32 $8.000000000e+00, v63  }
0xeb: {  	[tilespmem:s3+$0xE570] =	vst v20;
	v20 =	vadd.f32 v22, v24;
	v22 =	vmul.f32 $8.000000000e+00, v43  }
0xec: {  	s18 =	simm.s32 $0x10;
	[tilespmem:s7+$0xE570] =	vst v19;
	v19 =	vadd.f32 v21, v26;
	v21 =	vmul.f32 $8.000000000e+00, v44  }
0xed: {  	v23 =	vor.u32 s18, v8;
	[tilespmem:s14+$0xE570] =	vst v20;
	v20 =	vadd.f32 v22, v27;
	v22 =	vmul.f32 $8.000000000e+00, v29  }
0xee: {  	[tilespmem:s23+$0xE570] =	vst v19;
	v19 =	vadd.f32 v21, v28  }
0xef: {  	[tilespmem:s9+$0xE570] =	vst v20;
	v20 =	vadd.f32 v22, v25  }
0xf0: {  	[tilespmem:s25+$0xE570] =	vst v19  }
0xf1: {  	[tilespmem:s8+$0xE570] =	vst v20  }
0xf2: {  	v20 =	vld.idx.msk [tilespmem:v23+s15+$0x0], $0xffff;
	_ =	sdelay $0x2  }
0xf3: {  	s16 =	simm.s32 $0x11  }
0xf4: {  	v21 =	vor.u32 s16, v8;
	v19 =	vmov s31  }
0xf5: {  	v19 =	vperm.xlane v18, v19;
	v22 =	vor.u32 s18, v10;
	v20 =	vmul.f32 $8.000000000e+00, v20  }
0xf6: {  	s30 =	simm.s32 $0x1000  }
0xf7: {  	s0 =	sand.u32 $0x1800, s30;
	s31 =	rddreg [dreg:$0x10];
	v20 =	vadd.f32 v20, v19  }
0xf8: {  	s4 =	sor.u32 s31, s0  }
0xf9: {  	v21 =	vld.idx.msk [tilespmem:v21+s15+$0x0], $0xffff;
	[tilespmem:s4+$0xE500] =	vst v20  }
0xfa: {  	v22 =	vld.idx.msk [tilespmem:v22+s15+$0x0], $0xffff;
	_ =	sdelay $0x1  }
0xfb: {  	s1 =	simm.s32 $0x1;
	s5 =	simm.s32 $0x12  }
0xfc: {  	v23 =	vor.u32 s5, v8;
	v20 =	vmov s1  }
0xfd: {  	v24 =	vor.u32 s16, v10;
	v21 =	vmul.f32 $8.000000000e+00, v21;
	v20 =	vperm.xlane v18, v20  }
0xfe: {  	s2 =	simm.s32 $0x1100;
	v25 =	vor.u32 s18, v11;
	v22 =	vmul.f32 $8.000000000e+00, v22  }
0xff: {  	s0 =	sand.u32 $0x1800, s2;
	s3 =	rddreg [dreg:$0x12];
	v21 =	vadd.f32 v21, v20  }
0x100: {  	s0 =	sor.u32 s3, s0;
	v22 =	vadd.f32 v22, v19  }
0x101: {  	v23 =	vld.idx.msk [tilespmem:v23+s15+$0x0], $0xffff;
	[tilespmem:s0+$0xE500] =	vst v21  }
0x102: {  	v24 =	vld.idx.msk [tilespmem:v24+s15+$0x0], $0xffff;
	[tilespmem:s4+$0xE510] =	vst v22  }
0x103: {  	v22 =	vld.idx.msk [tilespmem:v25+s15+$0x0], $0xffff  }
0x104: {  	s6 =	simm.s32 $0x2;
	s7 =	simm.s32 $0x13  }
0x105: {  	v21 =	vmov s6;
	v25 =	vor.u32 s7, v8  }
0x106: {  	v26 =	vor.u32 s5, v10;
	v23 =	vmul.f32 $8.000000000e+00, v23;
	v21 =	vperm.xlane v18, v21  }
0x107: {  	v27 =	vor.u32 s16, v11;
	s8 =	simm.s32 $0x1200;
	v24 =	vmul.f32 $8.000000000e+00, v24  }
0x108: {  	v28 =	vor.u32 s18, v12;
	s1 =	sand.u32 $0x1800, s8;
	v23 =	vadd.f32 v23, v21;
	s9 =	rddreg [dreg:$0x14];
	v22 =	vmul.f32 $8.000000000e+00, v22  }
0x109: {  	s2 =	sor.u32 s9, s1;
	v24 =	vadd.f32 v24, v20  }
0x10a: {  	[tilespmem:s2+$0xE500] =	vst v23;
	v25 =	vld.idx.msk [tilespmem:v25+s15+$0x0], $0xffff;
	v22 =	vadd.f32 v22, v19  }
0x10b: {  	v23 =	vld.idx.msk [tilespmem:v26+s15+$0x0], $0xffff;
	[tilespmem:s0+$0xE510] =	vst v24  }
0x10c: {  	v24 =	vld.idx.msk [tilespmem:v27+s15+$0x0], $0xffff;
	[tilespmem:s4+$0xE520] =	vst v22  }
0x10d: {  	s10 =	simm.s32 $0x3;
	s9 =	simm.s32 $0x14;
	v26 =	vld.idx.msk [tilespmem:v28+s15+$0x0], $0xffff  }
0x10e: {  	v27 =	vor.u32 s9, v8;
	v22 =	vmov s10  }
0x10f: {  	v22 =	vperm.xlane v18, v22;
	v25 =	vmul.f32 $8.000000000e+00, v25;
	v28 =	vor.u32 s7, v10  }
0x110: {  	s11 =	simm.s32 $0x1300;
	v29 =	vor.u32 s5, v11;
	v23 =	vmul.f32 $8.000000000e+00, v23  }
0x111: {  	v30 =	vor.u32 s16, v12;
	s1 =	sand.u32 $0x1800, s11;
	v24 =	vmul.f32 $8.000000000e+00, v24;
	s3 =	rddreg [dreg:$0x15];
	v25 =	vadd.f32 v25, v22  }
0x112: {  	v31 =	vor.u32 s18, v13;
	v23 =	vadd.f32 v23, v21;
	s3 =	sor.u32 s3, s1;
	v26 =	vmul.f32 $8.000000000e+00, v26  }
0x113: {  	v27 =	vld.idx.msk [tilespmem:v27+s15+$0x0], $0xffff;
	v24 =	vadd.f32 v24, v20;
	[tilespmem:s3+$0xE500] =	vst v25  }
0x114: {  	[tilespmem:s2+$0xE510] =	vst v23;
	v25 =	vld.idx.msk [tilespmem:v28+s15+$0x0], $0xffff;
	v23 =	vadd.f32 v26, v19  }
0x115: {  	[tilespmem:s0+$0xE520] =	vst v24;
	v26 =	vld.idx.msk [tilespmem:v29+s15+$0x0], $0xffff  }
0x116: {  	s12 =	simm.s32 $0x4;
	s10 =	simm.s32 $0x15;
	v24 =	vld.idx.msk [tilespmem:v30+s15+$0x0], $0xffff;
	[tilespmem:s4+$0xE530] =	vst v23  }
0x117: {  	v29 =	vor.u32 s10, v8;
	v23 =	vmov s12;
	v28 =	vld.idx.msk [tilespmem:v31+s15+$0x0], $0xffff  }
0x118: {  	v27 =	vmul.f32 $8.000000000e+00, v27;
	v30 =	vor.u32 s9, v10;
	v23 =	vperm.xlane v18, v23  }
0x119: {  	s13 =	simm.s32 $0x1400;
	v25 =	vmul.f32 $8.000000000e+00, v25;
	v31 =	vor.u32 s7, v11  }
0x11a: {  	v45 =	vor.u32 s5, v12;
	s1 =	sand.u32 $0x1800, s13;
	s14 =	rddreg [dreg:$0x17];
	v27 =	vadd.f32 v27, v23;
	v26 =	vmul.f32 $8.000000000e+00, v26  }
0x11b: {  	v46 =	vor.u32 s16, v13;
	v24 =	vmul.f32 $8.000000000e+00, v24;
	s6 =	sor.u32 s14, s1;
	v25 =	vadd.f32 v25, v22  }
0x11c: {  	v29 =	vld.idx.msk [tilespmem:v29+s15+$0x0], $0xffff;
	[tilespmem:s6+$0xE500] =	vst v27;
	v26 =	vadd.f32 v26, v21;
	v27 =	vmul.f32 $8.000000000e+00, v28;
	v28 =	vor.u32 s18, v14  }
0x11d: {  	v24 =	vadd.f32 v24, v20;
	[tilespmem:s3+$0xE510] =	vst v25;
	v30 =	vld.idx.msk [tilespmem:v30+s15+$0x0], $0xffff  }
0x11e: {  	v25 =	vld.idx.msk [tilespmem:v31+s15+$0x0], $0xffff;
	[tilespmem:s2+$0xE520] =	vst v26;
	v26 =	vadd.f32 v27, v19  }
0x11f: {  	s23 =	simm.s32 $0x5;
	s11 =	simm.s32 $0x16;
	[tilespmem:s0+$0xE530] =	vst v24;
	v27 =	vld.idx.msk [tilespmem:v45+s15+$0x0], $0xffff  }
0x120: {  	v24 =	vmov s23;
	v31 =	vld.idx.msk [tilespmem:v46+s15+$0x0], $0xffff;
	[tilespmem:s4+$0xE540] =	vst v26;
	v26 =	vor.u32 s11, v8  }
0x121: {  	v47 =	vor.u32 s10, v10;
	v24 =	vperm.xlane v18, v24;
	v29 =	vmul.f32 $8.000000000e+00, v29;
	v28 =	vld.idx.msk [tilespmem:v28+s15+$0x0], $0xffff  }
0x122: {  	s24 =	simm.s32 $0x1500;
	v48 =	vor.u32 s9, v11;
	v30 =	vmul.f32 $8.000000000e+00, v30  }
0x123: {  	v49 =	vor.u32 s7, v12;
	s1 =	sand.u32 $0x1800, s24;
	v29 =	vadd.f32 v29, v24;
	v25 =	vmul.f32 $8.000000000e+00, v25;
	s25 =	rddreg [dreg:$0x1b]  }
0x124: {  	v50 =	vor.u32 s5, v13;
	s1 =	sor.u32 s25, s1;
	v30 =	vadd.f32 v30, v23;
	v27 =	vmul.f32 $8.000000000e+00, v27  }
0x125: {  	[tilespmem:s1+$0xE500] =	vst v29;
	v25 =	vadd.f32 v25, v22;
	v29 =	vmul.f32 $8.000000000e+00, v31;
	v31 =	vor.u32 s16, v14;
	v26 =	vld.idx.msk [tilespmem:v26+s15+$0x0], $0xffff  }
0x126: {  	v32 =	vld.idx.msk [tilespmem:v47+s15+$0x0], $0xffff;
	[tilespmem:s6+$0xE510] =	vst v30;
	v27 =	vadd.f32 v27, v21;
	v30 =	vor.u32 s18, v15;
	v28 =	vmul.f32 $8.000000000e+00, v28  }
0x127: {  	[tilespmem:s3+$0xE520] =	vst v25;
	v25 =	vadd.f32 v29, v20;
	v33 =	vld.idx.msk [tilespmem:v48+s15+$0x0], $0xffff  }
0x128: {  	s26 =	simm.s32 $0x6;
	s13 =	simm.s32 $0x17;
	v29 =	vld.idx.msk [tilespmem:v49+s15+$0x0], $0xffff;
	[tilespmem:s2+$0xE530] =	vst v27;
	v27 =	vadd.f32 v28, v19  }
0x129: {  	v51 =	vor.u32 s13, v8;
	[tilespmem:s0+$0xE540] =	vst v25;
	v25 =	vmov s26;
	v28 =	vld.idx.msk [tilespmem:v50+s15+$0x0], $0xffff  }
0x12a: {  	v31 =	vld.idx.msk [tilespmem:v31+s15+$0x0], $0xffff;
	v25 =	vperm.xlane v18, v25;
	[tilespmem:s4+$0xE550] =	vst v27;
	v26 =	vmul.f32 $8.000000000e+00, v26;
	v27 =	vor.u32 s11, v10  }
0x12b: {  	s28 =	simm.s32 $0x1600;
	v52 =	vor.u32 s10, v11;
	v32 =	vmul.f32 $8.000000000e+00, v32;
	v30 =	vld.idx.msk [tilespmem:v30+s15+$0x0], $0xffff  }
0x12c: {  	s8 =	sand.u32 $0x1800, s28;
	v53 =	vor.u32 s9, v12;
	v33 =	vmul.f32 $8.000000000e+00, v33;
	s29 =	rddreg [dreg:$0x1c];
	v26 =	vadd.f32 v26, v25  }
0x12d: {  	v54 =	vor.u32 s7, v13;
	v32 =	vadd.f32 v32, v24;
	v29 =	vmul.f32 $8.000000000e+00, v29;
	s12 =	sor.u32 s29, s8  }
0x12e: {  	v55 =	vor.u32 s5, v14;
	v34 =	vld.idx.msk [tilespmem:v51+s15+$0x0], $0xffff;
	v28 =	vmul.f32 $8.000000000e+00, v28;
	[tilespmem:s12+$0xE500] =	vst v26;
	v26 =	vadd.f32 v33, v23  }
0x12f: {  	v56 =	vor.u32 s16, v15;
	[tilespmem:s1+$0xE510] =	vst v32;
	v29 =	vadd.f32 v29, v22;
	v31 =	vmul.f32 $8.000000000e+00, v31;
	v27 =	vld.idx.msk [tilespmem:v27+s15+$0x0], $0xffff  }
0x130: {  	v35 =	vld.idx.msk [tilespmem:v52+s15+$0x0], $0xffff;
	[tilespmem:s6+$0xE520] =	vst v26;
	v26 =	vadd.f32 v28, v21;
	v28 =	vmul.f32 $8.000000000e+00, v30;
	v30 =	vor.u32 s18, v16  }
0x131: {  	s30 =	simm.s32 $0x7;
	s23 =	simm.s32 $0x18;
	[tilespmem:s3+$0xE530] =	vst v29;
	v29 =	vadd.f32 v31, v20;
	v36 =	vld.idx.msk [tilespmem:v53+s15+$0x0], $0xffff  }
0x132: {  	v57 =	vor.u32 s23, v8;
	v31 =	vld.idx.msk [tilespmem:v54+s15+$0x0], $0xffff;
	[tilespmem:s2+$0xE540] =	vst v26;
	v28 =	vadd.f32 v28, v19;
	v26 =	vmov s30  }
0x133: {  	v58 =	vor.u32 s13, v10;
	[tilespmem:s0+$0xE550] =	vst v29;
	v29 =	vmul.f32 $8.000000000e+00, v34;
	v33 =	vld.idx.msk [tilespmem:v55+s15+$0x0], $0xffff;
	v26 =	vperm.xlane v18, v26  }
0x134: {  	v60 =	vor.u32 s11, v11;
	s24 =	simm.s32 $0x1700;
	v59 =	vld.idx.msk [tilespmem:v56+s15+$0x0], $0xffff;
	v27 =	vmul.f32 $8.000000000e+00, v27;
	[tilespmem:s4+$0xE560] =	vst v28  }
0x135: {  	v61 =	vor.u32 s10, v12;
	s31 =	sand.u32 $0x1800, s24;
	v28 =	vadd.f32 v29, v26;
	v29 =	vmul.f32 $8.000000000e+00, v35;
	s14 =	rddreg [dreg:$0x1d];
	v30 =	vld.idx.msk [tilespmem:v30+s15+$0x0], $0xffff  }
0x136: {  	v62 =	vor.u32 s9, v13;
	s14 =	sor.u32 s14, s31;
	v27 =	vadd.f32 v27, v25;
	v36 =	vmul.f32 $8.000000000e+00, v36  }
0x137: {  	v38 =	vld.idx.msk [tilespmem:v57+s15+$0x0], $0xffff;
	v32 =	vor.u32 s7, v14;
	[tilespmem:s14+$0xE500] =	vst v28;
	v28 =	vadd.f32 v29, v24;
	v29 =	vmul.f32 $8.000000000e+00, v31  }
0x138: {  	v31 =	vor.u32 s5, v15;
	v37 =	vld.idx.msk [tilespmem:v58+s15+$0x0], $0xffff;
	[tilespmem:s12+$0xE510] =	vst v27;
	v27 =	vadd.f32 v36, v23;
	v33 =	vmul.f32 $8.000000000e+00, v33  }
0x139: {  	v39 =	vmul.f32 $8.000000000e+00, v59;
	v36 =	vld.idx.msk [tilespmem:v60+s15+$0x0], $0xffff;
	[tilespmem:s1+$0xE520] =	vst v28;
	v63 =	vadd.f32 v29, v22;
	v28 =	vor.u32 s16, v16  }
0x13a: {  	v35 =	vld.idx.msk [tilespmem:v61+s15+$0x0], $0xffff;
	[tilespmem:s6+$0xE530] =	vst v27;
	v33 =	vadd.f32 v33, v21;
	v29 =	vmul.f32 $8.000000000e+00, v30  }
0x13b: {  	s18 =	simm.s32 $0x19;
	v30 =	vadd.f32 v39, v20;
	v34 =	vld.idx.msk [tilespmem:v62+s15+$0x0], $0xffff;
	[tilespmem:s3+$0xE540] =	vst v63  }
.LBB2_5:
0x13c: {  	p1 =	sne.s32 s22, $0xF;
	v27 =	vor.u32 s18, v8;
	v39 =	vmov s19;
	v40 =	vld.idx.msk [tilespmem:v32+s15+$0x0], $0xffff;
	[tilespmem:s2+$0xE550] =	vst v33;
	v29 =	vadd.f32 v29, v19;
	v19 =	vmovc v20;
	v20 =	vmovc v21;
	s19 =	smov.u32 s21;
	s21 =	smov.u32 s22  }
0x13d: {  	v33 =	vmul.f32 $8.000000000e+00, v38;
	v21 =	vmovc v22;
	v32 =	vperm.xlane v18, v39;
	v39 =	vor.u32 s23, v10;
	v41 =	vld.idx.msk [tilespmem:v31+s15+$0x0], $0xffff;
	[tilespmem:s0+$0xE560] =	vst v30  }
0x13e: {  	v42 =	vor.u32 s13, v11;
	s20 =	sadd.s32 $0x80, s20;
	s24 =	sadd.s32 $0x100, s24;
	v22 =	vmovc v23;
	v23 =	vmovc v24;
	v24 =	vmov v25;
	v30 =	vmul.f32 $8.000000000e+00, v37;
	v43 =	vld.idx.msk [tilespmem:v28+s15+$0x0], $0xffff;
	[tilespmem:s4+$0xE570] =	vst v29;
	s4 =	smov.u32 s0  }
0x13f: {  	v25 =	vmovc v26;
	s8 =	sand.u32 $0x1800, s24;
	s16 =	sand.u32 $0x380, s20;
	v29 =	vmul.f32 $8.000000000e+00, v36;
	s0 =	smov.u32 s2;
	v28 =	vadd.f32 v33, v32;
	v33 =	vor.u32 s11, v12;
	v26 =	vmovc v32  }
0x140: {  	v44 =	vor.u32 s10, v13;
	s8 =	sor.u32 s16, s8;
	s2 =	smov.u32 s3;
	s3 =	smov.u32 s6;
	v30 =	vadd.f32 v30, v25;
	v31 =	vmul.f32 $8.000000000e+00, v35  }
.Ltmp1:
0x141: {  	s6 =	smov.u32 s1;
	s1 =	smov.u32 s12;
	v32 =	vor.u32 s9, v14;
	v38 =	vld.idx.msk [tilespmem:v27+s15+$0x0], $0xffff;
	[tilespmem:s8+$0xE500] =	vst v28;
	v27 =	vadd.f32 v29, v24;
	v28 =	vmul.f32 $8.000000000e+00, v34;
	(pc) =	sbr.rel @p1 .LBB2_5-.Ltmp1, $4  }
0x142: {  	s12 =	smov.u32 s14;
	v29 =	vadd.f32 v31, v23;
	v31 =	vor.u32 s7, v15;
	v37 =	vld.idx.msk [tilespmem:v39+s15+$0x0], $0xffff;
	[tilespmem:s14+$0xE510] =	vst v30;
	v30 =	vmul.f32 $8.000000000e+00, v40;
	s14 =	smov.u32 s8  }
0x143: {  	v39 =	vmul.f32 $8.000000000e+00, v41;
	v36 =	vld.idx.msk [tilespmem:v42+s15+$0x0], $0xffff;
	[tilespmem:s1+$0xE520] =	vst v27;
	v27 =	vadd.f32 v28, v22;
	v28 =	vor.u32 s5, v16;
	s5 =	smov.u32 s7;
	s7 =	smov.u32 s9;
	s9 =	smov.u32 s10  }
0x144: {  	s10 =	smov.u32 s11;
	s11 =	smov.u32 s13;
	s13 =	smov.u32 s23;
	v35 =	vld.idx.msk [tilespmem:v33+s15+$0x0], $0xffff;
	[tilespmem:s6+$0xE530] =	vst v29;
	v33 =	vadd.f32 v30, v21;
	v29 =	vmul.f32 $8.000000000e+00, v43  }
0x145: {  	s22 =	sadd.s32 $0x1, s22;
	s23 =	smov.u32 s18;
	s18 =	sadd.s32 $0x10, s21;
	v30 =	vadd.f32 v39, v20;
	v34 =	vld.idx.msk [tilespmem:v44+s15+$0x0], $0xffff;
	[tilespmem:s3+$0xE540] =	vst v27  }
0x146: {  	v27 =	vor.u32 s18, v8;
	_ =	sdelay $0x4  }
0x147: {  	v39 =	vld.idx.msk [tilespmem:v27+s15+$0x0], $0xffff;
	_ =	sdelay $0x2  }
0x148: {  	v38 =	vmul.f32 $8.000000000e+00, v38;
	v27 =	vmov s19  }
0x149: {  	v40 =	vor.u32 s23, v10;
	s8 =	sadd.s32 $0x100, s24;
	v41 =	vmov s21;
	v27 =	vperm.xlane v18, v27  }
0x14a: {  	s16 =	sadd.s32 $0x80, s20;
	v61 =	vor.u32 s18, v10;
	s22 =	sand.u32 $0x1800, s8;
	v18 =	vperm.xlane v18, v41;
	v39 =	vmul.f32 $8.000000000e+00, v39  }
0x14b: {  	s20 =	sand.u32 $0x380, s16;
	s24 =	sadd.s32 $0x80, s16;
	s8 =	sadd.s32 $0x100, s8;
	v38 =	vadd.f32 v38, v27  }
0x14c: {  	s25 =	sor.u32 s20, s22;
	s8 =	sand.u32 $0x1800, s8;
	s26 =	sand.u32 $0x380, s24;
	v39 =	vadd.f32 v39, v18  }
0x14d: {  	s19 =	sor.u32 s26, s8;
	[tilespmem:s25+$0xE500] =	vst v38  }
0x14e: {  	v38 =	vld.idx.msk [tilespmem:v40+s15+$0x0], $0xffff;
	[tilespmem:s19+$0xE500] =	vst v39  }
0x14f: {  	v39 =	vld.idx.msk [tilespmem:v61+s15+$0x0], $0xffff;
	_ =	sdelay $0x2  }
0x150: {  	v62 =	vor.u32 s13, v11;
	v37 =	vmul.f32 $8.000000000e+00, v37  }
0x151: {  	v63 =	vor.u32 s23, v11;
	v38 =	vmul.f32 $8.000000000e+00, v38  }
0x152: {  	v42 =	vor.u32 s18, v11;
	v37 =	vadd.f32 v37, v26;
	v39 =	vmul.f32 $8.000000000e+00, v39  }
0x153: {  	v38 =	vadd.f32 v38, v27  }
0x154: {  	[tilespmem:s14+$0xE510] =	vst v37;
	v45 =	vadd.f32 v39, v18  }
0x155: {  	v46 =	vld.idx.msk [tilespmem:v62+s15+$0x0], $0xffff;
	[tilespmem:s25+$0xE510] =	vst v38  }
0x156: {  	v38 =	vld.idx.msk [tilespmem:v63+s15+$0x0], $0xffff;
	[tilespmem:s19+$0xE510] =	vst v45  }
0x157: {  	v37 =	vld.idx.msk [tilespmem:v42+s15+$0x0], $0xffff;
	_ =	sdelay $0x1  }
0x158: {  	v47 =	vor.u32 s11, v12;
	v36 =	vmul.f32 $8.000000000e+00, v36  }
0x159: {  	v48 =	vor.u32 s13, v12;
	v39 =	vmul.f32 $8.000000000e+00, v46  }
0x15a: {  	v49 =	vor.u32 s23, v12;
	v36 =	vadd.f32 v36, v25;
	v38 =	vmul.f32 $8.000000000e+00, v38  }
0x15b: {  	v43 =	vor.u32 s18, v12;
	v39 =	vadd.f32 v39, v26;
	v37 =	vmul.f32 $8.000000000e+00, v37  }
0x15c: {  	[tilespmem:s12+$0xE520] =	vst v36;
	v50 =	vadd.f32 v38, v27  }
0x15d: {  	v51 =	vld.idx.msk [tilespmem:v47+s15+$0x0], $0xffff;
	[tilespmem:s14+$0xE520] =	vst v39;
	v37 =	vadd.f32 v37, v18  }
0x15e: {  	v39 =	vld.idx.msk [tilespmem:v48+s15+$0x0], $0xffff;
	[tilespmem:s25+$0xE520] =	vst v50  }
0x15f: {  	v36 =	vld.idx.msk [tilespmem:v49+s15+$0x0], $0xffff;
	[tilespmem:s19+$0xE520] =	vst v37  }
0x160: {  	v37 =	vld.idx.msk [tilespmem:v43+s15+$0x0], $0xffff  }
0x161: {  	v52 =	vor.u32 s10, v13;
	v35 =	vmul.f32 $8.000000000e+00, v35  }
0x162: {  	v53 =	vor.u32 s11, v13;
	v38 =	vmul.f32 $8.000000000e+00, v51  }
0x163: {  	v54 =	vor.u32 s13, v13;
	v35 =	vadd.f32 v35, v24;
	v39 =	vmul.f32 $8.000000000e+00, v39  }
0x164: {  	v55 =	vor.u32 s23, v13;
	v38 =	vadd.f32 v38, v25;
	v36 =	vmul.f32 $8.000000000e+00, v36  }
0x165: {  	v57 =	vor.u32 s18, v13;
	[tilespmem:s1+$0xE530] =	vst v35;
	v56 =	vadd.f32 v39, v26;
	v37 =	vmul.f32 $8.000000000e+00, v37  }
0x166: {  	v40 =	vld.idx.msk [tilespmem:v52+s15+$0x0], $0xffff;
	[tilespmem:s12+$0xE530] =	vst v38;
	v36 =	vadd.f32 v36, v27  }
0x167: {  	v38 =	vld.idx.msk [tilespmem:v53+s15+$0x0], $0xffff;
	[tilespmem:s14+$0xE530] =	vst v56;
	v58 =	vadd.f32 v37, v18  }
0x168: {  	v59 =	vld.idx.msk [tilespmem:v54+s15+$0x0], $0xffff;
	[tilespmem:s25+$0xE530] =	vst v36  }
0x169: {  	v36 =	vld.idx.msk [tilespmem:v55+s15+$0x0], $0xffff;
	[tilespmem:s19+$0xE530] =	vst v58  }
0x16a: {  	v60 =	vor.u32 s9, v14;
	v34 =	vmul.f32 $8.000000000e+00, v34;
	v39 =	vld.idx.msk [tilespmem:v57+s15+$0x0], $0xffff  }
0x16b: {  	v61 =	vor.u32 s10, v14;
	v40 =	vmul.f32 $8.000000000e+00, v40  }
0x16c: {  	v34 =	vadd.f32 v34, v23;
	v62 =	vor.u32 s11, v14;
	v38 =	vmul.f32 $8.000000000e+00, v38  }
0x16d: {  	v40 =	vadd.f32 v40, v24;
	v63 =	vor.u32 s13, v14;
	v37 =	vmul.f32 $8.000000000e+00, v59  }
0x16e: {  	v32 =	vld.idx.msk [tilespmem:v32+s15+$0x0], $0xffff;
	[tilespmem:s6+$0xE540] =	vst v34;
	v45 =	vor.u32 s23, v14;
	v44 =	vadd.f32 v38, v25;
	v36 =	vmul.f32 $8.000000000e+00, v36  }
0x16f: {  	v35 =	vld.idx.msk [tilespmem:v60+s15+$0x0], $0xffff;
	[tilespmem:s1+$0xE540] =	vst v40;
	v46 =	vor.u32 s18, v14;
	v37 =	vadd.f32 v37, v26;
	v39 =	vmul.f32 $8.000000000e+00, v39  }
0x170: {  	v41 =	vld.idx.msk [tilespmem:v61+s15+$0x0], $0xffff;
	[tilespmem:s12+$0xE540] =	vst v44;
	v47 =	vadd.f32 v36, v27  }
0x171: {  	v48 =	vld.idx.msk [tilespmem:v62+s15+$0x0], $0xffff;
	[tilespmem:s14+$0xE540] =	vst v37;
	v49 =	vadd.f32 v39, v18  }
0x172: {  	v50 =	vld.idx.msk [tilespmem:v63+s15+$0x0], $0xffff;
	[tilespmem:s25+$0xE540] =	vst v47  }
0x173: {  	v32 =	vmul.f32 $8.000000000e+00, v32;
	v51 =	vor.u32 s7, v15;
	v38 =	vld.idx.msk [tilespmem:v45+s15+$0x0], $0xffff;
	[tilespmem:s19+$0xE540] =	vst v49  }
0x174: {  	v52 =	vor.u32 s9, v15;
	v35 =	vmul.f32 $8.000000000e+00, v35;
	v40 =	vld.idx.msk [tilespmem:v46+s15+$0x0], $0xffff  }
0x175: {  	v32 =	vadd.f32 v32, v22;
	v41 =	vmul.f32 $8.000000000e+00, v41;
	v53 =	vor.u32 s10, v15  }
0x176: {  	[tilespmem:s2+$0xE550] =	vst v33;
	v56 =	vor.u32 s11, v15;
	v54 =	vadd.f32 v35, v23;
	v55 =	vmul.f32 $8.000000000e+00, v48  }
0x177: {  	v31 =	vld.idx.msk [tilespmem:v31+s15+$0x0], $0xffff;
	[tilespmem:s3+$0xE550] =	vst v32;
	v58 =	vor.u32 s13, v15;
	v57 =	vadd.f32 v41, v24;
	v39 =	vmul.f32 $8.000000000e+00, v50  }
0x178: {  	v61 =	vor.u32 s23, v15;
	v34 =	vld.idx.msk [tilespmem:v51+s15+$0x0], $0xffff;
	[tilespmem:s6+$0xE550] =	vst v54;
	v59 =	vadd.f32 v55, v25;
	v60 =	vmul.f32 $8.000000000e+00, v38  }
0x179: {  	v37 =	vld.idx.msk [tilespmem:v52+s15+$0x0], $0xffff;
	[tilespmem:s1+$0xE550] =	vst v57;
	v45 =	vor.u32 s18, v15;
	v62 =	vadd.f32 v39, v26;
	v63 =	vmul.f32 $8.000000000e+00, v40  }
0x17a: {  	v42 =	vld.idx.msk [tilespmem:v53+s15+$0x0], $0xffff;
	[tilespmem:s12+$0xE550] =	vst v59;
	v46 =	vadd.f32 v60, v27  }
0x17b: {  	v47 =	vld.idx.msk [tilespmem:v56+s15+$0x0], $0xffff;
	[tilespmem:s14+$0xE550] =	vst v62;
	v48 =	vadd.f32 v63, v18  }
0x17c: {  	v31 =	vmul.f32 $8.000000000e+00, v31;
	v49 =	vor.u32 s5, v16;
	v50 =	vld.idx.msk [tilespmem:v58+s15+$0x0], $0xffff;
	[tilespmem:s25+$0xE550] =	vst v46  }
0x17d: {  	v51 =	vmul.f32 $8.000000000e+00, v34;
	v52 =	vor.u32 s7, v16;
	v38 =	vld.idx.msk [tilespmem:v61+s15+$0x0], $0xffff;
	[tilespmem:s19+$0xE550] =	vst v48  }
0x17e: {  	v31 =	vadd.f32 v31, v21;
	v54 =	vor.u32 s9, v16;
	v53 =	vmul.f32 $8.000000000e+00, v37;
	v40 =	vld.idx.msk [tilespmem:v45+s15+$0x0], $0xffff  }
0x17f: {  	[tilespmem:s0+$0xE560] =	vst v30;
	v30 =	vadd.f32 v51, v22;
	v55 =	vmul.f32 $8.000000000e+00, v42;
	v56 =	vor.u32 s10, v16  }
0x180: {  	v28 =	vld.idx.msk [tilespmem:v28+s15+$0x0], $0xffff;
	[tilespmem:s2+$0xE560] =	vst v31;
	v31 =	vadd.f32 v53, v23;
	v58 =	vor.u32 s11, v16;
	v57 =	vmul.f32 $8.000000000e+00, v47  }
0x181: {  	[tilespmem:s3+$0xE560] =	vst v30;
	v30 =	vadd.f32 v55, v24;
	v60 =	vor.u32 s13, v16;
	v36 =	vld.idx.msk [tilespmem:v49+s15+$0x0], $0xffff;
	v59 =	vmul.f32 $8.000000000e+00, v50  }
0x182: {  	v34 =	vld.idx.msk [tilespmem:v52+s15+$0x0], $0xffff;
	[tilespmem:s6+$0xE560] =	vst v31;
	v62 =	vor.u32 s23, v16;
	v31 =	vadd.f32 v57, v25;
	v61 =	vmul.f32 $8.000000000e+00, v38  }
0x183: {  	v44 =	vor.u32 s18, v16;
	v37 =	vld.idx.msk [tilespmem:v54+s15+$0x0], $0xffff;
	[tilespmem:s1+$0xE560] =	vst v30;
	v30 =	vadd.f32 v59, v26;
	v63 =	vmul.f32 $8.000000000e+00, v40  }
0x184: {  	v41 =	vld.idx.msk [tilespmem:v56+s15+$0x0], $0xffff;
	[tilespmem:s12+$0xE560] =	vst v31;
	v31 =	vadd.f32 v61, v27  }
0x185: {  	v28 =	vmul.f32 $8.000000000e+00, v28;
	v45 =	vld.idx.msk [tilespmem:v58+s15+$0x0], $0xffff;
	[tilespmem:s14+$0xE560] =	vst v30;
	v30 =	vadd.f32 v63, v18  }
0x186: {  	v19 =	vadd.f32 v29, v19;
	v29 =	vmul.f32 $8.000000000e+00, v36;
	v46 =	vld.idx.msk [tilespmem:v60+s15+$0x0], $0xffff;
	[tilespmem:s25+$0xE560] =	vst v31  }
0x187: {  	v20 =	vadd.f32 v28, v20;
	v28 =	vmul.f32 $8.000000000e+00, v34;
	v31 =	vld.idx.msk [tilespmem:v62+s15+$0x0], $0xffff;
	[tilespmem:s19+$0xE560] =	vst v30  }
0x188: {  	[tilespmem:s4+$0xE570] =	vst v19;
	v19 =	vadd.f32 v29, v21;
	v21 =	vmul.f32 $8.000000000e+00, v37;
	v29 =	vld.idx.msk [tilespmem:v44+s15+$0x0], $0xffff  }
0x189: {  	[tilespmem:s0+$0xE570] =	vst v20;
	v20 =	vadd.f32 v28, v22;
	v22 =	vmul.f32 $8.000000000e+00, v41  }
0x18a: {  	[tilespmem:s2+$0xE570] =	vst v19;
	v19 =	vadd.f32 v21, v23;
	v21 =	vmul.f32 $8.000000000e+00, v45  }
0x18b: {  	[tilespmem:s3+$0xE570] =	vst v20;
	v20 =	vadd.f32 v22, v24;
	v22 =	vmul.f32 $8.000000000e+00, v46  }
0x18c: {  	s2 =	simm.s32 $0x20;
	[tilespmem:s6+$0xE570] =	vst v19;
	v19 =	vadd.f32 v21, v25;
	v21 =	vmul.f32 $8.000000000e+00, v31  }
0x18d: {  	[tilespmem:s1+$0xE570] =	vst v20;
	v23 =	vor.u32 s2, v8;
	v20 =	vadd.f32 v22, v26;
	v22 =	vmul.f32 $8.000000000e+00, v29  }
0x18e: {  	[tilespmem:s12+$0xE570] =	vst v19;
	v19 =	vadd.f32 v21, v27  }
0x18f: {  	[tilespmem:s14+$0xE570] =	vst v20;
	v18 =	vadd.f32 v22, v18  }
0x190: {  	[tilespmem:s25+$0xE570] =	vst v19  }
0x191: {  	[tilespmem:s19+$0xE570] =	vst v18  }
0x192: {  	v19 =	vld.idx.msk [tilespmem:v23+s15+$0x0], $0xffff;
	_ =	sdelay $0x2  }
0x193: {  	s8 =	simm.s32 $0x0;
	s0 =	simm.s32 $0x21  }
0x194: {  	v20 =	vor.u32 s0, v8;
	v18 =	vmov s8  }
0x195: {  	v21 =	vor.u32 s2, v10;
	v26 =	vperm.xlane v17, v18;
	v19 =	vmul.f32 $8.000000000e+00, v19  }
0x196: {  	s9 =	simm.s32 $0x2000  }
0x197: {  	s3 =	sand.u32 $0x2800, s9;
	s1 =	sand.u32 $0x380, s8;
	v19 =	vadd.f32 v19, v26  }
0x198: {  	s13 =	sor.u32 s1, s3;
	[smem:$0x7FB] =	sst s1  }
0x199: {  	v20 =	vld.idx.msk [tilespmem:v20+s15+$0x0], $0xffff;
	[tilespmem:s13+$0xE500] =	vst v19  }
0x19a: {  	v21 =	vld.idx.msk [tilespmem:v21+s15+$0x0], $0xffff;
	_ =	sdelay $0x1  }
0x19b: {  	s18 =	simm.s32 $0x22;
	s10 =	simm.s32 $0x1  }
0x19c: {  	v22 =	vor.u32 s18, v8;
	v19 =	vmov s10  }
0x19d: {  	v23 =	vor.u32 s0, v10;
	v20 =	vmul.f32 $8.000000000e+00, v20;
	v27 =	vperm.xlane v17, v19  }
0x19e: {  	s11 =	simm.s32 $0x80;
	v24 =	vor.u32 s2, v11;
	s12 =	simm.s32 $0x2100;
	v21 =	vmul.f32 $8.000000000e+00, v21  }
0x19f: {  	s3 =	sand.u32 $0x2800, s12;
	s1 =	sand.u32 $0x380, s11;
	v20 =	vadd.f32 v20, v27  }
0x1a0: {  	s10 =	sor.u32 s1, s3;
	[smem:$0x7FC] =	sst s1;
	v21 =	vadd.f32 v21, v26  }
0x1a1: {  	v22 =	vld.idx.msk [tilespmem:v22+s15+$0x0], $0xffff;
	[tilespmem:s10+$0xE500] =	vst v20  }
0x1a2: {  	v23 =	vld.idx.msk [tilespmem:v23+s15+$0x0], $0xffff;
	[tilespmem:s13+$0xE510] =	vst v21  }
0x1a3: {  	v21 =	vld.idx.msk [tilespmem:v24+s15+$0x0], $0xffff  }
0x1a4: {  	s7 =	simm.s32 $0x23;
	s14 =	simm.s32 $0x2  }
0x1a5: {  	v20 =	vmov s14;
	v24 =	vor.u32 s7, v8  }
0x1a6: {  	v25 =	vor.u32 s18, v10;
	v28 =	vperm.xlane v17, v20;
	v22 =	vmul.f32 $8.000000000e+00, v22  }
0x1a7: {  	s16 =	simm.s32 $0x100;
	v29 =	vor.u32 s0, v11;
	s19 =	simm.s32 $0x2200;
	v23 =	vmul.f32 $8.000000000e+00, v23  }
0x1a8: {  	v30 =	vor.u32 s2, v12;
	s3 =	sand.u32 $0x2800, s19;
	s1 =	sand.u32 $0x380, s16;
	v22 =	vadd.f32 v22, v28;
	v21 =	vmul.f32 $8.000000000e+00, v21  }
0x1a9: {  	s3 =	sor.u32 s1, s3;
	[smem:$0x7FD] =	sst s1;
	v23 =	vadd.f32 v23, v27  }
0x1aa: {  	[tilespmem:s3+$0xE500] =	vst v22;
	v24 =	vld.idx.msk [tilespmem:v24+s15+$0x0], $0xffff;
	v21 =	vadd.f32 v21, v26  }
0x1ab: {  	v22 =	vld.idx.msk [tilespmem:v25+s15+$0x0], $0xffff;
	[tilespmem:s10+$0xE510] =	vst v23  }
0x1ac: {  	v23 =	vld.idx.msk [tilespmem:v29+s15+$0x0], $0xffff;
	[tilespmem:s13+$0xE520] =	vst v21  }
0x1ad: {  	s21 =	simm.s32 $0x24;
	s20 =	simm.s32 $0x3;
	v25 =	vld.idx.msk [tilespmem:v30+s15+$0x0], $0xffff  }
0x1ae: {  	v21 =	vmov s20;
	v30 =	vor.u32 s21, v8  }
0x1af: {  	v31 =	vor.u32 s7, v10;
	v29 =	vperm.xlane v17, v21;
	v24 =	vmul.f32 $8.000000000e+00, v24  }
0x1b0: {  	s22 =	simm.s32 $0x180;
	s23 =	simm.s32 $0x2300;
	v47 =	vor.u32 s18, v11;
	v22 =	vmul.f32 $8.000000000e+00, v22  }
0x1b1: {  	s4 =	sand.u32 $0x2800, s23;
	v48 =	vor.u32 s0, v12;
	s11 =	sand.u32 $0x380, s22;
	v23 =	vmul.f32 $8.000000000e+00, v23;
	v24 =	vadd.f32 v24, v29  }
0x1b2: {  	v49 =	vor.u32 s2, v13;
	s19 =	sor.u32 s11, s4;
	v22 =	vadd.f32 v22, v28;
	v25 =	vmul.f32 $8.000000000e+00, v25  }
0x1b3: {  	v23 =	vadd.f32 v23, v27;
	[tilespmem:s19+$0xE500] =	vst v24;
	v50 =	vld.idx.msk [tilespmem:v30+s15+$0x0], $0xffff  }
0x1b4: {  	[tilespmem:s3+$0xE510] =	vst v22;
	v24 =	vld.idx.msk [tilespmem:v31+s15+$0x0], $0xffff;
	v22 =	vadd.f32 v25, v26  }
0x1b5: {  	[tilespmem:s10+$0xE520] =	vst v23;
	v25 =	vld.idx.msk [tilespmem:v47+s15+$0x0], $0xffff  }
0x1b6: {  	s24 =	simm.s32 $0x4;
	s22 =	simm.s32 $0x25;
	v23 =	vld.idx.msk [tilespmem:v48+s15+$0x0], $0xffff;
	[tilespmem:s13+$0xE530] =	vst v22  }
0x1b7: {  	v51 =	vor.u32 s22, v8;
	v22 =	vmov s24;
	v31 =	vld.idx.msk [tilespmem:v49+s15+$0x0], $0xffff  }
0x1b8: {  	v53 =	vor.u32 s21, v10;
	v30 =	vperm.xlane v17, v22;
	v52 =	vmul.f32 $8.000000000e+00, v50  }
0x1b9: {  	s26 =	simm.s32 $0x2400;
	v54 =	vor.u32 s7, v11;
	s25 =	simm.s32 $0x200;
	v24 =	vmul.f32 $8.000000000e+00, v24  }
0x1ba: {  	v55 =	vor.u32 s18, v12;
	s5 =	sand.u32 $0x380, s25;
	s4 =	sand.u32 $0x2800, s26;
	v33 =	vadd.f32 v52, v30;
	v25 =	vmul.f32 $8.000000000e+00, v25  }
0x1bb: {  	v56 =	vor.u32 s0, v13;
	s20 =	sor.u32 s5, s4;
	v23 =	vmul.f32 $8.000000000e+00, v23;
	v24 =	vadd.f32 v24, v29  }
0x1bc: {  	v32 =	vld.idx.msk [tilespmem:v51+s15+$0x0], $0xffff;
	[tilespmem:s20+$0xE500] =	vst v33;
	v25 =	vadd.f32 v25, v28;
	v31 =	vmul.f32 $8.000000000e+00, v31  }
0x1bd: {  	v57 =	vor.u32 s2, v14;
	v23 =	vadd.f32 v23, v27;
	[tilespmem:s19+$0xE510] =	vst v24;
	v34 =	vld.idx.msk [tilespmem:v53+s15+$0x0], $0xffff  }
0x1be: {  	v24 =	vld.idx.msk [tilespmem:v54+s15+$0x0], $0xffff;
	[tilespmem:s3+$0xE520] =	vst v25;
	v25 =	vadd.f32 v31, v26  }
0x1bf: {  	s23 =	simm.s32 $0x26;
	s4 =	simm.s32 $0x5;
	[tilespmem:s10+$0xE530] =	vst v23;
	v58 =	vld.idx.msk [tilespmem:v55+s15+$0x0], $0xffff  }
0x1c0: {  	v23 =	vmov s4;
	v59 =	vld.idx.msk [tilespmem:v56+s15+$0x0], $0xffff;
	[tilespmem:s13+$0xE540] =	vst v25;
	v25 =	vor.u32 s23, v8  }
0x1c1: {  	v60 =	vor.u32 s22, v10;
	v32 =	vmul.f32 $8.000000000e+00, v32;
	v31 =	vperm.xlane v17, v23  }
0x1c2: {  	v61 =	vor.u32 s21, v11;
	s6 =	simm.s32 $0x280;
	s8 =	simm.s32 $0x2500;
	v33 =	vld.idx.msk [tilespmem:v57+s15+$0x0], $0xffff;
	v34 =	vmul.f32 $8.000000000e+00, v34  }
0x1c3: {  	v62 =	vor.u32 s7, v12;
	s12 =	sand.u32 $0x380, s6;
	s4 =	sand.u32 $0x2800, s8;
	v32 =	vadd.f32 v32, v31;
	v24 =	vmul.f32 $8.000000000e+00, v24  }
0x1c4: {  	v63 =	vor.u32 s18, v13;
	s14 =	sor.u32 s12, s4;
	v34 =	vadd.f32 v34, v30;
	v35 =	vmul.f32 $8.000000000e+00, v58  }
0x1c5: {  	v42 =	vmul.f32 $8.000000000e+00, v59;
	[tilespmem:s14+$0xE500] =	vst v32;
	v24 =	vadd.f32 v24, v29;
	v25 =	vld.idx.msk [tilespmem:v25+s15+$0x0], $0xffff  }
0x1c6: {  	v43 =	vor.u32 s0, v14;
	v37 =	vld.idx.msk [tilespmem:v60+s15+$0x0], $0xffff;
	[tilespmem:s20+$0xE510] =	vst v34;
	v44 =	vadd.f32 v35, v28  }
0x1c7: {  	v45 =	vor.u32 s2, v15;
	[tilespmem:s19+$0xE520] =	vst v24;
	v24 =	vadd.f32 v42, v27;
	v33 =	vmul.f32 $8.000000000e+00, v33;
	v38 =	vld.idx.msk [tilespmem:v61+s15+$0x0], $0xffff  }
0x1c8: {  	s9 =	simm.s32 $0x6;
	s25 =	simm.s32 $0x27;
	v39 =	vld.idx.msk [tilespmem:v62+s15+$0x0], $0xffff;
	[tilespmem:s3+$0xE530] =	vst v44  }
0x1c9: {  	v48 =	vor.u32 s25, v8;
	[tilespmem:s10+$0xE540] =	vst v24;
	v24 =	vmov s9;
	v46 =	vadd.f32 v33, v26;
	v47 =	vld.idx.msk [tilespmem:v63+s15+$0x0], $0xffff  }
0x1ca: {  	v49 =	vor.u32 s23, v10;
	v32 =	vperm.xlane v17, v24;
	v25 =	vmul.f32 $8.000000000e+00, v25  }
0x1cb: {  	s16 =	simm.s32 $0x300;
	s24 =	simm.s32 $0x2600;
	v50 =	vor.u32 s22, v11;
	v36 =	vld.idx.msk [tilespmem:v43+s15+$0x0], $0xffff;
	v37 =	vmul.f32 $8.000000000e+00, v37;
	[tilespmem:s13+$0xE550] =	vst v46  }
0x1cc: {  	s26 =	sand.u32 $0x2800, s24;
	s4 =	sand.u32 $0x380, s16;
	v35 =	vld.idx.msk [tilespmem:v45+s15+$0x0], $0xffff;
	v38 =	vmul.f32 $8.000000000e+00, v38;
	v25 =	vadd.f32 v25, v32  }
0x1cd: {  	v51 =	vor.u32 s21, v12;
	s24 =	sor.u32 s4, s26;
	v37 =	vadd.f32 v37, v31;
	v39 =	vmul.f32 $8.000000000e+00, v39  }
0x1ce: {  	v52 =	vor.u32 s7, v13;
	v34 =	vld.idx.msk [tilespmem:v48+s15+$0x0], $0xffff;
	v33 =	vmul.f32 $8.000000000e+00, v47;
	[tilespmem:s24+$0xE500] =	vst v25;
	v25 =	vadd.f32 v38, v30  }
0x1cf: {  	v53 =	vor.u32 s18, v14;
	[tilespmem:s14+$0xE510] =	vst v37;
	v54 =	vadd.f32 v39, v29;
	v40 =	vld.idx.msk [tilespmem:v49+s15+$0x0], $0xffff  }
0x1d0: {  	v55 =	vor.u32 s0, v15;
	v36 =	vmul.f32 $8.000000000e+00, v36;
	v41 =	vld.idx.msk [tilespmem:v50+s15+$0x0], $0xffff;
	[tilespmem:s20+$0xE520] =	vst v25;
	v25 =	vadd.f32 v33, v28  }
0x1d1: {  	s28 =	simm.s32 $0x28;
	s8 =	simm.s32 $0x7;
	v57 =	vor.u32 s2, v16;
	[tilespmem:s19+$0xE530] =	vst v54;
	v56 =	vmul.f32 $8.000000000e+00, v35  }
0x1d2: {  	v44 =	vor.u32 s28, v8;
	v36 =	vadd.f32 v36, v27;
	v42 =	vld.idx.msk [tilespmem:v51+s15+$0x0], $0xffff;
	[tilespmem:s3+$0xE540] =	vst v25;
	v25 =	vmov s8  }
0x1d3: {  	v34 =	vmul.f32 $8.000000000e+00, v34;
	v37 =	vld.idx.msk [tilespmem:v52+s15+$0x0], $0xffff;
	v58 =	vadd.f32 v56, v26;
	v33 =	vperm.xlane v17, v25  }
0x1d4: {  	s30 =	simm.s32 $0x380;
	s16 =	simm.s32 $0x2700;
	v59 =	vor.u32 s25, v10;
	[tilespmem:s10+$0xE550] =	vst v36;
	v38 =	vld.idx.msk [tilespmem:v53+s15+$0x0], $0xffff;
	v40 =	vmul.f32 $8.000000000e+00, v40  }
0x1d5: {  	s26 =	sand.u32 $0x380, s30;
	s9 =	sand.u32 $0x2800, s16;
	v47 =	vor.u32 s22, v12;
	v39 =	vld.idx.msk [tilespmem:v55+s15+$0x0], $0xffff;
	v41 =	vmul.f32 $8.000000000e+00, v41;
	[tilespmem:s13+$0xE560] =	vst v58;
	v34 =	vadd.f32 v34, v33  }
0x1d6: {  	s26 =	sor.u32 s26, s9;
	v46 =	vor.u32 s23, v11;
	v35 =	vld.idx.msk [tilespmem:v57+s15+$0x0], $0xffff;
	v40 =	vadd.f32 v40, v32  }
0x1d7: {  	v48 =	vor.u32 s21, v13;
	v60 =	vadd.f32 v41, v31;
	v42 =	vmul.f32 $8.000000000e+00, v42;
	[tilespmem:s26+$0xE500] =	vst v34  }
0x1d8: {  	v45 =	vld.idx.msk [tilespmem:v44+s15+$0x0], $0xffff;
	v37 =	vmul.f32 $8.000000000e+00, v37;
	[tilespmem:s24+$0xE510] =	vst v40;
	v40 =	vor.u32 s7, v14  }
0x1d9: {  	[tilespmem:s14+$0xE520] =	vst v60;
	v44 =	vld.idx.msk [tilespmem:v59+s15+$0x0], $0xffff;
	v61 =	vadd.f32 v42, v30;
	v62 =	vmul.f32 $8.000000000e+00, v38;
	v38 =	vor.u32 s18, v15  }
0x1da: {  	v37 =	vadd.f32 v37, v29;
	v63 =	vmul.f32 $8.000000000e+00, v39;
	v34 =	vor.u32 s0, v16;
	v42 =	vld.idx.msk [tilespmem:v47+s15+$0x0], $0xffff  }
0x1db: {  	s29 =	simm.s32 $0x29;
	s31 =	simm.s32 $0x9;
	s6 =	simm.s32 $0x8;
	v43 =	vld.idx.msk [tilespmem:v46+s15+$0x0], $0xffff;
	[tilespmem:s20+$0xE530] =	vst v61;
	v39 =	vadd.f32 v62, v28;
	v36 =	vmul.f32 $8.000000000e+00, v35  }
0x1dc: {  	s1 =	simm.s32 $0xA;
	s2 =	simm.s32 $0x8;
	s0 =	simm.s32 $0x9;
	[tilespmem:s19+$0xE540] =	vst v37;
	v37 =	vadd.f32 v63, v27;
	v41 =	vld.idx.msk [tilespmem:v48+s15+$0x0], $0xffff  }
.LBB2_7:
0x1dd: {  	p1 =	sne.s32 s1, $0xF;
	v35 =	vor.u32 s29, v8;
	v46 =	vmov s6;
	v47 =	vld.idx.msk [tilespmem:v40+s15+$0x0], $0xffff;
	[tilespmem:s3+$0xE550] =	vst v39;
	v36 =	vadd.f32 v36, v26;
	v26 =	vmovc v27;
	v27 =	vmovc v28;
	s6 =	smov.u32 s31;
	s31 =	smov.u32 s1  }
0x1de: {  	v40 =	vmul.f32 $8.000000000e+00, v45;
	v28 =	vmovc v29;
	v39 =	vperm.xlane v17, v46;
	v46 =	vor.u32 s28, v10;
	v48 =	vld.idx.msk [tilespmem:v38+s15+$0x0], $0xffff;
	[tilespmem:s10+$0xE560] =	vst v37  }
0x1df: {  	v49 =	vor.u32 s25, v11;
	s30 =	sadd.s32 $0x80, s30;
	s16 =	sadd.s32 $0x100, s16;
	v29 =	vmovc v30;
	v30 =	vmovc v31;
	v31 =	vmov v32;
	v37 =	vmul.f32 $8.000000000e+00, v44;
	v50 =	vld.idx.msk [tilespmem:v34+s15+$0x0], $0xffff;
	[tilespmem:s13+$0xE570] =	vst v36;
	s13 =	smov.u32 s10  }
0x1e0: {  	v51 =	vor.u32 s23, v12;
	v32 =	vmovc v33;
	s8 =	sand.u32 $0x2800, s16;
	s9 =	sand.u32 $0x380, s30;
	v36 =	vmul.f32 $8.000000000e+00, v43;
	s10 =	smov.u32 s3;
	v34 =	vadd.f32 v40, v39;
	v33 =	vmovc v39  }
0x1e1: {  	v52 =	vor.u32 s22, v13;
	s8 =	sor.u32 s9, s8;
	s3 =	smov.u32 s19;
	s19 =	smov.u32 s20;
	v37 =	vadd.f32 v37, v32;
	v38 =	vmul.f32 $8.000000000e+00, v42  }
.Ltmp2:
0x1e2: {  	s20 =	smov.u32 s14;
	s14 =	smov.u32 s24;
	v40 =	vor.u32 s21, v14;
	v45 =	vld.idx.msk [tilespmem:v35+s15+$0x0], $0xffff;
	[tilespmem:s8+$0xE500] =	vst v34;
	v34 =	vadd.f32 v36, v31;
	v35 =	vmul.f32 $8.000000000e+00, v41;
	(pc) =	sbr.rel @p1 .LBB2_7-.Ltmp2, $4  }
0x1e3: {  	s24 =	smov.u32 s26;
	v36 =	vadd.f32 v38, v30;
	v38 =	vor.u32 s7, v15;
	v44 =	vld.idx.msk [tilespmem:v46+s15+$0x0], $0xffff;
	[tilespmem:s26+$0xE510] =	vst v37;
	v37 =	vmul.f32 $8.000000000e+00, v47;
	s26 =	smov.u32 s8  }
0x1e4: {  	v46 =	vmul.f32 $8.000000000e+00, v48;
	v43 =	vld.idx.msk [tilespmem:v49+s15+$0x0], $0xffff;
	[tilespmem:s14+$0xE520] =	vst v34;
	v35 =	vadd.f32 v35, v29;
	v34 =	vor.u32 s18, v16;
	s18 =	smov.u32 s7;
	s7 =	smov.u32 s21;
	s21 =	smov.u32 s22  }
0x1e5: {  	s22 =	smov.u32 s23;
	s23 =	smov.u32 s25;
	s25 =	smov.u32 s28;
	v42 =	vld.idx.msk [tilespmem:v51+s15+$0x0], $0xffff;
	[tilespmem:s20+$0xE530] =	vst v36;
	v39 =	vadd.f32 v37, v28;
	v36 =	vmul.f32 $8.000000000e+00, v50  }
0x1e6: {  	s1 =	sadd.s32 $0x1, s1;
	s28 =	smov.u32 s29;
	s29 =	sadd.s32 $0x20, s31;
	v37 =	vadd.f32 v46, v27;
	v41 =	vld.idx.msk [tilespmem:v52+s15+$0x0], $0xffff;
	[tilespmem:s19+$0xE540] =	vst v35  }
0x1e7: {  	v35 =	vor.u32 s29, v8;
	_ =	sdelay $0x4  }
0x1e8: {  	v46 =	vld.idx.msk [tilespmem:v35+s15+$0x0], $0xffff;
	_ =	sdelay $0x2  }
0x1e9: {  	v56 =	vmov s6;
	v45 =	vmul.f32 $8.000000000e+00, v45  }
0x1ea: {  	v47 =	vor.u32 s28, v10;
	s1 =	sadd.s32 $0x80, s30;
	v48 =	vmov s31;
	v35 =	vperm.xlane v17, v56  }
0x1eb: {  	s31 =	sadd.s32 $0x100, s16;
	v57 =	vor.u32 s29, v10;
	s8 =	sand.u32 $0x380, s1;
	v17 =	vperm.xlane v17, v48;
	v46 =	vmul.f32 $8.000000000e+00, v46  }
0x1ec: {  	s1 =	sadd.s32 $0x80, s1;
	s9 =	sand.u32 $0x2800, s31;
	s6 =	sadd.s32 $0x100, s31;
	v45 =	vadd.f32 v45, v35  }
0x1ed: {  	s8 =	sor.u32 s8, s9;
	s6 =	sand.u32 $0x2800, s6;
	s1 =	sand.u32 $0x380, s1;
	v46 =	vadd.f32 v46, v17  }
0x1ee: {  	s9 =	sor.u32 s1, s6;
	[tilespmem:s8+$0xE500] =	vst v45  }
0x1ef: {  	v45 =	vld.idx.msk [tilespmem:v47+s15+$0x0], $0xffff;
	[tilespmem:s9+$0xE500] =	vst v46  }
0x1f0: {  	v46 =	vld.idx.msk [tilespmem:v57+s15+$0x0], $0xffff;
	_ =	sdelay $0x2  }
0x1f1: {  	v58 =	vor.u32 s25, v11;
	v44 =	vmul.f32 $8.000000000e+00, v44  }
0x1f2: {  	v59 =	vor.u32 s28, v11;
	v45 =	vmul.f32 $8.000000000e+00, v45  }
0x1f3: {  	v49 =	vor.u32 s29, v11;
	v44 =	vadd.f32 v44, v33;
	v46 =	vmul.f32 $8.000000000e+00, v46  }
0x1f4: {  	v45 =	vadd.f32 v45, v35  }
0x1f5: {  	[tilespmem:s26+$0xE510] =	vst v44;
	v60 =	vadd.f32 v46, v17  }
0x1f6: {  	v61 =	vld.idx.msk [tilespmem:v58+s15+$0x0], $0xffff;
	[tilespmem:s8+$0xE510] =	vst v45  }
0x1f7: {  	v45 =	vld.idx.msk [tilespmem:v59+s15+$0x0], $0xffff;
	[tilespmem:s9+$0xE510] =	vst v60  }
0x1f8: {  	v44 =	vld.idx.msk [tilespmem:v49+s15+$0x0], $0xffff;
	_ =	sdelay $0x1  }
0x1f9: {  	v62 =	vor.u32 s23, v12;
	v43 =	vmul.f32 $8.000000000e+00, v43  }
0x1fa: {  	v63 =	vor.u32 s25, v12;
	v46 =	vmul.f32 $8.000000000e+00, v61  }
0x1fb: {  	v52 =	vor.u32 s28, v12;
	v43 =	vadd.f32 v43, v32;
	v45 =	vmul.f32 $8.000000000e+00, v45  }
0x1fc: {  	v50 =	vor.u32 s29, v12;
	v46 =	vadd.f32 v46, v33;
	v44 =	vmul.f32 $8.000000000e+00, v44  }
0x1fd: {  	[tilespmem:s24+$0xE520] =	vst v43;
	v53 =	vadd.f32 v45, v35  }
0x1fe: {  	v54 =	vld.idx.msk [tilespmem:v62+s15+$0x0], $0xffff;
	[tilespmem:s26+$0xE520] =	vst v46;
	v44 =	vadd.f32 v44, v17  }
0x1ff: {  	v46 =	vld.idx.msk [tilespmem:v63+s15+$0x0], $0xffff;
	[tilespmem:s8+$0xE520] =	vst v53  }
0x200: {  	v43 =	vld.idx.msk [tilespmem:v52+s15+$0x0], $0xffff;
	[tilespmem:s9+$0xE520] =	vst v44  }
0x201: {  	v44 =	vld.idx.msk [tilespmem:v50+s15+$0x0], $0xffff  }
0x202: {  	v55 =	vor.u32 s22, v13;
	v42 =	vmul.f32 $8.000000000e+00, v42  }
0x203: {  	v56 =	vor.u32 s23, v13;
	v45 =	vmul.f32 $8.000000000e+00, v54  }
0x204: {  	v42 =	vadd.f32 v42, v31;
	v57 =	vor.u32 s25, v13;
	v46 =	vmul.f32 $8.000000000e+00, v46  }
0x205: {  	v58 =	vor.u32 s28, v13;
	v45 =	vadd.f32 v45, v32;
	v43 =	vmul.f32 $8.000000000e+00, v43  }
0x206: {  	[tilespmem:s14+$0xE530] =	vst v42;
	v60 =	vor.u32 s29, v13;
	v59 =	vadd.f32 v46, v33;
	v44 =	vmul.f32 $8.000000000e+00, v44  }
0x207: {  	v47 =	vld.idx.msk [tilespmem:v55+s15+$0x0], $0xffff;
	[tilespmem:s24+$0xE530] =	vst v45;
	v43 =	vadd.f32 v43, v35  }
0x208: {  	v45 =	vld.idx.msk [tilespmem:v56+s15+$0x0], $0xffff;
	[tilespmem:s26+$0xE530] =	vst v59;
	v61 =	vadd.f32 v44, v17  }
0x209: {  	v62 =	vld.idx.msk [tilespmem:v57+s15+$0x0], $0xffff;
	[tilespmem:s8+$0xE530] =	vst v43  }
0x20a: {  	v43 =	vld.idx.msk [tilespmem:v58+s15+$0x0], $0xffff;
	[tilespmem:s9+$0xE530] =	vst v61  }
0x20b: {  	v41 =	vmul.f32 $8.000000000e+00, v41;
	v63 =	vor.u32 s21, v14;
	v46 =	vld.idx.msk [tilespmem:v60+s15+$0x0], $0xffff  }
0x20c: {  	v47 =	vmul.f32 $8.000000000e+00, v47;
	v52 =	vor.u32 s22, v14  }
0x20d: {  	v41 =	vadd.f32 v41, v30;
	v53 =	vor.u32 s23, v14;
	v45 =	vmul.f32 $8.000000000e+00, v45  }
0x20e: {  	v47 =	vadd.f32 v47, v31;
	v54 =	vor.u32 s25, v14;
	v44 =	vmul.f32 $8.000000000e+00, v62  }
0x20f: {  	v40 =	vld.idx.msk [tilespmem:v40+s15+$0x0], $0xffff;
	[tilespmem:s20+$0xE540] =	vst v41;
	v56 =	vor.u32 s28, v14;
	v55 =	vadd.f32 v45, v32;
	v43 =	vmul.f32 $8.000000000e+00, v43  }
0x210: {  	[tilespmem:s14+$0xE540] =	vst v47;
	v42 =	vld.idx.msk [tilespmem:v63+s15+$0x0], $0xffff;
	v57 =	vor.u32 s29, v14;
	v44 =	vadd.f32 v44, v33;
	v46 =	vmul.f32 $8.000000000e+00, v46  }
0x211: {  	v58 =	vld.idx.msk [tilespmem:v52+s15+$0x0], $0xffff;
	[tilespmem:s24+$0xE540] =	vst v55;
	v43 =	vadd.f32 v43, v35  }
0x212: {  	v59 =	vld.idx.msk [tilespmem:v53+s15+$0x0], $0xffff;
	[tilespmem:s26+$0xE540] =	vst v44;
	v60 =	vadd.f32 v46, v17  }
0x213: {  	v61 =	vld.idx.msk [tilespmem:v54+s15+$0x0], $0xffff;
	[tilespmem:s8+$0xE540] =	vst v43  }
0x214: {  	v40 =	vmul.f32 $8.000000000e+00, v40;
	v62 =	vor.u32 s7, v15;
	v45 =	vld.idx.msk [tilespmem:v56+s15+$0x0], $0xffff;
	[tilespmem:s9+$0xE540] =	vst v60  }
0x215: {  	v63 =	vor.u32 s21, v15;
	v42 =	vmul.f32 $8.000000000e+00, v42;
	v47 =	vld.idx.msk [tilespmem:v57+s15+$0x0], $0xffff  }
0x216: {  	v40 =	vadd.f32 v40, v29;
	v49 =	vor.u32 s22, v15;
	v41 =	vmul.f32 $8.000000000e+00, v58  }
0x217: {  	[tilespmem:s3+$0xE550] =	vst v39;
	v52 =	vadd.f32 v42, v30;
	v53 =	vmul.f32 $8.000000000e+00, v59;
	v54 =	vor.u32 s23, v15  }
0x218: {  	v38 =	vld.idx.msk [tilespmem:v38+s15+$0x0], $0xffff;
	[tilespmem:s19+$0xE550] =	vst v40;
	v55 =	vadd.f32 v41, v31;
	v56 =	vmul.f32 $8.000000000e+00, v61;
	v57 =	vor.u32 s25, v15  }
0x219: {  	[tilespmem:s20+$0xE550] =	vst v52;
	v43 =	vld.idx.msk [tilespmem:v62+s15+$0x0], $0xffff;
	v58 =	vadd.f32 v53, v32;
	v60 =	vor.u32 s28, v15;
	v59 =	vmul.f32 $8.000000000e+00, v45  }
0x21a: {  	v44 =	vld.idx.msk [tilespmem:v63+s15+$0x0], $0xffff;
	v63 =	vor.u32 s29, v15;
	[tilespmem:s14+$0xE550] =	vst v55;
	v61 =	vadd.f32 v56, v33;
	v62 =	vmul.f32 $8.000000000e+00, v47  }
0x21b: {  	v49 =	vld.idx.msk [tilespmem:v49+s15+$0x0], $0xffff;
	[tilespmem:s24+$0xE550] =	vst v58;
	v52 =	vadd.f32 v59, v35  }
0x21c: {  	v53 =	vld.idx.msk [tilespmem:v54+s15+$0x0], $0xffff;
	[tilespmem:s26+$0xE550] =	vst v61;
	v54 =	vadd.f32 v62, v17  }
0x21d: {  	v38 =	vmul.f32 $8.000000000e+00, v38;
	v55 =	vor.u32 s18, v16;
	[tilespmem:s8+$0xE550] =	vst v52;
	v46 =	vld.idx.msk [tilespmem:v57+s15+$0x0], $0xffff  }
0x21e: {  	v56 =	vor.u32 s7, v16;
	v43 =	vmul.f32 $8.000000000e+00, v43;
	v45 =	vld.idx.msk [tilespmem:v60+s15+$0x0], $0xffff;
	[tilespmem:s9+$0xE550] =	vst v54  }
0x21f: {  	v38 =	vadd.f32 v38, v28;
	v44 =	vmul.f32 $8.000000000e+00, v44;
	v57 =	vor.u32 s21, v16;
	v47 =	vld.idx.msk [tilespmem:v63+s15+$0x0], $0xffff  }
0x220: {  	[tilespmem:s10+$0xE560] =	vst v37;
	v48 =	vor.u32 s22, v16;
	v58 =	vadd.f32 v43, v29;
	v59 =	vmul.f32 $8.000000000e+00, v49  }
0x221: {  	v34 =	vld.idx.msk [tilespmem:v34+s15+$0x0], $0xffff;
	[tilespmem:s3+$0xE560] =	vst v38;
	v61 =	vadd.f32 v44, v30;
	v42 =	vmul.f32 $8.000000000e+00, v53;
	v60 =	vor.u32 s23, v16  }
0x222: {  	[tilespmem:s19+$0xE560] =	vst v58;
	v50 =	vadd.f32 v59, v31;
	v62 =	vor.u32 s25, v16;
	v63 =	vld.idx.msk [tilespmem:v55+s15+$0x0], $0xffff;
	v51 =	vmul.f32 $8.000000000e+00, v46  }
0x223: {  	[tilespmem:s20+$0xE560] =	vst v61;
	v39 =	vld.idx.msk [tilespmem:v56+s15+$0x0], $0xffff;
	v52 =	vadd.f32 v42, v32;
	v54 =	vor.u32 s28, v16;
	v53 =	vmul.f32 $8.000000000e+00, v45  }
0x224: {  	[tilespmem:s14+$0xE560] =	vst v50;
	v40 =	vld.idx.msk [tilespmem:v57+s15+$0x0], $0xffff;
	v57 =	vor.u32 s29, v16;
	v55 =	vadd.f32 v51, v33;
	v56 =	vmul.f32 $8.000000000e+00, v47  }
0x225: {  	[tilespmem:s24+$0xE560] =	vst v52;
	v58 =	vld.idx.msk [tilespmem:v48+s15+$0x0], $0xffff;
	v42 =	vadd.f32 v53, v35  }
0x226: {  	v34 =	vmul.f32 $8.000000000e+00, v34;
	v59 =	vld.idx.msk [tilespmem:v60+s15+$0x0], $0xffff;
	[tilespmem:s26+$0xE560] =	vst v55;
	v43 =	vadd.f32 v56, v17  }
0x227: {  	v26 =	vadd.f32 v36, v26;
	[tilespmem:s8+$0xE560] =	vst v42;
	v60 =	vmul.f32 $8.000000000e+00, v63;
	v61 =	vld.idx.msk [tilespmem:v62+s15+$0x0], $0xffff  }
0x228: {  	v27 =	vadd.f32 v34, v27;
	v62 =	vmul.f32 $8.000000000e+00, v39;
	v63 =	vld.idx.msk [tilespmem:v54+s15+$0x0], $0xffff;
	[tilespmem:s9+$0xE560] =	vst v43  }
0x229: {  	[tilespmem:s13+$0xE570] =	vst v26;
	v26 =	vadd.f32 v60, v28;
	v28 =	vmul.f32 $8.000000000e+00, v40;
	v42 =	vld.idx.msk [tilespmem:v57+s15+$0x0], $0xffff  }
0x22a: {  	[tilespmem:s10+$0xE570] =	vst v27;
	v27 =	vadd.f32 v62, v29;
	v29 =	vmul.f32 $8.000000000e+00, v58  }
0x22b: {  	[tilespmem:s3+$0xE570] =	vst v26;
	v26 =	vadd.f32 v28, v30;
	v28 =	vmul.f32 $8.000000000e+00, v59  }
0x22c: {  	[tilespmem:s19+$0xE570] =	vst v27;
	v27 =	vadd.f32 v29, v31;
	v29 =	vmul.f32 $8.000000000e+00, v61  }
0x22d: {  	s31 =	simm.s32 $0x30;
	[tilespmem:s20+$0xE570] =	vst v26;
	v26 =	vadd.f32 v28, v32;
	v28 =	vmul.f32 $8.000000000e+00, v63  }
0x22e: {  	v30 =	vor.u32 s31, v8;
	[tilespmem:s14+$0xE570] =	vst v27;
	v27 =	vadd.f32 v29, v33;
	v29 =	vmul.f32 $8.000000000e+00, v42  }
0x22f: {  	[tilespmem:s24+$0xE570] =	vst v26;
	v26 =	vadd.f32 v28, v35  }
0x230: {  	[tilespmem:s26+$0xE570] =	vst v27;
	v17 =	vadd.f32 v29, v17  }
0x231: {  	[tilespmem:s8+$0xE570] =	vst v26  }
0x232: {  	[tilespmem:s9+$0xE570] =	vst v17  }
0x233: {  	v26 =	vld.idx.msk [tilespmem:v30+s15+$0x0], $0xffff;
	_ =	sdelay $0x2  }
0x234: {  	s16 =	simm.s32 $0x31  }
0x235: {  	v27 =	vor.u32 s16, v8  }
0x236: {  	v17 =	vperm.xlane v9, v18;
	s3 =	sld [smem:$0x7FB];
	v18 =	vmul.f32 $8.000000000e+00, v26;
	v26 =	vor.u32 s31, v10  }
0x237: {  	s20 =	simm.s32 $0x3000  }
0x238: {  	s1 =	sand.u32 $0x3800, s20;
	v18 =	vadd.f32 v18, v17  }
0x239: {  	s1 =	sor.u32 s3, s1  }
0x23a: {  	v27 =	vld.idx.msk [tilespmem:v27+s15+$0x0], $0xffff;
	[tilespmem:s1+$0xE500] =	vst v18  }
0x23b: {  	v26 =	vld.idx.msk [tilespmem:v26+s15+$0x0], $0xffff;
	_ =	sdelay $0x1  }
0x23c: {  	s10 =	simm.s32 $0x32  }
0x23d: {  	v28 =	vor.u32 s10, v8  }
0x23e: {  	v18 =	vperm.xlane v9, v19;
	v19 =	vmul.f32 $8.000000000e+00, v27;
	v27 =	vor.u32 s16, v10;
	s22 =	sld [smem:$0x7FC]  }
0x23f: {  	s21 =	simm.s32 $0x3100;
	v29 =	vor.u32 s31, v11;
	v26 =	vmul.f32 $8.000000000e+00, v26  }
0x240: {  	s3 =	sand.u32 $0x3800, s21;
	v19 =	vadd.f32 v19, v18  }
0x241: {  	s3 =	sor.u32 s22, s3;
	v26 =	vadd.f32 v26, v17  }
0x242: {  	v28 =	vld.idx.msk [tilespmem:v28+s15+$0x0], $0xffff;
	[tilespmem:s3+$0xE500] =	vst v19  }
0x243: {  	v27 =	vld.idx.msk [tilespmem:v27+s15+$0x0], $0xffff;
	[tilespmem:s1+$0xE510] =	vst v26  }
0x244: {  	v26 =	vld.idx.msk [tilespmem:v29+s15+$0x0], $0xffff  }
0x245: {  	s13 =	simm.s32 $0x33  }
0x246: {  	v29 =	vor.u32 s13, v8  }
0x247: {  	v19 =	vperm.xlane v9, v20;
	v20 =	vmul.f32 $8.000000000e+00, v28;
	v28 =	vor.u32 s10, v10;
	s24 =	sld [smem:$0x7FD]  }
0x248: {  	s23 =	simm.s32 $0x3200;
	v30 =	vor.u32 s16, v11;
	v27 =	vmul.f32 $8.000000000e+00, v27  }
0x249: {  	s6 =	sand.u32 $0x3800, s23;
	v31 =	vor.u32 s31, v12;
	v20 =	vadd.f32 v20, v19;
	v26 =	vmul.f32 $8.000000000e+00, v26  }
0x24a: {  	v27 =	vadd.f32 v27, v18;
	s6 =	sor.u32 s24, s6  }
0x24b: {  	[tilespmem:s6+$0xE500] =	vst v20;
	v29 =	vld.idx.msk [tilespmem:v29+s15+$0x0], $0xffff;
	v20 =	vadd.f32 v26, v17  }
0x24c: {  	[tilespmem:s3+$0xE510] =	vst v27;
	v26 =	vld.idx.msk [tilespmem:v28+s15+$0x0], $0xffff  }
0x24d: {  	v27 =	vld.idx.msk [tilespmem:v30+s15+$0x0], $0xffff;
	[tilespmem:s1+$0xE520] =	vst v20  }
0x24e: {  	s9 =	simm.s32 $0x34;
	v28 =	vld.idx.msk [tilespmem:v31+s15+$0x0], $0xffff  }
0x24f: {  	v30 =	vor.u32 s9, v8  }
0x250: {  	v20 =	vperm.xlane v9, v21;
	v21 =	vmul.f32 $8.000000000e+00, v29;
	v29 =	vor.u32 s13, v10  }
0x251: {  	s25 =	simm.s32 $0x3300;
	v31 =	vor.u32 s10, v11;
	v26 =	vmul.f32 $8.000000000e+00, v26  }
0x252: {  	s7 =	sand.u32 $0x3800, s25;
	v43 =	vor.u32 s16, v12;
	v27 =	vmul.f32 $8.000000000e+00, v27;
	v21 =	vadd.f32 v21, v20  }
0x253: {  	v44 =	vor.u32 s31, v13;
	s7 =	sor.u32 s11, s7;
	v26 =	vadd.f32 v26, v19;
	v28 =	vmul.f32 $8.000000000e+00, v28  }
0x254: {  	v30 =	vld.idx.msk [tilespmem:v30+s15+$0x0], $0xffff;
	[tilespmem:s7+$0xE500] =	vst v21;
	v21 =	vadd.f32 v27, v18  }
0x255: {  	v27 =	vld.idx.msk [tilespmem:v29+s15+$0x0], $0xffff;
	[tilespmem:s6+$0xE510] =	vst v26;
	v26 =	vadd.f32 v28, v17  }
0x256: {  	[tilespmem:s3+$0xE520] =	vst v21;
	v28 =	vld.idx.msk [tilespmem:v31+s15+$0x0], $0xffff  }
0x257: {  	s14 =	simm.s32 $0x35;
	v29 =	vld.idx.msk [tilespmem:v43+s15+$0x0], $0xffff;
	[tilespmem:s1+$0xE530] =	vst v26  }
0x258: {  	v31 =	vor.u32 s14, v8;
	v26 =	vld.idx.msk [tilespmem:v44+s15+$0x0], $0xffff  }
0x259: {  	v21 =	vperm.xlane v9, v22;
	v22 =	vmul.f32 $8.000000000e+00, v30;
	v30 =	vor.u32 s9, v10  }
0x25a: {  	v45 =	vor.u32 s13, v11;
	s26 =	simm.s32 $0x3400;
	v27 =	vmul.f32 $8.000000000e+00, v27  }
0x25b: {  	v46 =	vor.u32 s10, v12;
	s8 =	sand.u32 $0x3800, s26;
	v22 =	vadd.f32 v22, v21;
	v28 =	vmul.f32 $8.000000000e+00, v28  }
0x25c: {  	v47 =	vor.u32 s16, v13;
	s5 =	sor.u32 s5, s8;
	v27 =	vadd.f32 v27, v20;
	v29 =	vmul.f32 $8.000000000e+00, v29  }
0x25d: {  	[tilespmem:s5+$0xE500] =	vst v22;
	v31 =	vld.idx.msk [tilespmem:v31+s15+$0x0], $0xffff;
	v22 =	vadd.f32 v28, v19;
	v28 =	vor.u32 s31, v14;
	v26 =	vmul.f32 $8.000000000e+00, v26  }
0x25e: {  	v30 =	vld.idx.msk [tilespmem:v30+s15+$0x0], $0xffff;
	[tilespmem:s7+$0xE510] =	vst v27;
	v27 =	vadd.f32 v29, v18  }
0x25f: {  	v29 =	vld.idx.msk [tilespmem:v45+s15+$0x0], $0xffff;
	[tilespmem:s6+$0xE520] =	vst v22;
	v22 =	vadd.f32 v26, v17  }
0x260: {  	s18 =	simm.s32 $0x36;
	[tilespmem:s3+$0xE530] =	vst v27;
	v26 =	vld.idx.msk [tilespmem:v46+s15+$0x0], $0xffff  }
0x261: {  	v48 =	vor.u32 s18, v8;
	v27 =	vld.idx.msk [tilespmem:v47+s15+$0x0], $0xffff;
	[tilespmem:s1+$0xE540] =	vst v22  }
0x262: {  	v22 =	vperm.xlane v9, v23;
	v23 =	vmul.f32 $8.000000000e+00, v31;
	v31 =	vor.u32 s14, v10;
	v28 =	vld.idx.msk [tilespmem:v28+s15+$0x0], $0xffff  }
0x263: {  	s28 =	simm.s32 $0x3500;
	v49 =	vor.u32 s9, v11;
	v30 =	vmul.f32 $8.000000000e+00, v30  }
0x264: {  	v50 =	vor.u32 s13, v12;
	s8 =	sand.u32 $0x3800, s28;
	v29 =	vmul.f32 $8.000000000e+00, v29;
	v23 =	vadd.f32 v23, v22  }
0x265: {  	v51 =	vor.u32 s10, v13;
	s11 =	sor.u32 s12, s8;
	v30 =	vadd.f32 v30, v21;
	v26 =	vmul.f32 $8.000000000e+00, v26  }
0x266: {  	v32 =	vld.idx.msk [tilespmem:v48+s15+$0x0], $0xffff;
	v27 =	vmul.f32 $8.000000000e+00, v27;
	[tilespmem:s11+$0xE500] =	vst v23;
	v23 =	vadd.f32 v29, v20;
	v29 =	vor.u32 s16, v14  }
0x267: {  	[tilespmem:s5+$0xE510] =	vst v30;
	v31 =	vld.idx.msk [tilespmem:v31+s15+$0x0], $0xffff;
	v26 =	vadd.f32 v26, v19;
	v28 =	vmul.f32 $8.000000000e+00, v28  }
0x268: {  	v30 =	vor.u32 s31, v15;
	v33 =	vld.idx.msk [tilespmem:v49+s15+$0x0], $0xffff;
	[tilespmem:s7+$0xE520] =	vst v23;
	v23 =	vadd.f32 v27, v18  }
0x269: {  	s12 =	simm.s32 $0x37;
	v27 =	vld.idx.msk [tilespmem:v50+s15+$0x0], $0xffff;
	[tilespmem:s6+$0xE530] =	vst v26;
	v26 =	vadd.f32 v28, v17  }
0x26a: {  	v52 =	vor.u32 s12, v8;
	v28 =	vld.idx.msk [tilespmem:v51+s15+$0x0], $0xffff;
	[tilespmem:s3+$0xE540] =	vst v23  }
0x26b: {  	v23 =	vperm.xlane v9, v24;
	v24 =	vmul.f32 $8.000000000e+00, v32;
	v29 =	vld.idx.msk [tilespmem:v29+s15+$0x0], $0xffff;
	[tilespmem:s1+$0xE550] =	vst v26;
	v26 =	vor.u32 s18, v10  }
0x26c: {  	s29 =	simm.s32 $0x3600;
	v53 =	vor.u32 s14, v11;
	v31 =	vmul.f32 $8.000000000e+00, v31  }
0x26d: {  	s8 =	sand.u32 $0x3800, s29;
	v54 =	vor.u32 s9, v12;
	v33 =	vmul.f32 $8.000000000e+00, v33;
	v24 =	vadd.f32 v24, v23;
	v30 =	vld.idx.msk [tilespmem:v30+s15+$0x0], $0xffff  }
0x26e: {  	v55 =	vor.u32 s13, v13;
	s4 =	sor.u32 s4, s8;
	v31 =	vadd.f32 v31, v22;
	v27 =	vmul.f32 $8.000000000e+00, v27  }
0x26f: {  	v56 =	vor.u32 s10, v14;
	v34 =	vld.idx.msk [tilespmem:v52+s15+$0x0], $0xffff;
	[tilespmem:s4+$0xE500] =	vst v24;
	v24 =	vadd.f32 v33, v21;
	v28 =	vmul.f32 $8.000000000e+00, v28  }
0x270: {  	[tilespmem:s11+$0xE510] =	vst v31;
	v27 =	vadd.f32 v27, v20;
	v29 =	vmul.f32 $8.000000000e+00, v29;
	v26 =	vld.idx.msk [tilespmem:v26+s15+$0x0], $0xffff  }
0x271: {  	v31 =	vor.u32 s16, v15;
	[tilespmem:s5+$0xE520] =	vst v24;
	v32 =	vld.idx.msk [tilespmem:v53+s15+$0x0], $0xffff;
	v24 =	vadd.f32 v28, v19  }
0x272: {  	v35 =	vld.idx.msk [tilespmem:v54+s15+$0x0], $0xffff;
	v28 =	vmul.f32 $8.000000000e+00, v30;
	v30 =	vor.u32 s31, v16;
	[tilespmem:s7+$0xE530] =	vst v27;
	v27 =	vadd.f32 v29, v18  }
0x273: {  	v29 =	vld.idx.msk [tilespmem:v55+s15+$0x0], $0xffff;
	[tilespmem:s6+$0xE540] =	vst v24;
	v24 =	vperm.xlane v9, v25  }
0x274: {  	s20 =	simm.s32 $0x38;
	v25 =	vmul.f32 $8.000000000e+00, v34;
	v28 =	vadd.f32 v28, v17;
	v33 =	vld.idx.msk [tilespmem:v56+s15+$0x0], $0xffff;
	[tilespmem:s3+$0xE550] =	vst v27;
	v27 =	vor.u32 s12, v10  }
0x275: {  	s23 =	simm.s32 $0x3700;
	v58 =	vor.u32 s18, v11;
	v57 =	vor.u32 s20, v8;
	s22 =	simm.s32 $0x380  }
0x276: {  	s30 =	sand.u32 $0x3800, s23;
	s31 =	sand.u32 $0x380, s22;
	v31 =	vld.idx.msk [tilespmem:v31+s15+$0x0], $0xffff;
	v25 =	vadd.f32 v25, v24;
	v26 =	vmul.f32 $8.000000000e+00, v26;
	[tilespmem:s1+$0xE560] =	vst v28;
	v28 =	vmul.f32 $8.000000000e+00, v32  }
0x277: {  	v59 =	vor.u32 s14, v12;
	v61 =	vor.u32 s9, v13;
	s19 =	sor.u32 s31, s30;
	v60 =	vld.idx.msk [tilespmem:v30+s15+$0x0], $0xffff;
	v30 =	vmul.f32 $8.000000000e+00, v35  }
0x278: {  	[tilespmem:s19+$0xE500] =	vst v25;
	v26 =	vadd.f32 v26, v23;
	v25 =	vadd.f32 v28, v22;
	v28 =	vmul.f32 $8.000000000e+00, v29  }
0x279: {  	v29 =	vor.u32 s13, v14;
	v34 =	vld.idx.msk [tilespmem:v27+s15+$0x0], $0xffff;
	v27 =	vmul.f32 $8.000000000e+00, v33  }
0x27a: {  	v35 =	vld.idx.msk [tilespmem:v57+s15+$0x0], $0xffff;
	[tilespmem:s4+$0xE510] =	vst v26;
	v26 =	vadd.f32 v30, v21;
	v62 =	vadd.f32 v28, v20;
	v28 =	vor.u32 s10, v15  }
0x27b: {  	[tilespmem:s11+$0xE520] =	vst v25;
	v63 =	vmul.f32 $8.000000000e+00, v31;
	v25 =	vor.u32 s16, v16;
	v33 =	vld.idx.msk [tilespmem:v58+s15+$0x0], $0xffff  }
0x27c: {  	v32 =	vld.idx.msk [tilespmem:v59+s15+$0x0], $0xffff;
	v30 =	vadd.f32 v27, v19;
	[tilespmem:s5+$0xE530] =	vst v26;
	v26 =	vmul.f32 $8.000000000e+00, v60  }
0x27d: {  	s21 =	simm.s32 $0x39;
	s16 =	simm.s32 $0xA;
	[tilespmem:s7+$0xE540] =	vst v62;
	v27 =	vadd.f32 v63, v18;
	v31 =	vld.idx.msk [tilespmem:v61+s15+$0x0], $0xffff  }
.LBB2_9:
0x27e: {  	p1 =	sne.s32 s16, $0xF;
	v36 =	vor.u32 s21, v8;
	v37 =	vmov s2;
	v38 =	vld.idx.msk [tilespmem:v29+s15+$0x0], $0xffff;
	[tilespmem:s6+$0xE550] =	vst v30;
	v26 =	vadd.f32 v26, v17;
	v17 =	vmovc v18;
	v18 =	vmovc v19;
	s2 =	smov.u32 s0;
	s0 =	smov.u32 s16  }
0x27f: {  	v30 =	vmul.f32 $8.000000000e+00, v35;
	v19 =	vmovc v20;
	v29 =	vperm.xlane v9, v37;
	v37 =	vor.u32 s20, v10;
	v39 =	vld.idx.msk [tilespmem:v28+s15+$0x0], $0xffff;
	[tilespmem:s3+$0xE560] =	vst v27  }
0x280: {  	v40 =	vor.u32 s12, v11;
	s22 =	sadd.s32 $0x80, s22;
	s23 =	sadd.s32 $0x100, s23;
	v20 =	vmovc v21;
	v21 =	vmovc v22;
	v22 =	vmov v23;
	v27 =	vmul.f32 $8.000000000e+00, v34;
	v41 =	vld.idx.msk [tilespmem:v25+s15+$0x0], $0xffff;
	[tilespmem:s1+$0xE570] =	vst v26;
	s1 =	smov.u32 s3  }
0x281: {  	v23 =	vmovc v24;
	s8 =	sand.u32 $0x3800, s23;
	s24 =	sand.u32 $0x380, s22;
	v26 =	vmul.f32 $8.000000000e+00, v33;
	s3 =	smov.u32 s6;
	v25 =	vadd.f32 v30, v29;
	v30 =	vor.u32 s18, v12;
	v24 =	vmovc v29  }
0x282: {  	v42 =	vor.u32 s14, v13;
	s8 =	sor.u32 s24, s8;
	s6 =	smov.u32 s7;
	s7 =	smov.u32 s5;
	v27 =	vadd.f32 v27, v23;
	v28 =	vmul.f32 $8.000000000e+00, v32  }
.Ltmp3:
0x283: {  	s5 =	smov.u32 s11;
	s11 =	smov.u32 s4;
	v29 =	vor.u32 s9, v14;
	v35 =	vld.idx.msk [tilespmem:v36+s15+$0x0], $0xffff;
	[tilespmem:s8+$0xE500] =	vst v25;
	v25 =	vadd.f32 v26, v22;
	v26 =	vmul.f32 $8.000000000e+00, v31;
	(pc) =	sbr.rel @p1 .LBB2_9-.Ltmp3, $4  }
0x284: {  	s4 =	smov.u32 s19;
	v31 =	vmul.f32 $8.000000000e+00, v38;
	v34 =	vld.idx.msk [tilespmem:v37+s15+$0x0], $0xffff;
	[tilespmem:s19+$0xE510] =	vst v27;
	v27 =	vadd.f32 v28, v21;
	v28 =	vor.u32 s13, v15;
	s19 =	smov.u32 s8  }
0x285: {  	v37 =	vmul.f32 $8.000000000e+00, v39;
	v33 =	vld.idx.msk [tilespmem:v40+s15+$0x0], $0xffff;
	[tilespmem:s11+$0xE520] =	vst v25;
	v36 =	vadd.f32 v26, v20;
	v25 =	vor.u32 s10, v16;
	s10 =	smov.u32 s13;
	s13 =	smov.u32 s9;
	s9 =	smov.u32 s14  }
0x286: {  	v26 =	vmul.f32 $8.000000000e+00, v41;
	s14 =	smov.u32 s18;
	s18 =	smov.u32 s12;
	s12 =	smov.u32 s20;
	v32 =	vld.idx.msk [tilespmem:v30+s15+$0x0], $0xffff;
	[tilespmem:s5+$0xE530] =	vst v27;
	v30 =	vadd.f32 v31, v19  }
0x287: {  	s16 =	sadd.s32 $0x1, s16;
	s20 =	smov.u32 s21;
	s21 =	sadd.s32 $0x30, s0;
	v27 =	vadd.f32 v37, v18;
	v31 =	vld.idx.msk [tilespmem:v42+s15+$0x0], $0xffff;
	[tilespmem:s7+$0xE540] =	vst v36  }
0x288: {  	v8 =	vor.u32 s21, v8;
	_ =	sdelay $0x4  }
0x289: {  	v36 =	vld.idx.msk [tilespmem:v8+s15+$0x0], $0xffff;
	_ =	sdelay $0x2  }
0x28a: {  	v35 =	vmul.f32 $8.000000000e+00, v35;
	v8 =	vmov s2  }
0x28b: {  	v37 =	vor.u32 s20, v10;
	s28 =	sadd.s32 $0x100, s23;
	v38 =	vmov s0;
	v8 =	vperm.xlane v9, v8  }
0x28c: {  	s29 =	sadd.s32 $0x80, s22;
	v42 =	vor.u32 s21, v10;
	s8 =	sand.u32 $0x3800, s28;
	v9 =	vperm.xlane v9, v38;
	v36 =	vmul.f32 $8.000000000e+00, v36  }
0x28d: {  	s16 =	sand.u32 $0x380, s29;
	s22 =	sadd.s32 $0x80, s29;
	s2 =	sadd.s32 $0x100, s28;
	v35 =	vadd.f32 v35, v8  }
0x28e: {  	s30 =	sor.u32 s16, s8;
	s31 =	sand.u32 $0x380, s22;
	s2 =	sand.u32 $0x3800, s2;
	v36 =	vadd.f32 v36, v9  }
0x28f: {  	s2 =	sor.u32 s31, s2;
	[tilespmem:s30+$0xE500] =	vst v35  }
0x290: {  	v35 =	vld.idx.msk [tilespmem:v37+s15+$0x0], $0xffff;
	[tilespmem:s2+$0xE500] =	vst v36  }
0x291: {  	v10 =	vld.idx.msk [tilespmem:v42+s15+$0x0], $0xffff  }
0x292: {  	v43 =	vor.u32 s12, v11;
	v34 =	vmul.f32 $8.000000000e+00, v34;
	_ =	sdelay $0x1  }
0x293: {  	v34 =	vadd.f32 v34, v24  }
0x294: {  	v44 =	vor.u32 s20, v11;
	v35 =	vmul.f32 $8.000000000e+00, v35  }
0x295: {  	v45 =	vor.u32 s21, v11;
	[tilespmem:s19+$0xE510] =	vst v34;
	v10 =	vmul.f32 $8.000000000e+00, v10  }
0x296: {  	v34 =	vld.idx.msk [tilespmem:v43+s15+$0x0], $0xffff;
	v35 =	vadd.f32 v35, v8  }
0x297: {  	v10 =	vadd.f32 v10, v9  }
0x298: {  	[tilespmem:s30+$0xE510] =	vst v35  }
0x299: {  	v47 =	vor.u32 s18, v12;
	v46 =	vmul.f32 $8.000000000e+00, v33;
	v35 =	vld.idx.msk [tilespmem:v44+s15+$0x0], $0xffff;
	[tilespmem:s2+$0xE510] =	vst v10  }
0x29a: {  	v10 =	vld.idx.msk [tilespmem:v45+s15+$0x0], $0xffff  }
0x29b: {  	v48 =	vor.u32 s12, v12;
	v11 =	vadd.f32 v46, v23;
	v34 =	vmul.f32 $8.000000000e+00, v34;
	_ =	sdelay $0x1  }
0x29c: {  	[tilespmem:s4+$0xE520] =	vst v11;
	v34 =	vadd.f32 v34, v24  }
0x29d: {  	v49 =	vor.u32 s20, v12;
	v33 =	vld.idx.msk [tilespmem:v47+s15+$0x0], $0xffff;
	v35 =	vmul.f32 $8.000000000e+00, v35  }
0x29e: {  	v50 =	vor.u32 s21, v12;
	[tilespmem:s19+$0xE520] =	vst v34;
	v10 =	vmul.f32 $8.000000000e+00, v10  }
0x29f: {  	v34 =	vld.idx.msk [tilespmem:v48+s15+$0x0], $0xffff;
	v51 =	vadd.f32 v35, v8  }
0x2a0: {  	v53 =	vor.u32 s14, v13;
	v52 =	vmul.f32 $8.000000000e+00, v32;
	v10 =	vadd.f32 v10, v9  }
0x2a1: {  	[tilespmem:s30+$0xE520] =	vst v51  }
0x2a2: {  	v54 =	vor.u32 s18, v13;
	v12 =	vadd.f32 v52, v22;
	v33 =	vmul.f32 $8.000000000e+00, v33;
	v11 =	vld.idx.msk [tilespmem:v49+s15+$0x0], $0xffff;
	[tilespmem:s2+$0xE520] =	vst v10  }
0x2a3: {  	v10 =	vld.idx.msk [tilespmem:v50+s15+$0x0], $0xffff  }
0x2a4: {  	v55 =	vor.u32 s12, v13;
	[tilespmem:s11+$0xE530] =	vst v12;
	v33 =	vadd.f32 v33, v23;
	v34 =	vmul.f32 $8.000000000e+00, v34  }
0x2a5: {  	v32 =	vld.idx.msk [tilespmem:v53+s15+$0x0], $0xffff  }
0x2a6: {  	[tilespmem:s4+$0xE530] =	vst v33;
	v57 =	vadd.f32 v34, v24  }
0x2a7: {  	v56 =	vor.u32 s20, v13;
	v33 =	vld.idx.msk [tilespmem:v54+s15+$0x0], $0xffff;
	v11 =	vmul.f32 $8.000000000e+00, v11  }
0x2a8: {  	v58 =	vor.u32 s21, v13;
	[tilespmem:s19+$0xE530] =	vst v57;
	v10 =	vmul.f32 $8.000000000e+00, v10  }
0x2a9: {  	v12 =	vld.idx.msk [tilespmem:v55+s15+$0x0], $0xffff;
	v11 =	vadd.f32 v11, v8  }
0x2aa: {  	v61 =	vor.u32 s14, v14;
	v32 =	vmul.f32 $8.000000000e+00, v32;
	v10 =	vadd.f32 v10, v9  }
0x2ab: {  	[tilespmem:s30+$0xE530] =	vst v11  }
0x2ac: {  	v62 =	vor.u32 s18, v14;
	v32 =	vadd.f32 v32, v22;
	v33 =	vmul.f32 $8.000000000e+00, v33;
	v11 =	vld.idx.msk [tilespmem:v56+s15+$0x0], $0xffff;
	[tilespmem:s2+$0xE530] =	vst v10  }
0x2ad: {  	v60 =	vor.u32 s9, v14;
	v59 =	vmul.f32 $8.000000000e+00, v31;
	v13 =	vld.idx.msk [tilespmem:v58+s15+$0x0], $0xffff  }
0x2ae: {  	v63 =	vor.u32 s12, v14;
	[tilespmem:s11+$0xE540] =	vst v32;
	v38 =	vadd.f32 v33, v23;
	v12 =	vmul.f32 $8.000000000e+00, v12  }
0x2af: {  	v32 =	vld.idx.msk [tilespmem:v61+s15+$0x0], $0xffff;
	v10 =	vadd.f32 v59, v21  }
0x2b0: {  	v29 =	vld.idx.msk [tilespmem:v29+s15+$0x0], $0xffff;
	[tilespmem:s4+$0xE540] =	vst v38;
	v12 =	vadd.f32 v12, v24  }
0x2b1: {  	v39 =	vor.u32 s20, v14;
	v42 =	vld.idx.msk [tilespmem:v62+s15+$0x0], $0xffff;
	[tilespmem:s5+$0xE540] =	vst v10;
	v11 =	vmul.f32 $8.000000000e+00, v11  }
0x2b2: {  	v40 =	vor.u32 s21, v14;
	[tilespmem:s19+$0xE540] =	vst v12;
	v31 =	vld.idx.msk [tilespmem:v60+s15+$0x0], $0xffff;
	v13 =	vmul.f32 $8.000000000e+00, v13  }
0x2b3: {  	v44 =	vld.idx.msk [tilespmem:v63+s15+$0x0], $0xffff;
	v41 =	vadd.f32 v11, v8  }
0x2b4: {  	v32 =	vmul.f32 $8.000000000e+00, v32;
	v49 =	vor.u32 s14, v15;
	v43 =	vadd.f32 v13, v9  }
0x2b5: {  	v46 =	vor.u32 s13, v15;
	v45 =	vmul.f32 $8.000000000e+00, v29;
	[tilespmem:s30+$0xE540] =	vst v41  }
0x2b6: {  	v51 =	vadd.f32 v32, v22;
	v50 =	vor.u32 s18, v15;
	v11 =	vmul.f32 $8.000000000e+00, v42;
	v33 =	vld.idx.msk [tilespmem:v39+s15+$0x0], $0xffff;
	[tilespmem:s2+$0xE540] =	vst v43  }
0x2b7: {  	[tilespmem:s6+$0xE550] =	vst v30;
	v48 =	vor.u32 s9, v15;
	v10 =	vadd.f32 v45, v20;
	v47 =	vmul.f32 $8.000000000e+00, v31;
	v14 =	vld.idx.msk [tilespmem:v40+s15+$0x0], $0xffff  }
0x2b8: {  	v28 =	vld.idx.msk [tilespmem:v28+s15+$0x0], $0xffff;
	v52 =	vor.u32 s12, v15;
	[tilespmem:s11+$0xE550] =	vst v51;
	v11 =	vadd.f32 v11, v23;
	v13 =	vmul.f32 $8.000000000e+00, v44  }
0x2b9: {  	v58 =	vld.idx.msk [tilespmem:v49+s15+$0x0], $0xffff;
	[tilespmem:s7+$0xE550] =	vst v10;
	v12 =	vadd.f32 v47, v21  }
0x2ba: {  	v29 =	vld.idx.msk [tilespmem:v46+s15+$0x0], $0xffff;
	[tilespmem:s4+$0xE550] =	vst v11;
	v55 =	vadd.f32 v13, v24  }
0x2bb: {  	v54 =	vor.u32 s20, v15;
	v60 =	vld.idx.msk [tilespmem:v50+s15+$0x0], $0xffff;
	[tilespmem:s5+$0xE550] =	vst v12;
	v53 =	vmul.f32 $8.000000000e+00, v33  }
0x2bc: {  	v57 =	vor.u32 s21, v15;
	[tilespmem:s19+$0xE550] =	vst v55;
	v31 =	vld.idx.msk [tilespmem:v48+s15+$0x0], $0xffff;
	v56 =	vmul.f32 $8.000000000e+00, v14  }
0x2bd: {  	v28 =	vmul.f32 $8.000000000e+00, v28;
	v62 =	vor.u32 s10, v16;
	v63 =	vld.idx.msk [tilespmem:v52+s15+$0x0], $0xffff;
	v59 =	vadd.f32 v53, v8  }
0x2be: {  	[tilespmem:s3+$0xE560] =	vst v27;
	v15 =	vmul.f32 $8.000000000e+00, v58;
	v39 =	vor.u32 s14, v16;
	v61 =	vadd.f32 v56, v9  }
0x2bf: {  	v25 =	vld.idx.msk [tilespmem:v25+s15+$0x0], $0xffff;
	v28 =	vadd.f32 v28, v19;
	v36 =	vor.u32 s13, v16;
	v29 =	vmul.f32 $8.000000000e+00, v29;
	[tilespmem:s30+$0xE550] =	vst v59  }
0x2c0: {  	v41 =	vor.u32 s18, v16;
	v15 =	vadd.f32 v15, v22;
	v12 =	vmul.f32 $8.000000000e+00, v60;
	v37 =	vld.idx.msk [tilespmem:v54+s15+$0x0], $0xffff;
	[tilespmem:s2+$0xE550] =	vst v61  }
0x2c1: {  	[tilespmem:s6+$0xE560] =	vst v28;
	v38 =	vor.u32 s9, v16;
	v40 =	vadd.f32 v29, v20;
	v31 =	vmul.f32 $8.000000000e+00, v31;
	v14 =	vld.idx.msk [tilespmem:v57+s15+$0x0], $0xffff  }
0x2c2: {  	v43 =	vor.u32 s12, v16;
	v13 =	vld.idx.msk [tilespmem:v62+s15+$0x0], $0xffff;
	[tilespmem:s11+$0xE560] =	vst v15;
	v12 =	vadd.f32 v12, v23;
	v44 =	vmul.f32 $8.000000000e+00, v63  }
0x2c3: {  	v49 =	vld.idx.msk [tilespmem:v39+s15+$0x0], $0xffff;
	[tilespmem:s7+$0xE560] =	vst v40;
	v42 =	vadd.f32 v31, v21  }
0x2c4: {  	v25 =	vmul.f32 $8.000000000e+00, v25;
	v11 =	vld.idx.msk [tilespmem:v36+s15+$0x0], $0xffff;
	[tilespmem:s4+$0xE560] =	vst v12;
	v48 =	vadd.f32 v44, v24  }
0x2c5: {  	v45 =	vor.u32 s20, v16;
	v52 =	vadd.f32 v26, v17;
	v51 =	vld.idx.msk [tilespmem:v41+s15+$0x0], $0xffff;
	[tilespmem:s5+$0xE560] =	vst v42;
	v46 =	vmul.f32 $8.000000000e+00, v37  }
0x2c6: {  	v47 =	vor.u32 s21, v16;
	v54 =	vadd.f32 v25, v18;
	[tilespmem:s19+$0xE560] =	vst v48;
	v10 =	vld.idx.msk [tilespmem:v38+s15+$0x0], $0xffff;
	v14 =	vmul.f32 $8.000000000e+00, v14  }
0x2c7: {  	v13 =	vmul.f32 $8.000000000e+00, v13;
	[tilespmem:s1+$0xE570] =	vst v52;
	v53 =	vld.idx.msk [tilespmem:v43+s15+$0x0], $0xffff;
	v50 =	vadd.f32 v46, v8  }
0x2c8: {  	v56 =	vmul.f32 $8.000000000e+00, v49;
	[tilespmem:s3+$0xE570] =	vst v54;
	v14 =	vadd.f32 v14, v9  }
0x2c9: {  	v13 =	vadd.f32 v13, v19;
	v11 =	vmul.f32 $8.000000000e+00, v11;
	[tilespmem:s30+$0xE560] =	vst v50  }
0x2ca: {  	v58 =	vadd.f32 v56, v22;
	v57 =	vmul.f32 $8.000000000e+00, v51;
	v55 =	vld.idx.msk [tilespmem:v45+s15+$0x0], $0xffff;
	[tilespmem:s2+$0xE560] =	vst v14  }
0x2cb: {  	[tilespmem:s6+$0xE570] =	vst v13;
	v11 =	vadd.f32 v11, v20;
	v10 =	vmul.f32 $8.000000000e+00, v10;
	v14 =	vld.idx.msk [tilespmem:v47+s15+$0x0], $0xffff  }
0x2cc: {  	[tilespmem:s11+$0xE570] =	vst v58;
	v60 =	vadd.f32 v57, v23;
	v59 =	vmul.f32 $8.000000000e+00, v53  }
0x2cd: {  	[tilespmem:s7+$0xE570] =	vst v11;
	v10 =	vadd.f32 v10, v21  }
0x2ce: {  	[tilespmem:s4+$0xE570] =	vst v60;
	v62 =	vadd.f32 v59, v24  }
0x2cf: {  	[tilespmem:s5+$0xE570] =	vst v10;
	v61 =	vmul.f32 $8.000000000e+00, v55  }
0x2d0: {  	s4 =	rddreg [dreg:$0xa];
	[tilespmem:s19+$0xE570] =	vst v62;
	v63 =	vmul.f32 $8.000000000e+00, v14  }
0x2d1: {  	v8 =	vadd.f32 v61, v8;
	s11 =	sshll.u32 s4, $0x13;
	s3 =	rddreg [dreg:$0x4]  }
0x2d2: {  	s1 =	sor.u32 s3, s11;
	v9 =	vadd.f32 v63, v9  }
0x2d3: {  	s13 =	rddreg [dreg:$0x2];
	[tilespmem:s30+$0xE570] =	vst v8;
	s12 =	sshrl.u32 s1, $0x3  }
0x2d4: {  	s16 =	simm.s32 $0xE500;
	s14 =	simm.s32 $0x0;
	s0 =	sadd.s32 s13, s12;
	[tilespmem:s2+$0xE570] =	vst v9  }
0x2d5: {  	[hbm4b:s0+s14] =	stream.linear.scatter [tilespmem:s16], [sflag:$0x3], $0x400, $0x38;
	[tilespmem:$0x19900] =	vst v63  }
0x2d6: {  	s19 =	simm.s32 $0xED00;
	s18 =	sadd.s32 $0x1000, s0  }
0x2d7: {  	[hbm4b:s18+s14] =	stream.linear.scatter [tilespmem:s19], [sflag:$0x3], $0x400, $0x38;
	[tilespmem:$0x19900] =	vst v63  }
0x2d8: {  	s21 =	simm.s32 $0xF500;
	s20 =	sadd.s32 $0x2000, s0  }
0x2d9: {  	[hbm4b:s20+s14] =	stream.linear.scatter [tilespmem:s21], [sflag:$0x3], $0x400, $0x38;
	[tilespmem:$0x19900] =	vst v63  }
0x2da: {  	s23 =	simm.s32 $0xFD00;
	s22 =	sadd.s32 $0x3000, s0  }
0x2db: {  	[hbm4b:s22+s14] =	stream.linear.scatter [tilespmem:s23], [sflag:$0x3], $0x400, $0x38;
	[tilespmem:$0x19900] =	vst v63  }
0x2dc: {  	s25 =	simm.s32 $0x10500;
	s24 =	sadd.s32 $0x4000, s0  }
0x2dd: {  	[hbm4b:s24+s14] =	stream.linear.scatter [tilespmem:s25], [sflag:$0x3], $0x400, $0x38;
	[tilespmem:$0x19900] =	vst v63  }
0x2de: {  	s28 =	simm.s32 $0x10D00;
	p1 =	sne.s32 s4, $0x63;
	s26 =	sadd.s32 $0x5000, s0  }
0x2df: {  	[hbm4b:s26+s14] =	stream.linear.scatter [tilespmem:s28], [sflag:$0x3], $0x400, $0x38;
	[tilespmem:$0x19900] =	vst v63  }
.Ltmp4:
0x2e0: {  	_ = 	snop;
	(pc) =	sbr.rel @p1 .LBB2_12-.Ltmp4, $4  }
0x2e1: {  	s30 =	simm.s32 $0x11500;
	s29 =	sadd.s32 $0x6000, s0  }
0x2e2: {  	[hbm4b:s29+s14] =	stream.linear.scatter [tilespmem:s30], [sflag:$0x3], $0x400, $0x38;
	[tilespmem:$0x19900] =	vst v63  }
0x2e3: {  	s31 =	simm.s32 $0x11D00;
	s0 =	sadd.s32 $0x7000, s0  }
0x2e4: {  	[hbm4b:s0+s14] =	stream.linear.scatter [tilespmem:s31], [sflag:$0x3], $0x400, $0x38;
	[tilespmem:$0x19900] =	vst v63  }
.Ltmp5:
0x2e5: {  	(pc) =	sbr.rel .LBB2_13-.Ltmp5, $4  }
0x2e6: {  	s0 =	simm.s32 $0x2  }
0x2e7: {  	_ =	swait.ge [sflag:s0], $0x4000  }
0x2e8: {  	[sflag:s0] =	ssyncset.done $0x0  }
0x2e9: {  	[sflag:s0] =	ssyncadd.s32 $0xFFFFC000  }
.LBB2_12:
0x2ea: {  	s0 =	rddreg [dreg:$0xe]  }
0x2eb: {  	v8 =	vld [tilespmem:s0+$0x100];
	_ =	sdelay $0x4  }
0x2ec: {  	v8 =	vshrl.u32 v8, $0x1  }
0x2ed: {  	[tilespmem:$0x6400] =	vst v8  }
0x2ee: {  	v8 =	vld [tilespmem:s0+$0x110];
	_ =	sdelay $0x4  }
0x2ef: {  	v8 =	vshrl.u32 v8, $0x1  }
0x2f0: {  	[tilespmem:$0x6410] =	vst v8  }
0x2f1: {  	v8 =	vld [tilespmem:s0+$0x120];
	_ =	sdelay $0x4  }
0x2f2: {  	v8 =	vshrl.u32 v8, $0x1  }
0x2f3: {  	[tilespmem:$0x6420] =	vst v8  }
0x2f4: {  	v8 =	vld [tilespmem:s0+$0x130];
	_ =	sdelay $0x4  }
0x2f5: {  	v8 =	vshrl.u32 v8, $0x1  }
0x2f6: {  	[tilespmem:$0x6430] =	vst v8  }
0x2f7: {  	v8 =	vld [tilespmem:s0+$0x140];
	_ =	sdelay $0x4  }
0x2f8: {  	v8 =	vshrl.u32 v8, $0x1  }
0x2f9: {  	[tilespmem:$0x6440] =	vst v8  }
0x2fa: {  	v8 =	vld [tilespmem:s0+$0x150];
	_ =	sdelay $0x4  }
0x2fb: {  	v8 =	vshrl.u32 v8, $0x1  }
0x2fc: {  	[tilespmem:$0x6450] =	vst v8  }
0x2fd: {  	v8 =	vld [tilespmem:s0+$0x160];
	_ =	sdelay $0x4  }
0x2fe: {  	v8 =	vshrl.u32 v8, $0x1  }
0x2ff: {  	[tilespmem:$0x6460] =	vst v8  }
0x300: {  	v8 =	vld [tilespmem:s0+$0x170];
	_ =	sdelay $0x4  }
0x301: {  	s30 =	rddreg [dreg:$0x5];
	s1 =	simm.s32 $0x80;
	v8 =	vshrl.u32 v8, $0x1  }
.Ltmp6:
0x302: {  	s2 =	simm.s32 $0x6400;
	s31 =	simm.s32 $0x2;
	[tilespmem:$0x6470] =	vst v8;
	(pc) =	sbr.rel @p0 .LBB2_14-.Ltmp6, $4  }
0x303: {  	[tilespmem:s15], [sflag:$0x1] =	stream.indirect.gather [hbm4b:s30+s1], $0x80, s2, s1, $0xb8;
	[tilespmem:$0x19900] =	vst v63  }
0x304: {  	_ =	swait.ge [sflag:s31], $0x4000  }
0x305: {  	[sflag:s31] =	ssyncset.done $0x0  }
0x306: {  	[sflag:s31] =	ssyncadd.s32 $0xFFFFC000  }
.LBB2_13:
0x307: {  	s0 =	simm.s32 $0x4  }
0x308: {  	_ =	swait.ge [sflag:s0], $0x2000  }
0x309: {  	[sflag:s0] =	ssyncset.done $0x0  }
0x30a: {  	[sflag:s0] =	ssyncadd.s32 $0xFFFFE000  }
.LBB2_14:
0x30b: {  	s2 =	rddreg [dreg:$0xc]  }
0x30c: {  	v8 =	vld [tilespmem:s2+$0x0];
	_ =	sdelay $0x4  }
0x30d: {  	v8 =	vshll.u32 v8, $0x6  }
0x30e: {  	v8 =	vand.u32 $0x40, v8  }
0x30f: {  	s0 =	simm.s32 $0x0;
	v9 =	vor.u32 v0, v8  }
0x310: {  	v8 =	vor.u32 s0, v9;
	_ =	sdelay $0x1  }
0x311: {  	s1 =	rddreg [dreg:$0xd];
	v10 =	vld [tilespmem:s2+$0x10]  }
0x312: {  	v33 =	vld [tilespmem:s1+$0x16540]  }
0x313: {  	v18 =	vld [tilespmem:s1+$0x16550]  }
0x314: {  	v11 =	vld.idx.msk [tilespmem:v8+s17+$0x0], $0xffff  }
0x315: {  	v17 =	vld [tilespmem:s1+$0x16560]  }
0x316: {  	v12 =	vld [tilespmem:s2+$0x20];
	v10 =	vshll.u32 v10, $0x6  }
0x317: {  	s19 =	simm.s32 $0x1;
	v13 =	vld [tilespmem:s2+$0x30];
	v10 =	vand.u32 $0x40, v10  }
0x318: {  	v19 =	vmov s0;
	v23 =	vld [tilespmem:s2+$0x40];
	v10 =	vor.u32 v1, v10;
	v14 =	vor.u32 s19, v9  }
0x319: {  	v24 =	vld [tilespmem:s2+$0x50];
	v36 =	vperm.xlane v33, v19;
	v20 =	vor.u32 s0, v10;
	v11 =	vmul.f32 $8.000000000e+00, v11  }
0x31a: {  	s12 =	sand.u32 $0x800, s0;
	s3 =	sand.u32 $0x380, s0;
	v16 =	vld [tilespmem:s2+$0x60]  }
0x31b: {  	v8 =	vld [tilespmem:s1+$0x16570];
	s1 =	sor.u32 s3, s12;
	v11 =	vadd.f32 v11, v36  }
0x31c: {  	v15 =	vld [tilespmem:s2+$0x70];
	[dreg:$0xf] =	wrdreg s3;
	s5 =	sadd.s32 $0xE500, s1  }
0x31d: {  	v14 =	vld.idx.msk [tilespmem:v14+s17+$0x0], $0xffff;
	[tilespmem:s5+$0x4000] =	vst v11  }
0x31e: {  	v21 =	vld.idx.msk [tilespmem:v20+s17+$0x0], $0xffff  }
0x31f: {  	s21 =	simm.s32 $0x2  }
0x320: {  	v11 =	vshll.u32 v12, $0x6;
	v12 =	vor.u32 s21, v9  }
0x321: {  	v22 =	vor.u32 s19, v10;
	v11 =	vand.u32 $0x40, v11;
	v20 =	vmov s19  }
0x322: {  	s13 =	simm.s32 $0x80;
	s14 =	simm.s32 $0x100;
	v14 =	vmul.f32 $8.000000000e+00, v14;
	v11 =	vor.u32 v2, v11;
	v27 =	vperm.xlane v33, v20  }
0x323: {  	s2 =	sand.u32 $0x800, s14;
	s1 =	sand.u32 $0x380, s13;
	v25 =	vor.u32 s0, v11;
	v21 =	vmul.f32 $8.000000000e+00, v21  }
0x324: {  	[dreg:$0x11] =	wrdreg s1;
	s1 =	sor.u32 s1, s2;
	v14 =	vadd.f32 v14, v27  }
0x325: {  	s18 =	sadd.s32 $0xE500, s1;
	v12 =	vld.idx.msk [tilespmem:v12+s17+$0x0], $0xffff;
	v21 =	vadd.f32 v21, v36  }
0x326: {  	[tilespmem:s18+$0x4000] =	vst v14  }
0x327: {  	s10 =	simm.s32 $0x3;
	v14 =	vld.idx.msk [tilespmem:v22+s17+$0x0], $0xffff;
	[tilespmem:s5+$0x4010] =	vst v21  }
0x328: {  	v13 =	vshll.u32 v13, $0x6;
	v22 =	vor.u32 s10, v9;
	v25 =	vld.idx.msk [tilespmem:v25+s17+$0x0], $0xffff  }
0x329: {  	v13 =	vand.u32 $0x40, v13;
	v21 =	vmov s21  }
0x32a: {  	s16 =	simm.s32 $0x100;
	s20 =	simm.s32 $0x200;
	v29 =	vor.u32 s21, v10;
	v26 =	vmul.f32 $8.000000000e+00, v12;
	v28 =	vperm.xlane v33, v21  }
0x32b: {  	s2 =	sand.u32 $0x800, s20;
	s1 =	sand.u32 $0x380, s16;
	v12 =	vor.u32 v3, v13  }
0x32c: {  	[dreg:$0x13] =	wrdreg s1;
	s1 =	sor.u32 s1, s2;
	v14 =	vmul.f32 $8.000000000e+00, v14;
	v13 =	vadd.f32 v26, v28;
	v26 =	vor.u32 s19, v11  }
0x32d: {  	v30 =	vld.idx.msk [tilespmem:v22+s17+$0x0], $0xffff;
	s20 =	sadd.s32 $0xE500, s1;
	v22 =	vmul.f32 $8.000000000e+00, v25;
	v25 =	vor.u32 s0, v12  }
0x32e: {  	[tilespmem:s20+$0x4000] =	vst v13;
	v13 =	vadd.f32 v14, v27  }
0x32f: {  	s3 =	simm.s32 $0x4;
	v14 =	vld.idx.msk [tilespmem:v29+s17+$0x0], $0xffff;
	v29 =	vadd.f32 v22, v36  }
0x330: {  	[tilespmem:s18+$0x4010] =	vst v13;
	v13 =	vor.u32 s3, v9  }
0x331: {  	v26 =	vld.idx.msk [tilespmem:v26+s17+$0x0], $0xffff;
	v22 =	vmov s10;
	[tilespmem:s5+$0x4020] =	vst v29  }
0x332: {  	s22 =	simm.s32 $0x180;
	s23 =	simm.s32 $0x300;
	v31 =	vor.u32 s10, v10;
	v30 =	vmul.f32 $8.000000000e+00, v30;
	v29 =	vperm.xlane v33, v22;
	v25 =	vld.idx.msk [tilespmem:v25+s17+$0x0], $0xffff  }
0x333: {  	v23 =	vshll.u32 v23, $0x6;
	s2 =	sand.u32 $0x800, s23;
	s1 =	sand.u32 $0x380, s22  }
0x334: {  	v32 =	vor.u32 s21, v11;
	[dreg:$0x16] =	wrdreg s1;
	s1 =	sor.u32 s1, s2;
	v14 =	vmul.f32 $8.000000000e+00, v14;
	v30 =	vadd.f32 v30, v29  }
0x335: {  	v23 =	vand.u32 $0x40, v23;
	v34 =	vld.idx.msk [tilespmem:v13+s17+$0x0], $0xffff;
	s4 =	sadd.s32 $0xE500, s1  }
0x336: {  	v35 =	vor.u32 s19, v12;
	v14 =	vadd.f32 v14, v28;
	v26 =	vmul.f32 $8.000000000e+00, v26;
	[tilespmem:s4+$0x4000] =	vst v30  }
0x337: {  	v13 =	vor.u32 v4, v23;
	v31 =	vld.idx.msk [tilespmem:v31+s17+$0x0], $0xffff;
	v25 =	vmul.f32 $8.000000000e+00, v25  }
0x338: {  	s23 =	simm.s32 $0x5;
	[tilespmem:s20+$0x4010] =	vst v14;
	v14 =	vadd.f32 v26, v27;
	v26 =	vor.u32 s0, v13  }
0x339: {  	v37 =	vor.u32 s23, v9;
	v23 =	vmov s3;
	v32 =	vld.idx.msk [tilespmem:v32+s17+$0x0], $0xffff;
	v25 =	vadd.f32 v25, v36  }
0x33a: {  	s24 =	simm.s32 $0x200;
	s25 =	simm.s32 $0x400;
	v47 =	vor.u32 s3, v10;
	v30 =	vperm.xlane v33, v23;
	[tilespmem:s18+$0x4020] =	vst v14;
	v14 =	vmul.f32 $8.000000000e+00, v34  }
0x33b: {  	s2 =	sand.u32 $0x800, s25;
	s1 =	sand.u32 $0x380, s24;
	v35 =	vld.idx.msk [tilespmem:v35+s17+$0x0], $0xffff;
	[tilespmem:s5+$0x4030] =	vst v25  }
0x33c: {  	v14 =	vadd.f32 v14, v30;
	v25 =	vmul.f32 $8.000000000e+00, v31;
	v31 =	vor.u32 s10, v11;
	[dreg:$0x18] =	wrdreg s1;
	s1 =	sor.u32 s1, s2  }
0x33d: {  	v26 =	vld.idx.msk [tilespmem:v26+s17+$0x0], $0xffff;
	s22 =	sadd.s32 $0xE500, s1  }
0x33e: {  	v38 =	vor.u32 s21, v12;
	v32 =	vmul.f32 $8.000000000e+00, v32;
	v37 =	vld.idx.msk [tilespmem:v37+s17+$0x0], $0xffff;
	v25 =	vadd.f32 v25, v29;
	[tilespmem:s22+$0x4000] =	vst v14  }
0x33f: {  	v24 =	vshll.u32 v24, $0x6;
	v34 =	vld.idx.msk [tilespmem:v47+s17+$0x0], $0xffff  }
0x340: {  	s7 =	simm.s32 $0x6;
	v24 =	vand.u32 $0x40, v24;
	v48 =	vmul.f32 $8.000000000e+00, v35;
	[tilespmem:s4+$0x4010] =	vst v25;
	v25 =	vadd.f32 v32, v28  }
0x341: {  	v39 =	vor.u32 s7, v9;
	v49 =	vor.u32 s19, v13;
	v14 =	vor.u32 v5, v24;
	v40 =	vld.idx.msk [tilespmem:v31+s17+$0x0], $0xffff  }
0x342: {  	v24 =	vmov s23;
	[tilespmem:s20+$0x4020] =	vst v25;
	v25 =	vadd.f32 v48, v27;
	v26 =	vmul.f32 $8.000000000e+00, v26  }
0x343: {  	s26 =	simm.s32 $0x280;
	v51 =	vor.u32 s23, v10;
	v41 =	vor.u32 s0, v14;
	v31 =	vperm.xlane v33, v24;
	v38 =	vld.idx.msk [tilespmem:v38+s17+$0x0], $0xffff  }
0x344: {  	s6 =	simm.s32 $0x500;
	s1 =	sand.u32 $0x380, s26;
	v50 =	vmul.f32 $8.000000000e+00, v37;
	[tilespmem:s18+$0x4030] =	vst v25;
	v25 =	vadd.f32 v26, v36;
	v26 =	vmul.f32 $8.000000000e+00, v34  }
0x345: {  	v52 =	vor.u32 s3, v11;
	s2 =	sand.u32 $0x800, s6;
	[dreg:$0x19] =	wrdreg s1  }
0x346: {  	v32 =	vadd.f32 v50, v31;
	s1 =	sor.u32 s1, s2;
	v35 =	vld.idx.msk [tilespmem:v49+s17+$0x0], $0xffff;
	[tilespmem:s5+$0x4040] =	vst v25;
	v25 =	vadd.f32 v26, v30;
	v26 =	vmul.f32 $8.000000000e+00, v40  }
0x347: {  	v16 =	vshll.u32 v16, $0x6;
	v42 =	vshll.u32 v15, $0x6;
	v53 =	vor.u32 s10, v12;
	v39 =	vld.idx.msk [tilespmem:v39+s17+$0x0], $0xffff;
	s24 =	sadd.s32 $0xE500, s1  }
0x348: {  	v15 =	vand.u32 $0x40, v16;
	[tilespmem:s24+$0x4000] =	vst v32;
	v16 =	vld.idx.msk [tilespmem:v41+s17+$0x0], $0xffff;
	v54 =	vmul.f32 $8.000000000e+00, v38;
	v26 =	vadd.f32 v26, v29  }
0x349: {  	v55 =	vor.u32 s21, v13;
	s26 =	simm.s32 $0x7;
	v37 =	vld.idx.msk [tilespmem:v51+s17+$0x0], $0xffff;
	[tilespmem:s22+$0x4010] =	vst v25  }
0x34a: {  	v15 =	vor.u32 v6, v15;
	v56 =	vor.u32 s26, v9;
	[tilespmem:s4+$0x4020] =	vst v26;
	v26 =	vadd.f32 v54, v28  }
0x34b: {  	s8 =	simm.s32 $0x300;
	v43 =	vor.u32 s19, v14;
	v25 =	vmov s7;
	v34 =	vld.idx.msk [tilespmem:v52+s17+$0x0], $0xffff;
	v35 =	vmul.f32 $8.000000000e+00, v35  }
0x34c: {  	s9 =	simm.s32 $0x600;
	v44 =	vor.u32 s7, v10;
	s1 =	sand.u32 $0x380, s8;
	v32 =	vperm.xlane v33, v25;
	v39 =	vmul.f32 $8.000000000e+00, v39;
	v40 =	vld.idx.msk [tilespmem:v53+s17+$0x0], $0xffff;
	[tilespmem:s20+$0x4030] =	vst v26  }
0x34d: {  	v57 =	vor.u32 s0, v15;
	s2 =	sand.u32 $0x800, s9;
	v26 =	vadd.f32 v35, v27;
	v16 =	vmul.f32 $8.000000000e+00, v16;
	[dreg:$0x1a] =	wrdreg s1  }
0x34e: {  	v45 =	vor.u32 s23, v11;
	v39 =	vadd.f32 v39, v32;
	v37 =	vmul.f32 $8.000000000e+00, v37;
	s1 =	sor.u32 s1, s2;
	v38 =	vld.idx.msk [tilespmem:v55+s17+$0x0], $0xffff  }
0x34f: {  	v58 =	vand.u32 $0x40, v42;
	v41 =	vld.idx.msk [tilespmem:v56+s17+$0x0], $0xffff;
	s25 =	sadd.s32 $0xE500, s1;
	[tilespmem:s18+$0x4040] =	vst v26;
	v16 =	vadd.f32 v16, v36  }
0x350: {  	v46 =	vor.u32 s3, v12;
	v26 =	vmul.f32 $8.000000000e+00, v34;
	v37 =	vadd.f32 v37, v31;
	[tilespmem:s25+$0x4000] =	vst v39;
	v59 =	vld.idx.msk [tilespmem:v43+s17+$0x0], $0xffff  }
0x351: {  	v62 =	vor.u32 s10, v13;
	v47 =	vor.u32 s21, v14;
	s8 =	simm.s32 $0x8;
	v60 =	vld.idx.msk [tilespmem:v44+s17+$0x0], $0xffff;
	[tilespmem:s5+$0x4050] =	vst v16;
	v40 =	vmul.f32 $8.000000000e+00, v40  }
0x352: {  	v48 =	vor.u32 s7, v11;
	v63 =	vor.u32 s8, v9;
	v61 =	vadd.f32 v26, v30;
	[tilespmem:s24+$0x4010] =	vst v37;
	v35 =	vld.idx.msk [tilespmem:v57+s17+$0x0], $0xffff  }
0x353: {  	v26 =	vmov s26;
	v45 =	vld.idx.msk [tilespmem:v45+s17+$0x0], $0xffff;
	v40 =	vadd.f32 v40, v29;
	v38 =	vmul.f32 $8.000000000e+00, v38  }
0x354: {  	s11 =	simm.s32 $0x700;
	s14 =	simm.s32 $0x380;
	v52 =	vor.u32 s26, v10;
	v34 =	vperm.xlane v33, v26;
	[tilespmem:s22+$0x4020] =	vst v61;
	v41 =	vmul.f32 $8.000000000e+00, v41  }
0x355: {  	s12 =	sand.u32 $0x800, s11;
	v53 =	vor.u32 s19, v15;
	s1 =	sand.u32 $0x380, s14;
	v46 =	vld.idx.msk [tilespmem:v46+s17+$0x0], $0xffff;
	[tilespmem:s4+$0x4030] =	vst v40;
	v39 =	vmul.f32 $8.000000000e+00, v59;
	v38 =	vadd.f32 v38, v28  }
0x356: {  	s2 =	sor.u32 s1, s12;
	v16 =	vor.u32 v7, v58;
	v41 =	vadd.f32 v41, v34;
	v42 =	vmul.f32 $8.000000000e+00, v60;
	v44 =	vld.idx.msk [tilespmem:v62+s17+$0x0], $0xffff  }
0x357: {  	v37 =	vld.idx.msk [tilespmem:v63+s17+$0x0], $0xffff;
	s28 =	sadd.s32 $0xE500, s2;
	v55 =	vor.u32 s0, v16;
	v54 =	vadd.f32 v39, v27;
	v35 =	vmul.f32 $8.000000000e+00, v35;
	[tilespmem:s20+$0x4040] =	vst v38  }
0x358: {  	s16 =	simm.s32 $0x9;
	v59 =	vor.u32 s23, v12;
	v58 =	vmul.f32 $8.000000000e+00, v45;
	[tilespmem:s28+$0x4000] =	vst v41;
	v57 =	vadd.f32 v42, v32;
	v47 =	vld.idx.msk [tilespmem:v47+s17+$0x0], $0xffff  }
0x359: {  	v49 =	vor.u32 s10, v14;
	v63 =	vor.u32 s16, v9;
	v43 =	vld.idx.msk [tilespmem:v52+s17+$0x0], $0xffff;
	[tilespmem:s18+$0x4050] =	vst v54;
	v35 =	vadd.f32 v35, v36  }
0x35a: {  	v61 =	vor.u32 s3, v13;
	v60 =	vmul.f32 $8.000000000e+00, v46;
	v62 =	vadd.f32 v58, v31;
	[tilespmem:s25+$0x4010] =	vst v57;
	v40 =	vld.idx.msk [tilespmem:v53+s17+$0x0], $0xffff  }
0x35b: {  	v51 =	vor.u32 s8, v10;
	v56 =	vmov s8;
	v50 =	vld.idx.msk [tilespmem:v48+s17+$0x0], $0xffff;
	[tilespmem:s5+$0x4060] =	vst v35;
	v44 =	vmul.f32 $8.000000000e+00, v44  }
0x35c: {  	s9 =	simm.s32 $0x400;
	s2 =	simm.s32 $0x800;
	v37 =	vmul.f32 $8.000000000e+00, v37;
	v38 =	vadd.f32 v60, v30;
	[tilespmem:s24+$0x4020] =	vst v62;
	v35 =	vperm.xlane v33, v56;
	v39 =	vld.idx.msk [tilespmem:v55+s17+$0x0], $0xffff  }
0x35d: {  	s6 =	sand.u32 $0x380, s9;
	s13 =	sand.u32 $0x800, s2;
	v53 =	vor.u32 s21, v15;
	v52 =	vld.idx.msk [tilespmem:v59+s17+$0x0], $0xffff;
	v57 =	vadd.f32 v44, v29;
	v58 =	vmul.f32 $8.000000000e+00, v47  }
0x35e: {  	s0 =	sor.u32 s6, s13;
	v54 =	vor.u32 s26, v11;
	v48 =	vld.idx.msk [tilespmem:v63+s17+$0x0], $0xffff;
	[tilespmem:s22+$0x4030] =	vst v38;
	v59 =	vadd.f32 v37, v35;
	v43 =	vmul.f32 $8.000000000e+00, v43  }
0x35f: {  	s29 =	sadd.s32 $0xE500, s0;
	v41 =	vld.idx.msk [tilespmem:v61+s17+$0x0], $0xffff;
	[tilespmem:s4+$0x4040] =	vst v57;
	v61 =	vmul.f32 $8.000000000e+00, v40;
	v60 =	vadd.f32 v58, v28  }
0x360: {  	v37 =	vor.u32 s19, v16;
	v44 =	vor.u32 s7, v12;
	[tilespmem:s29+$0x4000] =	vst v59;
	v43 =	vadd.f32 v43, v34;
	v40 =	vld.idx.msk [tilespmem:v49+s17+$0x0], $0xffff  }
0x361: {  	s19 =	simm.s32 $0xA;
	v62 =	vmul.f32 $8.000000000e+00, v50;
	v45 =	vld.idx.msk [tilespmem:v51+s17+$0x0], $0xffff;
	v63 =	vadd.f32 v61, v27;
	v39 =	vmul.f32 $8.000000000e+00, v39;
	[tilespmem:s20+$0x4050] =	vst v60  }
0x362: {  	s31 =	simm.s32 $0x9;
	v42 =	vor.u32 s3, v14;
	v50 =	vor.u32 s19, v9;
	v47 =	vmul.f32 $8.000000000e+00, v52;
	[tilespmem:s28+$0x4010] =	vst v43;
	v38 =	vld.idx.msk [tilespmem:v53+s17+$0x0], $0xffff  }
0x363: {  	s30 =	simm.s32 $0xA;
	s6 =	simm.s32 $0xB;
	s0 =	simm.s32 $0x8;
	v49 =	vadd.f32 v62, v32;
	v43 =	vor.u32 s23, v13;
	v46 =	vld.idx.msk [tilespmem:v54+s17+$0x0], $0xffff;
	[tilespmem:s18+$0x4060] =	vst v63;
	v39 =	vadd.f32 v39, v36  }
.LBB2_15:
0x364: {  	p0 =	sne.s32 s6, $0xF;
	v36 =	vmov s31;
	v47 =	vadd.f32 v47, v31;
	v41 =	vmul.f32 $8.000000000e+00, v41;
	v51 =	vmovc v28;
	v28 =	vmovc v29  }
0x365: {  	[tilespmem:s25+$0x4020] =	vst v49;
	v49 =	vld.idx.msk [tilespmem:v37+s17+$0x0], $0xffff;
	v29 =	vmovc v30;
	v30 =	vmovc v31;
	v31 =	vmov v32;
	v32 =	vmov v34;
	v34 =	vmov v35;
	s11 =	smov.u32 s31;
	s31 =	smov.u32 s30;
	s30 =	smov.u32 s6  }
0x366: {  	s9 =	sadd.s32 $0x80, s9;
	s2 =	sadd.s32 $0x100, s2;
	v35 =	vperm.xlane v33, v36;
	v36 =	vmul.f32 $8.000000000e+00, v48;
	v52 =	vor.u32 s11, v10;
	v53 =	vld.idx.msk [tilespmem:v44+s17+$0x0], $0xffff;
	[tilespmem:s5+$0x4070] =	vst v39;
	s5 =	smov.u32 s18  }
0x367: {  	v54 =	vor.u32 s10, v15;
	s12 =	sand.u32 $0x800, s2;
	s13 =	sand.u32 $0x380, s9;
	v39 =	vmul.f32 $8.000000000e+00, v40;
	s18 =	smov.u32 s20;
	[tilespmem:s24+$0x4030] =	vst v47;
	v37 =	vadd.f32 v41, v29  }
0x368: {  	v55 =	vor.u32 s0, v11;
	s20 =	smov.u32 s4;
	s4 =	smov.u32 s22;
	s12 =	sor.u32 s13, s12;
	v40 =	vmul.f32 $8.000000000e+00, v45;
	v36 =	vadd.f32 v36, v35;
	v41 =	vld.idx.msk [tilespmem:v43+s17+$0x0], $0xffff  }
.Ltmp7:
0x369: {  	s22 =	smov.u32 s24;
	s12 =	sadd.s32 $0xE500, s12;
	v39 =	vadd.f32 v39, v28;
	v38 =	vmul.f32 $8.000000000e+00, v38;
	v48 =	vld.idx.msk [tilespmem:v50+s17+$0x0], $0xffff;
	[tilespmem:s4+$0x4040] =	vst v37;
	v37 =	vor.u32 s21, v16;
	(pc) =	sbr.rel @p0 .LBB2_15-.Ltmp7, $4  }
0x36a: {  	v44 =	vor.u32 s26, v12;
	s24 =	smov.u32 s25;
	s25 =	smov.u32 s28;
	s28 =	smov.u32 s29;
	v43 =	vmul.f32 $8.000000000e+00, v46;
	[tilespmem:s12+$0x4000] =	vst v36;
	v36 =	vadd.f32 v40, v34;
	v40 =	vld.idx.msk [tilespmem:v42+s17+$0x0], $0xffff  }
0x36b: {  	s29 =	smov.u32 s12;
	s21 =	smov.u32 s10;
	s10 =	smov.u32 s3;
	v45 =	vld.idx.msk [tilespmem:v52+s17+$0x0], $0xffff;
	[tilespmem:s20+$0x4050] =	vst v39;
	v39 =	vadd.f32 v38, v51;
	v52 =	vmul.f32 $8.000000000e+00, v49  }
0x36c: {  	s3 =	smov.u32 s23;
	s23 =	smov.u32 s7;
	v49 =	vadd.f32 v43, v32;
	v47 =	vmul.f32 $8.000000000e+00, v53;
	v43 =	vor.u32 s7, v13;
	s7 =	smov.u32 s26;
	[tilespmem:s28+$0x4010] =	vst v36;
	v38 =	vld.idx.msk [tilespmem:v54+s17+$0x0], $0xffff  }
0x36d: {  	s6 =	sadd.s32 $0x1, s6;
	v50 =	vor.u32 s30, v9;
	v42 =	vor.u32 s3, v14;
	s26 =	smov.u32 s0;
	s0 =	smov.u32 s11;
	v46 =	vld.idx.msk [tilespmem:v55+s17+$0x0], $0xffff;
	[tilespmem:s18+$0x4060] =	vst v39;
	v39 =	vadd.f32 v52, v27;
	v27 =	vmovc v51  }
0x36e: {  	_ =	sdelay $0x3  }
0x36f: {  	v50 =	vld.idx.msk [tilespmem:v50+s17+$0x0], $0xffff;
	_ =	sdelay $0x2  }
0x370: {  	v36 =	vmov s31;
	s6 =	sadd.s32 $0x80, s9;
	v48 =	vmul.f32 $8.000000000e+00, v48  }
0x371: {  	v51 =	vor.u32 s31, v10;
	s2 =	sadd.s32 $0x100, s2;
	v52 =	vmov s30;
	v36 =	vperm.xlane v33, v36;
	s9 =	sand.u32 $0x380, s6  }
0x372: {  	v57 =	vor.u32 s30, v10;
	v33 =	vperm.xlane v33, v52;
	s6 =	sadd.s32 $0x80, s6;
	s11 =	sand.u32 $0x800, s2;
	s2 =	sadd.s32 $0x100, s2;
	v50 =	vmul.f32 $8.000000000e+00, v50  }
0x373: {  	s9 =	sor.u32 s9, s11;
	s2 =	sand.u32 $0x800, s2;
	s6 =	sand.u32 $0x380, s6;
	v48 =	vadd.f32 v48, v36  }
0x374: {  	s6 =	sor.u32 s6, s2;
	s12 =	sadd.s32 $0xE500, s9;
	v50 =	vadd.f32 v50, v33  }
0x375: {  	s13 =	sadd.s32 $0xE500, s6;
	[tilespmem:s12+$0x4000] =	vst v48  }
0x376: {  	v48 =	vld.idx.msk [tilespmem:v51+s17+$0x0], $0xffff;
	[tilespmem:s13+$0x4000] =	vst v50  }
0x377: {  	v50 =	vld.idx.msk [tilespmem:v57+s17+$0x0], $0xffff;
	_ =	sdelay $0x2  }
0x378: {  	v58 =	vor.u32 s0, v11;
	v45 =	vmul.f32 $8.000000000e+00, v45  }
0x379: {  	v59 =	vor.u32 s31, v11;
	v48 =	vmul.f32 $8.000000000e+00, v48  }
0x37a: {  	v53 =	vor.u32 s30, v11;
	v45 =	vadd.f32 v45, v35;
	v50 =	vmul.f32 $8.000000000e+00, v50  }
0x37b: {  	v48 =	vadd.f32 v48, v36  }
0x37c: {  	[tilespmem:s29+$0x4010] =	vst v45;
	v60 =	vadd.f32 v50, v33  }
0x37d: {  	v61 =	vld.idx.msk [tilespmem:v58+s17+$0x0], $0xffff;
	[tilespmem:s12+$0x4010] =	vst v48  }
0x37e: {  	v48 =	vld.idx.msk [tilespmem:v59+s17+$0x0], $0xffff;
	[tilespmem:s13+$0x4010] =	vst v60  }
0x37f: {  	v45 =	vld.idx.msk [tilespmem:v53+s17+$0x0], $0xffff;
	_ =	sdelay $0x1  }
0x380: {  	v62 =	vor.u32 s26, v12;
	v46 =	vmul.f32 $8.000000000e+00, v46  }
0x381: {  	v63 =	vor.u32 s0, v12;
	v50 =	vmul.f32 $8.000000000e+00, v61  }
0x382: {  	v56 =	vor.u32 s31, v12;
	v46 =	vadd.f32 v46, v34;
	v48 =	vmul.f32 $8.000000000e+00, v48  }
0x383: {  	[tilespmem:s25+$0x4020] =	vst v49;
	v58 =	vor.u32 s30, v12;
	v57 =	vadd.f32 v50, v35;
	v45 =	vmul.f32 $8.000000000e+00, v45  }
0x384: {  	v44 =	vld.idx.msk [tilespmem:v44+s17+$0x0], $0xffff;
	[tilespmem:s28+$0x4020] =	vst v46;
	v59 =	vadd.f32 v48, v36  }
0x385: {  	v60 =	vld.idx.msk [tilespmem:v62+s17+$0x0], $0xffff;
	[tilespmem:s29+$0x4020] =	vst v57;
	v45 =	vadd.f32 v45, v33  }
0x386: {  	v49 =	vld.idx.msk [tilespmem:v63+s17+$0x0], $0xffff;
	[tilespmem:s12+$0x4020] =	vst v59  }
0x387: {  	v46 =	vld.idx.msk [tilespmem:v56+s17+$0x0], $0xffff;
	[tilespmem:s13+$0x4020] =	vst v45  }
0x388: {  	v45 =	vld.idx.msk [tilespmem:v58+s17+$0x0], $0xffff  }
0x389: {  	v44 =	vmul.f32 $8.000000000e+00, v44;
	v61 =	vor.u32 s7, v13  }
0x38a: {  	v47 =	vadd.f32 v47, v31;
	v62 =	vor.u32 s26, v13;
	v48 =	vmul.f32 $8.000000000e+00, v60  }
0x38b: {  	v44 =	vadd.f32 v44, v32;
	v63 =	vor.u32 s0, v13;
	v49 =	vmul.f32 $8.000000000e+00, v49  }
0x38c: {  	v55 =	vor.u32 s31, v13;
	[tilespmem:s24+$0x4030] =	vst v47;
	v54 =	vadd.f32 v48, v34;
	v46 =	vmul.f32 $8.000000000e+00, v46  }
0x38d: {  	v43 =	vld.idx.msk [tilespmem:v43+s17+$0x0], $0xffff;
	[tilespmem:s25+$0x4030] =	vst v44;
	v57 =	vor.u32 s30, v13;
	v56 =	vadd.f32 v49, v35;
	v45 =	vmul.f32 $8.000000000e+00, v45  }
0x38e: {  	[tilespmem:s28+$0x4030] =	vst v54;
	v58 =	vld.idx.msk [tilespmem:v61+s17+$0x0], $0xffff;
	v46 =	vadd.f32 v46, v36  }
0x38f: {  	v59 =	vld.idx.msk [tilespmem:v62+s17+$0x0], $0xffff;
	[tilespmem:s29+$0x4030] =	vst v56;
	v60 =	vadd.f32 v45, v33  }
0x390: {  	v61 =	vld.idx.msk [tilespmem:v63+s17+$0x0], $0xffff;
	[tilespmem:s12+$0x4030] =	vst v46  }
0x391: {  	v41 =	vmul.f32 $8.000000000e+00, v41;
	v46 =	vld.idx.msk [tilespmem:v55+s17+$0x0], $0xffff;
	[tilespmem:s13+$0x4030] =	vst v60  }
0x392: {  	v43 =	vmul.f32 $8.000000000e+00, v43;
	v62 =	vor.u32 s23, v14;
	v63 =	vld.idx.msk [tilespmem:v57+s17+$0x0], $0xffff  }
0x393: {  	v41 =	vadd.f32 v41, v30;
	v54 =	vor.u32 s7, v14;
	v47 =	vmul.f32 $8.000000000e+00, v58  }
0x394: {  	v43 =	vadd.f32 v43, v31;
	v50 =	vmul.f32 $8.000000000e+00, v59;
	v55 =	vor.u32 s26, v14  }
0x395: {  	[tilespmem:s22+$0x4040] =	vst v41;
	v56 =	vadd.f32 v47, v32;
	v45 =	vmul.f32 $8.000000000e+00, v61;
	v57 =	vor.u32 s0, v14  }
0x396: {  	v42 =	vld.idx.msk [tilespmem:v42+s17+$0x0], $0xffff;
	[tilespmem:s24+$0x4040] =	vst v43;
	v59 =	vor.u32 s31, v14;
	v58 =	vadd.f32 v50, v34;
	v46 =	vmul.f32 $8.000000000e+00, v46  }
0x397: {  	v44 =	vld.idx.msk [tilespmem:v62+s17+$0x0], $0xffff;
	v61 =	vor.u32 s30, v14;
	[tilespmem:s25+$0x4040] =	vst v56;
	v60 =	vadd.f32 v45, v35;
	v48 =	vmul.f32 $8.000000000e+00, v63  }
0x398: {  	[tilespmem:s28+$0x4040] =	vst v58;
	v49 =	vld.idx.msk [tilespmem:v54+s17+$0x0], $0xffff;
	v62 =	vadd.f32 v46, v36  }
0x399: {  	[tilespmem:s29+$0x4040] =	vst v60;
	v63 =	vld.idx.msk [tilespmem:v55+s17+$0x0], $0xffff;
	v53 =	vadd.f32 v48, v33  }
0x39a: {  	v40 =	vmul.f32 $8.000000000e+00, v40;
	v54 =	vor.u32 s10, v15;
	v47 =	vld.idx.msk [tilespmem:v57+s17+$0x0], $0xffff;
	[tilespmem:s12+$0x4040] =	vst v62  }
0x39b: {  	v42 =	vmul.f32 $8.000000000e+00, v42;
	v55 =	vor.u32 s3, v15;
	v50 =	vld.idx.msk [tilespmem:v59+s17+$0x0], $0xffff;
	[tilespmem:s13+$0x4040] =	vst v53  }
0x39c: {  	v40 =	vadd.f32 v40, v29;
	v56 =	vmul.f32 $8.000000000e+00, v44;
	v57 =	vor.u32 s23, v15;
	v45 =	vld.idx.msk [tilespmem:v61+s17+$0x0], $0xffff  }
0x39d: {  	v51 =	vor.u32 s7, v15;
	v42 =	vadd.f32 v42, v30;
	v49 =	vmul.f32 $8.000000000e+00, v49  }
0x39e: {  	[tilespmem:s4+$0x4050] =	vst v40;
	v58 =	vadd.f32 v56, v31;
	v60 =	vor.u32 s26, v15;
	v59 =	vmul.f32 $8.000000000e+00, v63  }
0x39f: {  	[tilespmem:s22+$0x4050] =	vst v42;
	v62 =	vor.u32 s0, v15;
	v48 =	vld.idx.msk [tilespmem:v54+s17+$0x0], $0xffff;
	v61 =	vadd.f32 v49, v32;
	v47 =	vmul.f32 $8.000000000e+00, v47  }
0x3a0: {  	[tilespmem:s24+$0x4050] =	vst v58;
	v43 =	vld.idx.msk [tilespmem:v55+s17+$0x0], $0xffff;
	v55 =	vor.u32 s31, v15;
	v54 =	vmul.f32 $8.000000000e+00, v50;
	v63 =	vadd.f32 v59, v34  }
0x3a1: {  	v44 =	vld.idx.msk [tilespmem:v57+s17+$0x0], $0xffff;
	v57 =	vor.u32 s30, v15;
	[tilespmem:s25+$0x4050] =	vst v61;
	v56 =	vadd.f32 v47, v35;
	v45 =	vmul.f32 $8.000000000e+00, v45  }
0x3a2: {  	v51 =	vld.idx.msk [tilespmem:v51+s17+$0x0], $0xffff;
	v58 =	vadd.f32 v54, v36;
	[tilespmem:s28+$0x4050] =	vst v63  }
0x3a3: {  	v38 =	vmul.f32 $8.000000000e+00, v38;
	v59 =	vor.u32 s21, v16;
	[tilespmem:s29+$0x4050] =	vst v56;
	v46 =	vld.idx.msk [tilespmem:v60+s17+$0x0], $0xffff;
	v60 =	vadd.f32 v45, v33  }
0x3a4: {  	v61 =	vor.u32 s10, v16;
	v48 =	vmul.f32 $8.000000000e+00, v48;
	v49 =	vld.idx.msk [tilespmem:v62+s17+$0x0], $0xffff;
	[tilespmem:s12+$0x4050] =	vst v58  }
0x3a5: {  	v38 =	vadd.f32 v38, v28;
	v62 =	vor.u32 s3, v16;
	v43 =	vmul.f32 $8.000000000e+00, v43;
	v50 =	vld.idx.msk [tilespmem:v55+s17+$0x0], $0xffff;
	[tilespmem:s13+$0x4050] =	vst v60  }
0x3a6: {  	[tilespmem:s5+$0x4070] =	vst v39;
	v39 =	vor.u32 s23, v16;
	v63 =	vadd.f32 v48, v29;
	v44 =	vmul.f32 $8.000000000e+00, v44;
	v47 =	vld.idx.msk [tilespmem:v57+s17+$0x0], $0xffff  }
0x3a7: {  	v37 =	vld.idx.msk [tilespmem:v37+s17+$0x0], $0xffff;
	[tilespmem:s20+$0x4060] =	vst v38;
	v48 =	vor.u32 s7, v16;
	v54 =	vadd.f32 v43, v30;
	v55 =	vmul.f32 $8.000000000e+00, v51  }
0x3a8: {  	[tilespmem:s4+$0x4060] =	vst v63;
	v41 =	vld.idx.msk [tilespmem:v59+s17+$0x0], $0xffff;
	v56 =	vadd.f32 v44, v31;
	v51 =	vor.u32 s26, v16;
	v57 =	vmul.f32 $8.000000000e+00, v46  }
0x3a9: {  	v45 =	vld.idx.msk [tilespmem:v61+s17+$0x0], $0xffff;
	[tilespmem:s22+$0x4060] =	vst v54;
	v46 =	vor.u32 s0, v16;
	v58 =	vadd.f32 v55, v32;
	v59 =	vmul.f32 $8.000000000e+00, v49  }
0x3aa: {  	[tilespmem:s24+$0x4060] =	vst v56;
	v49 =	vor.u32 s31, v16;
	v40 =	vld.idx.msk [tilespmem:v62+s17+$0x0], $0xffff;
	v61 =	vmul.f32 $8.000000000e+00, v50;
	v60 =	vadd.f32 v57, v34  }
0x3ab: {  	v62 =	vor.u32 s30, v16;
	v63 =	vld.idx.msk [tilespmem:v39+s17+$0x0], $0xffff;
	[tilespmem:s25+$0x4060] =	vst v58;
	v52 =	vadd.f32 v59, v35;
	v53 =	vmul.f32 $8.000000000e+00, v47  }
0x3ac: {  	v37 =	vmul.f32 $8.000000000e+00, v37;
	v54 =	vld.idx.msk [tilespmem:v48+s17+$0x0], $0xffff;
	v55 =	vadd.f32 v61, v36;
	[tilespmem:s28+$0x4060] =	vst v60  }
0x3ad: {  	v41 =	vmul.f32 $8.000000000e+00, v41;
	[tilespmem:s29+$0x4060] =	vst v52;
	v56 =	vld.idx.msk [tilespmem:v51+s17+$0x0], $0xffff;
	v57 =	vadd.f32 v53, v33  }
0x3ae: {  	v27 =	vadd.f32 v37, v27;
	v58 =	vmul.f32 $8.000000000e+00, v45;
	v59 =	vld.idx.msk [tilespmem:v46+s17+$0x0], $0xffff;
	[tilespmem:s12+$0x4060] =	vst v55  }
0x3af: {  	v28 =	vadd.f32 v41, v28;
	v40 =	vmul.f32 $8.000000000e+00, v40;
	v60 =	vld.idx.msk [tilespmem:v49+s17+$0x0], $0xffff;
	[tilespmem:s13+$0x4060] =	vst v57  }
0x3b0: {  	[tilespmem:s18+$0x4070] =	vst v27;
	v27 =	vadd.f32 v58, v29;
	v29 =	vmul.f32 $8.000000000e+00, v63;
	v61 =	vld.idx.msk [tilespmem:v62+s17+$0x0], $0xffff  }
0x3b1: {  	[tilespmem:s20+$0x4070] =	vst v28;
	v28 =	vadd.f32 v40, v30;
	v30 =	vmul.f32 $8.000000000e+00, v54  }
0x3b2: {  	[tilespmem:s4+$0x4070] =	vst v27;
	v27 =	vadd.f32 v29, v31;
	v29 =	vmul.f32 $8.000000000e+00, v56  }
0x3b3: {  	[tilespmem:s22+$0x4070] =	vst v28;
	v28 =	vadd.f32 v30, v32;
	v30 =	vmul.f32 $8.000000000e+00, v59  }
0x3b4: {  	s31 =	simm.s32 $0x10;
	[tilespmem:s24+$0x4070] =	vst v27;
	v27 =	vadd.f32 v29, v34;
	v29 =	vmul.f32 $8.000000000e+00, v60  }
0x3b5: {  	v31 =	vor.u32 s31, v9;
	[tilespmem:s25+$0x4070] =	vst v28;
	v28 =	vadd.f32 v30, v35;
	v30 =	vmul.f32 $8.000000000e+00, v61  }
0x3b6: {  	[tilespmem:s28+$0x4070] =	vst v27;
	v27 =	vadd.f32 v29, v36  }
0x3b7: {  	[tilespmem:s29+$0x4070] =	vst v28;
	v28 =	vadd.f32 v30, v33  }
0x3b8: {  	[tilespmem:s12+$0x4070] =	vst v27  }
0x3b9: {  	[tilespmem:s13+$0x4070] =	vst v28  }
0x3ba: {  	v27 =	vld.idx.msk [tilespmem:v31+s17+$0x0], $0xffff;
	_ =	sdelay $0x2  }
0x3bb: {  	s21 =	simm.s32 $0x11  }
0x3bc: {  	v28 =	vor.u32 s21, v9  }
0x3bd: {  	v19 =	vperm.xlane v18, v19;
	v29 =	vor.u32 s31, v10;
	s13 =	simm.s32 $0x1000;
	v27 =	vmul.f32 $8.000000000e+00, v27  }
0x3be: {  	s0 =	sand.u32 $0x1800, s13;
	s2 =	rddreg [dreg:$0xf]  }
0x3bf: {  	s0 =	sor.u32 s2, s0;
	v27 =	vadd.f32 v27, v19  }
0x3c0: {  	s0 =	sadd.s32 $0xE500, s0  }
0x3c1: {  	v28 =	vld.idx.msk [tilespmem:v28+s17+$0x0], $0xffff;
	[tilespmem:s0+$0x4000] =	vst v27  }
0x3c2: {  	v27 =	vld.idx.msk [tilespmem:v29+s17+$0x0], $0xffff;
	_ =	sdelay $0x1  }
0x3c3: {  	s5 =	simm.s32 $0x12  }
0x3c4: {  	v29 =	vor.u32 s5, v9  }
0x3c5: {  	v20 =	vperm.xlane v18, v20;
	s18 =	simm.s32 $0x1100;
	v30 =	vor.u32 s21, v10;
	v28 =	vmul.f32 $8.000000000e+00, v28  }
0x3c6: {  	v31 =	vor.u32 s31, v11;
	s2 =	sand.u32 $0x1800, s18;
	s20 =	rddreg [dreg:$0x11];
	v27 =	vmul.f32 $8.000000000e+00, v27  }
0x3c7: {  	v28 =	vadd.f32 v28, v20;
	s2 =	sor.u32 s20, s2  }
0x3c8: {  	s2 =	sadd.s32 $0xE500, s2;
	v27 =	vadd.f32 v27, v19  }
0x3c9: {  	[tilespmem:s2+$0x4000] =	vst v28;
	v29 =	vld.idx.msk [tilespmem:v29+s17+$0x0], $0xffff  }
0x3ca: {  	v28 =	vld.idx.msk [tilespmem:v30+s17+$0x0], $0xffff;
	[tilespmem:s0+$0x4010] =	vst v27  }
0x3cb: {  	v27 =	vld.idx.msk [tilespmem:v31+s17+$0x0], $0xffff  }
0x3cc: {  	s7 =	simm.s32 $0x13  }
0x3cd: {  	v30 =	vor.u32 s7, v9  }
0x3ce: {  	v21 =	vperm.xlane v18, v21;
	s23 =	simm.s32 $0x1200;
	v29 =	vmul.f32 $8.000000000e+00, v29;
	v31 =	vor.u32 s5, v10  }
0x3cf: {  	s3 =	sand.u32 $0x1800, s23;
	v62 =	vor.u32 s21, v11;
	v28 =	vmul.f32 $8.000000000e+00, v28;
	s4 =	rddreg [dreg:$0x13]  }
0x3d0: {  	v63 =	vor.u32 s31, v12;
	s3 =	sor.u32 s4, s3;
	v29 =	vadd.f32 v29, v21;
	v27 =	vmul.f32 $8.000000000e+00, v27  }
0x3d1: {  	v28 =	vadd.f32 v28, v20;
	s3 =	sadd.s32 $0xE500, s3  }
0x3d2: {  	v30 =	vld.idx.msk [tilespmem:v30+s17+$0x0], $0xffff;
	[tilespmem:s3+$0x4000] =	vst v29;
	v27 =	vadd.f32 v27, v19  }
0x3d3: {  	[tilespmem:s2+$0x4010] =	vst v28;
	v29 =	vld.idx.msk [tilespmem:v31+s17+$0x0], $0xffff  }
0x3d4: {  	v28 =	vld.idx.msk [tilespmem:v62+s17+$0x0], $0xffff;
	[tilespmem:s0+$0x4020] =	vst v27  }
0x3d5: {  	s9 =	simm.s32 $0x14;
	v27 =	vld.idx.msk [tilespmem:v63+s17+$0x0], $0xffff  }
0x3d6: {  	v31 =	vor.u32 s9, v9  }
0x3d7: {  	v22 =	vperm.xlane v18, v22;
	s24 =	simm.s32 $0x1300;
	v36 =	vor.u32 s7, v10;
	v30 =	vmul.f32 $8.000000000e+00, v30  }
0x3d8: {  	v37 =	vor.u32 s5, v11;
	s4 =	sand.u32 $0x1800, s24;
	v29 =	vmul.f32 $8.000000000e+00, v29;
	s25 =	rddreg [dreg:$0x16]  }
0x3d9: {  	v38 =	vor.u32 s21, v12;
	v30 =	vadd.f32 v30, v22;
	v28 =	vmul.f32 $8.000000000e+00, v28;
	s4 =	sor.u32 s25, s4  }
0x3da: {  	v39 =	vor.u32 s31, v13;
	s4 =	sadd.s32 $0xE500, s4;
	v29 =	vadd.f32 v29, v21;
	v27 =	vmul.f32 $8.000000000e+00, v27  }
0x3db: {  	v31 =	vld.idx.msk [tilespmem:v31+s17+$0x0], $0xffff;
	v28 =	vadd.f32 v28, v20;
	[tilespmem:s4+$0x4000] =	vst v30  }
0x3dc: {  	v30 =	vld.idx.msk [tilespmem:v36+s17+$0x0], $0xffff;
	[tilespmem:s3+$0x4010] =	vst v29;
	v27 =	vadd.f32 v27, v19  }
0x3dd: {  	[tilespmem:s2+$0x4020] =	vst v28;
	v29 =	vld.idx.msk [tilespmem:v37+s17+$0x0], $0xffff  }
0x3de: {  	s18 =	simm.s32 $0x15;
	v28 =	vld.idx.msk [tilespmem:v38+s17+$0x0], $0xffff;
	[tilespmem:s0+$0x4030] =	vst v27  }
0x3df: {  	v40 =	vor.u32 s18, v9;
	v27 =	vld.idx.msk [tilespmem:v39+s17+$0x0], $0xffff  }
0x3e0: {  	v23 =	vperm.xlane v18, v23;
	s26 =	simm.s32 $0x1400;
	v41 =	vor.u32 s9, v10;
	v31 =	vmul.f32 $8.000000000e+00, v31  }
0x3e1: {  	v42 =	vor.u32 s7, v11;
	s6 =	sand.u32 $0x1800, s26;
	v30 =	vmul.f32 $8.000000000e+00, v30;
	s28 =	rddreg [dreg:$0x18]  }
0x3e2: {  	v43 =	vor.u32 s5, v12;
	v31 =	vadd.f32 v31, v23;
	v29 =	vmul.f32 $8.000000000e+00, v29;
	s6 =	sor.u32 s28, s6  }
0x3e3: {  	v44 =	vor.u32 s21, v13;
	v28 =	vmul.f32 $8.000000000e+00, v28;
	v30 =	vadd.f32 v30, v22;
	s6 =	sadd.s32 $0xE500, s6  }
0x3e4: {  	v32 =	vld.idx.msk [tilespmem:v40+s17+$0x0], $0xffff;
	v29 =	vadd.f32 v29, v21;
	[tilespmem:s6+$0x4000] =	vst v31;
	v31 =	vor.u32 s31, v14;
	v27 =	vmul.f32 $8.000000000e+00, v27  }
0x3e5: {  	v28 =	vadd.f32 v28, v20;
	[tilespmem:s4+$0x4010] =	vst v30;
	v33 =	vld.idx.msk [tilespmem:v41+s17+$0x0], $0xffff  }
0x3e6: {  	v30 =	vld.idx.msk [tilespmem:v42+s17+$0x0], $0xffff;
	[tilespmem:s3+$0x4020] =	vst v29;
	v27 =	vadd.f32 v27, v19  }
0x3e7: {  	s11 =	simm.s32 $0x16;
	[tilespmem:s2+$0x4030] =	vst v28;
	v29 =	vld.idx.msk [tilespmem:v43+s17+$0x0], $0xffff  }
0x3e8: {  	v28 =	vld.idx.msk [tilespmem:v44+s17+$0x0], $0xffff;
	[tilespmem:s0+$0x4040] =	vst v27;
	v27 =	vor.u32 s11, v9  }
0x3e9: {  	v24 =	vperm.xlane v18, v24;
	s29 =	simm.s32 $0x1500;
	v45 =	vor.u32 s18, v10;
	v32 =	vmul.f32 $8.000000000e+00, v32;
	v31 =	vld.idx.msk [tilespmem:v31+s17+$0x0], $0xffff  }
0x3ea: {  	v46 =	vor.u32 s9, v11;
	s10 =	sand.u32 $0x1800, s29;
	v33 =	vmul.f32 $8.000000000e+00, v33;
	s12 =	rddreg [dreg:$0x19]  }
0x3eb: {  	v47 =	vor.u32 s7, v12;
	v32 =	vadd.f32 v32, v24;
	v30 =	vmul.f32 $8.000000000e+00, v30;
	s10 =	sor.u32 s12, s10  }
0x3ec: {  	v48 =	vor.u32 s5, v13;
	v29 =	vmul.f32 $8.000000000e+00, v29;
	v33 =	vadd.f32 v33, v23;
	s10 =	sadd.s32 $0xE500, s10  }
0x3ed: {  	v49 =	vor.u32 s21, v14;
	v28 =	vmul.f32 $8.000000000e+00, v28;
	v30 =	vadd.f32 v30, v22;
	[tilespmem:s10+$0x4000] =	vst v32;
	v27 =	vld.idx.msk [tilespmem:v27+s17+$0x0], $0xffff  }
0x3ee: {  	v50 =	vor.u32 s31, v15;
	v29 =	vadd.f32 v29, v21;
	[tilespmem:s6+$0x4010] =	vst v33;
	v34 =	vld.idx.msk [tilespmem:v45+s17+$0x0], $0xffff;
	v31 =	vmul.f32 $8.000000000e+00, v31  }
0x3ef: {  	v28 =	vadd.f32 v28, v20;
	[tilespmem:s4+$0x4020] =	vst v30;
	v35 =	vld.idx.msk [tilespmem:v46+s17+$0x0], $0xffff  }
0x3f0: {  	s20 =	simm.s32 $0x17;
	v30 =	vld.idx.msk [tilespmem:v47+s17+$0x0], $0xffff;
	[tilespmem:s3+$0x4030] =	vst v29;
	v29 =	vadd.f32 v31, v19  }
0x3f1: {  	[tilespmem:s2+$0x4040] =	vst v28;
	v28 =	vor.u32 s20, v9;
	v31 =	vld.idx.msk [tilespmem:v48+s17+$0x0], $0xffff  }
0x3f2: {  	v25 =	vperm.xlane v18, v25;
	s30 =	simm.s32 $0x1600;
	v32 =	vld.idx.msk [tilespmem:v49+s17+$0x0], $0xffff;
	[tilespmem:s0+$0x4050] =	vst v29;
	v27 =	vmul.f32 $8.000000000e+00, v27;
	v29 =	vor.u32 s11, v10  }
0x3f3: {  	v51 =	vor.u32 s18, v11;
	s12 =	sand.u32 $0x1800, s30;
	v34 =	vmul.f32 $8.000000000e+00, v34;
	v33 =	vld.idx.msk [tilespmem:v50+s17+$0x0], $0xffff;
	s13 =	rddreg [dreg:$0x1a]  }
0x3f4: {  	v52 =	vor.u32 s9, v12;
	v35 =	vmul.f32 $8.000000000e+00, v35;
	v27 =	vadd.f32 v27, v25;
	s12 =	sor.u32 s13, s12  }
0x3f5: {  	v53 =	vor.u32 s7, v13;
	v30 =	vmul.f32 $8.000000000e+00, v30;
	v34 =	vadd.f32 v34, v24;
	s12 =	sadd.s32 $0xE500, s12  }
0x3f6: {  	v54 =	vor.u32 s5, v14;
	v28 =	vld.idx.msk [tilespmem:v28+s17+$0x0], $0xffff;
	v31 =	vmul.f32 $8.000000000e+00, v31;
	[tilespmem:s12+$0x4000] =	vst v27;
	v27 =	vadd.f32 v35, v23  }
0x3f7: {  	v55 =	vor.u32 s21, v15;
	v32 =	vmul.f32 $8.000000000e+00, v32;
	v30 =	vadd.f32 v30, v22;
	[tilespmem:s10+$0x4010] =	vst v34;
	v29 =	vld.idx.msk [tilespmem:v29+s17+$0x0], $0xffff  }
0x3f8: {  	v56 =	vor.u32 s31, v16;
	v36 =	vld.idx.msk [tilespmem:v51+s17+$0x0], $0xffff;
	[tilespmem:s6+$0x4020] =	vst v27;
	v27 =	vadd.f32 v31, v21;
	v31 =	vmul.f32 $8.000000000e+00, v33  }
0x3f9: {  	s13 =	simm.s32 $0x18;
	[tilespmem:s4+$0x4030] =	vst v30;
	v30 =	vadd.f32 v32, v20;
	v37 =	vld.idx.msk [tilespmem:v52+s17+$0x0], $0xffff  }
0x3fa: {  	v57 =	vld.idx.msk [tilespmem:v53+s17+$0x0], $0xffff;
	[tilespmem:s3+$0x4040] =	vst v27;
	v27 =	vadd.f32 v31, v19;
	v31 =	vor.u32 s13, v9  }
0x3fb: {  	v26 =	vperm.xlane v18, v26;
	s22 =	simm.s32 $0x1700;
	v28 =	vmul.f32 $8.000000000e+00, v28;
	[tilespmem:s2+$0x4050] =	vst v30;
	v30 =	vor.u32 s20, v10;
	v35 =	vld.idx.msk [tilespmem:v54+s17+$0x0], $0xffff  }
0x3fc: {  	v58 =	vor.u32 s11, v11;
	s31 =	sand.u32 $0x1800, s22;
	v34 =	vld.idx.msk [tilespmem:v55+s17+$0x0], $0xffff;
	v29 =	vmul.f32 $8.000000000e+00, v29;
	[tilespmem:s0+$0x4060] =	vst v27  }
0x3fd: {  	v59 =	vor.u32 s18, v12;
	s1 =	sor.u32 s1, s31;
	v27 =	vadd.f32 v28, v26;
	v28 =	vmul.f32 $8.000000000e+00, v36;
	v60 =	vld.idx.msk [tilespmem:v56+s17+$0x0], $0xffff  }
0x3fe: {  	v62 =	vor.u32 s9, v13;
	s1 =	sadd.s32 $0xE500, s1;
	v29 =	vadd.f32 v29, v25;
	v61 =	vmul.f32 $8.000000000e+00, v37  }
0x3ff: {  	v32 =	vor.u32 s7, v14;
	[tilespmem:s1+$0x4000] =	vst v27;
	v27 =	vadd.f32 v28, v24;
	v28 =	vmul.f32 $8.000000000e+00, v57;
	v38 =	vld.idx.msk [tilespmem:v31+s17+$0x0], $0xffff  }
0x400: {  	v37 =	vld.idx.msk [tilespmem:v30+s17+$0x0], $0xffff;
	v31 =	vor.u32 s5, v15;
	[tilespmem:s12+$0x4010] =	vst v29;
	v29 =	vadd.f32 v61, v23;
	v30 =	vmul.f32 $8.000000000e+00, v35  }
0x401: {  	v63 =	vmul.f32 $8.000000000e+00, v34;
	[tilespmem:s10+$0x4020] =	vst v27;
	v28 =	vadd.f32 v28, v22;
	v27 =	vor.u32 s21, v16;
	v36 =	vld.idx.msk [tilespmem:v58+s17+$0x0], $0xffff  }
0x402: {  	v35 =	vld.idx.msk [tilespmem:v59+s17+$0x0], $0xffff;
	[tilespmem:s6+$0x4030] =	vst v29;
	v33 =	vadd.f32 v30, v21;
	v29 =	vmul.f32 $8.000000000e+00, v60  }
0x403: {  	s21 =	simm.s32 $0x19;
	[tilespmem:s4+$0x4040] =	vst v28;
	v30 =	vadd.f32 v63, v20;
	v34 =	vld.idx.msk [tilespmem:v62+s17+$0x0], $0xffff  }
.LBB2_17:
0x404: {  	p0 =	sne.s32 s19, $0xF;
	v28 =	vor.u32 s21, v9;
	v39 =	vmov s8;
	v40 =	vld.idx.msk [tilespmem:v32+s17+$0x0], $0xffff;
	[tilespmem:s3+$0x4050] =	vst v33;
	v29 =	vadd.f32 v29, v19;
	v19 =	vmovc v20;
	v20 =	vmovc v21;
	s8 =	smov.u32 s16;
	s16 =	smov.u32 s19  }
0x405: {  	v33 =	vmul.f32 $8.000000000e+00, v38;
	s14 =	sadd.s32 $0x80, s14;
	s22 =	sadd.s32 $0x100, s22;
	v21 =	vmovc v22;
	v32 =	vperm.xlane v18, v39;
	v39 =	vor.u32 s13, v10;
	v41 =	vld.idx.msk [tilespmem:v31+s17+$0x0], $0xffff;
	[tilespmem:s2+$0x4060] =	vst v30  }
0x406: {  	v42 =	vor.u32 s20, v11;
	v22 =	vmovc v23;
	v23 =	vmovc v24;
	v24 =	vmov v25;
	s23 =	sand.u32 $0x1800, s22;
	s24 =	sand.u32 $0x380, s14;
	v30 =	vmul.f32 $8.000000000e+00, v37;
	v43 =	vld.idx.msk [tilespmem:v27+s17+$0x0], $0xffff;
	[tilespmem:s0+$0x4070] =	vst v29;
	s0 =	smov.u32 s2  }
0x407: {  	v25 =	vmovc v26;
	s23 =	sor.u32 s24, s23;
	v29 =	vmul.f32 $8.000000000e+00, v36;
	s2 =	smov.u32 s3;
	s3 =	smov.u32 s4;
	v27 =	vadd.f32 v33, v32;
	v33 =	vor.u32 s11, v12;
	v26 =	vmovc v32  }
0x408: {  	v44 =	vor.u32 s18, v13;
	s4 =	smov.u32 s6;
	s6 =	smov.u32 s10;
	s23 =	sadd.s32 $0xE500, s23;
	v30 =	vadd.f32 v30, v25;
	v31 =	vmul.f32 $8.000000000e+00, v35  }
.Ltmp8:
0x409: {  	s10 =	smov.u32 s12;
	s12 =	smov.u32 s1;
	v32 =	vor.u32 s9, v14;
	v38 =	vld.idx.msk [tilespmem:v28+s17+$0x0], $0xffff;
	[tilespmem:s23+$0x4000] =	vst v27;
	v27 =	vadd.f32 v29, v24;
	v28 =	vmul.f32 $8.000000000e+00, v34;
	(pc) =	sbr.rel @p0 .LBB2_17-.Ltmp8, $4  }
0x40a: {  	s1 =	smov.u32 s23;
	v29 =	vadd.f32 v31, v23;
	v31 =	vor.u32 s7, v15;
	v37 =	vld.idx.msk [tilespmem:v39+s17+$0x0], $0xffff;
	[tilespmem:s12+$0x4010] =	vst v30;
	v30 =	vmul.f32 $8.000000000e+00, v40  }
0x40b: {  	v39 =	vmul.f32 $8.000000000e+00, v41;
	v36 =	vld.idx.msk [tilespmem:v42+s17+$0x0], $0xffff;
	[tilespmem:s10+$0x4020] =	vst v27;
	v28 =	vadd.f32 v28, v22;
	v27 =	vor.u32 s5, v16;
	s5 =	smov.u32 s7;
	s7 =	smov.u32 s9;
	s9 =	smov.u32 s18  }
0x40c: {  	s18 =	smov.u32 s11;
	s11 =	smov.u32 s20;
	s20 =	smov.u32 s13;
	v35 =	vld.idx.msk [tilespmem:v33+s17+$0x0], $0xffff;
	[tilespmem:s6+$0x4030] =	vst v29;
	v33 =	vadd.f32 v30, v21;
	v29 =	vmul.f32 $8.000000000e+00, v43  }
0x40d: {  	s19 =	sadd.s32 $0x1, s19;
	s13 =	smov.u32 s21;
	s21 =	sadd.s32 $0x10, s16;
	v30 =	vadd.f32 v39, v20;
	v34 =	vld.idx.msk [tilespmem:v44+s17+$0x0], $0xffff;
	[tilespmem:s4+$0x4040] =	vst v28  }
0x40e: {  	v28 =	vor.u32 s21, v9;
	_ =	sdelay $0x4  }
0x40f: {  	v39 =	vld.idx.msk [tilespmem:v28+s17+$0x0], $0xffff;
	_ =	sdelay $0x2  }
0x410: {  	s22 =	sadd.s32 $0x100, s22;
	v38 =	vmul.f32 $8.000000000e+00, v38;
	v28 =	vmov s8  }
0x411: {  	v40 =	vor.u32 s13, v10;
	s14 =	sadd.s32 $0x80, s14;
	v41 =	vmov s16;
	s19 =	sand.u32 $0x1800, s22;
	v28 =	vperm.xlane v18, v28  }
0x412: {  	v61 =	vor.u32 s21, v10;
	s23 =	sand.u32 $0x380, s14;
	s14 =	sadd.s32 $0x80, s14;
	s8 =	sadd.s32 $0x100, s22;
	v18 =	vperm.xlane v18, v41;
	v39 =	vmul.f32 $8.000000000e+00, v39  }
0x413: {  	s16 =	sor.u32 s23, s19;
	s24 =	sand.u32 $0x380, s14;
	s8 =	sand.u32 $0x1800, s8;
	v38 =	vadd.f32 v38, v28  }
0x414: {  	s25 =	sadd.s32 $0xE500, s16;
	s8 =	sor.u32 s24, s8;
	v39 =	vadd.f32 v39, v18  }
0x415: {  	s26 =	sadd.s32 $0xE500, s8;
	[tilespmem:s25+$0x4000] =	vst v38  }
0x416: {  	v38 =	vld.idx.msk [tilespmem:v40+s17+$0x0], $0xffff;
	[tilespmem:s26+$0x4000] =	vst v39  }
0x417: {  	v39 =	vld.idx.msk [tilespmem:v61+s17+$0x0], $0xffff;
	_ =	sdelay $0x2  }
0x418: {  	v62 =	vor.u32 s20, v11;
	v37 =	vmul.f32 $8.000000000e+00, v37  }
0x419: {  	v63 =	vor.u32 s13, v11;
	v38 =	vmul.f32 $8.000000000e+00, v38  }
0x41a: {  	v42 =	vor.u32 s21, v11;
	v37 =	vadd.f32 v37, v26;
	v39 =	vmul.f32 $8.000000000e+00, v39  }
0x41b: {  	v38 =	vadd.f32 v38, v28  }
0x41c: {  	[tilespmem:s1+$0x4010] =	vst v37;
	v45 =	vadd.f32 v39, v18  }
0x41d: {  	v46 =	vld.idx.msk [tilespmem:v62+s17+$0x0], $0xffff;
	[tilespmem:s25+$0x4010] =	vst v38  }
0x41e: {  	v38 =	vld.idx.msk [tilespmem:v63+s17+$0x0], $0xffff;
	[tilespmem:s26+$0x4010] =	vst v45  }
0x41f: {  	v37 =	vld.idx.msk [tilespmem:v42+s17+$0x0], $0xffff;
	_ =	sdelay $0x1  }
0x420: {  	v47 =	vor.u32 s11, v12;
	v36 =	vmul.f32 $8.000000000e+00, v36  }
0x421: {  	v48 =	vor.u32 s20, v12;
	v39 =	vmul.f32 $8.000000000e+00, v46  }
0x422: {  	v49 =	vor.u32 s13, v12;
	v36 =	vadd.f32 v36, v25;
	v38 =	vmul.f32 $8.000000000e+00, v38  }
0x423: {  	v43 =	vor.u32 s21, v12;
	v39 =	vadd.f32 v39, v26;
	v37 =	vmul.f32 $8.000000000e+00, v37  }
0x424: {  	[tilespmem:s12+$0x4020] =	vst v36;
	v50 =	vadd.f32 v38, v28  }
0x425: {  	v51 =	vld.idx.msk [tilespmem:v47+s17+$0x0], $0xffff;
	[tilespmem:s1+$0x4020] =	vst v39;
	v37 =	vadd.f32 v37, v18  }
0x426: {  	v39 =	vld.idx.msk [tilespmem:v48+s17+$0x0], $0xffff;
	[tilespmem:s25+$0x4020] =	vst v50  }
0x427: {  	v36 =	vld.idx.msk [tilespmem:v49+s17+$0x0], $0xffff;
	[tilespmem:s26+$0x4020] =	vst v37  }
0x428: {  	v37 =	vld.idx.msk [tilespmem:v43+s17+$0x0], $0xffff  }
0x429: {  	v52 =	vor.u32 s18, v13;
	v35 =	vmul.f32 $8.000000000e+00, v35  }
0x42a: {  	v53 =	vor.u32 s11, v13;
	v38 =	vmul.f32 $8.000000000e+00, v51  }
0x42b: {  	v54 =	vor.u32 s20, v13;
	v35 =	vadd.f32 v35, v24;
	v39 =	vmul.f32 $8.000000000e+00, v39  }
0x42c: {  	v55 =	vor.u32 s13, v13;
	v38 =	vadd.f32 v38, v25;
	v36 =	vmul.f32 $8.000000000e+00, v36  }
0x42d: {  	v57 =	vor.u32 s21, v13;
	[tilespmem:s10+$0x4030] =	vst v35;
	v56 =	vadd.f32 v39, v26;
	v37 =	vmul.f32 $8.000000000e+00, v37  }
0x42e: {  	v40 =	vld.idx.msk [tilespmem:v52+s17+$0x0], $0xffff;
	[tilespmem:s12+$0x4030] =	vst v38;
	v36 =	vadd.f32 v36, v28  }
0x42f: {  	v38 =	vld.idx.msk [tilespmem:v53+s17+$0x0], $0xffff;
	[tilespmem:s1+$0x4030] =	vst v56;
	v58 =	vadd.f32 v37, v18  }
0x430: {  	v59 =	vld.idx.msk [tilespmem:v54+s17+$0x0], $0xffff;
	[tilespmem:s25+$0x4030] =	vst v36  }
0x431: {  	v36 =	vld.idx.msk [tilespmem:v55+s17+$0x0], $0xffff;
	[tilespmem:s26+$0x4030] =	vst v58  }
0x432: {  	v60 =	vor.u32 s9, v14;
	v34 =	vmul.f32 $8.000000000e+00, v34;
	v39 =	vld.idx.msk [tilespmem:v57+s17+$0x0], $0xffff  }
0x433: {  	v61 =	vor.u32 s18, v14;
	v40 =	vmul.f32 $8.000000000e+00, v40  }
0x434: {  	v34 =	vadd.f32 v34, v23;
	v62 =	vor.u32 s11, v14;
	v38 =	vmul.f32 $8.000000000e+00, v38  }
0x435: {  	v40 =	vadd.f32 v40, v24;
	v63 =	vor.u32 s20, v14;
	v37 =	vmul.f32 $8.000000000e+00, v59  }
0x436: {  	v32 =	vld.idx.msk [tilespmem:v32+s17+$0x0], $0xffff;
	[tilespmem:s6+$0x4040] =	vst v34;
	v45 =	vor.u32 s13, v14;
	v44 =	vadd.f32 v38, v25;
	v36 =	vmul.f32 $8.000000000e+00, v36  }
0x437: {  	v35 =	vld.idx.msk [tilespmem:v60+s17+$0x0], $0xffff;
	[tilespmem:s10+$0x4040] =	vst v40;
	v46 =	vor.u32 s21, v14;
	v37 =	vadd.f32 v37, v26;
	v39 =	vmul.f32 $8.000000000e+00, v39  }
0x438: {  	v41 =	vld.idx.msk [tilespmem:v61+s17+$0x0], $0xffff;
	[tilespmem:s12+$0x4040] =	vst v44;
	v47 =	vadd.f32 v36, v28  }
0x439: {  	v48 =	vld.idx.msk [tilespmem:v62+s17+$0x0], $0xffff;
	[tilespmem:s1+$0x4040] =	vst v37;
	v49 =	vadd.f32 v39, v18  }
0x43a: {  	v50 =	vld.idx.msk [tilespmem:v63+s17+$0x0], $0xffff;
	[tilespmem:s25+$0x4040] =	vst v47  }
0x43b: {  	v32 =	vmul.f32 $8.000000000e+00, v32;
	v51 =	vor.u32 s7, v15;
	v38 =	vld.idx.msk [tilespmem:v45+s17+$0x0], $0xffff;
	[tilespmem:s26+$0x4040] =	vst v49  }
0x43c: {  	v52 =	vor.u32 s9, v15;
	v35 =	vmul.f32 $8.000000000e+00, v35;
	v40 =	vld.idx.msk [tilespmem:v46+s17+$0x0], $0xffff  }
0x43d: {  	v32 =	vadd.f32 v32, v22;
	v41 =	vmul.f32 $8.000000000e+00, v41;
	v53 =	vor.u32 s18, v15  }
0x43e: {  	[tilespmem:s3+$0x4050] =	vst v33;
	v56 =	vor.u32 s11, v15;
	v54 =	vadd.f32 v35, v23;
	v55 =	vmul.f32 $8.000000000e+00, v48  }
0x43f: {  	v31 =	vld.idx.msk [tilespmem:v31+s17+$0x0], $0xffff;
	[tilespmem:s4+$0x4050] =	vst v32;
	v58 =	vor.u32 s20, v15;
	v57 =	vadd.f32 v41, v24;
	v39 =	vmul.f32 $8.000000000e+00, v50  }
0x440: {  	v61 =	vor.u32 s13, v15;
	v34 =	vld.idx.msk [tilespmem:v51+s17+$0x0], $0xffff;
	[tilespmem:s6+$0x4050] =	vst v54;
	v59 =	vadd.f32 v55, v25;
	v60 =	vmul.f32 $8.000000000e+00, v38  }
0x441: {  	v37 =	vld.idx.msk [tilespmem:v52+s17+$0x0], $0xffff;
	[tilespmem:s10+$0x4050] =	vst v57;
	v45 =	vor.u32 s21, v15;
	v62 =	vadd.f32 v39, v26;
	v63 =	vmul.f32 $8.000000000e+00, v40  }
0x442: {  	v42 =	vld.idx.msk [tilespmem:v53+s17+$0x0], $0xffff;
	[tilespmem:s12+$0x4050] =	vst v59;
	v46 =	vadd.f32 v60, v28  }
0x443: {  	v47 =	vld.idx.msk [tilespmem:v56+s17+$0x0], $0xffff;
	[tilespmem:s1+$0x4050] =	vst v62;
	v48 =	vadd.f32 v63, v18  }
0x444: {  	v31 =	vmul.f32 $8.000000000e+00, v31;
	v49 =	vor.u32 s5, v16;
	v50 =	vld.idx.msk [tilespmem:v58+s17+$0x0], $0xffff;
	[tilespmem:s25+$0x4050] =	vst v46  }
0x445: {  	v51 =	vmul.f32 $8.000000000e+00, v34;
	v52 =	vor.u32 s7, v16;
	v38 =	vld.idx.msk [tilespmem:v61+s17+$0x0], $0xffff;
	[tilespmem:s26+$0x4050] =	vst v48  }
0x446: {  	v31 =	vadd.f32 v31, v21;
	v54 =	vor.u32 s9, v16;
	v53 =	vmul.f32 $8.000000000e+00, v37;
	v40 =	vld.idx.msk [tilespmem:v45+s17+$0x0], $0xffff  }
0x447: {  	[tilespmem:s2+$0x4060] =	vst v30;
	v30 =	vadd.f32 v51, v22;
	v55 =	vmul.f32 $8.000000000e+00, v42;
	v56 =	vor.u32 s18, v16  }
0x448: {  	v27 =	vld.idx.msk [tilespmem:v27+s17+$0x0], $0xffff;
	[tilespmem:s3+$0x4060] =	vst v31;
	v31 =	vadd.f32 v53, v23;
	v58 =	vor.u32 s11, v16;
	v57 =	vmul.f32 $8.000000000e+00, v47  }
0x449: {  	[tilespmem:s4+$0x4060] =	vst v30;
	v30 =	vadd.f32 v55, v24;
	v60 =	vor.u32 s20, v16;
	v36 =	vld.idx.msk [tilespmem:v49+s17+$0x0], $0xffff;
	v59 =	vmul.f32 $8.000000000e+00, v50  }
0x44a: {  	v34 =	vld.idx.msk [tilespmem:v52+s17+$0x0], $0xffff;
	[tilespmem:s6+$0x4060] =	vst v31;
	v62 =	vor.u32 s13, v16;
	v31 =	vadd.f32 v57, v25;
	v61 =	vmul.f32 $8.000000000e+00, v38  }
0x44b: {  	v44 =	vor.u32 s21, v16;
	v37 =	vld.idx.msk [tilespmem:v54+s17+$0x0], $0xffff;
	[tilespmem:s10+$0x4060] =	vst v30;
	v30 =	vadd.f32 v59, v26;
	v63 =	vmul.f32 $8.000000000e+00, v40  }
0x44c: {  	v41 =	vld.idx.msk [tilespmem:v56+s17+$0x0], $0xffff;
	[tilespmem:s12+$0x4060] =	vst v31;
	v31 =	vadd.f32 v61, v28  }
0x44d: {  	v27 =	vmul.f32 $8.000000000e+00, v27;
	v45 =	vld.idx.msk [tilespmem:v58+s17+$0x0], $0xffff;
	[tilespmem:s1+$0x4060] =	vst v30;
	v30 =	vadd.f32 v63, v18  }
0x44e: {  	v19 =	vadd.f32 v29, v19;
	v29 =	vmul.f32 $8.000000000e+00, v36;
	v46 =	vld.idx.msk [tilespmem:v60+s17+$0x0], $0xffff;
	[tilespmem:s25+$0x4060] =	vst v31  }
0x44f: {  	v20 =	vadd.f32 v27, v20;
	v27 =	vmul.f32 $8.000000000e+00, v34;
	v31 =	vld.idx.msk [tilespmem:v62+s17+$0x0], $0xffff;
	[tilespmem:s26+$0x4060] =	vst v30  }
0x450: {  	[tilespmem:s0+$0x4070] =	vst v19;
	v19 =	vadd.f32 v29, v21;
	v21 =	vmul.f32 $8.000000000e+00, v37;
	v29 =	vld.idx.msk [tilespmem:v44+s17+$0x0], $0xffff  }
0x451: {  	[tilespmem:s2+$0x4070] =	vst v20;
	v20 =	vadd.f32 v27, v22;
	v22 =	vmul.f32 $8.000000000e+00, v41  }
0x452: {  	[tilespmem:s3+$0x4070] =	vst v19;
	v19 =	vadd.f32 v21, v23;
	v21 =	vmul.f32 $8.000000000e+00, v45  }
0x453: {  	[tilespmem:s4+$0x4070] =	vst v20;
	v20 =	vadd.f32 v22, v24;
	v22 =	vmul.f32 $8.000000000e+00, v46  }
0x454: {  	s8 =	simm.s32 $0x20;
	[tilespmem:s6+$0x4070] =	vst v19;
	v19 =	vadd.f32 v21, v25;
	v21 =	vmul.f32 $8.000000000e+00, v31  }
0x455: {  	[tilespmem:s10+$0x4070] =	vst v20;
	v23 =	vor.u32 s8, v9;
	v20 =	vadd.f32 v22, v26;
	v22 =	vmul.f32 $8.000000000e+00, v29  }
0x456: {  	[tilespmem:s12+$0x4070] =	vst v19;
	v19 =	vadd.f32 v21, v28  }
0x457: {  	[tilespmem:s1+$0x4070] =	vst v20;
	v18 =	vadd.f32 v22, v18  }
0x458: {  	[tilespmem:s25+$0x4070] =	vst v19  }
0x459: {  	[tilespmem:s26+$0x4070] =	vst v18  }
0x45a: {  	v19 =	vld.idx.msk [tilespmem:v23+s17+$0x0], $0xffff;
	_ =	sdelay $0x2  }
0x45b: {  	s14 =	simm.s32 $0x0;
	s0 =	simm.s32 $0x21  }
0x45c: {  	v20 =	vor.u32 s0, v9;
	v18 =	vmov s14  }
0x45d: {  	s16 =	simm.s32 $0x2000;
	v21 =	vor.u32 s8, v10;
	v26 =	vperm.xlane v17, v18;
	v19 =	vmul.f32 $8.000000000e+00, v19  }
0x45e: {  	s2 =	sand.u32 $0x2800, s16;
	s1 =	sand.u32 $0x380, s14  }
0x45f: {  	[dreg:$0x1e] =	wrdreg s1;
	s1 =	sor.u32 s1, s2;
	v19 =	vadd.f32 v19, v26  }
0x460: {  	s4 =	sadd.s32 $0xE500, s1  }
0x461: {  	v20 =	vld.idx.msk [tilespmem:v20+s17+$0x0], $0xffff;
	[tilespmem:s4+$0x4000] =	vst v19  }
0x462: {  	v21 =	vld.idx.msk [tilespmem:v21+s17+$0x0], $0xffff;
	_ =	sdelay $0x1  }
0x463: {  	s18 =	simm.s32 $0x1;
	s3 =	simm.s32 $0x22  }
0x464: {  	v22 =	vor.u32 s3, v9;
	v19 =	vmov s18  }
0x465: {  	s19 =	simm.s32 $0x80;
	s20 =	simm.s32 $0x2100;
	v23 =	vor.u32 s0, v10;
	v20 =	vmul.f32 $8.000000000e+00, v20;
	v27 =	vperm.xlane v17, v19  }
0x466: {  	s21 =	sand.u32 $0x2800, s20;
	v24 =	vor.u32 s8, v11;
	s1 =	sand.u32 $0x380, s19;
	v21 =	vmul.f32 $8.000000000e+00, v21  }
0x467: {  	[dreg:$0x1f] =	wrdreg s1;
	s1 =	sor.u32 s1, s21;
	v20 =	vadd.f32 v20, v27  }
0x468: {  	s5 =	sadd.s32 $0xE500, s1;
	v21 =	vadd.f32 v21, v26  }
0x469: {  	v22 =	vld.idx.msk [tilespmem:v22+s17+$0x0], $0xffff;
	[tilespmem:s5+$0x4000] =	vst v20  }
0x46a: {  	v23 =	vld.idx.msk [tilespmem:v23+s17+$0x0], $0xffff;
	[tilespmem:s4+$0x4010] =	vst v21  }
0x46b: {  	v21 =	vld.idx.msk [tilespmem:v24+s17+$0x0], $0xffff  }
0x46c: {  	s22 =	simm.s32 $0x2;
	s16 =	simm.s32 $0x23  }
0x46d: {  	v20 =	vmov s22;
	v24 =	vor.u32 s16, v9  }
0x46e: {  	s23 =	simm.s32 $0x100;
	s24 =	simm.s32 $0x2200;
	v25 =	vor.u32 s3, v10;
	v28 =	vperm.xlane v17, v20;
	v22 =	vmul.f32 $8.000000000e+00, v22  }
0x46f: {  	s25 =	sand.u32 $0x2800, s24;
	v29 =	vor.u32 s0, v11;
	s1 =	sand.u32 $0x380, s23;
	v23 =	vmul.f32 $8.000000000e+00, v23  }
0x470: {  	v30 =	vor.u32 s8, v12;
	v22 =	vadd.f32 v22, v28;
	[smem:$0x7FA] =	sst s1;
	s1 =	sor.u32 s1, s25;
	v21 =	vmul.f32 $8.000000000e+00, v21  }
0x471: {  	s10 =	sadd.s32 $0xE500, s1;
	v23 =	vadd.f32 v23, v27  }
0x472: {  	[tilespmem:s10+$0x4000] =	vst v22;
	v24 =	vld.idx.msk [tilespmem:v24+s17+$0x0], $0xffff;
	v21 =	vadd.f32 v21, v26  }
0x473: {  	v22 =	vld.idx.msk [tilespmem:v25+s17+$0x0], $0xffff;
	[tilespmem:s5+$0x4010] =	vst v23  }
0x474: {  	v23 =	vld.idx.msk [tilespmem:v29+s17+$0x0], $0xffff;
	[tilespmem:s4+$0x4020] =	vst v21  }
0x475: {  	s26 =	simm.s32 $0x3;
	s18 =	simm.s32 $0x24;
	v25 =	vld.idx.msk [tilespmem:v30+s17+$0x0], $0xffff  }
0x476: {  	v21 =	vmov s26;
	v30 =	vor.u32 s18, v9  }
0x477: {  	s6 =	simm.s32 $0x2300;
	v31 =	vor.u32 s16, v10;
	s2 =	simm.s32 $0x180;
	v29 =	vperm.xlane v17, v21;
	v24 =	vmul.f32 $8.000000000e+00, v24  }
0x478: {  	v47 =	vor.u32 s3, v11;
	s7 =	sand.u32 $0x2800, s6;
	s9 =	sand.u32 $0x380, s2;
	v22 =	vmul.f32 $8.000000000e+00, v22  }
0x479: {  	v48 =	vor.u32 s0, v12;
	s1 =	sor.u32 s9, s7;
	v23 =	vmul.f32 $8.000000000e+00, v23;
	v24 =	vadd.f32 v24, v29  }
0x47a: {  	v49 =	vor.u32 s8, v13;
	s14 =	sadd.s32 $0xE500, s1;
	v22 =	vadd.f32 v22, v28;
	v25 =	vmul.f32 $8.000000000e+00, v25  }
0x47b: {  	v23 =	vadd.f32 v23, v27;
	[tilespmem:s14+$0x4000] =	vst v24;
	v50 =	vld.idx.msk [tilespmem:v30+s17+$0x0], $0xffff  }
0x47c: {  	[tilespmem:s10+$0x4010] =	vst v22;
	v24 =	vld.idx.msk [tilespmem:v31+s17+$0x0], $0xffff;
	v22 =	vadd.f32 v25, v26  }
0x47d: {  	[tilespmem:s5+$0x4020] =	vst v23;
	v25 =	vld.idx.msk [tilespmem:v47+s17+$0x0], $0xffff  }
0x47e: {  	s20 =	simm.s32 $0x25;
	s7 =	simm.s32 $0x4;
	v23 =	vld.idx.msk [tilespmem:v48+s17+$0x0], $0xffff;
	[tilespmem:s4+$0x4030] =	vst v22  }
0x47f: {  	v51 =	vor.u32 s20, v9;
	v22 =	vmov s7;
	v31 =	vld.idx.msk [tilespmem:v49+s17+$0x0], $0xffff  }
0x480: {  	s11 =	simm.s32 $0x200;
	s12 =	simm.s32 $0x2400;
	v53 =	vor.u32 s18, v10;
	v30 =	vperm.xlane v17, v22;
	v52 =	vmul.f32 $8.000000000e+00, v50  }
0x481: {  	v54 =	vor.u32 s16, v11;
	s11 =	sand.u32 $0x380, s11;
	s7 =	sand.u32 $0x2800, s12;
	v24 =	vmul.f32 $8.000000000e+00, v24  }
0x482: {  	v55 =	vor.u32 s3, v12;
	s1 =	sor.u32 s11, s7;
	v33 =	vadd.f32 v52, v30;
	v25 =	vmul.f32 $8.000000000e+00, v25  }
0x483: {  	v56 =	vor.u32 s0, v13;
	v23 =	vmul.f32 $8.000000000e+00, v23;
	s7 =	sadd.s32 $0xE500, s1;
	v24 =	vadd.f32 v24, v29  }
0x484: {  	v32 =	vld.idx.msk [tilespmem:v51+s17+$0x0], $0xffff;
	[tilespmem:s7+$0x4000] =	vst v33;
	v25 =	vadd.f32 v25, v28;
	v31 =	vmul.f32 $8.000000000e+00, v31  }
0x485: {  	v57 =	vor.u32 s8, v14;
	v23 =	vadd.f32 v23, v27;
	[tilespmem:s14+$0x4010] =	vst v24;
	v34 =	vld.idx.msk [tilespmem:v53+s17+$0x0], $0xffff  }
0x486: {  	v24 =	vld.idx.msk [tilespmem:v54+s17+$0x0], $0xffff;
	[tilespmem:s10+$0x4020] =	vst v25;
	v25 =	vadd.f32 v31, v26  }
0x487: {  	s13 =	simm.s32 $0x5;
	s21 =	simm.s32 $0x26;
	[tilespmem:s5+$0x4030] =	vst v23;
	v58 =	vld.idx.msk [tilespmem:v55+s17+$0x0], $0xffff  }
0x488: {  	v23 =	vmov s13;
	v59 =	vld.idx.msk [tilespmem:v56+s17+$0x0], $0xffff;
	[tilespmem:s4+$0x4040] =	vst v25;
	v25 =	vor.u32 s21, v9  }
0x489: {  	v60 =	vor.u32 s20, v10;
	s19 =	simm.s32 $0x280;
	s22 =	simm.s32 $0x2500;
	v32 =	vmul.f32 $8.000000000e+00, v32;
	v31 =	vperm.xlane v17, v23  }
0x48a: {  	v61 =	vor.u32 s18, v11;
	s23 =	sand.u32 $0x2800, s22;
	s12 =	sand.u32 $0x380, s19;
	v33 =	vld.idx.msk [tilespmem:v57+s17+$0x0], $0xffff;
	v34 =	vmul.f32 $8.000000000e+00, v34  }
0x48b: {  	v62 =	vor.u32 s16, v12;
	s1 =	sor.u32 s12, s23;
	v32 =	vadd.f32 v32, v31;
	v24 =	vmul.f32 $8.000000000e+00, v24  }
0x48c: {  	v63 =	vor.u32 s3, v13;
	s19 =	sadd.s32 $0xE500, s1;
	v34 =	vadd.f32 v34, v30;
	v35 =	vmul.f32 $8.000000000e+00, v58  }
0x48d: {  	v42 =	vmul.f32 $8.000000000e+00, v59;
	[tilespmem:s19+$0x4000] =	vst v32;
	v24 =	vadd.f32 v24, v29;
	v25 =	vld.idx.msk [tilespmem:v25+s17+$0x0], $0xffff  }
0x48e: {  	v43 =	vor.u32 s0, v14;
	v37 =	vld.idx.msk [tilespmem:v60+s17+$0x0], $0xffff;
	[tilespmem:s7+$0x4010] =	vst v34;
	v44 =	vadd.f32 v35, v28  }
0x48f: {  	v45 =	vor.u32 s8, v15;
	[tilespmem:s14+$0x4020] =	vst v24;
	v24 =	vadd.f32 v42, v27;
	v33 =	vmul.f32 $8.000000000e+00, v33;
	v38 =	vld.idx.msk [tilespmem:v61+s17+$0x0], $0xffff  }
0x490: {  	s24 =	simm.s32 $0x6;
	s23 =	simm.s32 $0x27;
	v39 =	vld.idx.msk [tilespmem:v62+s17+$0x0], $0xffff;
	[tilespmem:s10+$0x4030] =	vst v44  }
0x491: {  	v48 =	vor.u32 s23, v9;
	[tilespmem:s5+$0x4040] =	vst v24;
	v24 =	vmov s24;
	v46 =	vadd.f32 v33, v26;
	v47 =	vld.idx.msk [tilespmem:v63+s17+$0x0], $0xffff  }
0x492: {  	s25 =	simm.s32 $0x300;
	s26 =	simm.s32 $0x2600;
	v49 =	vor.u32 s21, v10;
	v32 =	vperm.xlane v17, v24;
	v25 =	vmul.f32 $8.000000000e+00, v25  }
0x493: {  	s2 =	sand.u32 $0x2800, s26;
	v50 =	vor.u32 s20, v11;
	s13 =	sand.u32 $0x380, s25;
	v36 =	vld.idx.msk [tilespmem:v43+s17+$0x0], $0xffff;
	v37 =	vmul.f32 $8.000000000e+00, v37;
	[tilespmem:s4+$0x4050] =	vst v46  }
0x494: {  	s1 =	sor.u32 s13, s2;
	v35 =	vld.idx.msk [tilespmem:v45+s17+$0x0], $0xffff;
	v38 =	vmul.f32 $8.000000000e+00, v38;
	v25 =	vadd.f32 v25, v32  }
0x495: {  	v51 =	vor.u32 s18, v12;
	s22 =	sadd.s32 $0xE500, s1;
	v37 =	vadd.f32 v37, v31;
	v39 =	vmul.f32 $8.000000000e+00, v39  }
0x496: {  	v52 =	vor.u32 s16, v13;
	v34 =	vld.idx.msk [tilespmem:v48+s17+$0x0], $0xffff;
	v33 =	vmul.f32 $8.000000000e+00, v47;
	[tilespmem:s22+$0x4000] =	vst v25;
	v25 =	vadd.f32 v38, v30  }
0x497: {  	v53 =	vor.u32 s3, v14;
	[tilespmem:s19+$0x4010] =	vst v37;
	v54 =	vadd.f32 v39, v29;
	v40 =	vld.idx.msk [tilespmem:v49+s17+$0x0], $0xffff  }
0x498: {  	v55 =	vor.u32 s0, v15;
	v36 =	vmul.f32 $8.000000000e+00, v36;
	v41 =	vld.idx.msk [tilespmem:v50+s17+$0x0], $0xffff;
	[tilespmem:s7+$0x4020] =	vst v25;
	v25 =	vadd.f32 v33, v28  }
0x499: {  	s6 =	simm.s32 $0x7;
	s25 =	simm.s32 $0x28;
	v57 =	vor.u32 s8, v16;
	[tilespmem:s14+$0x4030] =	vst v54;
	v56 =	vmul.f32 $8.000000000e+00, v35  }
0x49a: {  	v44 =	vor.u32 s25, v9;
	v36 =	vadd.f32 v36, v27;
	v42 =	vld.idx.msk [tilespmem:v51+s17+$0x0], $0xffff;
	[tilespmem:s10+$0x4040] =	vst v25;
	v25 =	vmov s6  }
0x49b: {  	s29 =	simm.s32 $0x380;
	s28 =	simm.s32 $0x2700;
	v34 =	vmul.f32 $8.000000000e+00, v34;
	v37 =	vld.idx.msk [tilespmem:v52+s17+$0x0], $0xffff;
	v58 =	vadd.f32 v56, v26;
	v33 =	vperm.xlane v17, v25  }
0x49c: {  	s26 =	sand.u32 $0x380, s29;
	v59 =	vor.u32 s23, v10;
	s24 =	sand.u32 $0x2800, s28;
	[tilespmem:s5+$0x4050] =	vst v36;
	v38 =	vld.idx.msk [tilespmem:v53+s17+$0x0], $0xffff;
	v40 =	vmul.f32 $8.000000000e+00, v40  }
0x49d: {  	s1 =	sor.u32 s26, s24;
	v47 =	vor.u32 s20, v12;
	v39 =	vld.idx.msk [tilespmem:v55+s17+$0x0], $0xffff;
	v41 =	vmul.f32 $8.000000000e+00, v41;
	[tilespmem:s4+$0x4060] =	vst v58;
	v34 =	vadd.f32 v34, v33  }
0x49e: {  	s24 =	sadd.s32 $0xE500, s1;
	v46 =	vor.u32 s21, v11;
	v35 =	vld.idx.msk [tilespmem:v57+s17+$0x0], $0xffff;
	v40 =	vadd.f32 v40, v32  }
0x49f: {  	v48 =	vor.u32 s18, v13;
	v60 =	vadd.f32 v41, v31;
	v42 =	vmul.f32 $8.000000000e+00, v42;
	[tilespmem:s24+$0x4000] =	vst v34  }
0x4a0: {  	v45 =	vld.idx.msk [tilespmem:v44+s17+$0x0], $0xffff;
	v37 =	vmul.f32 $8.000000000e+00, v37;
	[tilespmem:s22+$0x4010] =	vst v40;
	v40 =	vor.u32 s16, v14  }
0x4a1: {  	[tilespmem:s19+$0x4020] =	vst v60;
	v44 =	vld.idx.msk [tilespmem:v59+s17+$0x0], $0xffff;
	v61 =	vadd.f32 v42, v30;
	v62 =	vmul.f32 $8.000000000e+00, v38;
	v38 =	vor.u32 s3, v15  }
0x4a2: {  	v37 =	vadd.f32 v37, v29;
	v63 =	vmul.f32 $8.000000000e+00, v39;
	v34 =	vor.u32 s0, v16;
	v42 =	vld.idx.msk [tilespmem:v47+s17+$0x0], $0xffff  }
0x4a3: {  	s31 =	simm.s32 $0xA;
	s30 =	simm.s32 $0x9;
	s8 =	simm.s32 $0x9;
	v43 =	vld.idx.msk [tilespmem:v46+s17+$0x0], $0xffff;
	[tilespmem:s7+$0x4030] =	vst v61;
	v39 =	vadd.f32 v62, v28;
	v36 =	vmul.f32 $8.000000000e+00, v35  }
0x4a4: {  	s26 =	simm.s32 $0x29;
	s1 =	simm.s32 $0x8;
	s0 =	simm.s32 $0x8;
	[tilespmem:s14+$0x4040] =	vst v37;
	v37 =	vadd.f32 v63, v27;
	v41 =	vld.idx.msk [tilespmem:v48+s17+$0x0], $0xffff  }
.LBB2_19:
0x4a5: {  	p0 =	sne.s32 s31, $0xF;
	v35 =	vor.u32 s26, v9;
	v46 =	vmov s1;
	v47 =	vld.idx.msk [tilespmem:v40+s17+$0x0], $0xffff;
	[tilespmem:s10+$0x4050] =	vst v39;
	v36 =	vadd.f32 v36, v26;
	v26 =	vmovc v27;
	v27 =	vmovc v28;
	s1 =	smov.u32 s30;
	s30 =	smov.u32 s31  }
0x4a6: {  	v40 =	vmul.f32 $8.000000000e+00, v45;
	s29 =	sadd.s32 $0x80, s29;
	s28 =	sadd.s32 $0x100, s28;
	v28 =	vmovc v29;
	v39 =	vperm.xlane v17, v46;
	v46 =	vor.u32 s25, v10;
	v48 =	vld.idx.msk [tilespmem:v38+s17+$0x0], $0xffff;
	[tilespmem:s5+$0x4060] =	vst v37  }
0x4a7: {  	v49 =	vor.u32 s23, v11;
	v29 =	vmovc v30;
	v30 =	vmovc v31;
	v31 =	vmov v32;
	s2 =	sand.u32 $0x2800, s28;
	s6 =	sand.u32 $0x380, s29;
	v37 =	vmul.f32 $8.000000000e+00, v44;
	v50 =	vld.idx.msk [tilespmem:v34+s17+$0x0], $0xffff;
	[tilespmem:s4+$0x4070] =	vst v36;
	s4 =	smov.u32 s5  }
0x4a8: {  	v51 =	vor.u32 s21, v12;
	v32 =	vmovc v33;
	s2 =	sor.u32 s6, s2;
	v36 =	vmul.f32 $8.000000000e+00, v43;
	s5 =	smov.u32 s10;
	s10 =	smov.u32 s14;
	v34 =	vadd.f32 v40, v39;
	v33 =	vmovc v39  }
0x4a9: {  	v52 =	vor.u32 s20, v13;
	s14 =	smov.u32 s7;
	s7 =	smov.u32 s19;
	s2 =	sadd.s32 $0xE500, s2;
	v37 =	vadd.f32 v37, v32;
	v38 =	vmul.f32 $8.000000000e+00, v42  }
.Ltmp9:
0x4aa: {  	s19 =	smov.u32 s22;
	s22 =	smov.u32 s24;
	v40 =	vor.u32 s18, v14;
	v45 =	vld.idx.msk [tilespmem:v35+s17+$0x0], $0xffff;
	[tilespmem:s2+$0x4000] =	vst v34;
	v34 =	vadd.f32 v36, v31;
	v35 =	vmul.f32 $8.000000000e+00, v41;
	(pc) =	sbr.rel @p0 .LBB2_19-.Ltmp9, $4  }
0x4ab: {  	s24 =	smov.u32 s2;
	v36 =	vadd.f32 v38, v30;
	v38 =	vor.u32 s16, v15;
	v44 =	vld.idx.msk [tilespmem:v46+s17+$0x0], $0xffff;
	[tilespmem:s22+$0x4010] =	vst v37;
	v37 =	vmul.f32 $8.000000000e+00, v47  }
0x4ac: {  	v46 =	vmul.f32 $8.000000000e+00, v48;
	v43 =	vld.idx.msk [tilespmem:v49+s17+$0x0], $0xffff;
	[tilespmem:s19+$0x4020] =	vst v34;
	v35 =	vadd.f32 v35, v29;
	v34 =	vor.u32 s3, v16;
	s3 =	smov.u32 s16;
	s16 =	smov.u32 s18;
	s18 =	smov.u32 s20  }
0x4ad: {  	s20 =	smov.u32 s21;
	s21 =	smov.u32 s23;
	s23 =	smov.u32 s25;
	v42 =	vld.idx.msk [tilespmem:v51+s17+$0x0], $0xffff;
	[tilespmem:s7+$0x4030] =	vst v36;
	v39 =	vadd.f32 v37, v28;
	v36 =	vmul.f32 $8.000000000e+00, v50  }
0x4ae: {  	s31 =	sadd.s32 $0x1, s31;
	s25 =	smov.u32 s26;
	s26 =	sadd.s32 $0x20, s30;
	v37 =	vadd.f32 v46, v27;
	v41 =	vld.idx.msk [tilespmem:v52+s17+$0x0], $0xffff;
	[tilespmem:s14+$0x4040] =	vst v35  }
0x4af: {  	v35 =	vor.u32 s26, v9;
	_ =	sdelay $0x4  }
0x4b0: {  	v46 =	vld.idx.msk [tilespmem:v35+s17+$0x0], $0xffff;
	_ =	sdelay $0x2  }
0x4b1: {  	v56 =	vmov s1;
	s29 =	sadd.s32 $0x80, s29;
	v45 =	vmul.f32 $8.000000000e+00, v45  }
0x4b2: {  	v47 =	vor.u32 s25, v10;
	s2 =	sadd.s32 $0x100, s28;
	v48 =	vmov s30;
	s6 =	sand.u32 $0x380, s29;
	v35 =	vperm.xlane v17, v56  }
0x4b3: {  	v57 =	vor.u32 s26, v10;
	s1 =	sadd.s32 $0x80, s29;
	s28 =	sand.u32 $0x2800, s2;
	s2 =	sadd.s32 $0x100, s2;
	v17 =	vperm.xlane v17, v48;
	v46 =	vmul.f32 $8.000000000e+00, v46  }
0x4b4: {  	s6 =	sor.u32 s6, s28;
	s2 =	sand.u32 $0x2800, s2;
	s1 =	sand.u32 $0x380, s1;
	v45 =	vadd.f32 v45, v35  }
0x4b5: {  	s1 =	sor.u32 s1, s2;
	s28 =	sadd.s32 $0xE500, s6;
	v46 =	vadd.f32 v46, v17  }
0x4b6: {  	s30 =	sadd.s32 $0xE500, s1;
	[tilespmem:s28+$0x4000] =	vst v45  }
0x4b7: {  	v45 =	vld.idx.msk [tilespmem:v47+s17+$0x0], $0xffff;
	[tilespmem:s30+$0x4000] =	vst v46  }
0x4b8: {  	v46 =	vld.idx.msk [tilespmem:v57+s17+$0x0], $0xffff;
	_ =	sdelay $0x2  }
0x4b9: {  	v58 =	vor.u32 s23, v11;
	v44 =	vmul.f32 $8.000000000e+00, v44  }
0x4ba: {  	v59 =	vor.u32 s25, v11;
	v45 =	vmul.f32 $8.000000000e+00, v45  }
0x4bb: {  	v49 =	vor.u32 s26, v11;
	v44 =	vadd.f32 v44, v33;
	v46 =	vmul.f32 $8.000000000e+00, v46  }
0x4bc: {  	v45 =	vadd.f32 v45, v35  }
0x4bd: {  	[tilespmem:s24+$0x4010] =	vst v44;
	v60 =	vadd.f32 v46, v17  }
0x4be: {  	v61 =	vld.idx.msk [tilespmem:v58+s17+$0x0], $0xffff;
	[tilespmem:s28+$0x4010] =	vst v45  }
0x4bf: {  	v45 =	vld.idx.msk [tilespmem:v59+s17+$0x0], $0xffff;
	[tilespmem:s30+$0x4010] =	vst v60  }
0x4c0: {  	v44 =	vld.idx.msk [tilespmem:v49+s17+$0x0], $0xffff;
	_ =	sdelay $0x1  }
0x4c1: {  	v62 =	vor.u32 s21, v12;
	v43 =	vmul.f32 $8.000000000e+00, v43  }
0x4c2: {  	v63 =	vor.u32 s23, v12;
	v46 =	vmul.f32 $8.000000000e+00, v61  }
0x4c3: {  	v52 =	vor.u32 s25, v12;
	v43 =	vadd.f32 v43, v32;
	v45 =	vmul.f32 $8.000000000e+00, v45  }
0x4c4: {  	v50 =	vor.u32 s26, v12;
	v46 =	vadd.f32 v46, v33;
	v44 =	vmul.f32 $8.000000000e+00, v44  }
0x4c5: {  	[tilespmem:s22+$0x4020] =	vst v43;
	v53 =	vadd.f32 v45, v35  }
0x4c6: {  	v54 =	vld.idx.msk [tilespmem:v62+s17+$0x0], $0xffff;
	[tilespmem:s24+$0x4020] =	vst v46;
	v44 =	vadd.f32 v44, v17  }
0x4c7: {  	v46 =	vld.idx.msk [tilespmem:v63+s17+$0x0], $0xffff;
	[tilespmem:s28+$0x4020] =	vst v53  }
0x4c8: {  	v43 =	vld.idx.msk [tilespmem:v52+s17+$0x0], $0xffff;
	[tilespmem:s30+$0x4020] =	vst v44  }
0x4c9: {  	v44 =	vld.idx.msk [tilespmem:v50+s17+$0x0], $0xffff  }
0x4ca: {  	v55 =	vor.u32 s20, v13;
	v42 =	vmul.f32 $8.000000000e+00, v42  }
0x4cb: {  	v56 =	vor.u32 s21, v13;
	v45 =	vmul.f32 $8.000000000e+00, v54  }
0x4cc: {  	v42 =	vadd.f32 v42, v31;
	v57 =	vor.u32 s23, v13;
	v46 =	vmul.f32 $8.000000000e+00, v46  }
0x4cd: {  	v58 =	vor.u32 s25, v13;
	v45 =	vadd.f32 v45, v32;
	v43 =	vmul.f32 $8.000000000e+00, v43  }
0x4ce: {  	[tilespmem:s19+$0x4030] =	vst v42;
	v60 =	vor.u32 s26, v13;
	v59 =	vadd.f32 v46, v33;
	v44 =	vmul.f32 $8.000000000e+00, v44  }
0x4cf: {  	v47 =	vld.idx.msk [tilespmem:v55+s17+$0x0], $0xffff;
	[tilespmem:s22+$0x4030] =	vst v45;
	v43 =	vadd.f32 v43, v35  }
0x4d0: {  	v45 =	vld.idx.msk [tilespmem:v56+s17+$0x0], $0xffff;
	[tilespmem:s24+$0x4030] =	vst v59;
	v61 =	vadd.f32 v44, v17  }
0x4d1: {  	v62 =	vld.idx.msk [tilespmem:v57+s17+$0x0], $0xffff;
	[tilespmem:s28+$0x4030] =	vst v43  }
0x4d2: {  	v43 =	vld.idx.msk [tilespmem:v58+s17+$0x0], $0xffff;
	[tilespmem:s30+$0x4030] =	vst v61  }
0x4d3: {  	v41 =	vmul.f32 $8.000000000e+00, v41;
	v63 =	vor.u32 s18, v14;
	v46 =	vld.idx.msk [tilespmem:v60+s17+$0x0], $0xffff  }
0x4d4: {  	v47 =	vmul.f32 $8.000000000e+00, v47;
	v52 =	vor.u32 s20, v14  }
0x4d5: {  	v41 =	vadd.f32 v41, v30;
	v53 =	vor.u32 s21, v14;
	v45 =	vmul.f32 $8.000000000e+00, v45  }
0x4d6: {  	v47 =	vadd.f32 v47, v31;
	v54 =	vor.u32 s23, v14;
	v44 =	vmul.f32 $8.000000000e+00, v62  }
0x4d7: {  	v40 =	vld.idx.msk [tilespmem:v40+s17+$0x0], $0xffff;
	[tilespmem:s7+$0x4040] =	vst v41;
	v56 =	vor.u32 s25, v14;
	v55 =	vadd.f32 v45, v32;
	v43 =	vmul.f32 $8.000000000e+00, v43  }
0x4d8: {  	[tilespmem:s19+$0x4040] =	vst v47;
	v42 =	vld.idx.msk [tilespmem:v63+s17+$0x0], $0xffff;
	v57 =	vor.u32 s26, v14;
	v44 =	vadd.f32 v44, v33;
	v46 =	vmul.f32 $8.000000000e+00, v46  }
0x4d9: {  	v58 =	vld.idx.msk [tilespmem:v52+s17+$0x0], $0xffff;
	[tilespmem:s22+$0x4040] =	vst v55;
	v43 =	vadd.f32 v43, v35  }
0x4da: {  	v59 =	vld.idx.msk [tilespmem:v53+s17+$0x0], $0xffff;
	[tilespmem:s24+$0x4040] =	vst v44;
	v60 =	vadd.f32 v46, v17  }
0x4db: {  	v61 =	vld.idx.msk [tilespmem:v54+s17+$0x0], $0xffff;
	[tilespmem:s28+$0x4040] =	vst v43  }
0x4dc: {  	v40 =	vmul.f32 $8.000000000e+00, v40;
	v62 =	vor.u32 s16, v15;
	v45 =	vld.idx.msk [tilespmem:v56+s17+$0x0], $0xffff;
	[tilespmem:s30+$0x4040] =	vst v60  }
0x4dd: {  	v63 =	vor.u32 s18, v15;
	v42 =	vmul.f32 $8.000000000e+00, v42;
	v47 =	vld.idx.msk [tilespmem:v57+s17+$0x0], $0xffff  }
0x4de: {  	v40 =	vadd.f32 v40, v29;
	v49 =	vor.u32 s20, v15;
	v41 =	vmul.f32 $8.000000000e+00, v58  }
0x4df: {  	[tilespmem:s10+$0x4050] =	vst v39;
	v52 =	vadd.f32 v42, v30;
	v53 =	vmul.f32 $8.000000000e+00, v59;
	v54 =	vor.u32 s21, v15  }
0x4e0: {  	v38 =	vld.idx.msk [tilespmem:v38+s17+$0x0], $0xffff;
	[tilespmem:s14+$0x4050] =	vst v40;
	v55 =	vadd.f32 v41, v31;
	v56 =	vmul.f32 $8.000000000e+00, v61;
	v57 =	vor.u32 s23, v15  }
0x4e1: {  	[tilespmem:s7+$0x4050] =	vst v52;
	v43 =	vld.idx.msk [tilespmem:v62+s17+$0x0], $0xffff;
	v58 =	vadd.f32 v53, v32;
	v60 =	vor.u32 s25, v15;
	v59 =	vmul.f32 $8.000000000e+00, v45  }
0x4e2: {  	v44 =	vld.idx.msk [tilespmem:v63+s17+$0x0], $0xffff;
	v63 =	vor.u32 s26, v15;
	[tilespmem:s19+$0x4050] =	vst v55;
	v61 =	vadd.f32 v56, v33;
	v62 =	vmul.f32 $8.000000000e+00, v47  }
0x4e3: {  	v49 =	vld.idx.msk [tilespmem:v49+s17+$0x0], $0xffff;
	[tilespmem:s22+$0x4050] =	vst v58;
	v52 =	vadd.f32 v59, v35  }
0x4e4: {  	v53 =	vld.idx.msk [tilespmem:v54+s17+$0x0], $0xffff;
	[tilespmem:s24+$0x4050] =	vst v61;
	v54 =	vadd.f32 v62, v17  }
0x4e5: {  	v38 =	vmul.f32 $8.000000000e+00, v38;
	v55 =	vor.u32 s3, v16;
	[tilespmem:s28+$0x4050] =	vst v52;
	v46 =	vld.idx.msk [tilespmem:v57+s17+$0x0], $0xffff  }
0x4e6: {  	v56 =	vor.u32 s16, v16;
	v43 =	vmul.f32 $8.000000000e+00, v43;
	v45 =	vld.idx.msk [tilespmem:v60+s17+$0x0], $0xffff;
	[tilespmem:s30+$0x4050] =	vst v54  }
0x4e7: {  	v38 =	vadd.f32 v38, v28;
	v44 =	vmul.f32 $8.000000000e+00, v44;
	v57 =	vor.u32 s18, v16;
	v47 =	vld.idx.msk [tilespmem:v63+s17+$0x0], $0xffff  }
0x4e8: {  	[tilespmem:s5+$0x4060] =	vst v37;
	v48 =	vor.u32 s20, v16;
	v58 =	vadd.f32 v43, v29;
	v59 =	vmul.f32 $8.000000000e+00, v49  }
0x4e9: {  	v34 =	vld.idx.msk [tilespmem:v34+s17+$0x0], $0xffff;
	[tilespmem:s10+$0x4060] =	vst v38;
	v61 =	vadd.f32 v44, v30;
	v42 =	vmul.f32 $8.000000000e+00, v53;
	v60 =	vor.u32 s21, v16  }
0x4ea: {  	[tilespmem:s14+$0x4060] =	vst v58;
	v50 =	vadd.f32 v59, v31;
	v62 =	vor.u32 s23, v16;
	v63 =	vld.idx.msk [tilespmem:v55+s17+$0x0], $0xffff;
	v51 =	vmul.f32 $8.000000000e+00, v46  }
0x4eb: {  	[tilespmem:s7+$0x4060] =	vst v61;
	v39 =	vld.idx.msk [tilespmem:v56+s17+$0x0], $0xffff;
	v52 =	vadd.f32 v42, v32;
	v54 =	vor.u32 s25, v16;
	v53 =	vmul.f32 $8.000000000e+00, v45  }
0x4ec: {  	[tilespmem:s19+$0x4060] =	vst v50;
	v40 =	vld.idx.msk [tilespmem:v57+s17+$0x0], $0xffff;
	v57 =	vor.u32 s26, v16;
	v55 =	vadd.f32 v51, v33;
	v56 =	vmul.f32 $8.000000000e+00, v47  }
0x4ed: {  	[tilespmem:s22+$0x4060] =	vst v52;
	v58 =	vld.idx.msk [tilespmem:v48+s17+$0x0], $0xffff;
	v42 =	vadd.f32 v53, v35  }
0x4ee: {  	v34 =	vmul.f32 $8.000000000e+00, v34;
	v59 =	vld.idx.msk [tilespmem:v60+s17+$0x0], $0xffff;
	[tilespmem:s24+$0x4060] =	vst v55;
	v43 =	vadd.f32 v56, v17  }
0x4ef: {  	v26 =	vadd.f32 v36, v26;
	[tilespmem:s28+$0x4060] =	vst v42;
	v60 =	vmul.f32 $8.000000000e+00, v63;
	v61 =	vld.idx.msk [tilespmem:v62+s17+$0x0], $0xffff  }
0x4f0: {  	v27 =	vadd.f32 v34, v27;
	v62 =	vmul.f32 $8.000000000e+00, v39;
	v63 =	vld.idx.msk [tilespmem:v54+s17+$0x0], $0xffff;
	[tilespmem:s30+$0x4060] =	vst v43  }
0x4f1: {  	[tilespmem:s4+$0x4070] =	vst v26;
	v26 =	vadd.f32 v60, v28;
	v28 =	vmul.f32 $8.000000000e+00, v40;
	v42 =	vld.idx.msk [tilespmem:v57+s17+$0x0], $0xffff  }
0x4f2: {  	[tilespmem:s5+$0x4070] =	vst v27;
	v27 =	vadd.f32 v62, v29;
	v29 =	vmul.f32 $8.000000000e+00, v58  }
0x4f3: {  	[tilespmem:s10+$0x4070] =	vst v26;
	v26 =	vadd.f32 v28, v30;
	v28 =	vmul.f32 $8.000000000e+00, v59  }
0x4f4: {  	[tilespmem:s14+$0x4070] =	vst v27;
	v27 =	vadd.f32 v29, v31;
	v29 =	vmul.f32 $8.000000000e+00, v61  }
0x4f5: {  	s31 =	simm.s32 $0x30;
	[tilespmem:s7+$0x4070] =	vst v26;
	v26 =	vadd.f32 v28, v32;
	v28 =	vmul.f32 $8.000000000e+00, v63  }
0x4f6: {  	v30 =	vor.u32 s31, v9;
	[tilespmem:s19+$0x4070] =	vst v27;
	v27 =	vadd.f32 v29, v33;
	v29 =	vmul.f32 $8.000000000e+00, v42  }
0x4f7: {  	[tilespmem:s22+$0x4070] =	vst v26;
	v26 =	vadd.f32 v28, v35  }
0x4f8: {  	[tilespmem:s24+$0x4070] =	vst v27;
	v17 =	vadd.f32 v29, v17  }
0x4f9: {  	[tilespmem:s28+$0x4070] =	vst v26  }
0x4fa: {  	[tilespmem:s30+$0x4070] =	vst v17  }
0x4fb: {  	v26 =	vld.idx.msk [tilespmem:v30+s17+$0x0], $0xffff;
	_ =	sdelay $0x2  }
0x4fc: {  	s19 =	simm.s32 $0x31  }
0x4fd: {  	v27 =	vor.u32 s19, v9  }
0x4fe: {  	s20 =	simm.s32 $0x3000;
	v17 =	vperm.xlane v8, v18;
	v18 =	vmul.f32 $8.000000000e+00, v26;
	v26 =	vor.u32 s31, v10  }
0x4ff: {  	s1 =	sand.u32 $0x3800, s20;
	s21 =	rddreg [dreg:$0x1e]  }
0x500: {  	s1 =	sor.u32 s21, s1;
	v18 =	vadd.f32 v18, v17  }
0x501: {  	s1 =	sadd.s32 $0xE500, s1  }
0x502: {  	v27 =	vld.idx.msk [tilespmem:v27+s17+$0x0], $0xffff;
	[tilespmem:s1+$0x4000] =	vst v18  }
0x503: {  	v26 =	vld.idx.msk [tilespmem:v26+s17+$0x0], $0xffff;
	_ =	sdelay $0x1  }
0x504: {  	s5 =	simm.s32 $0x32  }
0x505: {  	v28 =	vor.u32 s5, v9  }
0x506: {  	s22 =	simm.s32 $0x3100;
	v18 =	vperm.xlane v8, v19;
	v19 =	vmul.f32 $8.000000000e+00, v27;
	v27 =	vor.u32 s19, v10  }
0x507: {  	s2 =	sand.u32 $0x3800, s22;
	v29 =	vor.u32 s31, v11;
	s23 =	rddreg [dreg:$0x1f];
	v26 =	vmul.f32 $8.000000000e+00, v26  }
0x508: {  	v19 =	vadd.f32 v19, v18;
	s2 =	sor.u32 s23, s2  }
0x509: {  	s2 =	sadd.s32 $0xE500, s2;
	v26 =	vadd.f32 v26, v17  }
0x50a: {  	v28 =	vld.idx.msk [tilespmem:v28+s17+$0x0], $0xffff;
	[tilespmem:s2+$0x4000] =	vst v19  }
0x50b: {  	v27 =	vld.idx.msk [tilespmem:v27+s17+$0x0], $0xffff;
	[tilespmem:s1+$0x4010] =	vst v26  }
0x50c: {  	v26 =	vld.idx.msk [tilespmem:v29+s17+$0x0], $0xffff  }
0x50d: {  	s7 =	simm.s32 $0x33  }
0x50e: {  	v29 =	vor.u32 s7, v9;
	s4 =	sld [smem:$0x7FA]  }
0x50f: {  	s24 =	simm.s32 $0x3200;
	v19 =	vperm.xlane v8, v20;
	v20 =	vmul.f32 $8.000000000e+00, v28;
	v28 =	vor.u32 s5, v10  }
0x510: {  	s3 =	sand.u32 $0x3800, s24;
	v30 =	vor.u32 s19, v11;
	v27 =	vmul.f32 $8.000000000e+00, v27  }
0x511: {  	v31 =	vor.u32 s31, v12;
	v20 =	vadd.f32 v20, v19;
	s3 =	sor.u32 s4, s3;
	v26 =	vmul.f32 $8.000000000e+00, v26  }
0x512: {  	v27 =	vadd.f32 v27, v18;
	s3 =	sadd.s32 $0xE500, s3  }
0x513: {  	v29 =	vld.idx.msk [tilespmem:v29+s17+$0x0], $0xffff;
	[tilespmem:s3+$0x4000] =	vst v20;
	v20 =	vadd.f32 v26, v17  }
0x514: {  	[tilespmem:s2+$0x4010] =	vst v27;
	v26 =	vld.idx.msk [tilespmem:v28+s17+$0x0], $0xffff  }
0x515: {  	v27 =	vld.idx.msk [tilespmem:v30+s17+$0x0], $0xffff;
	[tilespmem:s1+$0x4020] =	vst v20  }
0x516: {  	s10 =	simm.s32 $0x34;
	v28 =	vld.idx.msk [tilespmem:v31+s17+$0x0], $0xffff  }
0x517: {  	v30 =	vor.u32 s10, v9  }
0x518: {  	s25 =	simm.s32 $0x3300;
	v20 =	vperm.xlane v8, v21;
	v21 =	vmul.f32 $8.000000000e+00, v29;
	v29 =	vor.u32 s7, v10  }
0x519: {  	s4 =	sand.u32 $0x3800, s25;
	v31 =	vor.u32 s5, v11;
	v26 =	vmul.f32 $8.000000000e+00, v26  }
0x51a: {  	v43 =	vor.u32 s19, v12;
	s4 =	sor.u32 s9, s4;
	v27 =	vmul.f32 $8.000000000e+00, v27;
	v21 =	vadd.f32 v21, v20  }
0x51b: {  	v44 =	vor.u32 s31, v13;
	s4 =	sadd.s32 $0xE500, s4;
	v26 =	vadd.f32 v26, v19;
	v28 =	vmul.f32 $8.000000000e+00, v28  }
0x51c: {  	v30 =	vld.idx.msk [tilespmem:v30+s17+$0x0], $0xffff;
	[tilespmem:s4+$0x4000] =	vst v21;
	v21 =	vadd.f32 v27, v18  }
0x51d: {  	v27 =	vld.idx.msk [tilespmem:v29+s17+$0x0], $0xffff;
	[tilespmem:s3+$0x4010] =	vst v26;
	v26 =	vadd.f32 v28, v17  }
0x51e: {  	[tilespmem:s2+$0x4020] =	vst v21;
	v28 =	vld.idx.msk [tilespmem:v31+s17+$0x0], $0xffff  }
0x51f: {  	s14 =	simm.s32 $0x35;
	v29 =	vld.idx.msk [tilespmem:v43+s17+$0x0], $0xffff;
	[tilespmem:s1+$0x4030] =	vst v26  }
0x520: {  	v31 =	vor.u32 s14, v9;
	v26 =	vld.idx.msk [tilespmem:v44+s17+$0x0], $0xffff  }
0x521: {  	s26 =	simm.s32 $0x3400;
	v21 =	vperm.xlane v8, v22;
	v22 =	vmul.f32 $8.000000000e+00, v30;
	v30 =	vor.u32 s10, v10  }
0x522: {  	s6 =	sand.u32 $0x3800, s26;
	v45 =	vor.u32 s7, v11;
	v27 =	vmul.f32 $8.000000000e+00, v27  }
0x523: {  	v46 =	vor.u32 s5, v12;
	s6 =	sor.u32 s11, s6;
	v22 =	vadd.f32 v22, v21;
	v28 =	vmul.f32 $8.000000000e+00, v28  }
0x524: {  	s6 =	sadd.s32 $0xE500, s6;
	v47 =	vor.u32 s19, v13;
	v27 =	vadd.f32 v27, v20;
	v29 =	vmul.f32 $8.000000000e+00, v29  }
0x525: {  	[tilespmem:s6+$0x4000] =	vst v22;
	v31 =	vld.idx.msk [tilespmem:v31+s17+$0x0], $0xffff;
	v22 =	vadd.f32 v28, v19;
	v28 =	vor.u32 s31, v14;
	v26 =	vmul.f32 $8.000000000e+00, v26  }
0x526: {  	v30 =	vld.idx.msk [tilespmem:v30+s17+$0x0], $0xffff;
	[tilespmem:s4+$0x4010] =	vst v27;
	v27 =	vadd.f32 v29, v18  }
0x527: {  	v29 =	vld.idx.msk [tilespmem:v45+s17+$0x0], $0xffff;
	[tilespmem:s3+$0x4020] =	vst v22;
	v22 =	vadd.f32 v26, v17  }
0x528: {  	s11 =	simm.s32 $0x36;
	[tilespmem:s2+$0x4030] =	vst v27;
	v26 =	vld.idx.msk [tilespmem:v46+s17+$0x0], $0xffff  }
0x529: {  	v48 =	vor.u32 s11, v9;
	v27 =	vld.idx.msk [tilespmem:v47+s17+$0x0], $0xffff;
	[tilespmem:s1+$0x4040] =	vst v22  }
0x52a: {  	s28 =	simm.s32 $0x3500;
	v22 =	vperm.xlane v8, v23;
	v23 =	vmul.f32 $8.000000000e+00, v31;
	v31 =	vor.u32 s14, v10;
	v28 =	vld.idx.msk [tilespmem:v28+s17+$0x0], $0xffff  }
0x52b: {  	v49 =	vor.u32 s10, v11;
	s9 =	sand.u32 $0x3800, s28;
	v30 =	vmul.f32 $8.000000000e+00, v30  }
0x52c: {  	v50 =	vor.u32 s7, v12;
	s9 =	sor.u32 s12, s9;
	v29 =	vmul.f32 $8.000000000e+00, v29;
	v23 =	vadd.f32 v23, v22  }
0x52d: {  	v51 =	vor.u32 s5, v13;
	s9 =	sadd.s32 $0xE500, s9;
	v30 =	vadd.f32 v30, v21;
	v26 =	vmul.f32 $8.000000000e+00, v26  }
0x52e: {  	v32 =	vld.idx.msk [tilespmem:v48+s17+$0x0], $0xffff;
	v27 =	vmul.f32 $8.000000000e+00, v27;
	[tilespmem:s9+$0x4000] =	vst v23;
	v23 =	vadd.f32 v29, v20;
	v29 =	vor.u32 s19, v14  }
0x52f: {  	[tilespmem:s6+$0x4010] =	vst v30;
	v31 =	vld.idx.msk [tilespmem:v31+s17+$0x0], $0xffff;
	v26 =	vadd.f32 v26, v19;
	v28 =	vmul.f32 $8.000000000e+00, v28  }
0x530: {  	v30 =	vor.u32 s31, v15;
	v33 =	vld.idx.msk [tilespmem:v49+s17+$0x0], $0xffff;
	[tilespmem:s4+$0x4020] =	vst v23;
	v23 =	vadd.f32 v27, v18  }
0x531: {  	s16 =	simm.s32 $0x37;
	v27 =	vld.idx.msk [tilespmem:v50+s17+$0x0], $0xffff;
	[tilespmem:s3+$0x4030] =	vst v26;
	v26 =	vadd.f32 v28, v17  }
0x532: {  	v52 =	vor.u32 s16, v9;
	v28 =	vld.idx.msk [tilespmem:v51+s17+$0x0], $0xffff;
	[tilespmem:s2+$0x4040] =	vst v23  }
0x533: {  	s29 =	simm.s32 $0x3600;
	v23 =	vperm.xlane v8, v24;
	v24 =	vmul.f32 $8.000000000e+00, v32;
	v29 =	vld.idx.msk [tilespmem:v29+s17+$0x0], $0xffff;
	[tilespmem:s1+$0x4050] =	vst v26;
	v26 =	vor.u32 s11, v10  }
0x534: {  	v53 =	vor.u32 s14, v11;
	s12 =	sand.u32 $0x3800, s29;
	v31 =	vmul.f32 $8.000000000e+00, v31  }
0x535: {  	v54 =	vor.u32 s10, v12;
	s12 =	sor.u32 s13, s12;
	v33 =	vmul.f32 $8.000000000e+00, v33;
	v24 =	vadd.f32 v24, v23;
	v30 =	vld.idx.msk [tilespmem:v30+s17+$0x0], $0xffff  }
0x536: {  	v55 =	vor.u32 s7, v13;
	s12 =	sadd.s32 $0xE500, s12;
	v31 =	vadd.f32 v31, v22;
	v27 =	vmul.f32 $8.000000000e+00, v27  }
0x537: {  	v56 =	vor.u32 s5, v14;
	v34 =	vld.idx.msk [tilespmem:v52+s17+$0x0], $0xffff;
	[tilespmem:s12+$0x4000] =	vst v24;
	v24 =	vadd.f32 v33, v21;
	v28 =	vmul.f32 $8.000000000e+00, v28  }
0x538: {  	[tilespmem:s9+$0x4010] =	vst v31;
	v27 =	vadd.f32 v27, v20;
	v29 =	vmul.f32 $8.000000000e+00, v29;
	v26 =	vld.idx.msk [tilespmem:v26+s17+$0x0], $0xffff  }
0x539: {  	v31 =	vor.u32 s19, v15;
	[tilespmem:s6+$0x4020] =	vst v24;
	v32 =	vld.idx.msk [tilespmem:v53+s17+$0x0], $0xffff;
	v24 =	vadd.f32 v28, v19  }
0x53a: {  	v35 =	vld.idx.msk [tilespmem:v54+s17+$0x0], $0xffff;
	v28 =	vmul.f32 $8.000000000e+00, v30;
	v30 =	vor.u32 s31, v16;
	[tilespmem:s4+$0x4030] =	vst v27;
	v27 =	vadd.f32 v29, v18  }
0x53b: {  	v29 =	vld.idx.msk [tilespmem:v55+s17+$0x0], $0xffff;
	[tilespmem:s3+$0x4040] =	vst v24;
	v24 =	vperm.xlane v8, v25  }
0x53c: {  	s20 =	simm.s32 $0x380;
	s18 =	simm.s32 $0x38;
	s21 =	simm.s32 $0x3700;
	v25 =	vmul.f32 $8.000000000e+00, v34;
	v28 =	vadd.f32 v28, v17;
	v33 =	vld.idx.msk [tilespmem:v56+s17+$0x0], $0xffff;
	[tilespmem:s2+$0x4050] =	vst v27;
	v27 =	vor.u32 s16, v10  }
0x53d: {  	v58 =	vor.u32 s11, v11;
	v57 =	vor.u32 s18, v9;
	s30 =	sand.u32 $0x3800, s21;
	s31 =	sand.u32 $0x380, s20  }
0x53e: {  	s13 =	sor.u32 s31, s30;
	v31 =	vld.idx.msk [tilespmem:v31+s17+$0x0], $0xffff;
	v25 =	vadd.f32 v25, v24;
	v26 =	vmul.f32 $8.000000000e+00, v26;
	[tilespmem:s1+$0x4060] =	vst v28;
	v28 =	vmul.f32 $8.000000000e+00, v32  }
0x53f: {  	v59 =	vor.u32 s14, v12;
	v61 =	vor.u32 s10, v13;
	s13 =	sadd.s32 $0xE500, s13;
	v60 =	vld.idx.msk [tilespmem:v30+s17+$0x0], $0xffff;
	v30 =	vmul.f32 $8.000000000e+00, v35  }
0x540: {  	[tilespmem:s13+$0x4000] =	vst v25;
	v26 =	vadd.f32 v26, v23;
	v25 =	vadd.f32 v28, v22;
	v28 =	vmul.f32 $8.000000000e+00, v29  }
0x541: {  	v29 =	vor.u32 s7, v14;
	v34 =	vld.idx.msk [tilespmem:v27+s17+$0x0], $0xffff;
	v27 =	vmul.f32 $8.000000000e+00, v33  }
0x542: {  	v35 =	vld.idx.msk [tilespmem:v57+s17+$0x0], $0xffff;
	[tilespmem:s12+$0x4010] =	vst v26;
	v26 =	vadd.f32 v30, v21;
	v62 =	vadd.f32 v28, v20;
	v28 =	vor.u32 s5, v15  }
0x543: {  	[tilespmem:s9+$0x4020] =	vst v25;
	v63 =	vmul.f32 $8.000000000e+00, v31;
	v25 =	vor.u32 s19, v16;
	v33 =	vld.idx.msk [tilespmem:v58+s17+$0x0], $0xffff  }
0x544: {  	v32 =	vld.idx.msk [tilespmem:v59+s17+$0x0], $0xffff;
	v30 =	vadd.f32 v27, v19;
	[tilespmem:s6+$0x4030] =	vst v26;
	v26 =	vmul.f32 $8.000000000e+00, v60  }
0x545: {  	s22 =	simm.s32 $0xA;
	s19 =	simm.s32 $0x39;
	[tilespmem:s4+$0x4040] =	vst v62;
	v27 =	vadd.f32 v63, v18;
	v31 =	vld.idx.msk [tilespmem:v61+s17+$0x0], $0xffff  }
.LBB2_21:
0x546: {  	p0 =	sne.s32 s22, $0xF;
	v36 =	vor.u32 s19, v9;
	v37 =	vmov s0;
	v38 =	vld.idx.msk [tilespmem:v29+s17+$0x0], $0xffff;
	[tilespmem:s3+$0x4050] =	vst v30;
	v26 =	vadd.f32 v26, v17;
	v17 =	vmovc v18;
	v18 =	vmovc v19;
	s0 =	smov.u32 s8;
	s8 =	smov.u32 s22  }
0x547: {  	v30 =	vmul.f32 $8.000000000e+00, v35;
	s20 =	sadd.s32 $0x80, s20;
	s21 =	sadd.s32 $0x100, s21;
	v19 =	vmovc v20;
	v29 =	vperm.xlane v8, v37;
	v37 =	vor.u32 s18, v10;
	v39 =	vld.idx.msk [tilespmem:v28+s17+$0x0], $0xffff;
	[tilespmem:s2+$0x4060] =	vst v27  }
0x548: {  	v40 =	vor.u32 s16, v11;
	v20 =	vmovc v21;
	v21 =	vmovc v22;
	v22 =	vmov v23;
	s23 =	sand.u32 $0x3800, s21;
	s24 =	sand.u32 $0x380, s20;
	v27 =	vmul.f32 $8.000000000e+00, v34;
	v41 =	vld.idx.msk [tilespmem:v25+s17+$0x0], $0xffff;
	[tilespmem:s1+$0x4070] =	vst v26;
	s1 =	smov.u32 s2  }
0x549: {  	v23 =	vmovc v24;
	s23 =	sor.u32 s24, s23;
	v26 =	vmul.f32 $8.000000000e+00, v33;
	s2 =	smov.u32 s3;
	s3 =	smov.u32 s4;
	v25 =	vadd.f32 v30, v29;
	v30 =	vor.u32 s11, v12;
	v24 =	vmovc v29  }
0x54a: {  	v42 =	vor.u32 s14, v13;
	s4 =	smov.u32 s6;
	s6 =	smov.u32 s9;
	s23 =	sadd.s32 $0xE500, s23;
	v27 =	vadd.f32 v27, v23;
	v28 =	vmul.f32 $8.000000000e+00, v32  }
.Ltmp10:
0x54b: {  	s9 =	smov.u32 s12;
	s12 =	smov.u32 s13;
	v29 =	vor.u32 s10, v14;
	v35 =	vld.idx.msk [tilespmem:v36+s17+$0x0], $0xffff;
	[tilespmem:s23+$0x4000] =	vst v25;
	v25 =	vadd.f32 v26, v22;
	v26 =	vmul.f32 $8.000000000e+00, v31;
	(pc) =	sbr.rel @p0 .LBB2_21-.Ltmp10, $4  }
0x54c: {  	s13 =	smov.u32 s23;
	v31 =	vmul.f32 $8.000000000e+00, v38;
	v34 =	vld.idx.msk [tilespmem:v37+s17+$0x0], $0xffff;
	[tilespmem:s12+$0x4010] =	vst v27;
	v27 =	vadd.f32 v28, v21;
	v28 =	vor.u32 s7, v15  }
0x54d: {  	v37 =	vmul.f32 $8.000000000e+00, v39;
	v33 =	vld.idx.msk [tilespmem:v40+s17+$0x0], $0xffff;
	[tilespmem:s9+$0x4020] =	vst v25;
	v36 =	vadd.f32 v26, v20;
	v25 =	vor.u32 s5, v16;
	s5 =	smov.u32 s7;
	s7 =	smov.u32 s10;
	s10 =	smov.u32 s14  }
0x54e: {  	v26 =	vmul.f32 $8.000000000e+00, v41;
	s14 =	smov.u32 s11;
	s11 =	smov.u32 s16;
	s16 =	smov.u32 s18;
	v32 =	vld.idx.msk [tilespmem:v30+s17+$0x0], $0xffff;
	[tilespmem:s6+$0x4030] =	vst v27;
	v30 =	vadd.f32 v31, v19  }
0x54f: {  	s22 =	sadd.s32 $0x1, s22;
	s18 =	smov.u32 s19;
	s19 =	sadd.s32 $0x30, s8;
	v27 =	vadd.f32 v37, v18;
	v31 =	vld.idx.msk [tilespmem:v42+s17+$0x0], $0xffff;
	[tilespmem:s4+$0x4040] =	vst v36  }
0x550: {  	v9 =	vor.u32 s19, v9;
	_ =	sdelay $0x4  }
0x551: {  	v36 =	vld.idx.msk [tilespmem:v9+s17+$0x0], $0xffff;
	_ =	sdelay $0x2  }
0x552: {  	v41 =	vmov s0;
	s28 =	sadd.s32 $0x100, s21;
	v35 =	vmul.f32 $8.000000000e+00, v35  }
0x553: {  	v37 =	vor.u32 s18, v10;
	s20 =	sadd.s32 $0x80, s20;
	v38 =	vmov s8;
	s21 =	sand.u32 $0x3800, s28;
	v9 =	vperm.xlane v8, v41  }
0x554: {  	v42 =	vor.u32 s19, v10;
	s29 =	sand.u32 $0x380, s20;
	s20 =	sadd.s32 $0x80, s20;
	s0 =	sadd.s32 $0x100, s28;
	v8 =	vperm.xlane v8, v38;
	v36 =	vmul.f32 $8.000000000e+00, v36  }
0x555: {  	s8 =	sor.u32 s29, s21;
	s0 =	sand.u32 $0x3800, s0;
	s20 =	sand.u32 $0x380, s20;
	v35 =	vadd.f32 v35, v9  }
0x556: {  	s20 =	sor.u32 s20, s0;
	s30 =	sadd.s32 $0xE500, s8;
	v36 =	vadd.f32 v36, v8  }
0x557: {  	s31 =	sadd.s32 $0xE500, s20;
	[tilespmem:s30+$0x4000] =	vst v35  }
0x558: {  	v35 =	vld.idx.msk [tilespmem:v37+s17+$0x0], $0xffff;
	[tilespmem:s31+$0x4000] =	vst v36  }
0x559: {  	v10 =	vld.idx.msk [tilespmem:v42+s17+$0x0], $0xffff  }
0x55a: {  	v43 =	vor.u32 s16, v11;
	v34 =	vmul.f32 $8.000000000e+00, v34;
	_ =	sdelay $0x1  }
0x55b: {  	v34 =	vadd.f32 v34, v24  }
0x55c: {  	v44 =	vor.u32 s18, v11;
	v35 =	vmul.f32 $8.000000000e+00, v35  }
0x55d: {  	v45 =	vor.u32 s19, v11;
	[tilespmem:s13+$0x4010] =	vst v34;
	v10 =	vmul.f32 $8.000000000e+00, v10  }
0x55e: {  	v34 =	vld.idx.msk [tilespmem:v43+s17+$0x0], $0xffff;
	v35 =	vadd.f32 v35, v9  }
0x55f: {  	v10 =	vadd.f32 v10, v8  }
0x560: {  	[tilespmem:s30+$0x4010] =	vst v35  }
0x561: {  	v47 =	vor.u32 s11, v12;
	v46 =	vmul.f32 $8.000000000e+00, v33;
	v35 =	vld.idx.msk [tilespmem:v44+s17+$0x0], $0xffff;
	[tilespmem:s31+$0x4010] =	vst v10  }
0x562: {  	v10 =	vld.idx.msk [tilespmem:v45+s17+$0x0], $0xffff  }
0x563: {  	v48 =	vor.u32 s16, v12;
	v11 =	vadd.f32 v46, v23;
	v34 =	vmul.f32 $8.000000000e+00, v34;
	_ =	sdelay $0x1  }
0x564: {  	[tilespmem:s12+$0x4020] =	vst v11;
	v34 =	vadd.f32 v34, v24  }
0x565: {  	v49 =	vor.u32 s18, v12;
	v33 =	vld.idx.msk [tilespmem:v47+s17+$0x0], $0xffff;
	v35 =	vmul.f32 $8.000000000e+00, v35  }
0x566: {  	v50 =	vor.u32 s19, v12;
	[tilespmem:s13+$0x4020] =	vst v34;
	v10 =	vmul.f32 $8.000000000e+00, v10  }
0x567: {  	v34 =	vld.idx.msk [tilespmem:v48+s17+$0x0], $0xffff;
	v51 =	vadd.f32 v35, v9  }
0x568: {  	v53 =	vor.u32 s14, v13;
	v52 =	vmul.f32 $8.000000000e+00, v32;
	v10 =	vadd.f32 v10, v8  }
0x569: {  	[tilespmem:s30+$0x4020] =	vst v51  }
0x56a: {  	v54 =	vor.u32 s11, v13;
	v12 =	vadd.f32 v52, v22;
	v33 =	vmul.f32 $8.000000000e+00, v33;
	v11 =	vld.idx.msk [tilespmem:v49+s17+$0x0], $0xffff;
	[tilespmem:s31+$0x4020] =	vst v10  }
0x56b: {  	v10 =	vld.idx.msk [tilespmem:v50+s17+$0x0], $0xffff  }
0x56c: {  	v55 =	vor.u32 s16, v13;
	[tilespmem:s9+$0x4030] =	vst v12;
	v33 =	vadd.f32 v33, v23;
	v34 =	vmul.f32 $8.000000000e+00, v34  }
0x56d: {  	v32 =	vld.idx.msk [tilespmem:v53+s17+$0x0], $0xffff  }
0x56e: {  	[tilespmem:s12+$0x4030] =	vst v33;
	v57 =	vadd.f32 v34, v24  }
0x56f: {  	v56 =	vor.u32 s18, v13;
	v33 =	vld.idx.msk [tilespmem:v54+s17+$0x0], $0xffff;
	v11 =	vmul.f32 $8.000000000e+00, v11  }
0x570: {  	v58 =	vor.u32 s19, v13;
	[tilespmem:s13+$0x4030] =	vst v57;
	v10 =	vmul.f32 $8.000000000e+00, v10  }
0x571: {  	v12 =	vld.idx.msk [tilespmem:v55+s17+$0x0], $0xffff;
	v11 =	vadd.f32 v11, v9  }
0x572: {  	v61 =	vor.u32 s14, v14;
	v32 =	vmul.f32 $8.000000000e+00, v32;
	v10 =	vadd.f32 v10, v8  }
0x573: {  	[tilespmem:s30+$0x4030] =	vst v11  }
0x574: {  	v62 =	vor.u32 s11, v14;
	v32 =	vadd.f32 v32, v22;
	v33 =	vmul.f32 $8.000000000e+00, v33;
	v11 =	vld.idx.msk [tilespmem:v56+s17+$0x0], $0xffff;
	[tilespmem:s31+$0x4030] =	vst v10  }
0x575: {  	v60 =	vor.u32 s10, v14;
	v59 =	vmul.f32 $8.000000000e+00, v31;
	v13 =	vld.idx.msk [tilespmem:v58+s17+$0x0], $0xffff  }
0x576: {  	v63 =	vor.u32 s16, v14;
	[tilespmem:s9+$0x4040] =	vst v32;
	v38 =	vadd.f32 v33, v23;
	v12 =	vmul.f32 $8.000000000e+00, v12  }
0x577: {  	v32 =	vld.idx.msk [tilespmem:v61+s17+$0x0], $0xffff;
	v10 =	vadd.f32 v59, v21  }
0x578: {  	v29 =	vld.idx.msk [tilespmem:v29+s17+$0x0], $0xffff;
	[tilespmem:s12+$0x4040] =	vst v38;
	v12 =	vadd.f32 v12, v24  }
0x579: {  	v39 =	vor.u32 s18, v14;
	v42 =	vld.idx.msk [tilespmem:v62+s17+$0x0], $0xffff;
	v11 =	vmul.f32 $8.000000000e+00, v11;
	[tilespmem:s6+$0x4040] =	vst v10  }
0x57a: {  	v40 =	vor.u32 s19, v14;
	[tilespmem:s13+$0x4040] =	vst v12;
	v31 =	vld.idx.msk [tilespmem:v60+s17+$0x0], $0xffff;
	v13 =	vmul.f32 $8.000000000e+00, v13  }
0x57b: {  	v44 =	vld.idx.msk [tilespmem:v63+s17+$0x0], $0xffff;
	v41 =	vadd.f32 v11, v9  }
0x57c: {  	v32 =	vmul.f32 $8.000000000e+00, v32;
	v49 =	vor.u32 s14, v15;
	v43 =	vadd.f32 v13, v8  }
0x57d: {  	v46 =	vor.u32 s7, v15;
	v45 =	vmul.f32 $8.000000000e+00, v29;
	[tilespmem:s30+$0x4040] =	vst v41  }
0x57e: {  	v51 =	vadd.f32 v32, v22;
	v50 =	vor.u32 s11, v15;
	v11 =	vmul.f32 $8.000000000e+00, v42;
	v33 =	vld.idx.msk [tilespmem:v39+s17+$0x0], $0xffff;
	[tilespmem:s31+$0x4040] =	vst v43  }
0x57f: {  	[tilespmem:s3+$0x4050] =	vst v30;
	v48 =	vor.u32 s10, v15;
	v10 =	vadd.f32 v45, v20;
	v47 =	vmul.f32 $8.000000000e+00, v31;
	v14 =	vld.idx.msk [tilespmem:v40+s17+$0x0], $0xffff  }
0x580: {  	v28 =	vld.idx.msk [tilespmem:v28+s17+$0x0], $0xffff;
	v52 =	vor.u32 s16, v15;
	[tilespmem:s9+$0x4050] =	vst v51;
	v11 =	vadd.f32 v11, v23;
	v13 =	vmul.f32 $8.000000000e+00, v44  }
0x581: {  	v58 =	vld.idx.msk [tilespmem:v49+s17+$0x0], $0xffff;
	[tilespmem:s4+$0x4050] =	vst v10;
	v12 =	vadd.f32 v47, v21  }
0x582: {  	v29 =	vld.idx.msk [tilespmem:v46+s17+$0x0], $0xffff;
	[tilespmem:s12+$0x4050] =	vst v11;
	v55 =	vadd.f32 v13, v24  }
0x583: {  	v54 =	vor.u32 s18, v15;
	v60 =	vld.idx.msk [tilespmem:v50+s17+$0x0], $0xffff;
	v53 =	vmul.f32 $8.000000000e+00, v33;
	[tilespmem:s6+$0x4050] =	vst v12  }
0x584: {  	v57 =	vor.u32 s19, v15;
	[tilespmem:s13+$0x4050] =	vst v55;
	v31 =	vld.idx.msk [tilespmem:v48+s17+$0x0], $0xffff;
	v56 =	vmul.f32 $8.000000000e+00, v14  }
0x585: {  	v28 =	vmul.f32 $8.000000000e+00, v28;
	v62 =	vor.u32 s5, v16;
	v59 =	vadd.f32 v53, v9;
	v63 =	vld.idx.msk [tilespmem:v52+s17+$0x0], $0xffff  }
0x586: {  	[tilespmem:s2+$0x4060] =	vst v27;
	v39 =	vor.u32 s14, v16;
	v15 =	vmul.f32 $8.000000000e+00, v58;
	v61 =	vadd.f32 v56, v8  }
0x587: {  	v25 =	vld.idx.msk [tilespmem:v25+s17+$0x0], $0xffff;
	v28 =	vadd.f32 v28, v19;
	v36 =	vor.u32 s7, v16;
	v29 =	vmul.f32 $8.000000000e+00, v29;
	[tilespmem:s30+$0x4050] =	vst v59  }
0x588: {  	v41 =	vor.u32 s11, v16;
	v15 =	vadd.f32 v15, v22;
	v12 =	vmul.f32 $8.000000000e+00, v60;
	v37 =	vld.idx.msk [tilespmem:v54+s17+$0x0], $0xffff;
	[tilespmem:s31+$0x4050] =	vst v61  }
0x589: {  	[tilespmem:s3+$0x4060] =	vst v28;
	v38 =	vor.u32 s10, v16;
	v40 =	vadd.f32 v29, v20;
	v31 =	vmul.f32 $8.000000000e+00, v31;
	v14 =	vld.idx.msk [tilespmem:v57+s17+$0x0], $0xffff  }
0x58a: {  	v43 =	vor.u32 s16, v16;
	v13 =	vld.idx.msk [tilespmem:v62+s17+$0x0], $0xffff;
	[tilespmem:s9+$0x4060] =	vst v15;
	v12 =	vadd.f32 v12, v23;
	v44 =	vmul.f32 $8.000000000e+00, v63  }
0x58b: {  	v49 =	vld.idx.msk [tilespmem:v39+s17+$0x0], $0xffff;
	[tilespmem:s4+$0x4060] =	vst v40;
	v42 =	vadd.f32 v31, v21  }
0x58c: {  	v25 =	vmul.f32 $8.000000000e+00, v25;
	v11 =	vld.idx.msk [tilespmem:v36+s17+$0x0], $0xffff;
	[tilespmem:s12+$0x4060] =	vst v12;
	v48 =	vadd.f32 v44, v24  }
0x58d: {  	v45 =	vor.u32 s18, v16;
	v52 =	vadd.f32 v26, v17;
	v51 =	vld.idx.msk [tilespmem:v41+s17+$0x0], $0xffff;
	v46 =	vmul.f32 $8.000000000e+00, v37;
	[tilespmem:s6+$0x4060] =	vst v42  }
0x58e: {  	v47 =	vor.u32 s19, v16;
	v54 =	vadd.f32 v25, v18;
	[tilespmem:s13+$0x4060] =	vst v48;
	v10 =	vld.idx.msk [tilespmem:v38+s17+$0x0], $0xffff;
	v14 =	vmul.f32 $8.000000000e+00, v14  }
0x58f: {  	v13 =	vmul.f32 $8.000000000e+00, v13;
	[tilespmem:s1+$0x4070] =	vst v52;
	v50 =	vadd.f32 v46, v9;
	v53 =	vld.idx.msk [tilespmem:v43+s17+$0x0], $0xffff  }
0x590: {  	[tilespmem:s2+$0x4070] =	vst v54;
	v56 =	vmul.f32 $8.000000000e+00, v49;
	v14 =	vadd.f32 v14, v8  }
0x591: {  	v13 =	vadd.f32 v13, v19;
	v11 =	vmul.f32 $8.000000000e+00, v11;
	[tilespmem:s30+$0x4060] =	vst v50  }
0x592: {  	v58 =	vadd.f32 v56, v22;
	v57 =	vmul.f32 $8.000000000e+00, v51;
	v55 =	vld.idx.msk [tilespmem:v45+s17+$0x0], $0xffff;
	[tilespmem:s31+$0x4060] =	vst v14  }
0x593: {  	[tilespmem:s3+$0x4070] =	vst v13;
	v11 =	vadd.f32 v11, v20;
	v10 =	vmul.f32 $8.000000000e+00, v10;
	v14 =	vld.idx.msk [tilespmem:v47+s17+$0x0], $0xffff  }
0x594: {  	[tilespmem:s9+$0x4070] =	vst v58;
	v60 =	vadd.f32 v57, v23;
	v59 =	vmul.f32 $8.000000000e+00, v53  }
0x595: {  	[tilespmem:s4+$0x4070] =	vst v11;
	v10 =	vadd.f32 v10, v21  }
0x596: {  	[tilespmem:s12+$0x4070] =	vst v60;
	v62 =	vadd.f32 v59, v24  }
0x597: {  	v61 =	vmul.f32 $8.000000000e+00, v55;
	[tilespmem:s6+$0x4070] =	vst v10  }
0x598: {  	s1 =	rddreg [dreg:$0xb];
	[tilespmem:s13+$0x4070] =	vst v62;
	v63 =	vmul.f32 $8.000000000e+00, v14  }
0x599: {  	v9 =	vadd.f32 v61, v9;
	s1 =	sshll.u32 s1, $0x12;
	s2 =	rddreg [dreg:$0x4]  }
0x59a: {  	s1 =	sor.u32 s2, s1;
	v8 =	vadd.f32 v63, v8  }
0x59b: {  	s12 =	rddreg [dreg:$0x2];
	[tilespmem:s30+$0x4070] =	vst v9;
	s11 =	sshrl.u32 s1, $0x3  }
0x59c: {  	s14 =	simm.s32 $0x12500;
	s13 =	simm.s32 $0x0;
	s0 =	sadd.s32 s12, s11;
	[tilespmem:s31+$0x4070] =	vst v8  }
0x59d: {  	[hbm4b:s0+s13] =	stream.linear.scatter [tilespmem:s14], [sflag:$0x4], $0x400, $0x38;
	[tilespmem:$0x19900] =	vst v63  }
0x59e: {  	s18 =	simm.s32 $0x12D00;
	s16 =	sadd.s32 $0x1000, s0  }
0x59f: {  	[hbm4b:s16+s13] =	stream.linear.scatter [tilespmem:s18], [sflag:$0x4], $0x400, $0x38;
	[tilespmem:$0x19900] =	vst v63  }
0x5a0: {  	s20 =	simm.s32 $0x13500;
	s19 =	sadd.s32 $0x2000, s0  }
0x5a1: {  	[hbm4b:s19+s13] =	stream.linear.scatter [tilespmem:s20], [sflag:$0x4], $0x400, $0x38;
	[tilespmem:$0x19900] =	vst v63  }
0x5a2: {  	s22 =	simm.s32 $0x13D00;
	s21 =	sadd.s32 $0x3000, s0;
	s31 =	rddreg [dreg:$0xa]  }
0x5a3: {  	[hbm4b:s21+s13] =	stream.linear.scatter [tilespmem:s22], [sflag:$0x4], $0x400, $0x38;
	[tilespmem:$0x19900] =	vst v63  }
0x5a4: {  	s24 =	simm.s32 $0x14500;
	s23 =	sadd.s32 $0x4000, s0;
	s3 =	sadd.s32 $0x1, s31  }
0x5a5: {  	[hbm4b:s23+s13] =	stream.linear.scatter [tilespmem:s24], [sflag:$0x4], $0x400, $0x38;
	[tilespmem:$0x19900] =	vst v63  }
0x5a6: {  	s26 =	simm.s32 $0x14D00;
	s25 =	sadd.s32 $0x5000, s0;
	p0 =	sne.s32 s3, $0x64  }
0x5a7: {  	[hbm4b:s25+s13] =	stream.linear.scatter [tilespmem:s26], [sflag:$0x4], $0x400, $0x38;
	[tilespmem:$0x19900] =	vst v63  }
.Ltmp11:
0x5a8: {  	_ = 	snop;
	(pc) =	sbr.rel @p0 .LBB2_2-.Ltmp11, $4  }
0x5a9: {  	s29 =	simm.s32 $0x15500;
	s28 =	sadd.s32 $0x6000, s0  }
0x5aa: {  	[hbm4b:s28+s13] =	stream.linear.scatter [tilespmem:s29], [sflag:$0x4], $0x400, $0x38;
	[tilespmem:$0x19900] =	vst v63  }
0x5ab: {  	s30 =	simm.s32 $0x15D00;
	s0 =	sadd.s32 $0x7000, s0  }
0x5ac: {  	[hbm4b:s0+s13] =	stream.linear.scatter [tilespmem:s30], [sflag:$0x4], $0x400, $0x38;
	[tilespmem:$0x19900] =	vst v63  }
0x5ad: {  	s0 =	simm.s32 $0x3  }
0x5ae: {  	_ =	swait.ge [sflag:s0], $0x2000  }
0x5af: {  	[sflag:s0] =	ssyncset.done $0x0  }
0x5b0: {  	s1 =	simm.s32 $0x4;
	[sflag:s0] =	ssyncadd.s32 $0xFFFFE000  }
0x5b1: {  	_ =	swait.ge [sflag:s1], $0x2000  }
0x5b2: {  	s2 =	rddreg [dreg:$0x9]  }
0x5b3: {  	s31 =	rddreg [dreg:$0x8];
	s2 =	sadd.s32 $0x1, s2  }
0x5b4: {  	p0 =	sne.s32 s2, s31  }
.Ltmp12:
0x5b5: {  	_ = 	snop;
	(pc) =	sbr.rel @p0 .LBB2_1-.Ltmp12, $3  }
0x5b6: {  	_ =	sdelay $0x1  }
0x5b7: {  	[sflag:s1] =	ssyncset.done $0x0  }
0x5b8: {  	[sflag:s1] =	ssyncadd.s32 $0xFFFFE000  }
0x5b9: {  	_ =	sfence.sel $0x180000  }
0x5ba: {  	[bflag:$0x0] =	sbarrier.arrive $0xFFFF  }
0x5bb: {  	_ =	strace $0x90000047  }
0x5bc: {  	s0 =	stileid.u32;
	[bflag:$0x2] =	sbarrier.arrive $0xFFFF  }
0x5bd: {  	p0 =	sne.s32 s0, $0x0;
	s0 =	rddreg [dreg:$0x3]  }
0x5be: {  	s0 =	sadd.s32 @!p0 $0x100000, s0  }
0x5bf: {  	[sflag:s0] =	ssyncadd.tile.s32 @!p0 $0x1;
	_ =	shalt  }
.Lfunc_end2:
_tile_overlayer_lowered:
.L_overlay_start_2:
0x5c0: {  	(tag) =	ssettag $0x2  }
0x5c1: {  	s0 =	rddreg [dreg:$0x0];
	s2 =	stileid.u32  }
0x5c2: {  	s1 =	rddreg [dreg:$0x1];
	p0 =	sne.s32 s2, $0x0  }
0x5c3: {  	s3 =	rddreg [dreg:$0x2];
	[bflag:$0x3] =	sbarrier.arrive $0xFFFF;
	s2 =	simm.s32 @!p0 $0x1C05  }
0x5c4: {  	[timem:s3], [sflag:s2] =	dma.local @!p0 [hbm:s0], s1  }
0x5c5: {  	s0 =	simm.s32 @!p0 $0x5  }
0x5c6: {  	_ =	swait.ge @!p0 [sflag:s0], s1  }
0x5c7: {  	s1 =	ssub.s32 @!p0 $0x0, s1;
	[sflag:s0] =	ssyncset.done @!p0 $0x0  }
0x5c8: {  	[sflag:s0] =	ssyncadd.s32 @!p0 s1  }
0x5c9: {  	[bflag:$0x3] =	sbarrier.arrive $0xFFFF  }
0x5ca: {  	_ =	shalt  }

</sc_bundles>
